<compile_context>
chip_gen: v7x
topology: tpu7x:2x2x1
jax: 0.10.2.dev20260603
libtpu: 0.0.44.dev20260713+nightly
codegen_flags: <defaults>
</compile_context>

<pallas_src>
import functools

import jax
import jax.numpy as jnp
from jax import lax
from jax.experimental import pallas as pl
from jax.experimental.pallas import tpu as pltpu
from jax.experimental.pallas import tpu_sc as plsc

INPUT_DIM = 100000
OUTPUT_DIM = 32
BATCH = 16384
SEQ = 200

NC = 2
NS = 16
NW = NC * NS
L = 16

BB = 128
NBLK = BATCH // BB
BLK_PER_W = NBLK // NW
LHALF = SEQ // 2
DROWS = OUTPUT_DIM // 8
NROW = 4
NST = 2
ITEMS = LHALF * BLK_PER_W


@functools.partial(
    pl.kernel,
    out_type=jax.ShapeDtypeStruct((SEQ, DROWS, NBLK * 8 * 128), jnp.float32),
    mesh=plsc.VectorSubcoreMesh(core_axis_name="c", subcore_axis_name="s"),
    scratch_types=(
        [pltpu.VMEM((LHALF, BLK_PER_W, BB), jnp.int32)]
        + [pltpu.VMEM((BB, OUTPUT_DIM), jnp.float32) for _ in range(NROW)]
        + [pltpu.VMEM((DROWS * 1024,), jnp.float32) for _ in range(NST)]
        + [pltpu.VMEM((SEQ, OUTPUT_DIM), jnp.float32)]
        + [pltpu.SemaphoreType.DMA for _ in range(NROW + NST)]
    ),
    compiler_params=pltpu.CompilerParams(
        use_tc_tiling_on_sc=False, needs_layout_passes=False),
)
def _embed_kernel(x_hbm, table_hbm, pos_hbm, out_hbm, *refs):
    idx_v = refs[0]
    rows = refs[1:1 + NROW]
    stage = refs[1 + NROW:1 + NROW + NST]
    pos_v = refs[1 + NROW + NST]
    gsem = refs[2 + NROW + NST:2 + 2 * NROW + NST]
    osem = refs[2 + 2 * NROW + NST:]

    wid = lax.axis_index("s") * NC + lax.axis_index("c")
    wb0 = wid * BLK_PER_W

    pltpu.sync_copy(pos_hbm, pos_v)

    d0 = lax.iota(jnp.int32, L)
    base0 = lax.shift_left(lax.shift_right_logical(d0, 3), 10) + lax.shift_left(
        lax.rem(d0, jnp.int32(8)), 7)
    d1 = d0 + L
    base1 = lax.shift_left(lax.shift_right_logical(d1, 3), 10) + lax.shift_left(
        lax.rem(d1, jnp.int32(8)), 7)

    def fire_gather(li, b, r):
        pltpu.async_copy(table_hbm.at[idx_v.at[li, b]], rows[r], gsem[r])

    def wait_gather(r):
        pltpu.make_async_copy(
            table_hbm.at[idx_v.at[0, 0]], rows[r], gsem[r]).wait()

    def fire_out(l, bk, s):
        for k in range(DROWS):
            pltpu.async_copy(
                stage[s].at[pl.ds(k * 1024, 1024)],
                out_hbm.at[l, k, pl.ds(bk * 1024, 1024)],
                osem[s],
            )

    def wait_out(s):
        for k in range(DROWS):
            pltpu.make_async_copy(
                stage[s].at[pl.ds(k * 1024, 1024)],
                out_hbm.at[0, k, pl.ds(0, 1024)],
                osem[s],
            ).wait()

    def half_body(half):
        pltpu.sync_copy(
            x_hbm.at[pl.ds(half * LHALF, LHALF), pl.ds(wb0, BLK_PER_W)], idx_v)
        for m in range(NROW - 1):
            fire_gather(m // BLK_PER_W, m % BLK_PER_W, m)

        def outer(i, carry):
            for k in range(BLK_PER_W):
                r = k % NROW
                s = k % NST
                l = half * LHALF + i
                wait_gather(r)
                kn = (k + NROW - 1) % NROW
                lin = i + (k + NROW - 1) // NROW

                @pl.when(lin < LHALF)
                def _():
                    fire_gather(lin, kn, kn)

                m = i * BLK_PER_W + k

                @pl.when(m >= NST)
                def _():
                    wait_out(s)

                pl0 = pos_v[l, pl.ds(0, L)]
                pl1 = pos_v[l, pl.ds(L, L)]

                def tok_body(t, c):
                    v0 = rows[r][t, pl.ds(0, L)] + pl0
                    plsc.store_scatter(stage[s], [base0 + t], v0)
                    v1 = rows[r][t, pl.ds(L, L)] + pl1
                    plsc.store_scatter(stage[s], [base1 + t], v1)
                    return c

                lax.fori_loop(0, BB, tok_body, 0, unroll=8)
                fire_out(l, wb0 + k, s)
            return carry

        lax.fori_loop(0, LHALF, outer, 0, unroll=False)
        for m in range(ITEMS - NST, ITEMS):
            wait_out(m % NST)

    half_body(0)
    half_body(1)


def kernel(x, token_table, position_table):
    x_t = x.astype(jnp.int32).T.reshape(SEQ, NBLK, BB)
    pos = position_table[:SEQ]
    out = _embed_kernel(x_t, token_table, pos)
    out5 = out.reshape(SEQ, DROWS, NBLK, 8, 128)
    return out5.transpose(2, 4, 0, 1, 3).reshape(BATCH, SEQ, OUTPUT_DIM)

# --- scband reference (transcript-rebuilt; emitter-appended) ---
"""Pipeline reference for scband-positional-embedding-20890720928508 (READ-ONLY COPY).

The authoritative reference and input builder live on the scoring server;
editing this copy changes nothing except your own understanding.
"""

import jax, jax.numpy as jnp
import numpy as np

INPUT_DIM = 100000
OUTPUT_DIM = 32
BATCH = 16384
SEQ = 200


def setup_inputs(seed: int = 0) -> dict:
    key = jax.random.key(seed)
    k1, k2, k3 = jax.random.split(key, 3)
    x = jax.random.randint(k1, (BATCH, SEQ), 0, INPUT_DIM, dtype=jnp.int64 if jax.config.jax_enable_x64 else jnp.int32)
    token_table = jax.random.normal(k2, (INPUT_DIM, OUTPUT_DIM), dtype=jnp.float32)
    position_table = jax.random.normal(k3, (INPUT_DIM, OUTPUT_DIM), dtype=jnp.float32)
    return {"x": x, "token_table": token_table, "position_table": position_table}


def reference(x, token_table, position_table):
    # Faithful translation of PositionalEmbedding.forward:
    #   positions = arange(x.shape[-1])
    #   return token_embedding(x) + position_embedding(positions)
    length = x.shape[-1]
    positions = jnp.arange(length)
    embedded_tokens = jnp.take(token_table, x, axis=0)          # [B, L, D]
    embedded_positions = jnp.take(position_table, positions, axis=0)  # [L, D]
    return embedded_tokens + embedded_positions[None, :, :]

if __name__ == "__main__":
    import jax
    _d = setup_inputs()
    print(jax.jit(kernel)(*tuple(_d.values())))

</pallas_src>

<mosaic_0001>
#map = affine_map<(d0, d1) -> (0, 0, 0)>
#map1 = affine_map<(d0, d1) -> (0, 0)>
module attributes {stable_mosaic.version = 14 : i64} {
  func.func @_embed_kernel(%arg0: i32, %arg1: i32, %arg2: memref<200x128x128xi32, #tpu.memory_space<hbm>>, %arg3: memref<100000x32xf32, #tpu.memory_space<hbm>>, %arg4: memref<200x32xf32, #tpu.memory_space<hbm>>, %arg5: memref<200x4x131072xf32, #tpu.memory_space<hbm>>, %arg6: memref<100x4x128xi32, #tpu.memory_space<vmem>>, %arg7: memref<128x32xf32, #tpu.memory_space<vmem>>, %arg8: memref<128x32xf32, #tpu.memory_space<vmem>>, %arg9: memref<128x32xf32, #tpu.memory_space<vmem>>, %arg10: memref<128x32xf32, #tpu.memory_space<vmem>>, %arg11: memref<4096xf32, #tpu.memory_space<vmem>>, %arg12: memref<4096xf32, #tpu.memory_space<vmem>>, %arg13: memref<200x32xf32, #tpu.memory_space<vmem>>, %arg14: memref<!tpu.dma_semaphore, #tpu.memory_space<semaphore_mem>>, %arg15: memref<!tpu.dma_semaphore, #tpu.memory_space<semaphore_mem>>, %arg16: memref<!tpu.dma_semaphore, #tpu.memory_space<semaphore_mem>>, %arg17: memref<!tpu.dma_semaphore, #tpu.memory_space<semaphore_mem>>, %arg18: memref<!tpu.dma_semaphore, #tpu.memory_space<semaphore_mem>>, %arg19: memref<!tpu.dma_semaphore, #tpu.memory_space<semaphore_mem>>) attributes {dimension_semantics = [#tpu.dimension_semantics<core_parallel>, #tpu.dimension_semantics<subcore_parallel>], iteration_bounds = array<i64: 2, 16>, scalar_prefetch = 0 : i64, scratch_operands = 14 : i64, tpu.core_type = #tpu.core_type<sc_vector_subcore>, window_params = [{transform_indices = #map}, {transform_indices = #map1}, {transform_indices = #map1}, {transform_indices = #map}]} {
    %mul3A = arith.constant 2 : i32
    %mul3A_0 = arith.muli %arg1, %mul3A : i32
    %add3A = arith.addi %mul3A_0, %arg0 : i32
    %mul3A_1 = arith.constant 4 : i32
    %mul3A_2 = arith.muli %add3A, %mul3A_1 : i32
    "tpu.region"() ({
      %run_scoped3A = tpu.sem_alloc : memref<!tpu.dma_semaphore, #tpu.memory_space<semaphore_mem>>
      tpu.enqueue_dma source(%arg4 : memref<200x32xf32, #tpu.memory_space<hbm>>) target(%arg13 : memref<200x32xf32, #tpu.memory_space<vmem>>) target_semaphore(%run_scoped3A : memref<!tpu.dma_semaphore, #tpu.memory_space<semaphore_mem>>)
      tpu.wait_dma2 semaphore(%run_scoped3A : memref<!tpu.dma_semaphore, #tpu.memory_space<semaphore_mem>>) src(%arg4 : memref<200x32xf32, #tpu.memory_space<hbm>>) dst(%arg13 : memref<200x32xf32, #tpu.memory_space<vmem>>)
      tpu.yield
    }) : () -> ()
    %iota3A = tpu.iota {dimensions = array<i32: 0>} : vector<16xi32>
    %shift_right_logical3A = arith.constant 3 : i32
    %shift_right_logical3A_3 = vector.broadcast %shift_right_logical3A : i32 to vector<16xi32>
    %shift_right_logical3A_4 = arith.shrui %iota3A, %shift_right_logical3A_3 : vector<16xi32>
    %shift_left3A = arith.constant 10 : i32
    %shift_left3A_5 = vector.broadcast %shift_left3A : i32 to vector<16xi32>
    %shift_left3A_6 = arith.shli %shift_right_logical3A_4, %shift_left3A_5 : vector<16xi32>
    %rem3A = arith.constant 8 : i32
    %rem3A_7 = vector.broadcast %rem3A : i32 to vector<16xi32>
    %rem3A_8 = arith.remsi %iota3A, %rem3A_7 : vector<16xi32>
    %shift_left3A_9 = arith.constant 7 : i32
    %shift_left3A_10 = vector.broadcast %shift_left3A_9 : i32 to vector<16xi32>
    %shift_left3A_11 = arith.shli %rem3A_8, %shift_left3A_10 : vector<16xi32>
    %add3A_12 = arith.addi %shift_left3A_6, %shift_left3A_11 : vector<16xi32>
    %add3A_13 = arith.constant 16 : i32
    %add3A_14 = vector.broadcast %add3A_13 : i32 to vector<16xi32>
    %add3A_15 = arith.addi %iota3A, %add3A_14 : vector<16xi32>
    %shift_right_logical3A_16 = arith.constant 3 : i32
    %shift_right_logical3A_17 = vector.broadcast %shift_right_logical3A_16 : i32 to vector<16xi32>
    %shift_right_logical3A_18 = arith.shrui %add3A_15, %shift_right_logical3A_17 : vector<16xi32>
    %shift_left3A_19 = arith.constant 10 : i32
    %shift_left3A_20 = vector.broadcast %shift_left3A_19 : i32 to vector<16xi32>
    %shift_left3A_21 = arith.shli %shift_right_logical3A_18, %shift_left3A_20 : vector<16xi32>
    %rem3A_22 = arith.constant 8 : i32
    %rem3A_23 = vector.broadcast %rem3A_22 : i32 to vector<16xi32>
    %rem3A_24 = arith.remsi %add3A_15, %rem3A_23 : vector<16xi32>
    %shift_left3A_25 = arith.constant 7 : i32
    %shift_left3A_26 = vector.broadcast %shift_left3A_25 : i32 to vector<16xi32>
    %shift_left3A_27 = arith.shli %rem3A_24, %shift_left3A_26 : vector<16xi32>
    %add3A_28 = arith.addi %shift_left3A_21, %shift_left3A_27 : vector<16xi32>
    "tpu.region"() ({
      %run_scoped3A = tpu.sem_alloc : memref<!tpu.dma_semaphore, #tpu.memory_space<semaphore_mem>>
      %dma_start3A_278 = arith.constant 0 : i32
      %dma_start3A_279 = arith.constant 0 : i32
      %dma_start3A_280 = tpu.memref_slice %arg2[%dma_start3A_278, %mul3A_2, %dma_start3A_279] : memref<200x128x128xi32, #tpu.memory_space<hbm>> -> memref<100x4x128xi32, #tpu.memory_space<hbm>>
      %dma_start3A_281 = arith.constant 0 : i32
      %dma_start3A_282 = arith.constant 0 : i32
      %dma_start3A_283 = tpu.memref_slice %arg2[%dma_start3A_281, %mul3A_2, %dma_start3A_282] : memref<200x128x128xi32, #tpu.memory_space<hbm>> -> memref<100x4x128xi32, #tpu.memory_space<hbm>>
      tpu.enqueue_dma source(%dma_start3A_283 : memref<100x4x128xi32, #tpu.memory_space<hbm>>) target(%arg6 : memref<100x4x128xi32, #tpu.memory_space<vmem>>) target_semaphore(%run_scoped3A : memref<!tpu.dma_semaphore, #tpu.memory_space<semaphore_mem>>)
      %dma_wait3A_284 = arith.constant 0 : i32
      %dma_wait3A_285 = arith.constant 0 : i32
      %dma_wait3A_286 = tpu.memref_slice %arg2[%dma_wait3A_284, %mul3A_2, %dma_wait3A_285] : memref<200x128x128xi32, #tpu.memory_space<hbm>> -> memref<100x4x128xi32, #tpu.memory_space<hbm>>
      %dma_wait3A_287 = arith.constant 0 : i32
      %dma_wait3A_288 = arith.constant 0 : i32
      %dma_wait3A_289 = tpu.memref_slice %arg2[%dma_wait3A_287, %mul3A_2, %dma_wait3A_288] : memref<200x128x128xi32, #tpu.memory_space<hbm>> -> memref<100x4x128xi32, #tpu.memory_space<hbm>>
      tpu.wait_dma2 semaphore(%run_scoped3A : memref<!tpu.dma_semaphore, #tpu.memory_space<semaphore_mem>>) src(%dma_wait3A_289 : memref<100x4x128xi32, #tpu.memory_space<hbm>>) dst(%arg6 : memref<100x4x128xi32, #tpu.memory_space<vmem>>)
      tpu.yield
    }) : () -> ()
    %dma_start3A = arith.constant 0 : i32
    %dma_start3A_29 = arith.constant 0 : i32
    %dma_start3A_30 = arith.constant 0 : i32
    %dma_start3A_31 = tpu.memref_slice %arg6[%dma_start3A, %dma_start3A_29, %dma_start3A_30] : memref<100x4x128xi32, #tpu.memory_space<vmem>> -> memref<1x1x128xi32, #tpu.memory_space<vmem>>
    %dma_start3A_32 = tpu.memref_squeeze %dma_start3A_31 : memref<1x1x128xi32, #tpu.memory_space<vmem>> -> memref<128xi32, #tpu.memory_space<vmem>>
    %dma_start3A_33 = arith.constant 0 : i32
    %dma_start3A_34 = arith.constant 0 : i32
    %dma_start3A_35 = tpu.memref_slice %arg3[%dma_start3A_33, %dma_start3A_34] : memref<100000x32xf32, #tpu.memory_space<hbm>> -> memref<100000x32xf32, #tpu.memory_space<hbm>>
    tpu.enqueue_indirect_dma source(%dma_start3A_35 : memref<100000x32xf32, #tpu.memory_space<hbm>>) target(%arg7 : memref<128x32xf32, #tpu.memory_space<vmem>>) offsets(%dma_start3A_32 : memref<128xi32, #tpu.memory_space<vmem>>) semaphore(%arg14 : memref<!tpu.dma_semaphore, #tpu.memory_space<semaphore_mem>>)
    %dma_start3A_36 = arith.constant 0 : i32
    %dma_start3A_37 = arith.constant 1 : i32
    %dma_start3A_38 = arith.constant 0 : i32
    %dma_start3A_39 = tpu.memref_slice %arg6[%dma_start3A_36, %dma_start3A_37, %dma_start3A_38] : memref<100x4x128xi32, #tpu.memory_space<vmem>> -> memref<1x1x128xi32, #tpu.memory_space<vmem>>
    %dma_start3A_40 = tpu.memref_squeeze %dma_start3A_39 : memref<1x1x128xi32, #tpu.memory_space<vmem>> -> memref<128xi32, #tpu.memory_space<vmem>>
    %dma_start3A_41 = arith.constant 0 : i32
    %dma_start3A_42 = arith.constant 0 : i32
    %dma_start3A_43 = tpu.memref_slice %arg3[%dma_start3A_41, %dma_start3A_42] : memref<100000x32xf32, #tpu.memory_space<hbm>> -> memref<100000x32xf32, #tpu.memory_space<hbm>>
    tpu.enqueue_indirect_dma source(%dma_start3A_43 : memref<100000x32xf32, #tpu.memory_space<hbm>>) target(%arg8 : memref<128x32xf32, #tpu.memory_space<vmem>>) offsets(%dma_start3A_40 : memref<128xi32, #tpu.memory_space<vmem>>) semaphore(%arg15 : memref<!tpu.dma_semaphore, #tpu.memory_space<semaphore_mem>>)
    %dma_start3A_44 = arith.constant 0 : i32
    %dma_start3A_45 = arith.constant 2 : i32
    %dma_start3A_46 = arith.constant 0 : i32
    %dma_start3A_47 = tpu.memref_slice %arg6[%dma_start3A_44, %dma_start3A_45, %dma_start3A_46] : memref<100x4x128xi32, #tpu.memory_space<vmem>> -> memref<1x1x128xi32, #tpu.memory_space<vmem>>
    %dma_start3A_48 = tpu.memref_squeeze %dma_start3A_47 : memref<1x1x128xi32, #tpu.memory_space<vmem>> -> memref<128xi32, #tpu.memory_space<vmem>>
    %dma_start3A_49 = arith.constant 0 : i32
    %dma_start3A_50 = arith.constant 0 : i32
    %dma_start3A_51 = tpu.memref_slice %arg3[%dma_start3A_49, %dma_start3A_50] : memref<100000x32xf32, #tpu.memory_space<hbm>> -> memref<100000x32xf32, #tpu.memory_space<hbm>>
    tpu.enqueue_indirect_dma source(%dma_start3A_51 : memref<100000x32xf32, #tpu.memory_space<hbm>>) target(%arg9 : memref<128x32xf32, #tpu.memory_space<vmem>>) offsets(%dma_start3A_48 : memref<128xi32, #tpu.memory_space<vmem>>) semaphore(%arg16 : memref<!tpu.dma_semaphore, #tpu.memory_space<semaphore_mem>>)
    %scan3A = arith.constant 0 : i32
    %scan3A_52 = arith.constant 0 : i32
    %scan3A_53 = arith.constant 100 : i32
    %scan3A_54 = arith.addi %scan3A_52, %scan3A_53 : i32
    %scan3A_55 = arith.constant 1 : i32
    scf.for %scan3A_278 = %scan3A_52 to %scan3A_54 step %scan3A_55  : i32 {
      %add3A_279 = arith.constant 0 : i32
      %add3A_280 = arith.addi %add3A_279, %scan3A_278 : i32
      %dma_wait3A_281 = arith.constant 0 : i32
      %dma_wait3A_282 = arith.constant 0 : i32
      %dma_wait3A_283 = arith.constant 0 : i32
      %dma_wait3A_284 = tpu.memref_slice %arg6[%dma_wait3A_281, %dma_wait3A_282, %dma_wait3A_283] : memref<100x4x128xi32, #tpu.memory_space<vmem>> -> memref<1x1x128xi32, #tpu.memory_space<vmem>>
      %dma_wait3A_285 = tpu.memref_squeeze %dma_wait3A_284 : memref<1x1x128xi32, #tpu.memory_space<vmem>> -> memref<128xi32, #tpu.memory_space<vmem>>
      %dma_wait3A_286 = arith.constant 0 : i32
      %dma_wait3A_287 = arith.constant 0 : i32
      %dma_wait3A_288 = tpu.memref_slice %arg3[%dma_wait3A_286, %dma_wait3A_287] : memref<100000x32xf32, #tpu.memory_space<hbm>> -> memref<100000x32xf32, #tpu.memory_space<hbm>>
      tpu.wait_indirect_dma semaphore(%arg14 : memref<!tpu.dma_semaphore, #tpu.memory_space<semaphore_mem>>) src(%dma_wait3A_288 : memref<100000x32xf32, #tpu.memory_space<hbm>>) dst(%arg7 : memref<128x32xf32, #tpu.memory_space<vmem>>)
      %add3A_289 = arith.constant 0 : i32
      %add3A_290 = arith.addi %scan3A_278, %add3A_289 : i32
      %lt3A = arith.constant 100 : i32
      %lt3A_291 = arith.cmpi slt, %add3A_290, %lt3A : i32
      %convert_element_type3A = arith.extui %lt3A_291 : i1 to i32
      %cond3A = arith.constant 0 : i32
      %cond3A_292 = arith.cmpi ne, %convert_element_type3A, %cond3A : i32
      scf.if %cond3A_292 {
        %dma_start3A_610 = arith.constant 3 : i32
        %dma_start3A_611 = arith.constant 0 : i32
        %dma_start3A_612 = tpu.memref_slice %arg6[%add3A_290, %dma_start3A_610, %dma_start3A_611] : memref<100x4x128xi32, #tpu.memory_space<vmem>> -> memref<1x1x128xi32, #tpu.memory_space<vmem>>
        %dma_start3A_613 = tpu.memref_squeeze %dma_start3A_612 : memref<1x1x128xi32, #tpu.memory_space<vmem>> -> memref<128xi32, #tpu.memory_space<vmem>>
        %dma_start3A_614 = arith.constant 0 : i32
        %dma_start3A_615 = arith.constant 0 : i32
        %dma_start3A_616 = tpu.memref_slice %arg3[%dma_start3A_614, %dma_start3A_615] : memref<100000x32xf32, #tpu.memory_space<hbm>> -> memref<100000x32xf32, #tpu.memory_space<hbm>>
        tpu.enqueue_indirect_dma source(%dma_start3A_616 : memref<100000x32xf32, #tpu.memory_space<hbm>>) target(%arg10 : memref<128x32xf32, #tpu.memory_space<vmem>>) offsets(%dma_start3A_613 : memref<128xi32, #tpu.memory_space<vmem>>) semaphore(%arg17 : memref<!tpu.dma_semaphore, #tpu.memory_space<semaphore_mem>>)
      } else {
      }
      %mul3A_293 = arith.constant 4 : i32
      %mul3A_294 = arith.muli %scan3A_278, %mul3A_293 : i32
      %add3A_295 = arith.constant 0 : i32
      %add3A_296 = arith.addi %mul3A_294, %add3A_295 : i32
      %ge3A = arith.constant 2 : i32
      %ge3A_297 = arith.cmpi sge, %add3A_296, %ge3A : i32
      %convert_element_type3A_298 = arith.extui %ge3A_297 : i1 to i32
      %cond3A_299 = arith.constant 0 : i32
      %cond3A_300 = arith.cmpi ne, %convert_element_type3A_298, %cond3A_299 : i32
      scf.if %cond3A_300 {
        %dma_wait3A_610 = arith.constant 0 : i32
        %dma_wait3A_611 = arith.constant 0 : i32
        %dma_wait3A_612 = arith.constant 0 : i32
        %dma_wait3A_613 = tpu.memref_slice %arg11[%dma_wait3A_612] : memref<4096xf32, #tpu.memory_space<vmem>> -> memref<1024xf32, #tpu.memory_space<vmem>>
        %dma_wait3A_614 = arith.constant 0 : i32
        %dma_wait3A_615 = tpu.memref_slice %arg5[%dma_wait3A_610, %dma_wait3A_611, %dma_wait3A_614] : memref<200x4x131072xf32, #tpu.memory_space<hbm>> -> memref<1x1x1024xf32, #tpu.memory_space<hbm>>
        %dma_wait3A_616 = tpu.memref_squeeze %dma_wait3A_615 : memref<1x1x1024xf32, #tpu.memory_space<hbm>> -> memref<1024xf32, #tpu.memory_space<hbm>>
        %dma_wait3A_617 = arith.constant 0 : i32
        %dma_wait3A_618 = tpu.memref_slice %arg5[%dma_wait3A_610, %dma_wait3A_611, %dma_wait3A_617] : memref<200x4x131072xf32, #tpu.memory_space<hbm>> -> memref<1x1x1024xf32, #tpu.memory_space<hbm>>
        %dma_wait3A_619 = tpu.memref_squeeze %dma_wait3A_618 : memref<1x1x1024xf32, #tpu.memory_space<hbm>> -> memref<1024xf32, #tpu.memory_space<hbm>>
        %dma_wait3A_620 = arith.constant 0 : i32
        %dma_wait3A_621 = tpu.memref_slice %arg11[%dma_wait3A_620] : memref<4096xf32, #tpu.memory_space<vmem>> -> memref<1024xf32, #tpu.memory_space<vmem>>
        tpu.wait_dma2 semaphore(%arg18 : memref<!tpu.dma_semaphore, #tpu.memory_space<semaphore_mem>>) src(%dma_wait3A_621 : memref<1024xf32, #tpu.memory_space<vmem>>) dst(%dma_wait3A_619 : memref<1024xf32, #tpu.memory_space<hbm>>)
        %dma_wait3A_622 = arith.constant 0 : i32
        %dma_wait3A_623 = arith.constant 1 : i32
        %dma_wait3A_624 = arith.constant 1024 : i32
        %dma_wait3A_625 = tpu.memref_slice %arg11[%dma_wait3A_624] : memref<4096xf32, #tpu.memory_space<vmem>> -> memref<1024xf32, #tpu.memory_space<vmem>>
        %dma_wait3A_626 = arith.constant 0 : i32
        %dma_wait3A_627 = tpu.memref_slice %arg5[%dma_wait3A_622, %dma_wait3A_623, %dma_wait3A_626] : memref<200x4x131072xf32, #tpu.memory_space<hbm>> -> memref<1x1x1024xf32, #tpu.memory_space<hbm>>
        %dma_wait3A_628 = tpu.memref_squeeze %dma_wait3A_627 : memref<1x1x1024xf32, #tpu.memory_space<hbm>> -> memref<1024xf32, #tpu.memory_space<hbm>>
        %dma_wait3A_629 = arith.constant 0 : i32
        %dma_wait3A_630 = tpu.memref_slice %arg5[%dma_wait3A_622, %dma_wait3A_623, %dma_wait3A_629] : memref<200x4x131072xf32, #tpu.memory_space<hbm>> -> memref<1x1x1024xf32, #tpu.memory_space<hbm>>
        %dma_wait3A_631 = tpu.memref_squeeze %dma_wait3A_630 : memref<1x1x1024xf32, #tpu.memory_space<hbm>> -> memref<1024xf32, #tpu.memory_space<hbm>>
        %dma_wait3A_632 = arith.constant 1024 : i32
        %dma_wait3A_633 = tpu.memref_slice %arg11[%dma_wait3A_632] : memref<4096xf32, #tpu.memory_space<vmem>> -> memref<1024xf32, #tpu.memory_space<vmem>>
        tpu.wait_dma2 semaphore(%arg18 : memref<!tpu.dma_semaphore, #tpu.memory_space<semaphore_mem>>) src(%dma_wait3A_633 : memref<1024xf32, #tpu.memory_space<vmem>>) dst(%dma_wait3A_631 : memref<1024xf32, #tpu.memory_space<hbm>>)
        %dma_wait3A_634 = arith.constant 0 : i32
        %dma_wait3A_635 = arith.constant 2 : i32
        %dma_wait3A_636 = arith.constant 2048 : i32
        %dma_wait3A_637 = tpu.memref_slice %arg11[%dma_wait3A_636] : memref<4096xf32, #tpu.memory_space<vmem>> -> memref<1024xf32, #tpu.memory_space<vmem>>
        %dma_wait3A_638 = arith.constant 0 : i32
        %dma_wait3A_639 = tpu.memref_slice %arg5[%dma_wait3A_634, %dma_wait3A_635, %dma_wait3A_638] : memref<200x4x131072xf32, #tpu.memory_space<hbm>> -> memref<1x1x1024xf32, #tpu.memory_space<hbm>>
        %dma_wait3A_640 = tpu.memref_squeeze %dma_wait3A_639 : memref<1x1x1024xf32, #tpu.memory_space<hbm>> -> memref<1024xf32, #tpu.memory_space<hbm>>
        %dma_wait3A_641 = arith.constant 0 : i32
        %dma_wait3A_642 = tpu.memref_slice %arg5[%dma_wait3A_634, %dma_wait3A_635, %dma_wait3A_641] : memref<200x4x131072xf32, #tpu.memory_space<hbm>> -> memref<1x1x1024xf32, #tpu.memory_space<hbm>>
        %dma_wait3A_643 = tpu.memref_squeeze %dma_wait3A_642 : memref<1x1x1024xf32, #tpu.memory_space<hbm>> -> memref<1024xf32, #tpu.memory_space<hbm>>
        %dma_wait3A_644 = arith.constant 2048 : i32
        %dma_wait3A_645 = tpu.memref_slice %arg11[%dma_wait3A_644] : memref<4096xf32, #tpu.memory_space<vmem>> -> memref<1024xf32, #tpu.memory_space<vmem>>
        tpu.wait_dma2 semaphore(%arg18 : memref<!tpu.dma_semaphore, #tpu.memory_space<semaphore_mem>>) src(%dma_wait3A_645 : memref<1024xf32, #tpu.memory_space<vmem>>) dst(%dma_wait3A_643 : memref<1024xf32, #tpu.memory_space<hbm>>)
        %dma_wait3A_646 = arith.constant 0 : i32
        %dma_wait3A_647 = arith.constant 3 : i32
        %dma_wait3A_648 = arith.constant 3072 : i32
        %dma_wait3A_649 = tpu.memref_slice %arg11[%dma_wait3A_648] : memref<4096xf32, #tpu.memory_space<vmem>> -> memref<1024xf32, #tpu.memory_space<vmem>>
        %dma_wait3A_650 = arith.constant 0 : i32
        %dma_wait3A_651 = tpu.memref_slice %arg5[%dma_wait3A_646, %dma_wait3A_647, %dma_wait3A_650] : memref<200x4x131072xf32, #tpu.memory_space<hbm>> -> memref<1x1x1024xf32, #tpu.memory_space<hbm>>
        %dma_wait3A_652 = tpu.memref_squeeze %dma_wait3A_651 : memref<1x1x1024xf32, #tpu.memory_space<hbm>> -> memref<1024xf32, #tpu.memory_space<hbm>>
        %dma_wait3A_653 = arith.constant 0 : i32
        %dma_wait3A_654 = tpu.memref_slice %arg5[%dma_wait3A_646, %dma_wait3A_647, %dma_wait3A_653] : memref<200x4x131072xf32, #tpu.memory_space<hbm>> -> memref<1x1x1024xf32, #tpu.memory_space<hbm>>
        %dma_wait3A_655 = tpu.memref_squeeze %dma_wait3A_654 : memref<1x1x1024xf32, #tpu.memory_space<hbm>> -> memref<1024xf32, #tpu.memory_space<hbm>>
        %dma_wait3A_656 = arith.constant 3072 : i32
        %dma_wait3A_657 = tpu.memref_slice %arg11[%dma_wait3A_656] : memref<4096xf32, #tpu.memory_space<vmem>> -> memref<1024xf32, #tpu.memory_space<vmem>>
        tpu.wait_dma2 semaphore(%arg18 : memref<!tpu.dma_semaphore, #tpu.memory_space<semaphore_mem>>) src(%dma_wait3A_657 : memref<1024xf32, #tpu.memory_space<vmem>>) dst(%dma_wait3A_655 : memref<1024xf32, #tpu.memory_space<hbm>>)
      } else {
      }
      %get3A = arith.index_cast %add3A_280 : i32 to index
      %get3A_301 = arith.constant 0 : index
      %get3A_302 = tpu.vector_load %arg13[%get3A, %get3A_301] {strides = array<i32>} : memref<200x32xf32, #tpu.memory_space<vmem>>, vector<16xf32>,
      %get3A_303 = arith.index_cast %add3A_280 : i32 to index
      %get3A_304 = arith.constant 16 : index
      %get3A_305 = tpu.vector_load %arg13[%get3A_303, %get3A_304] {strides = array<i32>} : memref<200x32xf32, #tpu.memory_space<vmem>>, vector<16xf32>,
      %scan3A_306 = arith.constant 0 : i32
      %scan3A_307 = arith.constant 0 : i32
      %scan3A_308 = arith.constant 128 : i32
      %scan3A_309 = arith.addi %scan3A_307, %scan3A_308 : i32
      %scan3A_310 = arith.constant 8 : i32
      scf.for %scan3A_610 = %scan3A_307 to %scan3A_309 step %scan3A_310  : i32 {
        %get3A_611 = arith.index_cast %scan3A_610 : i32 to index
        %get3A_612 = arith.constant 0 : index
        %get3A_613 = tpu.vector_load %arg7[%get3A_611, %get3A_612] {strides = array<i32>} : memref<128x32xf32, #tpu.memory_space<vmem>>, vector<16xf32>,
        %add3A_614 = arith.addf %get3A_613, %get3A_302 : vector<16xf32>
        %add3A_615 = vector.broadcast %scan3A_610 : i32 to vector<16xi32>
        %add3A_616 = arith.addi %add3A_12, %add3A_615 : vector<16xi32>
        tpu.vector_store_idx %arg11[%add3A_616], %add3A_614 : memref<4096xf32, #tpu.memory_space<vmem>>[vector<16xi32>], vector<16xf32>,
        %get3A_617 = arith.index_cast %scan3A_610 : i32 to index
        %get3A_618 = arith.constant 16 : index
        %get3A_619 = tpu.vector_load %arg7[%get3A_617, %get3A_618] {strides = array<i32>} : memref<128x32xf32, #tpu.memory_space<vmem>>, vector<16xf32>,
        %add3A_620 = arith.addf %get3A_619, %get3A_305 : vector<16xf32>
        %add3A_621 = vector.broadcast %scan3A_610 : i32 to vector<16xi32>
        %add3A_622 = arith.addi %add3A_28, %add3A_621 : vector<16xi32>
        tpu.vector_store_idx %arg11[%add3A_622], %add3A_620 : memref<4096xf32, #tpu.memory_space<vmem>>[vector<16xi32>], vector<16xf32>,
        %scan3A_623 = arith.constant 1 : i32
        %scan3A_624 = arith.addi %scan3A_610, %scan3A_623 : i32
        %get3A_625 = arith.index_cast %scan3A_624 : i32 to index
        %get3A_626 = arith.constant 0 : index
        %get3A_627 = tpu.vector_load %arg7[%get3A_625, %get3A_626] {strides = array<i32>} : memref<128x32xf32, #tpu.memory_space<vmem>>, vector<16xf32>,
        %add3A_628 = arith.addf %get3A_627, %get3A_302 : vector<16xf32>
        %add3A_629 = vector.broadcast %scan3A_624 : i32 to vector<16xi32>
        %add3A_630 = arith.addi %add3A_12, %add3A_629 : vector<16xi32>
        tpu.vector_store_idx %arg11[%add3A_630], %add3A_628 : memref<4096xf32, #tpu.memory_space<vmem>>[vector<16xi32>], vector<16xf32>,
        %get3A_631 = arith.index_cast %scan3A_624 : i32 to index
        %get3A_632 = arith.constant 16 : index
        %get3A_633 = tpu.vector_load %arg7[%get3A_631, %get3A_632] {strides = array<i32>} : memref<128x32xf32, #tpu.memory_space<vmem>>, vector<16xf32>,
        %add3A_634 = arith.addf %get3A_633, %get3A_305 : vector<16xf32>
        %add3A_635 = vector.broadcast %scan3A_624 : i32 to vector<16xi32>
        %add3A_636 = arith.addi %add3A_28, %add3A_635 : vector<16xi32>
        tpu.vector_store_idx %arg11[%add3A_636], %add3A_634 : memref<4096xf32, #tpu.memory_space<vmem>>[vector<16xi32>], vector<16xf32>,
        %scan3A_637 = arith.constant 2 : i32
        %scan3A_638 = arith.addi %scan3A_610, %scan3A_637 : i32
        %get3A_639 = arith.index_cast %scan3A_638 : i32 to index
        %get3A_640 = arith.constant 0 : index
        %get3A_641 = tpu.vector_load %arg7[%get3A_639, %get3A_640] {strides = array<i32>} : memref<128x32xf32, #tpu.memory_space<vmem>>, vector<16xf32>,
        %add3A_642 = arith.addf %get3A_641, %get3A_302 : vector<16xf32>
        %add3A_643 = vector.broadcast %scan3A_638 : i32 to vector<16xi32>
        %add3A_644 = arith.addi %add3A_12, %add3A_643 : vector<16xi32>
        tpu.vector_store_idx %arg11[%add3A_644], %add3A_642 : memref<4096xf32, #tpu.memory_space<vmem>>[vector<16xi32>], vector<16xf32>,
        %get3A_645 = arith.index_cast %scan3A_638 : i32 to index
        %get3A_646 = arith.constant 16 : index
        %get3A_647 = tpu.vector_load %arg7[%get3A_645, %get3A_646] {strides = array<i32>} : memref<128x32xf32, #tpu.memory_space<vmem>>, vector<16xf32>,
        %add3A_648 = arith.addf %get3A_647, %get3A_305 : vector<16xf32>
        %add3A_649 = vector.broadcast %scan3A_638 : i32 to vector<16xi32>
        %add3A_650 = arith.addi %add3A_28, %add3A_649 : vector<16xi32>
        tpu.vector_store_idx %arg11[%add3A_650], %add3A_648 : memref<4096xf32, #tpu.memory_space<vmem>>[vector<16xi32>], vector<16xf32>,
        %scan3A_651 = arith.constant 3 : i32
        %scan3A_652 = arith.addi %scan3A_610, %scan3A_651 : i32
        %get3A_653 = arith.index_cast %scan3A_652 : i32 to index
        %get3A_654 = arith.constant 0 : index
        %get3A_655 = tpu.vector_load %arg7[%get3A_653, %get3A_654] {strides = array<i32>} : memref<128x32xf32, #tpu.memory_space<vmem>>, vector<16xf32>,
        %add3A_656 = arith.addf %get3A_655, %get3A_302 : vector<16xf32>
        %add3A_657 = vector.broadcast %scan3A_652 : i32 to vector<16xi32>
        %add3A_658 = arith.addi %add3A_12, %add3A_657 : vector<16xi32>
        tpu.vector_store_idx %arg11[%add3A_658], %add3A_656 : memref<4096xf32, #tpu.memory_space<vmem>>[vector<16xi32>], vector<16xf32>,
        %get3A_659 = arith.index_cast %scan3A_652 : i32 to index
        %get3A_660 = arith.constant 16 : index
        %get3A_661 = tpu.vector_load %arg7[%get3A_659, %get3A_660] {strides = array<i32>} : memref<128x32xf32, #tpu.memory_space<vmem>>, vector<16xf32>,
        %add3A_662 = arith.addf %get3A_661, %get3A_305 : vector<16xf32>
        %add3A_663 = vector.broadcast %scan3A_652 : i32 to vector<16xi32>
        %add3A_664 = arith.addi %add3A_28, %add3A_663 : vector<16xi32>
        tpu.vector_store_idx %arg11[%add3A_664], %add3A_662 : memref<4096xf32, #tpu.memory_space<vmem>>[vector<16xi32>], vector<16xf32>,
        %scan3A_665 = arith.constant 4 : i32
        %scan3A_666 = arith.addi %scan3A_610, %scan3A_665 : i32
        %get3A_667 = arith.index_cast %scan3A_666 : i32 to index
        %get3A_668 = arith.constant 0 : index
        %get3A_669 = tpu.vector_load %arg7[%get3A_667, %get3A_668] {strides = array<i32>} : memref<128x32xf32, #tpu.memory_space<vmem>>, vector<16xf32>,
        %add3A_670 = arith.addf %get3A_669, %get3A_302 : vector<16xf32>
        %add3A_671 = vector.broadcast %scan3A_666 : i32 to vector<16xi32>
        %add3A_672 = arith.addi %add3A_12, %add3A_671 : vector<16xi32>
        tpu.vector_store_idx %arg11[%add3A_672], %add3A_670 : memref<4096xf32, #tpu.memory_space<vmem>>[vector<16xi32>], vector<16xf32>,
        %get3A_673 = arith.index_cast %scan3A_666 : i32 to index
        %get3A_674 = arith.constant 16 : index
        %get3A_675 = tpu.vector_load %arg7[%get3A_673, %get3A_674] {strides = array<i32>} : memref<128x32xf32, #tpu.memory_space<vmem>>, vector<16xf32>,
        %add3A_676 = arith.addf %get3A_675, %get3A_305 : vector<16xf32>
        %add3A_677 = vector.broadcast %scan3A_666 : i32 to vector<16xi32>
        %add3A_678 = arith.addi %add3A_28, %add3A_677 : vector<16xi32>
        tpu.vector_store_idx %arg11[%add3A_678], %add3A_676 : memref<4096xf32, #tpu.memory_space<vmem>>[vector<16xi32>], vector<16xf32>,
        %scan3A_679 = arith.constant 5 : i32
        %scan3A_680 = arith.addi %scan3A_610, %scan3A_679 : i32
        %get3A_681 = arith.index_cast %scan3A_680 : i32 to index
        %get3A_682 = arith.constant 0 : index
        %get3A_683 = tpu.vector_load %arg7[%get3A_681, %get3A_682] {strides = array<i32>} : memref<128x32xf32, #tpu.memory_space<vmem>>, vector<16xf32>,
        %add3A_684 = arith.addf %get3A_683, %get3A_302 : vector<16xf32>
        %add3A_685 = vector.broadcast %scan3A_680 : i32 to vector<16xi32>
        %add3A_686 = arith.addi %add3A_12, %add3A_685 : vector<16xi32>
        tpu.vector_store_idx %arg11[%add3A_686], %add3A_684 : memref<4096xf32, #tpu.memory_space<vmem>>[vector<16xi32>], vector<16xf32>,
        %get3A_687 = arith.index_cast %scan3A_680 : i32 to index
        %get3A_688 = arith.constant 16 : index
        %get3A_689 = tpu.vector_load %arg7[%get3A_687, %get3A_688] {strides = array<i32>} : memref<128x32xf32, #tpu.memory_space<vmem>>, vector<16xf32>,
        %add3A_690 = arith.addf %get3A_689, %get3A_305 : vector<16xf32>
        %add3A_691 = vector.broadcast %scan3A_680 : i32 to vector<16xi32>
        %add3A_692 = arith.addi %add3A_28, %add3A_691 : vector<16xi32>
        tpu.vector_store_idx %arg11[%add3A_692], %add3A_690 : memref<4096xf32, #tpu.memory_space<vmem>>[vector<16xi32>], vector<16xf32>,
        %scan3A_693 = arith.constant 6 : i32
        %scan3A_694 = arith.addi %scan3A_610, %scan3A_693 : i32
        %get3A_695 = arith.index_cast %scan3A_694 : i32 to index
        %get3A_696 = arith.constant 0 : index
        %get3A_697 = tpu.vector_load %arg7[%get3A_695, %get3A_696] {strides = array<i32>} : memref<128x32xf32, #tpu.memory_space<vmem>>, vector<16xf32>,
        %add3A_698 = arith.addf %get3A_697, %get3A_302 : vector<16xf32>
        %add3A_699 = vector.broadcast %scan3A_694 : i32 to vector<16xi32>
        %add3A_700 = arith.addi %add3A_12, %add3A_699 : vector<16xi32>
        tpu.vector_store_idx %arg11[%add3A_700], %add3A_698 : memref<4096xf32, #tpu.memory_space<vmem>>[vector<16xi32>], vector<16xf32>,
        %get3A_701 = arith.index_cast %scan3A_694 : i32 to index
        %get3A_702 = arith.constant 16 : index
        %get3A_703 = tpu.vector_load %arg7[%get3A_701, %get3A_702] {strides = array<i32>} : memref<128x32xf32, #tpu.memory_space<vmem>>, vector<16xf32>,
        %add3A_704 = arith.addf %get3A_703, %get3A_305 : vector<16xf32>
        %add3A_705 = vector.broadcast %scan3A_694 : i32 to vector<16xi32>
        %add3A_706 = arith.addi %add3A_28, %add3A_705 : vector<16xi32>
        tpu.vector_store_idx %arg11[%add3A_706], %add3A_704 : memref<4096xf32, #tpu.memory_space<vmem>>[vector<16xi32>], vector<16xf32>,
        %scan3A_707 = arith.constant 7 : i32
        %scan3A_708 = arith.addi %scan3A_610, %scan3A_707 : i32
        %get3A_709 = arith.index_cast %scan3A_708 : i32 to index
        %get3A_710 = arith.constant 0 : index
        %get3A_711 = tpu.vector_load %arg7[%get3A_709, %get3A_710] {strides = array<i32>} : memref<128x32xf32, #tpu.memory_space<vmem>>, vector<16xf32>,
        %add3A_712 = arith.addf %get3A_711, %get3A_302 : vector<16xf32>
        %add3A_713 = vector.broadcast %scan3A_708 : i32 to vector<16xi32>
        %add3A_714 = arith.addi %add3A_12, %add3A_713 : vector<16xi32>
        tpu.vector_store_idx %arg11[%add3A_714], %add3A_712 : memref<4096xf32, #tpu.memory_space<vmem>>[vector<16xi32>], vector<16xf32>,
        %get3A_715 = arith.index_cast %scan3A_708 : i32 to index
        %get3A_716 = arith.constant 16 : index
        %get3A_717 = tpu.vector_load %arg7[%get3A_715, %get3A_716] {strides = array<i32>} : memref<128x32xf32, #tpu.memory_space<vmem>>, vector<16xf32>,
        %add3A_718 = arith.addf %get3A_717, %get3A_305 : vector<16xf32>
        %add3A_719 = vector.broadcast %scan3A_708 : i32 to vector<16xi32>
        %add3A_720 = arith.addi %add3A_28, %add3A_719 : vector<16xi32>
        tpu.vector_store_idx %arg11[%add3A_720], %add3A_718 : memref<4096xf32, #tpu.memory_space<vmem>>[vector<16xi32>], vector<16xf32>,
      }
      %scan3A_311 = arith.constant 128 : i32
      %add3A_312 = arith.constant 0 : i32
      %add3A_313 = arith.addi %mul3A_2, %add3A_312 : i32
      %mul3A_314 = arith.constant 1024 : i32
      %mul3A_315 = arith.muli %add3A_313, %mul3A_314 : i32
      %dma_start3A_316 = arith.constant 0 : i32
      %dma_start3A_317 = arith.constant 0 : i32
      %dma_start3A_318 = tpu.memref_slice %arg11[%dma_start3A_317] : memref<4096xf32, #tpu.memory_space<vmem>> -> memref<1024xf32, #tpu.memory_space<vmem>>
      %dma_start3A_319 = tpu.memref_slice %arg5[%add3A_280, %dma_start3A_316, %mul3A_315] : memref<200x4x131072xf32, #tpu.memory_space<hbm>> -> memref<1x1x1024xf32, #tpu.memory_space<hbm>>
      %dma_start3A_320 = tpu.memref_squeeze %dma_start3A_319 : memref<1x1x1024xf32, #tpu.memory_space<hbm>> -> memref<1024xf32, #tpu.memory_space<hbm>>
      %dma_start3A_321 = tpu.memref_slice %arg5[%add3A_280, %dma_start3A_316, %mul3A_315] : memref<200x4x131072xf32, #tpu.memory_space<hbm>> -> memref<1x1x1024xf32, #tpu.memory_space<hbm>>
      %dma_start3A_322 = tpu.memref_squeeze %dma_start3A_321 : memref<1x1x1024xf32, #tpu.memory_space<hbm>> -> memref<1024xf32, #tpu.memory_space<hbm>>
      %dma_start3A_323 = arith.constant 0 : i32
      %dma_start3A_324 = tpu.memref_slice %arg11[%dma_start3A_323] : memref<4096xf32, #tpu.memory_space<vmem>> -> memref<1024xf32, #tpu.memory_space<vmem>>
      tpu.enqueue_dma source(%dma_start3A_324 : memref<1024xf32, #tpu.memory_space<vmem>>) target(%dma_start3A_322 : memref<1024xf32, #tpu.memory_space<hbm>>) target_semaphore(%arg18 : memref<!tpu.dma_semaphore, #tpu.memory_space<semaphore_mem>>)
      %mul3A_325 = arith.constant 1024 : i32
      %mul3A_326 = arith.muli %add3A_313, %mul3A_325 : i32
      %dma_start3A_327 = arith.constant 1 : i32
      %dma_start3A_328 = arith.constant 1024 : i32
      %dma_start3A_329 = tpu.memref_slice %arg11[%dma_start3A_328] : memref<4096xf32, #tpu.memory_space<vmem>> -> memref<1024xf32, #tpu.memory_space<vmem>>
      %dma_start3A_330 = tpu.memref_slice %arg5[%add3A_280, %dma_start3A_327, %mul3A_326] : memref<200x4x131072xf32, #tpu.memory_space<hbm>> -> memref<1x1x1024xf32, #tpu.memory_space<hbm>>
      %dma_start3A_331 = tpu.memref_squeeze %dma_start3A_330 : memref<1x1x1024xf32, #tpu.memory_space<hbm>> -> memref<1024xf32, #tpu.memory_space<hbm>>
      %dma_start3A_332 = tpu.memref_slice %arg5[%add3A_280, %dma_start3A_327, %mul3A_326] : memref<200x4x131072xf32, #tpu.memory_space<hbm>> -> memref<1x1x1024xf32, #tpu.memory_space<hbm>>
      %dma_start3A_333 = tpu.memref_squeeze %dma_start3A_332 : memref<1x1x1024xf32, #tpu.memory_space<hbm>> -> memref<1024xf32, #tpu.memory_space<hbm>>
      %dma_start3A_334 = arith.constant 1024 : i32
      %dma_start3A_335 = tpu.memref_slice %arg11[%dma_start3A_334] : memref<4096xf32, #tpu.memory_space<vmem>> -> memref<1024xf32, #tpu.memory_space<vmem>>
      tpu.enqueue_dma source(%dma_start3A_335 : memref<1024xf32, #tpu.memory_space<vmem>>) target(%dma_start3A_333 : memref<1024xf32, #tpu.memory_space<hbm>>) target_semaphore(%arg18 : memref<!tpu.dma_semaphore, #tpu.memory_space<semaphore_mem>>)
      %mul3A_336 = arith.constant 1024 : i32
      %mul3A_337 = arith.muli %add3A_313, %mul3A_336 : i32
      %dma_start3A_338 = arith.constant 2 : i32
      %dma_start3A_339 = arith.constant 2048 : i32
      %dma_start3A_340 = tpu.memref_slice %arg11[%dma_start3A_339] : memref<4096xf32, #tpu.memory_space<vmem>> -> memref<1024xf32, #tpu.memory_space<vmem>>
      %dma_start3A_341 = tpu.memref_slice %arg5[%add3A_280, %dma_start3A_338, %mul3A_337] : memref<200x4x131072xf32, #tpu.memory_space<hbm>> -> memref<1x1x1024xf32, #tpu.memory_space<hbm>>
      %dma_start3A_342 = tpu.memref_squeeze %dma_start3A_341 : memref<1x1x1024xf32, #tpu.memory_space<hbm>> -> memref<1024xf32, #tpu.memory_space<hbm>>
      %dma_start3A_343 = tpu.memref_slice %arg5[%add3A_280, %dma_start3A_338, %mul3A_337] : memref<200x4x131072xf32, #tpu.memory_space<hbm>> -> memref<1x1x1024xf32, #tpu.memory_space<hbm>>
      %dma_start3A_344 = tpu.memref_squeeze %dma_start3A_343 : memref<1x1x1024xf32, #tpu.memory_space<hbm>> -> memref<1024xf32, #tpu.memory_space<hbm>>
      %dma_start3A_345 = arith.constant 2048 : i32
      %dma_start3A_346 = tpu.memref_slice %arg11[%dma_start3A_345] : memref<4096xf32, #tpu.memory_space<vmem>> -> memref<1024xf32, #tpu.memory_space<vmem>>
      tpu.enqueue_dma source(%dma_start3A_346 : memref<1024xf32, #tpu.memory_space<vmem>>) target(%dma_start3A_344 : memref<1024xf32, #tpu.memory_space<hbm>>) target_semaphore(%arg18 : memref<!tpu.dma_semaphore, #tpu.memory_space<semaphore_mem>>)
      %mul3A_347 = arith.constant 1024 : i32
      %mul3A_348 = arith.muli %add3A_313, %mul3A_347 : i32
      %dma_start3A_349 = arith.constant 3 : i32
      %dma_start3A_350 = arith.constant 3072 : i32
      %dma_start3A_351 = tpu.memref_slice %arg11[%dma_start3A_350] : memref<4096xf32, #tpu.memory_space<vmem>> -> memref<1024xf32, #tpu.memory_space<vmem>>
      %dma_start3A_352 = tpu.memref_slice %arg5[%add3A_280, %dma_start3A_349, %mul3A_348] : memref<200x4x131072xf32, #tpu.memory_space<hbm>> -> memref<1x1x1024xf32, #tpu.memory_space<hbm>>
      %dma_start3A_353 = tpu.memref_squeeze %dma_start3A_352 : memref<1x1x1024xf32, #tpu.memory_space<hbm>> -> memref<1024xf32, #tpu.memory_space<hbm>>
      %dma_start3A_354 = tpu.memref_slice %arg5[%add3A_280, %dma_start3A_349, %mul3A_348] : memref<200x4x131072xf32, #tpu.memory_space<hbm>> -> memref<1x1x1024xf32, #tpu.memory_space<hbm>>
      %dma_start3A_355 = tpu.memref_squeeze %dma_start3A_354 : memref<1x1x1024xf32, #tpu.memory_space<hbm>> -> memref<1024xf32, #tpu.memory_space<hbm>>
      %dma_start3A_356 = arith.constant 3072 : i32
      %dma_start3A_357 = tpu.memref_slice %arg11[%dma_start3A_356] : memref<4096xf32, #tpu.memory_space<vmem>> -> memref<1024xf32, #tpu.memory_space<vmem>>
      tpu.enqueue_dma source(%dma_start3A_357 : memref<1024xf32, #tpu.memory_space<vmem>>) target(%dma_start3A_355 : memref<1024xf32, #tpu.memory_space<hbm>>) target_semaphore(%arg18 : memref<!tpu.dma_semaphore, #tpu.memory_space<semaphore_mem>>)
      %add3A_358 = arith.constant 0 : i32
      %add3A_359 = arith.addi %add3A_358, %scan3A_278 : i32
      %dma_wait3A_360 = arith.constant 0 : i32
      %dma_wait3A_361 = arith.constant 0 : i32
      %dma_wait3A_362 = arith.constant 0 : i32
      %dma_wait3A_363 = tpu.memref_slice %arg6[%dma_wait3A_360, %dma_wait3A_361, %dma_wait3A_362] : memref<100x4x128xi32, #tpu.memory_space<vmem>> -> memref<1x1x128xi32, #tpu.memory_space<vmem>>
      %dma_wait3A_364 = tpu.memref_squeeze %dma_wait3A_363 : memref<1x1x128xi32, #tpu.memory_space<vmem>> -> memref<128xi32, #tpu.memory_space<vmem>>
      %dma_wait3A_365 = arith.constant 0 : i32
      %dma_wait3A_366 = arith.constant 0 : i32
      %dma_wait3A_367 = tpu.memref_slice %arg3[%dma_wait3A_365, %dma_wait3A_366] : memref<100000x32xf32, #tpu.memory_space<hbm>> -> memref<100000x32xf32, #tpu.memory_space<hbm>>
      tpu.wait_indirect_dma semaphore(%arg15 : memref<!tpu.dma_semaphore, #tpu.memory_space<semaphore_mem>>) src(%dma_wait3A_367 : memref<100000x32xf32, #tpu.memory_space<hbm>>) dst(%arg8 : memref<128x32xf32, #tpu.memory_space<vmem>>)
      %add3A_368 = arith.constant 1 : i32
      %add3A_369 = arith.addi %scan3A_278, %add3A_368 : i32
      %lt3A_370 = arith.constant 100 : i32
      %lt3A_371 = arith.cmpi slt, %add3A_369, %lt3A_370 : i32
      %convert_element_type3A_372 = arith.extui %lt3A_371 : i1 to i32
      %cond3A_373 = arith.constant 0 : i32
      %cond3A_374 = arith.cmpi ne, %convert_element_type3A_372, %cond3A_373 : i32
      scf.if %cond3A_374 {
        %dma_start3A_610 = arith.constant 0 : i32
        %dma_start3A_611 = arith.constant 0 : i32
        %dma_start3A_612 = tpu.memref_slice %arg6[%add3A_369, %dma_start3A_610, %dma_start3A_611] : memref<100x4x128xi32, #tpu.memory_space<vmem>> -> memref<1x1x128xi32, #tpu.memory_space<vmem>>
        %dma_start3A_613 = tpu.memref_squeeze %dma_start3A_612 : memref<1x1x128xi32, #tpu.memory_space<vmem>> -> memref<128xi32, #tpu.memory_space<vmem>>
        %dma_start3A_614 = arith.constant 0 : i32
        %dma_start3A_615 = arith.constant 0 : i32
        %dma_start3A_616 = tpu.memref_slice %arg3[%dma_start3A_614, %dma_start3A_615] : memref<100000x32xf32, #tpu.memory_space<hbm>> -> memref<100000x32xf32, #tpu.memory_space<hbm>>
        tpu.enqueue_indirect_dma source(%dma_start3A_616 : memref<100000x32xf32, #tpu.memory_space<hbm>>) target(%arg7 : memref<128x32xf32, #tpu.memory_space<vmem>>) offsets(%dma_start3A_613 : memref<128xi32, #tpu.memory_space<vmem>>) semaphore(%arg14 : memref<!tpu.dma_semaphore, #tpu.memory_space<semaphore_mem>>)
      } else {
      }
      %mul3A_375 = arith.constant 4 : i32
      %mul3A_376 = arith.muli %scan3A_278, %mul3A_375 : i32
      %add3A_377 = arith.constant 1 : i32
      %add3A_378 = arith.addi %mul3A_376, %add3A_377 : i32
      %ge3A_379 = arith.constant 2 : i32
      %ge3A_380 = arith.cmpi sge, %add3A_378, %ge3A_379 : i32
      %convert_element_type3A_381 = arith.extui %ge3A_380 : i1 to i32
      %cond3A_382 = arith.constant 0 : i32
      %cond3A_383 = arith.cmpi ne, %convert_element_type3A_381, %cond3A_382 : i32
      scf.if %cond3A_383 {
        %dma_wait3A_610 = arith.constant 0 : i32
        %dma_wait3A_611 = arith.constant 0 : i32
        %dma_wait3A_612 = arith.constant 0 : i32
        %dma_wait3A_613 = tpu.memref_slice %arg12[%dma_wait3A_612] : memref<4096xf32, #tpu.memory_space<vmem>> -> memref<1024xf32, #tpu.memory_space<vmem>>
        %dma_wait3A_614 = arith.constant 0 : i32
        %dma_wait3A_615 = tpu.memref_slice %arg5[%dma_wait3A_610, %dma_wait3A_611, %dma_wait3A_614] : memref<200x4x131072xf32, #tpu.memory_space<hbm>> -> memref<1x1x1024xf32, #tpu.memory_space<hbm>>
        %dma_wait3A_616 = tpu.memref_squeeze %dma_wait3A_615 : memref<1x1x1024xf32, #tpu.memory_space<hbm>> -> memref<1024xf32, #tpu.memory_space<hbm>>
        %dma_wait3A_617 = arith.constant 0 : i32
        %dma_wait3A_618 = tpu.memref_slice %arg5[%dma_wait3A_610, %dma_wait3A_611, %dma_wait3A_617] : memref<200x4x131072xf32, #tpu.memory_space<hbm>> -> memref<1x1x1024xf32, #tpu.memory_space<hbm>>
        %dma_wait3A_619 = tpu.memref_squeeze %dma_wait3A_618 : memref<1x1x1024xf32, #tpu.memory_space<hbm>> -> memref<1024xf32, #tpu.memory_space<hbm>>
        %dma_wait3A_620 = arith.constant 0 : i32
        %dma_wait3A_621 = tpu.memref_slice %arg12[%dma_wait3A_620] : memref<4096xf32, #tpu.memory_space<vmem>> -> memref<1024xf32, #tpu.memory_space<vmem>>
        tpu.wait_dma2 semaphore(%arg19 : memref<!tpu.dma_semaphore, #tpu.memory_space<semaphore_mem>>) src(%dma_wait3A_621 : memref<1024xf32, #tpu.memory_space<vmem>>) dst(%dma_wait3A_619 : memref<1024xf32, #tpu.memory_space<hbm>>)
        %dma_wait3A_622 = arith.constant 0 : i32
        %dma_wait3A_623 = arith.constant 1 : i32
        %dma_wait3A_624 = arith.constant 1024 : i32
        %dma_wait3A_625 = tpu.memref_slice %arg12[%dma_wait3A_624] : memref<4096xf32, #tpu.memory_space<vmem>> -> memref<1024xf32, #tpu.memory_space<vmem>>
        %dma_wait3A_626 = arith.constant 0 : i32
        %dma_wait3A_627 = tpu.memref_slice %arg5[%dma_wait3A_622, %dma_wait3A_623, %dma_wait3A_626] : memref<200x4x131072xf32, #tpu.memory_space<hbm>> -> memref<1x1x1024xf32, #tpu.memory_space<hbm>>
        %dma_wait3A_628 = tpu.memref_squeeze %dma_wait3A_627 : memref<1x1x1024xf32, #tpu.memory_space<hbm>> -> memref<1024xf32, #tpu.memory_space<hbm>>
        %dma_wait3A_629 = arith.constant 0 : i32
        %dma_wait3A_630 = tpu.memref_slice %arg5[%dma_wait3A_622, %dma_wait3A_623, %dma_wait3A_629] : memref<200x4x131072xf32, #tpu.memory_space<hbm>> -> memref<1x1x1024xf32, #tpu.memory_space<hbm>>
        %dma_wait3A_631 = tpu.memref_squeeze %dma_wait3A_630 : memref<1x1x1024xf32, #tpu.memory_space<hbm>> -> memref<1024xf32, #tpu.memory_space<hbm>>
        %dma_wait3A_632 = arith.constant 1024 : i32
        %dma_wait3A_633 = tpu.memref_slice %arg12[%dma_wait3A_632] : memref<4096xf32, #tpu.memory_space<vmem>> -> memref<1024xf32, #tpu.memory_space<vmem>>
        tpu.wait_dma2 semaphore(%arg19 : memref<!tpu.dma_semaphore, #tpu.memory_space<semaphore_mem>>) src(%dma_wait3A_633 : memref<1024xf32, #tpu.memory_space<vmem>>) dst(%dma_wait3A_631 : memref<1024xf32, #tpu.memory_space<hbm>>)
        %dma_wait3A_634 = arith.constant 0 : i32
        %dma_wait3A_635 = arith.constant 2 : i32
        %dma_wait3A_636 = arith.constant 2048 : i32
        %dma_wait3A_637 = tpu.memref_slice %arg12[%dma_wait3A_636] : memref<4096xf32, #tpu.memory_space<vmem>> -> memref<1024xf32, #tpu.memory_space<vmem>>
        %dma_wait3A_638 = arith.constant 0 : i32
        %dma_wait3A_639 = tpu.memref_slice %arg5[%dma_wait3A_634, %dma_wait3A_635, %dma_wait3A_638] : memref<200x4x131072xf32, #tpu.memory_space<hbm>> -> memref<1x1x1024xf32, #tpu.memory_space<hbm>>
        %dma_wait3A_640 = tpu.memref_squeeze %dma_wait3A_639 : memref<1x1x1024xf32, #tpu.memory_space<hbm>> -> memref<1024xf32, #tpu.memory_space<hbm>>
        %dma_wait3A_641 = arith.constant 0 : i32
        %dma_wait3A_642 = tpu.memref_slice %arg5[%dma_wait3A_634, %dma_wait3A_635, %dma_wait3A_641] : memref<200x4x131072xf32, #tpu.memory_space<hbm>> -> memref<1x1x1024xf32, #tpu.memory_space<hbm>>
        %dma_wait3A_643 = tpu.memref_squeeze %dma_wait3A_642 : memref<1x1x1024xf32, #tpu.memory_space<hbm>> -> memref<1024xf32, #tpu.memory_space<hbm>>
        %dma_wait3A_644 = arith.constant 2048 : i32
        %dma_wait3A_645 = tpu.memref_slice %arg12[%dma_wait3A_644] : memref<4096xf32, #tpu.memory_space<vmem>> -> memref<1024xf32, #tpu.memory_space<vmem>>
        tpu.wait_dma2 semaphore(%arg19 : memref<!tpu.dma_semaphore, #tpu.memory_space<semaphore_mem>>) src(%dma_wait3A_645 : memref<1024xf32, #tpu.memory_space<vmem>>) dst(%dma_wait3A_643 : memref<1024xf32, #tpu.memory_space<hbm>>)
        %dma_wait3A_646 = arith.constant 0 : i32
        %dma_wait3A_647 = arith.constant 3 : i32
        %dma_wait3A_648 = arith.constant 3072 : i32
        %dma_wait3A_649 = tpu.memref_slice %arg12[%dma_wait3A_648] : memref<4096xf32, #tpu.memory_space<vmem>> -> memref<1024xf32, #tpu.memory_space<vmem>>
        %dma_wait3A_650 = arith.constant 0 : i32
        %dma_wait3A_651 = tpu.memref_slice %arg5[%dma_wait3A_646, %dma_wait3A_647, %dma_wait3A_650] : memref<200x4x131072xf32, #tpu.memory_space<hbm>> -> memref<1x1x1024xf32, #tpu.memory_space<hbm>>
        %dma_wait3A_652 = tpu.memref_squeeze %dma_wait3A_651 : memref<1x1x1024xf32, #tpu.memory_space<hbm>> -> memref<1024xf32, #tpu.memory_space<hbm>>
        %dma_wait3A_653 = arith.constant 0 : i32
        %dma_wait3A_654 = tpu.memref_slice %arg5[%dma_wait3A_646, %dma_wait3A_647, %dma_wait3A_653] : memref<200x4x131072xf32, #tpu.memory_space<hbm>> -> memref<1x1x1024xf32, #tpu.memory_space<hbm>>
        %dma_wait3A_655 = tpu.memref_squeeze %dma_wait3A_654 : memref<1x1x1024xf32, #tpu.memory_space<hbm>> -> memref<1024xf32, #tpu.memory_space<hbm>>
        %dma_wait3A_656 = arith.constant 3072 : i32
        %dma_wait3A_657 = tpu.memref_slice %arg12[%dma_wait3A_656] : memref<4096xf32, #tpu.memory_space<vmem>> -> memref<1024xf32, #tpu.memory_space<vmem>>
        tpu.wait_dma2 semaphore(%arg19 : memref<!tpu.dma_semaphore, #tpu.memory_space<semaphore_mem>>) src(%dma_wait3A_657 : memref<1024xf32, #tpu.memory_space<vmem>>) dst(%dma_wait3A_655 : memref<1024xf32, #tpu.memory_space<hbm>>)
      } else {
      }
      %get3A_384 = arith.index_cast %add3A_359 : i32 to index
      %get3A_385 = arith.constant 0 : index
      %get3A_386 = tpu.vector_load %arg13[%get3A_384, %get3A_385] {strides = array<i32>} : memref<200x32xf32, #tpu.memory_space<vmem>>, vector<16xf32>,
      %get3A_387 = arith.index_cast %add3A_359 : i32 to index
      %get3A_388 = arith.constant 16 : index
      %get3A_389 = tpu.vector_load %arg13[%get3A_387, %get3A_388] {strides = array<i32>} : memref<200x32xf32, #tpu.memory_space<vmem>>, vector<16xf32>,
      %scan3A_390 = arith.constant 0 : i32
      %scan3A_391 = arith.constant 0 : i32
      %scan3A_392 = arith.constant 128 : i32
      %scan3A_393 = arith.addi %scan3A_391, %scan3A_392 : i32
      %scan3A_394 = arith.constant 8 : i32
      scf.for %scan3A_610 = %scan3A_391 to %scan3A_393 step %scan3A_394  : i32 {
        %get3A_611 = arith.index_cast %scan3A_610 : i32 to index
        %get3A_612 = arith.constant 0 : index
        %get3A_613 = tpu.vector_load %arg8[%get3A_611, %get3A_612] {strides = array<i32>} : memref<128x32xf32, #tpu.memory_space<vmem>>, vector<16xf32>,
        %add3A_614 = arith.addf %get3A_613, %get3A_386 : vector<16xf32>
        %add3A_615 = vector.broadcast %scan3A_610 : i32 to vector<16xi32>
        %add3A_616 = arith.addi %add3A_12, %add3A_615 : vector<16xi32>
        tpu.vector_store_idx %arg12[%add3A_616], %add3A_614 : memref<4096xf32, #tpu.memory_space<vmem>>[vector<16xi32>], vector<16xf32>,
        %get3A_617 = arith.index_cast %scan3A_610 : i32 to index
        %get3A_618 = arith.constant 16 : index
        %get3A_619 = tpu.vector_load %arg8[%get3A_617, %get3A_618] {strides = array<i32>} : memref<128x32xf32, #tpu.memory_space<vmem>>, vector<16xf32>,
        %add3A_620 = arith.addf %get3A_619, %get3A_389 : vector<16xf32>
        %add3A_621 = vector.broadcast %scan3A_610 : i32 to vector<16xi32>
        %add3A_622 = arith.addi %add3A_28, %add3A_621 : vector<16xi32>
        tpu.vector_store_idx %arg12[%add3A_622], %add3A_620 : memref<4096xf32, #tpu.memory_space<vmem>>[vector<16xi32>], vector<16xf32>,
        %scan3A_623 = arith.constant 1 : i32
        %scan3A_624 = arith.addi %scan3A_610, %scan3A_623 : i32
        %get3A_625 = arith.index_cast %scan3A_624 : i32 to index
        %get3A_626 = arith.constant 0 : index
        %get3A_627 = tpu.vector_load %arg8[%get3A_625, %get3A_626] {strides = array<i32>} : memref<128x32xf32, #tpu.memory_space<vmem>>, vector<16xf32>,
        %add3A_628 = arith.addf %get3A_627, %get3A_386 : vector<16xf32>
        %add3A_629 = vector.broadcast %scan3A_624 : i32 to vector<16xi32>
        %add3A_630 = arith.addi %add3A_12, %add3A_629 : vector<16xi32>
        tpu.vector_store_idx %arg12[%add3A_630], %add3A_628 : memref<4096xf32, #tpu.memory_space<vmem>>[vector<16xi32>], vector<16xf32>,
        %get3A_631 = arith.index_cast %scan3A_624 : i32 to index
        %get3A_632 = arith.constant 16 : index
        %get3A_633 = tpu.vector_load %arg8[%get3A_631, %get3A_632] {strides = array<i32>} : memref<128x32xf32, #tpu.memory_space<vmem>>, vector<16xf32>,
        %add3A_634 = arith.addf %get3A_633, %get3A_389 : vector<16xf32>
        %add3A_635 = vector.broadcast %scan3A_624 : i32 to vector<16xi32>
        %add3A_636 = arith.addi %add3A_28, %add3A_635 : vector<16xi32>
        tpu.vector_store_idx %arg12[%add3A_636], %add3A_634 : memref<4096xf32, #tpu.memory_space<vmem>>[vector<16xi32>], vector<16xf32>,
        %scan3A_637 = arith.constant 2 : i32
        %scan3A_638 = arith.addi %scan3A_610, %scan3A_637 : i32
        %get3A_639 = arith.index_cast %scan3A_638 : i32 to index
        %get3A_640 = arith.constant 0 : index
        %get3A_641 = tpu.vector_load %arg8[%get3A_639, %get3A_640] {strides = array<i32>} : memref<128x32xf32, #tpu.memory_space<vmem>>, vector<16xf32>,
        %add3A_642 = arith.addf %get3A_641, %get3A_386 : vector<16xf32>
        %add3A_643 = vector.broadcast %scan3A_638 : i32 to vector<16xi32>
        %add3A_644 = arith.addi %add3A_12, %add3A_643 : vector<16xi32>
        tpu.vector_store_idx %arg12[%add3A_644], %add3A_642 : memref<4096xf32, #tpu.memory_space<vmem>>[vector<16xi32>], vector<16xf32>,
        %get3A_645 = arith.index_cast %scan3A_638 : i32 to index
        %get3A_646 = arith.constant 16 : index
        %get3A_647 = tpu.vector_load %arg8[%get3A_645, %get3A_646] {strides = array<i32>} : memref<128x32xf32, #tpu.memory_space<vmem>>, vector<16xf32>,
        %add3A_648 = arith.addf %get3A_647, %get3A_389 : vector<16xf32>
        %add3A_649 = vector.broadcast %scan3A_638 : i32 to vector<16xi32>
        %add3A_650 = arith.addi %add3A_28, %add3A_649 : vector<16xi32>
        tpu.vector_store_idx %arg12[%add3A_650], %add3A_648 : memref<4096xf32, #tpu.memory_space<vmem>>[vector<16xi32>], vector<16xf32>,
        %scan3A_651 = arith.constant 3 : i32
        %scan3A_652 = arith.addi %scan3A_610, %scan3A_651 : i32
        %get3A_653 = arith.index_cast %scan3A_652 : i32 to index
        %get3A_654 = arith.constant 0 : index
        %get3A_655 = tpu.vector_load %arg8[%get3A_653, %get3A_654] {strides = array<i32>} : memref<128x32xf32, #tpu.memory_space<vmem>>, vector<16xf32>,
        %add3A_656 = arith.addf %get3A_655, %get3A_386 : vector<16xf32>
        %add3A_657 = vector.broadcast %scan3A_652 : i32 to vector<16xi32>
        %add3A_658 = arith.addi %add3A_12, %add3A_657 : vector<16xi32>
        tpu.vector_store_idx %arg12[%add3A_658], %add3A_656 : memref<4096xf32, #tpu.memory_space<vmem>>[vector<16xi32>], vector<16xf32>,
        %get3A_659 = arith.index_cast %scan3A_652 : i32 to index
        %get3A_660 = arith.constant 16 : index
        %get3A_661 = tpu.vector_load %arg8[%get3A_659, %get3A_660] {strides = array<i32>} : memref<128x32xf32, #tpu.memory_space<vmem>>, vector<16xf32>,
        %add3A_662 = arith.addf %get3A_661, %get3A_389 : vector<16xf32>
        %add3A_663 = vector.broadcast %scan3A_652 : i32 to vector<16xi32>
        %add3A_664 = arith.addi %add3A_28, %add3A_663 : vector<16xi32>
        tpu.vector_store_idx %arg12[%add3A_664], %add3A_662 : memref<4096xf32, #tpu.memory_space<vmem>>[vector<16xi32>], vector<16xf32>,
        %scan3A_665 = arith.constant 4 : i32
        %scan3A_666 = arith.addi %scan3A_610, %scan3A_665 : i32
        %get3A_667 = arith.index_cast %scan3A_666 : i32 to index
        %get3A_668 = arith.constant 0 : index
        %get3A_669 = tpu.vector_load %arg8[%get3A_667, %get3A_668] {strides = array<i32>} : memref<128x32xf32, #tpu.memory_space<vmem>>, vector<16xf32>,
        %add3A_670 = arith.addf %get3A_669, %get3A_386 : vector<16xf32>
        %add3A_671 = vector.broadcast %scan3A_666 : i32 to vector<16xi32>
        %add3A_672 = arith.addi %add3A_12, %add3A_671 : vector<16xi32>
        tpu.vector_store_idx %arg12[%add3A_672], %add3A_670 : memref<4096xf32, #tpu.memory_space<vmem>>[vector<16xi32>], vector<16xf32>,
        %get3A_673 = arith.index_cast %scan3A_666 : i32 to index
        %get3A_674 = arith.constant 16 : index
        %get3A_675 = tpu.vector_load %arg8[%get3A_673, %get3A_674] {strides = array<i32>} : memref<128x32xf32, #tpu.memory_space<vmem>>, vector<16xf32>,
        %add3A_676 = arith.addf %get3A_675, %get3A_389 : vector<16xf32>
        %add3A_677 = vector.broadcast %scan3A_666 : i32 to vector<16xi32>
        %add3A_678 = arith.addi %add3A_28, %add3A_677 : vector<16xi32>
        tpu.vector_store_idx %arg12[%add3A_678], %add3A_676 : memref<4096xf32, #tpu.memory_space<vmem>>[vector<16xi32>], vector<16xf32>,
        %scan3A_679 = arith.constant 5 : i32
        %scan3A_680 = arith.addi %scan3A_610, %scan3A_679 : i32
        %get3A_681 = arith.index_cast %scan3A_680 : i32 to index
        %get3A_682 = arith.constant 0 : index
        %get3A_683 = tpu.vector_load %arg8[%get3A_681, %get3A_682] {strides = array<i32>} : memref<128x32xf32, #tpu.memory_space<vmem>>, vector<16xf32>,
        %add3A_684 = arith.addf %get3A_683, %get3A_386 : vector<16xf32>
        %add3A_685 = vector.broadcast %scan3A_680 : i32 to vector<16xi32>
        %add3A_686 = arith.addi %add3A_12, %add3A_685 : vector<16xi32>
        tpu.vector_store_idx %arg12[%add3A_686], %add3A_684 : memref<4096xf32, #tpu.memory_space<vmem>>[vector<16xi32>], vector<16xf32>,
        %get3A_687 = arith.index_cast %scan3A_680 : i32 to index
        %get3A_688 = arith.constant 16 : index
        %get3A_689 = tpu.vector_load %arg8[%get3A_687, %get3A_688] {strides = array<i32>} : memref<128x32xf32, #tpu.memory_space<vmem>>, vector<16xf32>,
        %add3A_690 = arith.addf %get3A_689, %get3A_389 : vector<16xf32>
        %add3A_691 = vector.broadcast %scan3A_680 : i32 to vector<16xi32>
        %add3A_692 = arith.addi %add3A_28, %add3A_691 : vector<16xi32>
        tpu.vector_store_idx %arg12[%add3A_692], %add3A_690 : memref<4096xf32, #tpu.memory_space<vmem>>[vector<16xi32>], vector<16xf32>,
        %scan3A_693 = arith.constant 6 : i32
        %scan3A_694 = arith.addi %scan3A_610, %scan3A_693 : i32
        %get3A_695 = arith.index_cast %scan3A_694 : i32 to index
        %get3A_696 = arith.constant 0 : index
        %get3A_697 = tpu.vector_load %arg8[%get3A_695, %get3A_696] {strides = array<i32>} : memref<128x32xf32, #tpu.memory_space<vmem>>, vector<16xf32>,
        %add3A_698 = arith.addf %get3A_697, %get3A_386 : vector<16xf32>
        %add3A_699 = vector.broadcast %scan3A_694 : i32 to vector<16xi32>
        %add3A_700 = arith.addi %add3A_12, %add3A_699 : vector<16xi32>
        tpu.vector_store_idx %arg12[%add3A_700], %add3A_698 : memref<4096xf32, #tpu.memory_space<vmem>>[vector<16xi32>], vector<16xf32>,
        %get3A_701 = arith.index_cast %scan3A_694 : i32 to index
        %get3A_702 = arith.constant 16 : index
        %get3A_703 = tpu.vector_load %arg8[%get3A_701, %get3A_702] {strides = array<i32>} : memref<128x32xf32, #tpu.memory_space<vmem>>, vector<16xf32>,
        %add3A_704 = arith.addf %get3A_703, %get3A_389 : vector<16xf32>
        %add3A_705 = vector.broadcast %scan3A_694 : i32 to vector<16xi32>
        %add3A_706 = arith.addi %add3A_28, %add3A_705 : vector<16xi32>
        tpu.vector_store_idx %arg12[%add3A_706], %add3A_704 : memref<4096xf32, #tpu.memory_space<vmem>>[vector<16xi32>], vector<16xf32>,
        %scan3A_707 = arith.constant 7 : i32
        %scan3A_708 = arith.addi %scan3A_610, %scan3A_707 : i32
        %get3A_709 = arith.index_cast %scan3A_708 : i32 to index
        %get3A_710 = arith.constant 0 : index
        %get3A_711 = tpu.vector_load %arg8[%get3A_709, %get3A_710] {strides = array<i32>} : memref<128x32xf32, #tpu.memory_space<vmem>>, vector<16xf32>,
        %add3A_712 = arith.addf %get3A_711, %get3A_386 : vector<16xf32>
        %add3A_713 = vector.broadcast %scan3A_708 : i32 to vector<16xi32>
        %add3A_714 = arith.addi %add3A_12, %add3A_713 : vector<16xi32>
        tpu.vector_store_idx %arg12[%add3A_714], %add3A_712 : memref<4096xf32, #tpu.memory_space<vmem>>[vector<16xi32>], vector<16xf32>,
        %get3A_715 = arith.index_cast %scan3A_708 : i32 to index
        %get3A_716 = arith.constant 16 : index
        %get3A_717 = tpu.vector_load %arg8[%get3A_715, %get3A_716] {strides = array<i32>} : memref<128x32xf32, #tpu.memory_space<vmem>>, vector<16xf32>,
        %add3A_718 = arith.addf %get3A_717, %get3A_389 : vector<16xf32>
        %add3A_719 = vector.broadcast %scan3A_708 : i32 to vector<16xi32>
        %add3A_720 = arith.addi %add3A_28, %add3A_719 : vector<16xi32>
        tpu.vector_store_idx %arg12[%add3A_720], %add3A_718 : memref<4096xf32, #tpu.memory_space<vmem>>[vector<16xi32>], vector<16xf32>,
      }
      %scan3A_395 = arith.constant 128 : i32
      %add3A_396 = arith.constant 1 : i32
      %add3A_397 = arith.addi %mul3A_2, %add3A_396 : i32
      %mul3A_398 = arith.constant 1024 : i32
      %mul3A_399 = arith.muli %add3A_397, %mul3A_398 : i32
      %dma_start3A_400 = arith.constant 0 : i32
      %dma_start3A_401 = arith.constant 0 : i32
      %dma_start3A_402 = tpu.memref_slice %arg12[%dma_start3A_401] : memref<4096xf32, #tpu.memory_space<vmem>> -> memref<1024xf32, #tpu.memory_space<vmem>>
      %dma_start3A_403 = tpu.memref_slice %arg5[%add3A_359, %dma_start3A_400, %mul3A_399] : memref<200x4x131072xf32, #tpu.memory_space<hbm>> -> memref<1x1x1024xf32, #tpu.memory_space<hbm>>
      %dma_start3A_404 = tpu.memref_squeeze %dma_start3A_403 : memref<1x1x1024xf32, #tpu.memory_space<hbm>> -> memref<1024xf32, #tpu.memory_space<hbm>>
      %dma_start3A_405 = tpu.memref_slice %arg5[%add3A_359, %dma_start3A_400, %mul3A_399] : memref<200x4x131072xf32, #tpu.memory_space<hbm>> -> memref<1x1x1024xf32, #tpu.memory_space<hbm>>
      %dma_start3A_406 = tpu.memref_squeeze %dma_start3A_405 : memref<1x1x1024xf32, #tpu.memory_space<hbm>> -> memref<1024xf32, #tpu.memory_space<hbm>>
      %dma_start3A_407 = arith.constant 0 : i32
      %dma_start3A_408 = tpu.memref_slice %arg12[%dma_start3A_407] : memref<4096xf32, #tpu.memory_space<vmem>> -> memref<1024xf32, #tpu.memory_space<vmem>>
      tpu.enqueue_dma source(%dma_start3A_408 : memref<1024xf32, #tpu.memory_space<vmem>>) target(%dma_start3A_406 : memref<1024xf32, #tpu.memory_space<hbm>>) target_semaphore(%arg19 : memref<!tpu.dma_semaphore, #tpu.memory_space<semaphore_mem>>)
      %mul3A_409 = arith.constant 1024 : i32
      %mul3A_410 = arith.muli %add3A_397, %mul3A_409 : i32
      %dma_start3A_411 = arith.constant 1 : i32
      %dma_start3A_412 = arith.constant 1024 : i32
      %dma_start3A_413 = tpu.memref_slice %arg12[%dma_start3A_412] : memref<4096xf32, #tpu.memory_space<vmem>> -> memref<1024xf32, #tpu.memory_space<vmem>>
      %dma_start3A_414 = tpu.memref_slice %arg5[%add3A_359, %dma_start3A_411, %mul3A_410] : memref<200x4x131072xf32, #tpu.memory_space<hbm>> -> memref<1x1x1024xf32, #tpu.memory_space<hbm>>
      %dma_start3A_415 = tpu.memref_squeeze %dma_start3A_414 : memref<1x1x1024xf32, #tpu.memory_space<hbm>> -> memref<1024xf32, #tpu.memory_space<hbm>>
      %dma_start3A_416 = tpu.memref_slice %arg5[%add3A_359, %dma_start3A_411, %mul3A_410] : memref<200x4x131072xf32, #tpu.memory_space<hbm>> -> memref<1x1x1024xf32, #tpu.memory_space<hbm>>
      %dma_start3A_417 = tpu.memref_squeeze %dma_start3A_416 : memref<1x1x1024xf32, #tpu.memory_space<hbm>> -> memref<1024xf32, #tpu.memory_space<hbm>>
      %dma_start3A_418 = arith.constant 1024 : i32
      %dma_start3A_419 = tpu.memref_slice %arg12[%dma_start3A_418] : memref<4096xf32, #tpu.memory_space<vmem>> -> memref<1024xf32, #tpu.memory_space<vmem>>
      tpu.enqueue_dma source(%dma_start3A_419 : memref<1024xf32, #tpu.memory_space<vmem>>) target(%dma_start3A_417 : memref<1024xf32, #tpu.memory_space<hbm>>) target_semaphore(%arg19 : memref<!tpu.dma_semaphore, #tpu.memory_space<semaphore_mem>>)
      %mul3A_420 = arith.constant 1024 : i32
      %mul3A_421 = arith.muli %add3A_397, %mul3A_420 : i32
      %dma_start3A_422 = arith.constant 2 : i32
      %dma_start3A_423 = arith.constant 2048 : i32
      %dma_start3A_424 = tpu.memref_slice %arg12[%dma_start3A_423] : memref<4096xf32, #tpu.memory_space<vmem>> -> memref<1024xf32, #tpu.memory_space<vmem>>
      %dma_start3A_425 = tpu.memref_slice %arg5[%add3A_359, %dma_start3A_422, %mul3A_421] : memref<200x4x131072xf32, #tpu.memory_space<hbm>> -> memref<1x1x1024xf32, #tpu.memory_space<hbm>>
      %dma_start3A_426 = tpu.memref_squeeze %dma_start3A_425 : memref<1x1x1024xf32, #tpu.memory_space<hbm>> -> memref<1024xf32, #tpu.memory_space<hbm>>
      %dma_start3A_427 = tpu.memref_slice %arg5[%add3A_359, %dma_start3A_422, %mul3A_421] : memref<200x4x131072xf32, #tpu.memory_space<hbm>> -> memref<1x1x1024xf32, #tpu.memory_space<hbm>>
      %dma_start3A_428 = tpu.memref_squeeze %dma_start3A_427 : memref<1x1x1024xf32, #tpu.memory_space<hbm>> -> memref<1024xf32, #tpu.memory_space<hbm>>
      %dma_start3A_429 = arith.constant 2048 : i32
      %dma_start3A_430 = tpu.memref_slice %arg12[%dma_start3A_429] : memref<4096xf32, #tpu.memory_space<vmem>> -> memref<1024xf32, #tpu.memory_space<vmem>>
      tpu.enqueue_dma source(%dma_start3A_430 : memref<1024xf32, #tpu.memory_space<vmem>>) target(%dma_start3A_428 : memref<1024xf32, #tpu.memory_space<hbm>>) target_semaphore(%arg19 : memref<!tpu.dma_semaphore, #tpu.memory_space<semaphore_mem>>)
      %mul3A_431 = arith.constant 1024 : i32
      %mul3A_432 = arith.muli %add3A_397, %mul3A_431 : i32
      %dma_start3A_433 = arith.constant 3 : i32
      %dma_start3A_434 = arith.constant 3072 : i32
      %dma_start3A_435 = tpu.memref_slice %arg12[%dma_start3A_434] : memref<4096xf32, #tpu.memory_space<vmem>> -> memref<1024xf32, #tpu.memory_space<vmem>>
      %dma_start3A_436 = tpu.memref_slice %arg5[%add3A_359, %dma_start3A_433, %mul3A_432] : memref<200x4x131072xf32, #tpu.memory_space<hbm>> -> memref<1x1x1024xf32, #tpu.memory_space<hbm>>
      %dma_start3A_437 = tpu.memref_squeeze %dma_start3A_436 : memref<1x1x1024xf32, #tpu.memory_space<hbm>> -> memref<1024xf32, #tpu.memory_space<hbm>>
      %dma_start3A_438 = tpu.memref_slice %arg5[%add3A_359, %dma_start3A_433, %mul3A_432] : memref<200x4x131072xf32, #tpu.memory_space<hbm>> -> memref<1x1x1024xf32, #tpu.memory_space<hbm>>
      %dma_start3A_439 = tpu.memref_squeeze %dma_start3A_438 : memref<1x1x1024xf32, #tpu.memory_space<hbm>> -> memref<1024xf32, #tpu.memory_space<hbm>>
      %dma_start3A_440 = arith.constant 3072 : i32
      %dma_start3A_441 = tpu.memref_slice %arg12[%dma_start3A_440] : memref<4096xf32, #tpu.memory_space<vmem>> -> memref<1024xf32, #tpu.memory_space<vmem>>
      tpu.enqueue_dma source(%dma_start3A_441 : memref<1024xf32, #tpu.memory_space<vmem>>) target(%dma_start3A_439 : memref<1024xf32, #tpu.memory_space<hbm>>) target_semaphore(%arg19 : memref<!tpu.dma_semaphore, #tpu.memory_space<semaphore_mem>>)
      %add3A_442 = arith.constant 0 : i32
      %add3A_443 = arith.addi %add3A_442, %scan3A_278 : i32
      %dma_wait3A_444 = arith.constant 0 : i32
      %dma_wait3A_445 = arith.constant 0 : i32
      %dma_wait3A_446 = arith.constant 0 : i32
      %dma_wait3A_447 = tpu.memref_slice %arg6[%dma_wait3A_444, %dma_wait3A_445, %dma_wait3A_446] : memref<100x4x128xi32, #tpu.memory_space<vmem>> -> memref<1x1x128xi32, #tpu.memory_space<vmem>>
      %dma_wait3A_448 = tpu.memref_squeeze %dma_wait3A_447 : memref<1x1x128xi32, #tpu.memory_space<vmem>> -> memref<128xi32, #tpu.memory_space<vmem>>
      %dma_wait3A_449 = arith.constant 0 : i32
      %dma_wait3A_450 = arith.constant 0 : i32
      %dma_wait3A_451 = tpu.memref_slice %arg3[%dma_wait3A_449, %dma_wait3A_450] : memref<100000x32xf32, #tpu.memory_space<hbm>> -> memref<100000x32xf32, #tpu.memory_space<hbm>>
      tpu.wait_indirect_dma semaphore(%arg16 : memref<!tpu.dma_semaphore, #tpu.memory_space<semaphore_mem>>) src(%dma_wait3A_451 : memref<100000x32xf32, #tpu.memory_space<hbm>>) dst(%arg9 : memref<128x32xf32, #tpu.memory_space<vmem>>)
      %add3A_452 = arith.constant 1 : i32
      %add3A_453 = arith.addi %scan3A_278, %add3A_452 : i32
      %lt3A_454 = arith.constant 100 : i32
      %lt3A_455 = arith.cmpi slt, %add3A_453, %lt3A_454 : i32
      %convert_element_type3A_456 = arith.extui %lt3A_455 : i1 to i32
      %cond3A_457 = arith.constant 0 : i32
      %cond3A_458 = arith.cmpi ne, %convert_element_type3A_456, %cond3A_457 : i32
      scf.if %cond3A_458 {
        %dma_start3A_610 = arith.constant 1 : i32
        %dma_start3A_611 = arith.constant 0 : i32
        %dma_start3A_612 = tpu.memref_slice %arg6[%add3A_453, %dma_start3A_610, %dma_start3A_611] : memref<100x4x128xi32, #tpu.memory_space<vmem>> -> memref<1x1x128xi32, #tpu.memory_space<vmem>>
        %dma_start3A_613 = tpu.memref_squeeze %dma_start3A_612 : memref<1x1x128xi32, #tpu.memory_space<vmem>> -> memref<128xi32, #tpu.memory_space<vmem>>
        %dma_start3A_614 = arith.constant 0 : i32
        %dma_start3A_615 = arith.constant 0 : i32
        %dma_start3A_616 = tpu.memref_slice %arg3[%dma_start3A_614, %dma_start3A_615] : memref<100000x32xf32, #tpu.memory_space<hbm>> -> memref<100000x32xf32, #tpu.memory_space<hbm>>
        tpu.enqueue_indirect_dma source(%dma_start3A_616 : memref<100000x32xf32, #tpu.memory_space<hbm>>) target(%arg8 : memref<128x32xf32, #tpu.memory_space<vmem>>) offsets(%dma_start3A_613 : memref<128xi32, #tpu.memory_space<vmem>>) semaphore(%arg15 : memref<!tpu.dma_semaphore, #tpu.memory_space<semaphore_mem>>)
      } else {
      }
      %mul3A_459 = arith.constant 4 : i32
      %mul3A_460 = arith.muli %scan3A_278, %mul3A_459 : i32
      %add3A_461 = arith.constant 2 : i32
      %add3A_462 = arith.addi %mul3A_460, %add3A_461 : i32
      %ge3A_463 = arith.constant 2 : i32
      %ge3A_464 = arith.cmpi sge, %add3A_462, %ge3A_463 : i32
      %convert_element_type3A_465 = arith.extui %ge3A_464 : i1 to i32
      %cond3A_466 = arith.constant 0 : i32
      %cond3A_467 = arith.cmpi ne, %convert_element_type3A_465, %cond3A_466 : i32
      scf.if %cond3A_467 {
        %dma_wait3A_610 = arith.constant 0 : i32
        %dma_wait3A_611 = arith.constant 0 : i32
        %dma_wait3A_612 = arith.constant 0 : i32
        %dma_wait3A_613 = tpu.memref_slice %arg11[%dma_wait3A_612] : memref<4096xf32, #tpu.memory_space<vmem>> -> memref<1024xf32, #tpu.memory_space<vmem>>
        %dma_wait3A_614 = arith.constant 0 : i32
        %dma_wait3A_615 = tpu.memref_slice %arg5[%dma_wait3A_610, %dma_wait3A_611, %dma_wait3A_614] : memref<200x4x131072xf32, #tpu.memory_space<hbm>> -> memref<1x1x1024xf32, #tpu.memory_space<hbm>>
        %dma_wait3A_616 = tpu.memref_squeeze %dma_wait3A_615 : memref<1x1x1024xf32, #tpu.memory_space<hbm>> -> memref<1024xf32, #tpu.memory_space<hbm>>
        %dma_wait3A_617 = arith.constant 0 : i32
        %dma_wait3A_618 = tpu.memref_slice %arg5[%dma_wait3A_610, %dma_wait3A_611, %dma_wait3A_617] : memref<200x4x131072xf32, #tpu.memory_space<hbm>> -> memref<1x1x1024xf32, #tpu.memory_space<hbm>>
        %dma_wait3A_619 = tpu.memref_squeeze %dma_wait3A_618 : memref<1x1x1024xf32, #tpu.memory_space<hbm>> -> memref<1024xf32, #tpu.memory_space<hbm>>
        %dma_wait3A_620 = arith.constant 0 : i32
        %dma_wait3A_621 = tpu.memref_slice %arg11[%dma_wait3A_620] : memref<4096xf32, #tpu.memory_space<vmem>> -> memref<1024xf32, #tpu.memory_space<vmem>>
        tpu.wait_dma2 semaphore(%arg18 : memref<!tpu.dma_semaphore, #tpu.memory_space<semaphore_mem>>) src(%dma_wait3A_621 : memref<1024xf32, #tpu.memory_space<vmem>>) dst(%dma_wait3A_619 : memref<1024xf32, #tpu.memory_space<hbm>>)
        %dma_wait3A_622 = arith.constant 0 : i32
        %dma_wait3A_623 = arith.constant 1 : i32
        %dma_wait3A_624 = arith.constant 1024 : i32
        %dma_wait3A_625 = tpu.memref_slice %arg11[%dma_wait3A_624] : memref<4096xf32, #tpu.memory_space<vmem>> -> memref<1024xf32, #tpu.memory_space<vmem>>
        %dma_wait3A_626 = arith.constant 0 : i32
        %dma_wait3A_627 = tpu.memref_slice %arg5[%dma_wait3A_622, %dma_wait3A_623, %dma_wait3A_626] : memref<200x4x131072xf32, #tpu.memory_space<hbm>> -> memref<1x1x1024xf32, #tpu.memory_space<hbm>>
        %dma_wait3A_628 = tpu.memref_squeeze %dma_wait3A_627 : memref<1x1x1024xf32, #tpu.memory_space<hbm>> -> memref<1024xf32, #tpu.memory_space<hbm>>
        %dma_wait3A_629 = arith.constant 0 : i32
        %dma_wait3A_630 = tpu.memref_slice %arg5[%dma_wait3A_622, %dma_wait3A_623, %dma_wait3A_629] : memref<200x4x131072xf32, #tpu.memory_space<hbm>> -> memref<1x1x1024xf32, #tpu.memory_space<hbm>>
        %dma_wait3A_631 = tpu.memref_squeeze %dma_wait3A_630 : memref<1x1x1024xf32, #tpu.memory_space<hbm>> -> memref<1024xf32, #tpu.memory_space<hbm>>
        %dma_wait3A_632 = arith.constant 1024 : i32
        %dma_wait3A_633 = tpu.memref_slice %arg11[%dma_wait3A_632] : memref<4096xf32, #tpu.memory_space<vmem>> -> memref<1024xf32, #tpu.memory_space<vmem>>
        tpu.wait_dma2 semaphore(%arg18 : memref<!tpu.dma_semaphore, #tpu.memory_space<semaphore_mem>>) src(%dma_wait3A_633 : memref<1024xf32, #tpu.memory_space<vmem>>) dst(%dma_wait3A_631 : memref<1024xf32, #tpu.memory_space<hbm>>)
        %dma_wait3A_634 = arith.constant 0 : i32
        %dma_wait3A_635 = arith.constant 2 : i32
        %dma_wait3A_636 = arith.constant 2048 : i32
        %dma_wait3A_637 = tpu.memref_slice %arg11[%dma_wait3A_636] : memref<4096xf32, #tpu.memory_space<vmem>> -> memref<1024xf32, #tpu.memory_space<vmem>>
        %dma_wait3A_638 = arith.constant 0 : i32
        %dma_wait3A_639 = tpu.memref_slice %arg5[%dma_wait3A_634, %dma_wait3A_635, %dma_wait3A_638] : memref<200x4x131072xf32, #tpu.memory_space<hbm>> -> memref<1x1x1024xf32, #tpu.memory_space<hbm>>
        %dma_wait3A_640 = tpu.memref_squeeze %dma_wait3A_639 : memref<1x1x1024xf32, #tpu.memory_space<hbm>> -> memref<1024xf32, #tpu.memory_space<hbm>>
        %dma_wait3A_641 = arith.constant 0 : i32
        %dma_wait3A_642 = tpu.memref_slice %arg5[%dma_wait3A_634, %dma_wait3A_635, %dma_wait3A_641] : memref<200x4x131072xf32, #tpu.memory_space<hbm>> -> memref<1x1x1024xf32, #tpu.memory_space<hbm>>
        %dma_wait3A_643 = tpu.memref_squeeze %dma_wait3A_642 : memref<1x1x1024xf32, #tpu.memory_space<hbm>> -> memref<1024xf32, #tpu.memory_space<hbm>>
        %dma_wait3A_644 = arith.constant 2048 : i32
        %dma_wait3A_645 = tpu.memref_slice %arg11[%dma_wait3A_644] : memref<4096xf32, #tpu.memory_space<vmem>> -> memref<1024xf32, #tpu.memory_space<vmem>>
        tpu.wait_dma2 semaphore(%arg18 : memref<!tpu.dma_semaphore, #tpu.memory_space<semaphore_mem>>) src(%dma_wait3A_645 : memref<1024xf32, #tpu.memory_space<vmem>>) dst(%dma_wait3A_643 : memref<1024xf32, #tpu.memory_space<hbm>>)
        %dma_wait3A_646 = arith.constant 0 : i32
        %dma_wait3A_647 = arith.constant 3 : i32
        %dma_wait3A_648 = arith.constant 3072 : i32
        %dma_wait3A_649 = tpu.memref_slice %arg11[%dma_wait3A_648] : memref<4096xf32, #tpu.memory_space<vmem>> -> memref<1024xf32, #tpu.memory_space<vmem>>
        %dma_wait3A_650 = arith.constant 0 : i32
        %dma_wait3A_651 = tpu.memref_slice %arg5[%dma_wait3A_646, %dma_wait3A_647, %dma_wait3A_650] : memref<200x4x131072xf32, #tpu.memory_space<hbm>> -> memref<1x1x1024xf32, #tpu.memory_space<hbm>>
        %dma_wait3A_652 = tpu.memref_squeeze %dma_wait3A_651 : memref<1x1x1024xf32, #tpu.memory_space<hbm>> -> memref<1024xf32, #tpu.memory_space<hbm>>
        %dma_wait3A_653 = arith.constant 0 : i32
        %dma_wait3A_654 = tpu.memref_slice %arg5[%dma_wait3A_646, %dma_wait3A_647, %dma_wait3A_653] : memref<200x4x131072xf32, #tpu.memory_space<hbm>> -> memref<1x1x1024xf32, #tpu.memory_space<hbm>>
        %dma_wait3A_655 = tpu.memref_squeeze %dma_wait3A_654 : memref<1x1x1024xf32, #tpu.memory_space<hbm>> -> memref<1024xf32, #tpu.memory_space<hbm>>
        %dma_wait3A_656 = arith.constant 3072 : i32
        %dma_wait3A_657 = tpu.memref_slice %arg11[%dma_wait3A_656] : memref<4096xf32, #tpu.memory_space<vmem>> -> memref<1024xf32, #tpu.memory_space<vmem>>
        tpu.wait_dma2 semaphore(%arg18 : memref<!tpu.dma_semaphore, #tpu.memory_space<semaphore_mem>>) src(%dma_wait3A_657 : memref<1024xf32, #tpu.memory_space<vmem>>) dst(%dma_wait3A_655 : memref<1024xf32, #tpu.memory_space<hbm>>)
      } else {
      }
      %get3A_468 = arith.index_cast %add3A_443 : i32 to index
      %get3A_469 = arith.constant 0 : index
      %get3A_470 = tpu.vector_load %arg13[%get3A_468, %get3A_469] {strides = array<i32>} : memref<200x32xf32, #tpu.memory_space<vmem>>, vector<16xf32>,
      %get3A_471 = arith.index_cast %add3A_443 : i32 to index
      %get3A_472 = arith.constant 16 : index
      %get3A_473 = tpu.vector_load %arg13[%get3A_471, %get3A_472] {strides = array<i32>} : memref<200x32xf32, #tpu.memory_space<vmem>>, vector<16xf32>,
      %scan3A_474 = arith.constant 0 : i32
      %scan3A_475 = arith.constant 0 : i32
      %scan3A_476 = arith.constant 128 : i32
      %scan3A_477 = arith.addi %scan3A_475, %scan3A_476 : i32
      %scan3A_478 = arith.constant 8 : i32
      scf.for %scan3A_610 = %scan3A_475 to %scan3A_477 step %scan3A_478  : i32 {
        %get3A_611 = arith.index_cast %scan3A_610 : i32 to index
        %get3A_612 = arith.constant 0 : index
        %get3A_613 = tpu.vector_load %arg9[%get3A_611, %get3A_612] {strides = array<i32>} : memref<128x32xf32, #tpu.memory_space<vmem>>, vector<16xf32>,
        %add3A_614 = arith.addf %get3A_613, %get3A_470 : vector<16xf32>
        %add3A_615 = vector.broadcast %scan3A_610 : i32 to vector<16xi32>
        %add3A_616 = arith.addi %add3A_12, %add3A_615 : vector<16xi32>
        tpu.vector_store_idx %arg11[%add3A_616], %add3A_614 : memref<4096xf32, #tpu.memory_space<vmem>>[vector<16xi32>], vector<16xf32>,
        %get3A_617 = arith.index_cast %scan3A_610 : i32 to index
        %get3A_618 = arith.constant 16 : index
        %get3A_619 = tpu.vector_load %arg9[%get3A_617, %get3A_618] {strides = array<i32>} : memref<128x32xf32, #tpu.memory_space<vmem>>, vector<16xf32>,
        %add3A_620 = arith.addf %get3A_619, %get3A_473 : vector<16xf32>
        %add3A_621 = vector.broadcast %scan3A_610 : i32 to vector<16xi32>
        %add3A_622 = arith.addi %add3A_28, %add3A_621 : vector<16xi32>
        tpu.vector_store_idx %arg11[%add3A_622], %add3A_620 : memref<4096xf32, #tpu.memory_space<vmem>>[vector<16xi32>], vector<16xf32>,
        %scan3A_623 = arith.constant 1 : i32
        %scan3A_624 = arith.addi %scan3A_610, %scan3A_623 : i32
        %get3A_625 = arith.index_cast %scan3A_624 : i32 to index
        %get3A_626 = arith.constant 0 : index
        %get3A_627 = tpu.vector_load %arg9[%get3A_625, %get3A_626] {strides = array<i32>} : memref<128x32xf32, #tpu.memory_space<vmem>>, vector<16xf32>,
        %add3A_628 = arith.addf %get3A_627, %get3A_470 : vector<16xf32>
        %add3A_629 = vector.broadcast %scan3A_624 : i32 to vector<16xi32>
        %add3A_630 = arith.addi %add3A_12, %add3A_629 : vector<16xi32>
        tpu.vector_store_idx %arg11[%add3A_630], %add3A_628 : memref<4096xf32, #tpu.memory_space<vmem>>[vector<16xi32>], vector<16xf32>,
        %get3A_631 = arith.index_cast %scan3A_624 : i32 to index
        %get3A_632 = arith.constant 16 : index
        %get3A_633 = tpu.vector_load %arg9[%get3A_631, %get3A_632] {strides = array<i32>} : memref<128x32xf32, #tpu.memory_space<vmem>>, vector<16xf32>,
        %add3A_634 = arith.addf %get3A_633, %get3A_473 : vector<16xf32>
        %add3A_635 = vector.broadcast %scan3A_624 : i32 to vector<16xi32>
        %add3A_636 = arith.addi %add3A_28, %add3A_635 : vector<16xi32>
        tpu.vector_store_idx %arg11[%add3A_636], %add3A_634 : memref<4096xf32, #tpu.memory_space<vmem>>[vector<16xi32>], vector<16xf32>,
        %scan3A_637 = arith.constant 2 : i32
        %scan3A_638 = arith.addi %scan3A_610, %scan3A_637 : i32
        %get3A_639 = arith.index_cast %scan3A_638 : i32 to index
        %get3A_640 = arith.constant 0 : index
        %get3A_641 = tpu.vector_load %arg9[%get3A_639, %get3A_640] {strides = array<i32>} : memref<128x32xf32, #tpu.memory_space<vmem>>, vector<16xf32>,
        %add3A_642 = arith.addf %get3A_641, %get3A_470 : vector<16xf32>
        %add3A_643 = vector.broadcast %scan3A_638 : i32 to vector<16xi32>
        %add3A_644 = arith.addi %add3A_12, %add3A_643 : vector<16xi32>
        tpu.vector_store_idx %arg11[%add3A_644], %add3A_642 : memref<4096xf32, #tpu.memory_space<vmem>>[vector<16xi32>], vector<16xf32>,
        %get3A_645 = arith.index_cast %scan3A_638 : i32 to index
        %get3A_646 = arith.constant 16 : index
        %get3A_647 = tpu.vector_load %arg9[%get3A_645, %get3A_646] {strides = array<i32>} : memref<128x32xf32, #tpu.memory_space<vmem>>, vector<16xf32>,
        %add3A_648 = arith.addf %get3A_647, %get3A_473 : vector<16xf32>
        %add3A_649 = vector.broadcast %scan3A_638 : i32 to vector<16xi32>
        %add3A_650 = arith.addi %add3A_28, %add3A_649 : vector<16xi32>
        tpu.vector_store_idx %arg11[%add3A_650], %add3A_648 : memref<4096xf32, #tpu.memory_space<vmem>>[vector<16xi32>], vector<16xf32>,
        %scan3A_651 = arith.constant 3 : i32
        %scan3A_652 = arith.addi %scan3A_610, %scan3A_651 : i32
        %get3A_653 = arith.index_cast %scan3A_652 : i32 to index
        %get3A_654 = arith.constant 0 : index
        %get3A_655 = tpu.vector_load %arg9[%get3A_653, %get3A_654] {strides = array<i32>} : memref<128x32xf32, #tpu.memory_space<vmem>>, vector<16xf32>,
        %add3A_656 = arith.addf %get3A_655, %get3A_470 : vector<16xf32>
        %add3A_657 = vector.broadcast %scan3A_652 : i32 to vector<16xi32>
        %add3A_658 = arith.addi %add3A_12, %add3A_657 : vector<16xi32>
        tpu.vector_store_idx %arg11[%add3A_658], %add3A_656 : memref<4096xf32, #tpu.memory_space<vmem>>[vector<16xi32>], vector<16xf32>,
        %get3A_659 = arith.index_cast %scan3A_652 : i32 to index
        %get3A_660 = arith.constant 16 : index
        %get3A_661 = tpu.vector_load %arg9[%get3A_659, %get3A_660] {strides = array<i32>} : memref<128x32xf32, #tpu.memory_space<vmem>>, vector<16xf32>,
        %add3A_662 = arith.addf %get3A_661, %get3A_473 : vector<16xf32>
        %add3A_663 = vector.broadcast %scan3A_652 : i32 to vector<16xi32>
        %add3A_664 = arith.addi %add3A_28, %add3A_663 : vector<16xi32>
        tpu.vector_store_idx %arg11[%add3A_664], %add3A_662 : memref<4096xf32, #tpu.memory_space<vmem>>[vector<16xi32>], vector<16xf32>,
        %scan3A_665 = arith.constant 4 : i32
        %scan3A_666 = arith.addi %scan3A_610, %scan3A_665 : i32
        %get3A_667 = arith.index_cast %scan3A_666 : i32 to index
        %get3A_668 = arith.constant 0 : index
        %get3A_669 = tpu.vector_load %arg9[%get3A_667, %get3A_668] {strides = array<i32>} : memref<128x32xf32, #tpu.memory_space<vmem>>, vector<16xf32>,
        %add3A_670 = arith.addf %get3A_669, %get3A_470 : vector<16xf32>
        %add3A_671 = vector.broadcast %scan3A_666 : i32 to vector<16xi32>
        %add3A_672 = arith.addi %add3A_12, %add3A_671 : vector<16xi32>
        tpu.vector_store_idx %arg11[%add3A_672], %add3A_670 : memref<4096xf32, #tpu.memory_space<vmem>>[vector<16xi32>], vector<16xf32>,
        %get3A_673 = arith.index_cast %scan3A_666 : i32 to index
        %get3A_674 = arith.constant 16 : index
        %get3A_675 = tpu.vector_load %arg9[%get3A_673, %get3A_674] {strides = array<i32>} : memref<128x32xf32, #tpu.memory_space<vmem>>, vector<16xf32>,
        %add3A_676 = arith.addf %get3A_675, %get3A_473 : vector<16xf32>
        %add3A_677 = vector.broadcast %scan3A_666 : i32 to vector<16xi32>
        %add3A_678 = arith.addi %add3A_28, %add3A_677 : vector<16xi32>
        tpu.vector_store_idx %arg11[%add3A_678], %add3A_676 : memref<4096xf32, #tpu.memory_space<vmem>>[vector<16xi32>], vector<16xf32>,
        %scan3A_679 = arith.constant 5 : i32
        %scan3A_680 = arith.addi %scan3A_610, %scan3A_679 : i32
        %get3A_681 = arith.index_cast %scan3A_680 : i32 to index
        %get3A_682 = arith.constant 0 : index
        %get3A_683 = tpu.vector_load %arg9[%get3A_681, %get3A_682] {strides = array<i32>} : memref<128x32xf32, #tpu.memory_space<vmem>>, vector<16xf32>,
        %add3A_684 = arith.addf %get3A_683, %get3A_470 : vector<16xf32>
        %add3A_685 = vector.broadcast %scan3A_680 : i32 to vector<16xi32>
        %add3A_686 = arith.addi %add3A_12, %add3A_685 : vector<16xi32>
        tpu.vector_store_idx %arg11[%add3A_686], %add3A_684 : memref<4096xf32, #tpu.memory_space<vmem>>[vector<16xi32>], vector<16xf32>,
        %get3A_687 = arith.index_cast %scan3A_680 : i32 to index
        %get3A_688 = arith.constant 16 : index
        %get3A_689 = tpu.vector_load %arg9[%get3A_687, %get3A_688] {strides = array<i32>} : memref<128x32xf32, #tpu.memory_space<vmem>>, vector<16xf32>,
        %add3A_690 = arith.addf %get3A_689, %get3A_473 : vector<16xf32>
        %add3A_691 = vector.broadcast %scan3A_680 : i32 to vector<16xi32>
        %add3A_692 = arith.addi %add3A_28, %add3A_691 : vector<16xi32>
        tpu.vector_store_idx %arg11[%add3A_692], %add3A_690 : memref<4096xf32, #tpu.memory_space<vmem>>[vector<16xi32>], vector<16xf32>,
        %scan3A_693 = arith.constant 6 : i32
        %scan3A_694 = arith.addi %scan3A_610, %scan3A_693 : i32
        %get3A_695 = arith.index_cast %scan3A_694 : i32 to index
        %get3A_696 = arith.constant 0 : index
        %get3A_697 = tpu.vector_load %arg9[%get3A_695, %get3A_696] {strides = array<i32>} : memref<128x32xf32, #tpu.memory_space<vmem>>, vector<16xf32>,
        %add3A_698 = arith.addf %get3A_697, %get3A_470 : vector<16xf32>
        %add3A_699 = vector.broadcast %scan3A_694 : i32 to vector<16xi32>
        %add3A_700 = arith.addi %add3A_12, %add3A_699 : vector<16xi32>
        tpu.vector_store_idx %arg11[%add3A_700], %add3A_698 : memref<4096xf32, #tpu.memory_space<vmem>>[vector<16xi32>], vector<16xf32>,
        %get3A_701 = arith.index_cast %scan3A_694 : i32 to index
        %get3A_702 = arith.constant 16 : index
        %get3A_703 = tpu.vector_load %arg9[%get3A_701, %get3A_702] {strides = array<i32>} : memref<128x32xf32, #tpu.memory_space<vmem>>, vector<16xf32>,
        %add3A_704 = arith.addf %get3A_703, %get3A_473 : vector<16xf32>
        %add3A_705 = vector.broadcast %scan3A_694 : i32 to vector<16xi32>
        %add3A_706 = arith.addi %add3A_28, %add3A_705 : vector<16xi32>
        tpu.vector_store_idx %arg11[%add3A_706], %add3A_704 : memref<4096xf32, #tpu.memory_space<vmem>>[vector<16xi32>], vector<16xf32>,
        %scan3A_707 = arith.constant 7 : i32
        %scan3A_708 = arith.addi %scan3A_610, %scan3A_707 : i32
        %get3A_709 = arith.index_cast %scan3A_708 : i32 to index
        %get3A_710 = arith.constant 0 : index
        %get3A_711 = tpu.vector_load %arg9[%get3A_709, %get3A_710] {strides = array<i32>} : memref<128x32xf32, #tpu.memory_space<vmem>>, vector<16xf32>,
        %add3A_712 = arith.addf %get3A_711, %get3A_470 : vector<16xf32>
        %add3A_713 = vector.broadcast %scan3A_708 : i32 to vector<16xi32>
        %add3A_714 = arith.addi %add3A_12, %add3A_713 : vector<16xi32>
        tpu.vector_store_idx %arg11[%add3A_714], %add3A_712 : memref<4096xf32, #tpu.memory_space<vmem>>[vector<16xi32>], vector<16xf32>,
        %get3A_715 = arith.index_cast %scan3A_708 : i32 to index
        %get3A_716 = arith.constant 16 : index
        %get3A_717 = tpu.vector_load %arg9[%get3A_715, %get3A_716] {strides = array<i32>} : memref<128x32xf32, #tpu.memory_space<vmem>>, vector<16xf32>,
        %add3A_718 = arith.addf %get3A_717, %get3A_473 : vector<16xf32>
        %add3A_719 = vector.broadcast %scan3A_708 : i32 to vector<16xi32>
        %add3A_720 = arith.addi %add3A_28, %add3A_719 : vector<16xi32>
        tpu.vector_store_idx %arg11[%add3A_720], %add3A_718 : memref<4096xf32, #tpu.memory_space<vmem>>[vector<16xi32>], vector<16xf32>,
      }
      %scan3A_479 = arith.constant 128 : i32
      %add3A_480 = arith.constant 2 : i32
      %add3A_481 = arith.addi %mul3A_2, %add3A_480 : i32
      %mul3A_482 = arith.constant 1024 : i32
      %mul3A_483 = arith.muli %add3A_481, %mul3A_482 : i32
      %dma_start3A_484 = arith.constant 0 : i32
      %dma_start3A_485 = arith.constant 0 : i32
      %dma_start3A_486 = tpu.memref_slice %arg11[%dma_start3A_485] : memref<4096xf32, #tpu.memory_space<vmem>> -> memref<1024xf32, #tpu.memory_space<vmem>>
      %dma_start3A_487 = tpu.memref_slice %arg5[%add3A_443, %dma_start3A_484, %mul3A_483] : memref<200x4x131072xf32, #tpu.memory_space<hbm>> -> memref<1x1x1024xf32, #tpu.memory_space<hbm>>
      %dma_start3A_488 = tpu.memref_squeeze %dma_start3A_487 : memref<1x1x1024xf32, #tpu.memory_space<hbm>> -> memref<1024xf32, #tpu.memory_space<hbm>>
      %dma_start3A_489 = tpu.memref_slice %arg5[%add3A_443, %dma_start3A_484, %mul3A_483] : memref<200x4x131072xf32, #tpu.memory_space<hbm>> -> memref<1x1x1024xf32, #tpu.memory_space<hbm>>
      %dma_start3A_490 = tpu.memref_squeeze %dma_start3A_489 : memref<1x1x1024xf32, #tpu.memory_space<hbm>> -> memref<1024xf32, #tpu.memory_space<hbm>>
      %dma_start3A_491 = arith.constant 0 : i32
      %dma_start3A_492 = tpu.memref_slice %arg11[%dma_start3A_491] : memref<4096xf32, #tpu.memory_space<vmem>> -> memref<1024xf32, #tpu.memory_space<vmem>>
      tpu.enqueue_dma source(%dma_start3A_492 : memref<1024xf32, #tpu.memory_space<vmem>>) target(%dma_start3A_490 : memref<1024xf32, #tpu.memory_space<hbm>>) target_semaphore(%arg18 : memref<!tpu.dma_semaphore, #tpu.memory_space<semaphore_mem>>)
      %mul3A_493 = arith.constant 1024 : i32
      %mul3A_494 = arith.muli %add3A_481, %mul3A_493 : i32
      %dma_start3A_495 = arith.constant 1 : i32
      %dma_start3A_496 = arith.constant 1024 : i32
      %dma_start3A_497 = tpu.memref_slice %arg11[%dma_start3A_496] : memref<4096xf32, #tpu.memory_space<vmem>> -> memref<1024xf32, #tpu.memory_space<vmem>>
      %dma_start3A_498 = tpu.memref_slice %arg5[%add3A_443, %dma_start3A_495, %mul3A_494] : memref<200x4x131072xf32, #tpu.memory_space<hbm>> -> memref<1x1x1024xf32, #tpu.memory_space<hbm>>
      %dma_start3A_499 = tpu.memref_squeeze %dma_start3A_498 : memref<1x1x1024xf32, #tpu.memory_space<hbm>> -> memref<1024xf32, #tpu.memory_space<hbm>>
      %dma_start3A_500 = tpu.memref_slice %arg5[%add3A_443, %dma_start3A_495, %mul3A_494] : memref<200x4x131072xf32, #tpu.memory_space<hbm>> -> memref<1x1x1024xf32, #tpu.memory_space<hbm>>
      %dma_start3A_501 = tpu.memref_squeeze %dma_start3A_500 : memref<1x1x1024xf32, #tpu.memory_space<hbm>> -> memref<1024xf32, #tpu.memory_space<hbm>>
      %dma_start3A_502 = arith.constant 1024 : i32
      %dma_start3A_503 = tpu.memref_slice %arg11[%dma_start3A_502] : memref<4096xf32, #tpu.memory_space<vmem>> -> memref<1024xf32, #tpu.memory_space<vmem>>
      tpu.enqueue_dma source(%dma_start3A_503 : memref<1024xf32, #tpu.memory_space<vmem>>) target(%dma_start3A_501 : memref<1024xf32, #tpu.memory_space<hbm>>) target_semaphore(%arg18 : memref<!tpu.dma_semaphore, #tpu.memory_space<semaphore_mem>>)
      %mul3A_504 = arith.constant 1024 : i32
      %mul3A_505 = arith.muli %add3A_481, %mul3A_504 : i32
      %dma_start3A_506 = arith.constant 2 : i32
      %dma_start3A_507 = arith.constant 2048 : i32
      %dma_start3A_508 = tpu.memref_slice %arg11[%dma_start3A_507] : memref<4096xf32, #tpu.memory_space<vmem>> -> memref<1024xf32, #tpu.memory_space<vmem>>
      %dma_start3A_509 = tpu.memref_slice %arg5[%add3A_443, %dma_start3A_506, %mul3A_505] : memref<200x4x131072xf32, #tpu.memory_space<hbm>> -> memref<1x1x1024xf32, #tpu.memory_space<hbm>>
      %dma_start3A_510 = tpu.memref_squeeze %dma_start3A_509 : memref<1x1x1024xf32, #tpu.memory_space<hbm>> -> memref<1024xf32, #tpu.memory_space<hbm>>
      %dma_start3A_511 = tpu.memref_slice %arg5[%add3A_443, %dma_start3A_506, %mul3A_505] : memref<200x4x131072xf32, #tpu.memory_space<hbm>> -> memref<1x1x1024xf32, #tpu.memory_space<hbm>>
      %dma_start3A_512 = tpu.memref_squeeze %dma_start3A_511 : memref<1x1x1024xf32, #tpu.memory_space<hbm>> -> memref<1024xf32, #tpu.memory_space<hbm>>
      %dma_start3A_513 = arith.constant 2048 : i32
      %dma_start3A_514 = tpu.memref_slice %arg11[%dma_start3A_513] : memref<4096xf32, #tpu.memory_space<vmem>> -> memref<1024xf32, #tpu.memory_space<vmem>>
      tpu.enqueue_dma source(%dma_start3A_514 : memref<1024xf32, #tpu.memory_space<vmem>>) target(%dma_start3A_512 : memref<1024xf32, #tpu.memory_space<hbm>>) target_semaphore(%arg18 : memref<!tpu.dma_semaphore, #tpu.memory_space<semaphore_mem>>)
      %mul3A_515 = arith.constant 1024 : i32
      %mul3A_516 = arith.muli %add3A_481, %mul3A_515 : i32
      %dma_start3A_517 = arith.constant 3 : i32
      %dma_start3A_518 = arith.constant 3072 : i32
      %dma_start3A_519 = tpu.memref_slice %arg11[%dma_start3A_518] : memref<4096xf32, #tpu.memory_space<vmem>> -> memref<1024xf32, #tpu.memory_space<vmem>>
      %dma_start3A_520 = tpu.memref_slice %arg5[%add3A_443, %dma_start3A_517, %mul3A_516] : memref<200x4x131072xf32, #tpu.memory_space<hbm>> -> memref<1x1x1024xf32, #tpu.memory_space<hbm>>
      %dma_start3A_521 = tpu.memref_squeeze %dma_start3A_520 : memref<1x1x1024xf32, #tpu.memory_space<hbm>> -> memref<1024xf32, #tpu.memory_space<hbm>>
      %dma_start3A_522 = tpu.memref_slice %arg5[%add3A_443, %dma_start3A_517, %mul3A_516] : memref<200x4x131072xf32, #tpu.memory_space<hbm>> -> memref<1x1x1024xf32, #tpu.memory_space<hbm>>
      %dma_start3A_523 = tpu.memref_squeeze %dma_start3A_522 : memref<1x1x1024xf32, #tpu.memory_space<hbm>> -> memref<1024xf32, #tpu.memory_space<hbm>>
      %dma_start3A_524 = arith.constant 3072 : i32
      %dma_start3A_525 = tpu.memref_slice %arg11[%dma_start3A_524] : memref<4096xf32, #tpu.memory_space<vmem>> -> memref<1024xf32, #tpu.memory_space<vmem>>
      tpu.enqueue_dma source(%dma_start3A_525 : memref<1024xf32, #tpu.memory_space<vmem>>) target(%dma_start3A_523 : memref<1024xf32, #tpu.memory_space<hbm>>) target_semaphore(%arg18 : memref<!tpu.dma_semaphore, #tpu.memory_space<semaphore_mem>>)
      %add3A_526 = arith.constant 0 : i32
      %add3A_527 = arith.addi %add3A_526, %scan3A_278 : i32
      %dma_wait3A_528 = arith.constant 0 : i32
      %dma_wait3A_529 = arith.constant 0 : i32
      %dma_wait3A_530 = arith.constant 0 : i32
      %dma_wait3A_531 = tpu.memref_slice %arg6[%dma_wait3A_528, %dma_wait3A_529, %dma_wait3A_530] : memref<100x4x128xi32, #tpu.memory_space<vmem>> -> memref<1x1x128xi32, #tpu.memory_space<vmem>>
      %dma_wait3A_532 = tpu.memref_squeeze %dma_wait3A_531 : memref<1x1x128xi32, #tpu.memory_space<vmem>> -> memref<128xi32, #tpu.memory_space<vmem>>
      %dma_wait3A_533 = arith.constant 0 : i32
      %dma_wait3A_534 = arith.constant 0 : i32
      %dma_wait3A_535 = tpu.memref_slice %arg3[%dma_wait3A_533, %dma_wait3A_534] : memref<100000x32xf32, #tpu.memory_space<hbm>> -> memref<100000x32xf32, #tpu.memory_space<hbm>>
      tpu.wait_indirect_dma semaphore(%arg17 : memref<!tpu.dma_semaphore, #tpu.memory_space<semaphore_mem>>) src(%dma_wait3A_535 : memref<100000x32xf32, #tpu.memory_space<hbm>>) dst(%arg10 : memref<128x32xf32, #tpu.memory_space<vmem>>)
      %add3A_536 = arith.constant 1 : i32
      %add3A_537 = arith.addi %scan3A_278, %add3A_536 : i32
      %lt3A_538 = arith.constant 100 : i32
      %lt3A_539 = arith.cmpi slt, %add3A_537, %lt3A_538 : i32
      %convert_element_type3A_540 = arith.extui %lt3A_539 : i1 to i32
      %cond3A_541 = arith.constant 0 : i32
      %cond3A_542 = arith.cmpi ne, %convert_element_type3A_540, %cond3A_541 : i32
      scf.if %cond3A_542 {
        %dma_start3A_610 = arith.constant 2 : i32
        %dma_start3A_611 = arith.constant 0 : i32
        %dma_start3A_612 = tpu.memref_slice %arg6[%add3A_537, %dma_start3A_610, %dma_start3A_611] : memref<100x4x128xi32, #tpu.memory_space<vmem>> -> memref<1x1x128xi32, #tpu.memory_space<vmem>>
        %dma_start3A_613 = tpu.memref_squeeze %dma_start3A_612 : memref<1x1x128xi32, #tpu.memory_space<vmem>> -> memref<128xi32, #tpu.memory_space<vmem>>
        %dma_start3A_614 = arith.constant 0 : i32
        %dma_start3A_615 = arith.constant 0 : i32
        %dma_start3A_616 = tpu.memref_slice %arg3[%dma_start3A_614, %dma_start3A_615] : memref<100000x32xf32, #tpu.memory_space<hbm>> -> memref<100000x32xf32, #tpu.memory_space<hbm>>
        tpu.enqueue_indirect_dma source(%dma_start3A_616 : memref<100000x32xf32, #tpu.memory_space<hbm>>) target(%arg9 : memref<128x32xf32, #tpu.memory_space<vmem>>) offsets(%dma_start3A_613 : memref<128xi32, #tpu.memory_space<vmem>>) semaphore(%arg16 : memref<!tpu.dma_semaphore, #tpu.memory_space<semaphore_mem>>)
      } else {
      }
      %mul3A_543 = arith.constant 4 : i32
      %mul3A_544 = arith.muli %scan3A_278, %mul3A_543 : i32
      %add3A_545 = arith.constant 3 : i32
      %add3A_546 = arith.addi %mul3A_544, %add3A_545 : i32
      %ge3A_547 = arith.constant 2 : i32
      %ge3A_548 = arith.cmpi sge, %add3A_546, %ge3A_547 : i32
      %convert_element_type3A_549 = arith.extui %ge3A_548 : i1 to i32
      %cond3A_550 = arith.constant 0 : i32
      %cond3A_551 = arith.cmpi ne, %convert_element_type3A_549, %cond3A_550 : i32
      scf.if %cond3A_551 {
        %dma_wait3A_610 = arith.constant 0 : i32
        %dma_wait3A_611 = arith.constant 0 : i32
        %dma_wait3A_612 = arith.constant 0 : i32
        %dma_wait3A_613 = tpu.memref_slice %arg12[%dma_wait3A_612] : memref<4096xf32, #tpu.memory_space<vmem>> -> memref<1024xf32, #tpu.memory_space<vmem>>
        %dma_wait3A_614 = arith.constant 0 : i32
        %dma_wait3A_615 = tpu.memref_slice %arg5[%dma_wait3A_610, %dma_wait3A_611, %dma_wait3A_614] : memref<200x4x131072xf32, #tpu.memory_space<hbm>> -> memref<1x1x1024xf32, #tpu.memory_space<hbm>>
        %dma_wait3A_616 = tpu.memref_squeeze %dma_wait3A_615 : memref<1x1x1024xf32, #tpu.memory_space<hbm>> -> memref<1024xf32, #tpu.memory_space<hbm>>
        %dma_wait3A_617 = arith.constant 0 : i32
        %dma_wait3A_618 = tpu.memref_slice %arg5[%dma_wait3A_610, %dma_wait3A_611, %dma_wait3A_617] : memref<200x4x131072xf32, #tpu.memory_space<hbm>> -> memref<1x1x1024xf32, #tpu.memory_space<hbm>>
        %dma_wait3A_619 = tpu.memref_squeeze %dma_wait3A_618 : memref<1x1x1024xf32, #tpu.memory_space<hbm>> -> memref<1024xf32, #tpu.memory_space<hbm>>
        %dma_wait3A_620 = arith.constant 0 : i32
        %dma_wait3A_621 = tpu.memref_slice %arg12[%dma_wait3A_620] : memref<4096xf32, #tpu.memory_space<vmem>> -> memref<1024xf32, #tpu.memory_space<vmem>>
        tpu.wait_dma2 semaphore(%arg19 : memref<!tpu.dma_semaphore, #tpu.memory_space<semaphore_mem>>) src(%dma_wait3A_621 : memref<1024xf32, #tpu.memory_space<vmem>>) dst(%dma_wait3A_619 : memref<1024xf32, #tpu.memory_space<hbm>>)
        %dma_wait3A_622 = arith.constant 0 : i32
        %dma_wait3A_623 = arith.constant 1 : i32
        %dma_wait3A_624 = arith.constant 1024 : i32
        %dma_wait3A_625 = tpu.memref_slice %arg12[%dma_wait3A_624] : memref<4096xf32, #tpu.memory_space<vmem>> -> memref<1024xf32, #tpu.memory_space<vmem>>
        %dma_wait3A_626 = arith.constant 0 : i32
        %dma_wait3A_627 = tpu.memref_slice %arg5[%dma_wait3A_622, %dma_wait3A_623, %dma_wait3A_626] : memref<200x4x131072xf32, #tpu.memory_space<hbm>> -> memref<1x1x1024xf32, #tpu.memory_space<hbm>>
        %dma_wait3A_628 = tpu.memref_squeeze %dma_wait3A_627 : memref<1x1x1024xf32, #tpu.memory_space<hbm>> -> memref<1024xf32, #tpu.memory_space<hbm>>
        %dma_wait3A_629 = arith.constant 0 : i32
        %dma_wait3A_630 = tpu.memref_slice %arg5[%dma_wait3A_622, %dma_wait3A_623, %dma_wait3A_629] : memref<200x4x131072xf32, #tpu.memory_space<hbm>> -> memref<1x1x1024xf32, #tpu.memory_space<hbm>>
        %dma_wait3A_631 = tpu.memref_squeeze %dma_wait3A_630 : memref<1x1x1024xf32, #tpu.memory_space<hbm>> -> memref<1024xf32, #tpu.memory_space<hbm>>
        %dma_wait3A_632 = arith.constant 1024 : i32
        %dma_wait3A_633 = tpu.memref_slice %arg12[%dma_wait3A_632] : memref<4096xf32, #tpu.memory_space<vmem>> -> memref<1024xf32, #tpu.memory_space<vmem>>
        tpu.wait_dma2 semaphore(%arg19 : memref<!tpu.dma_semaphore, #tpu.memory_space<semaphore_mem>>) src(%dma_wait3A_633 : memref<1024xf32, #tpu.memory_space<vmem>>) dst(%dma_wait3A_631 : memref<1024xf32, #tpu.memory_space<hbm>>)
        %dma_wait3A_634 = arith.constant 0 : i32
        %dma_wait3A_635 = arith.constant 2 : i32
        %dma_wait3A_636 = arith.constant 2048 : i32
        %dma_wait3A_637 = tpu.memref_slice %arg12[%dma_wait3A_636] : memref<4096xf32, #tpu.memory_space<vmem>> -> memref<1024xf32, #tpu.memory_space<vmem>>
        %dma_wait3A_638 = arith.constant 0 : i32
        %dma_wait3A_639 = tpu.memref_slice %arg5[%dma_wait3A_634, %dma_wait3A_635, %dma_wait3A_638] : memref<200x4x131072xf32, #tpu.memory_space<hbm>> -> memref<1x1x1024xf32, #tpu.memory_space<hbm>>
        %dma_wait3A_640 = tpu.memref_squeeze %dma_wait3A_639 : memref<1x1x1024xf32, #tpu.memory_space<hbm>> -> memref<1024xf32, #tpu.memory_space<hbm>>
        %dma_wait3A_641 = arith.constant 0 : i32
        %dma_wait3A_642 = tpu.memref_slice %arg5[%dma_wait3A_634, %dma_wait3A_635, %dma_wait3A_641] : memref<200x4x131072xf32, #tpu.memory_space<hbm>> -> memref<1x1x1024xf32, #tpu.memory_space<hbm>>
        %dma_wait3A_643 = tpu.memref_squeeze %dma_wait3A_642 : memref<1x1x1024xf32, #tpu.memory_space<hbm>> -> memref<1024xf32, #tpu.memory_space<hbm>>
        %dma_wait3A_644 = arith.constant 2048 : i32
        %dma_wait3A_645 = tpu.memref_slice %arg12[%dma_wait3A_644] : memref<4096xf32, #tpu.memory_space<vmem>> -> memref<1024xf32, #tpu.memory_space<vmem>>
        tpu.wait_dma2 semaphore(%arg19 : memref<!tpu.dma_semaphore, #tpu.memory_space<semaphore_mem>>) src(%dma_wait3A_645 : memref<1024xf32, #tpu.memory_space<vmem>>) dst(%dma_wait3A_643 : memref<1024xf32, #tpu.memory_space<hbm>>)
        %dma_wait3A_646 = arith.constant 0 : i32
        %dma_wait3A_647 = arith.constant 3 : i32
        %dma_wait3A_648 = arith.constant 3072 : i32
        %dma_wait3A_649 = tpu.memref_slice %arg12[%dma_wait3A_648] : memref<4096xf32, #tpu.memory_space<vmem>> -> memref<1024xf32, #tpu.memory_space<vmem>>
        %dma_wait3A_650 = arith.constant 0 : i32
        %dma_wait3A_651 = tpu.memref_slice %arg5[%dma_wait3A_646, %dma_wait3A_647, %dma_wait3A_650] : memref<200x4x131072xf32, #tpu.memory_space<hbm>> -> memref<1x1x1024xf32, #tpu.memory_space<hbm>>
        %dma_wait3A_652 = tpu.memref_squeeze %dma_wait3A_651 : memref<1x1x1024xf32, #tpu.memory_space<hbm>> -> memref<1024xf32, #tpu.memory_space<hbm>>
        %dma_wait3A_653 = arith.constant 0 : i32
        %dma_wait3A_654 = tpu.memref_slice %arg5[%dma_wait3A_646, %dma_wait3A_647, %dma_wait3A_653] : memref<200x4x131072xf32, #tpu.memory_space<hbm>> -> memref<1x1x1024xf32, #tpu.memory_space<hbm>>
        %dma_wait3A_655 = tpu.memref_squeeze %dma_wait3A_654 : memref<1x1x1024xf32, #tpu.memory_space<hbm>> -> memref<1024xf32, #tpu.memory_space<hbm>>
        %dma_wait3A_656 = arith.constant 3072 : i32
        %dma_wait3A_657 = tpu.memref_slice %arg12[%dma_wait3A_656] : memref<4096xf32, #tpu.memory_space<vmem>> -> memref<1024xf32, #tpu.memory_space<vmem>>
        tpu.wait_dma2 semaphore(%arg19 : memref<!tpu.dma_semaphore, #tpu.memory_space<semaphore_mem>>) src(%dma_wait3A_657 : memref<1024xf32, #tpu.memory_space<vmem>>) dst(%dma_wait3A_655 : memref<1024xf32, #tpu.memory_space<hbm>>)
      } else {
      }
      %get3A_552 = arith.index_cast %add3A_527 : i32 to index
      %get3A_553 = arith.constant 0 : index
      %get3A_554 = tpu.vector_load %arg13[%get3A_552, %get3A_553] {strides = array<i32>} : memref<200x32xf32, #tpu.memory_space<vmem>>, vector<16xf32>,
      %get3A_555 = arith.index_cast %add3A_527 : i32 to index
      %get3A_556 = arith.constant 16 : index
      %get3A_557 = tpu.vector_load %arg13[%get3A_555, %get3A_556] {strides = array<i32>} : memref<200x32xf32, #tpu.memory_space<vmem>>, vector<16xf32>,
      %scan3A_558 = arith.constant 0 : i32
      %scan3A_559 = arith.constant 0 : i32
      %scan3A_560 = arith.constant 128 : i32
      %scan3A_561 = arith.addi %scan3A_559, %scan3A_560 : i32
      %scan3A_562 = arith.constant 8 : i32
      scf.for %scan3A_610 = %scan3A_559 to %scan3A_561 step %scan3A_562  : i32 {
        %get3A_611 = arith.index_cast %scan3A_610 : i32 to index
        %get3A_612 = arith.constant 0 : index
        %get3A_613 = tpu.vector_load %arg10[%get3A_611, %get3A_612] {strides = array<i32>} : memref<128x32xf32, #tpu.memory_space<vmem>>, vector<16xf32>,
        %add3A_614 = arith.addf %get3A_613, %get3A_554 : vector<16xf32>
        %add3A_615 = vector.broadcast %scan3A_610 : i32 to vector<16xi32>
        %add3A_616 = arith.addi %add3A_12, %add3A_615 : vector<16xi32>
        tpu.vector_store_idx %arg12[%add3A_616], %add3A_614 : memref<4096xf32, #tpu.memory_space<vmem>>[vector<16xi32>], vector<16xf32>,
        %get3A_617 = arith.index_cast %scan3A_610 : i32 to index
        %get3A_618 = arith.constant 16 : index
        %get3A_619 = tpu.vector_load %arg10[%get3A_617, %get3A_618] {strides = array<i32>} : memref<128x32xf32, #tpu.memory_space<vmem>>, vector<16xf32>,
        %add3A_620 = arith.addf %get3A_619, %get3A_557 : vector<16xf32>
        %add3A_621 = vector.broadcast %scan3A_610 : i32 to vector<16xi32>
        %add3A_622 = arith.addi %add3A_28, %add3A_621 : vector<16xi32>
        tpu.vector_store_idx %arg12[%add3A_622], %add3A_620 : memref<4096xf32, #tpu.memory_space<vmem>>[vector<16xi32>], vector<16xf32>,
        %scan3A_623 = arith.constant 1 : i32
        %scan3A_624 = arith.addi %scan3A_610, %scan3A_623 : i32
        %get3A_625 = arith.index_cast %scan3A_624 : i32 to index
        %get3A_626 = arith.constant 0 : index
        %get3A_627 = tpu.vector_load %arg10[%get3A_625, %get3A_626] {strides = array<i32>} : memref<128x32xf32, #tpu.memory_space<vmem>>, vector<16xf32>,
        %add3A_628 = arith.addf %get3A_627, %get3A_554 : vector<16xf32>
        %add3A_629 = vector.broadcast %scan3A_624 : i32 to vector<16xi32>
        %add3A_630 = arith.addi %add3A_12, %add3A_629 : vector<16xi32>
        tpu.vector_store_idx %arg12[%add3A_630], %add3A_628 : memref<4096xf32, #tpu.memory_space<vmem>>[vector<16xi32>], vector<16xf32>,
        %get3A_631 = arith.index_cast %scan3A_624 : i32 to index
        %get3A_632 = arith.constant 16 : index
        %get3A_633 = tpu.vector_load %arg10[%get3A_631, %get3A_632] {strides = array<i32>} : memref<128x32xf32, #tpu.memory_space<vmem>>, vector<16xf32>,
        %add3A_634 = arith.addf %get3A_633, %get3A_557 : vector<16xf32>
        %add3A_635 = vector.broadcast %scan3A_624 : i32 to vector<16xi32>
        %add3A_636 = arith.addi %add3A_28, %add3A_635 : vector<16xi32>
        tpu.vector_store_idx %arg12[%add3A_636], %add3A_634 : memref<4096xf32, #tpu.memory_space<vmem>>[vector<16xi32>], vector<16xf32>,
        %scan3A_637 = arith.constant 2 : i32
        %scan3A_638 = arith.addi %scan3A_610, %scan3A_637 : i32
        %get3A_639 = arith.index_cast %scan3A_638 : i32 to index
        %get3A_640 = arith.constant 0 : index
        %get3A_641 = tpu.vector_load %arg10[%get3A_639, %get3A_640] {strides = array<i32>} : memref<128x32xf32, #tpu.memory_space<vmem>>, vector<16xf32>,
        %add3A_642 = arith.addf %get3A_641, %get3A_554 : vector<16xf32>
        %add3A_643 = vector.broadcast %scan3A_638 : i32 to vector<16xi32>
        %add3A_644 = arith.addi %add3A_12, %add3A_643 : vector<16xi32>
        tpu.vector_store_idx %arg12[%add3A_644], %add3A_642 : memref<4096xf32, #tpu.memory_space<vmem>>[vector<16xi32>], vector<16xf32>,
        %get3A_645 = arith.index_cast %scan3A_638 : i32 to index
        %get3A_646 = arith.constant 16 : index
        %get3A_647 = tpu.vector_load %arg10[%get3A_645, %get3A_646] {strides = array<i32>} : memref<128x32xf32, #tpu.memory_space<vmem>>, vector<16xf32>,
        %add3A_648 = arith.addf %get3A_647, %get3A_557 : vector<16xf32>
        %add3A_649 = vector.broadcast %scan3A_638 : i32 to vector<16xi32>
        %add3A_650 = arith.addi %add3A_28, %add3A_649 : vector<16xi32>
        tpu.vector_store_idx %arg12[%add3A_650], %add3A_648 : memref<4096xf32, #tpu.memory_space<vmem>>[vector<16xi32>], vector<16xf32>,
        %scan3A_651 = arith.constant 3 : i32
        %scan3A_652 = arith.addi %scan3A_610, %scan3A_651 : i32
        %get3A_653 = arith.index_cast %scan3A_652 : i32 to index
        %get3A_654 = arith.constant 0 : index
        %get3A_655 = tpu.vector_load %arg10[%get3A_653, %get3A_654] {strides = array<i32>} : memref<128x32xf32, #tpu.memory_space<vmem>>, vector<16xf32>,
        %add3A_656 = arith.addf %get3A_655, %get3A_554 : vector<16xf32>
        %add3A_657 = vector.broadcast %scan3A_652 : i32 to vector<16xi32>
        %add3A_658 = arith.addi %add3A_12, %add3A_657 : vector<16xi32>
        tpu.vector_store_idx %arg12[%add3A_658], %add3A_656 : memref<4096xf32, #tpu.memory_space<vmem>>[vector<16xi32>], vector<16xf32>,
        %get3A_659 = arith.index_cast %scan3A_652 : i32 to index
        %get3A_660 = arith.constant 16 : index
        %get3A_661 = tpu.vector_load %arg10[%get3A_659, %get3A_660] {strides = array<i32>} : memref<128x32xf32, #tpu.memory_space<vmem>>, vector<16xf32>,
        %add3A_662 = arith.addf %get3A_661, %get3A_557 : vector<16xf32>
        %add3A_663 = vector.broadcast %scan3A_652 : i32 to vector<16xi32>
        %add3A_664 = arith.addi %add3A_28, %add3A_663 : vector<16xi32>
        tpu.vector_store_idx %arg12[%add3A_664], %add3A_662 : memref<4096xf32, #tpu.memory_space<vmem>>[vector<16xi32>], vector<16xf32>,
        %scan3A_665 = arith.constant 4 : i32
        %scan3A_666 = arith.addi %scan3A_610, %scan3A_665 : i32
        %get3A_667 = arith.index_cast %scan3A_666 : i32 to index
        %get3A_668 = arith.constant 0 : index
        %get3A_669 = tpu.vector_load %arg10[%get3A_667, %get3A_668] {strides = array<i32>} : memref<128x32xf32, #tpu.memory_space<vmem>>, vector<16xf32>,
        %add3A_670 = arith.addf %get3A_669, %get3A_554 : vector<16xf32>
        %add3A_671 = vector.broadcast %scan3A_666 : i32 to vector<16xi32>
        %add3A_672 = arith.addi %add3A_12, %add3A_671 : vector<16xi32>
        tpu.vector_store_idx %arg12[%add3A_672], %add3A_670 : memref<4096xf32, #tpu.memory_space<vmem>>[vector<16xi32>], vector<16xf32>,
        %get3A_673 = arith.index_cast %scan3A_666 : i32 to index
        %get3A_674 = arith.constant 16 : index
        %get3A_675 = tpu.vector_load %arg10[%get3A_673, %get3A_674] {strides = array<i32>} : memref<128x32xf32, #tpu.memory_space<vmem>>, vector<16xf32>,
        %add3A_676 = arith.addf %get3A_675, %get3A_557 : vector<16xf32>
        %add3A_677 = vector.broadcast %scan3A_666 : i32 to vector<16xi32>
        %add3A_678 = arith.addi %add3A_28, %add3A_677 : vector<16xi32>
        tpu.vector_store_idx %arg12[%add3A_678], %add3A_676 : memref<4096xf32, #tpu.memory_space<vmem>>[vector<16xi32>], vector<16xf32>,
        %scan3A_679 = arith.constant 5 : i32
        %scan3A_680 = arith.addi %scan3A_610, %scan3A_679 : i32
        %get3A_681 = arith.index_cast %scan3A_680 : i32 to index
        %get3A_682 = arith.constant 0 : index
        %get3A_683 = tpu.vector_load %arg10[%get3A_681, %get3A_682] {strides = array<i32>} : memref<128x32xf32, #tpu.memory_space<vmem>>, vector<16xf32>,
        %add3A_684 = arith.addf %get3A_683, %get3A_554 : vector<16xf32>
        %add3A_685 = vector.broadcast %scan3A_680 : i32 to vector<16xi32>
        %add3A_686 = arith.addi %add3A_12, %add3A_685 : vector<16xi32>
        tpu.vector_store_idx %arg12[%add3A_686], %add3A_684 : memref<4096xf32, #tpu.memory_space<vmem>>[vector<16xi32>], vector<16xf32>,
        %get3A_687 = arith.index_cast %scan3A_680 : i32 to index
        %get3A_688 = arith.constant 16 : index
        %get3A_689 = tpu.vector_load %arg10[%get3A_687, %get3A_688] {strides = array<i32>} : memref<128x32xf32, #tpu.memory_space<vmem>>, vector<16xf32>,
        %add3A_690 = arith.addf %get3A_689, %get3A_557 : vector<16xf32>
        %add3A_691 = vector.broadcast %scan3A_680 : i32 to vector<16xi32>
        %add3A_692 = arith.addi %add3A_28, %add3A_691 : vector<16xi32>
        tpu.vector_store_idx %arg12[%add3A_692], %add3A_690 : memref<4096xf32, #tpu.memory_space<vmem>>[vector<16xi32>], vector<16xf32>,
        %scan3A_693 = arith.constant 6 : i32
        %scan3A_694 = arith.addi %scan3A_610, %scan3A_693 : i32
        %get3A_695 = arith.index_cast %scan3A_694 : i32 to index
        %get3A_696 = arith.constant 0 : index
        %get3A_697 = tpu.vector_load %arg10[%get3A_695, %get3A_696] {strides = array<i32>} : memref<128x32xf32, #tpu.memory_space<vmem>>, vector<16xf32>,
        %add3A_698 = arith.addf %get3A_697, %get3A_554 : vector<16xf32>
        %add3A_699 = vector.broadcast %scan3A_694 : i32 to vector<16xi32>
        %add3A_700 = arith.addi %add3A_12, %add3A_699 : vector<16xi32>
        tpu.vector_store_idx %arg12[%add3A_700], %add3A_698 : memref<4096xf32, #tpu.memory_space<vmem>>[vector<16xi32>], vector<16xf32>,
        %get3A_701 = arith.index_cast %scan3A_694 : i32 to index
        %get3A_702 = arith.constant 16 : index
        %get3A_703 = tpu.vector_load %arg10[%get3A_701, %get3A_702] {strides = array<i32>} : memref<128x32xf32, #tpu.memory_space<vmem>>, vector<16xf32>,
        %add3A_704 = arith.addf %get3A_703, %get3A_557 : vector<16xf32>
        %add3A_705 = vector.broadcast %scan3A_694 : i32 to vector<16xi32>
        %add3A_706 = arith.addi %add3A_28, %add3A_705 : vector<16xi32>
        tpu.vector_store_idx %arg12[%add3A_706], %add3A_704 : memref<4096xf32, #tpu.memory_space<vmem>>[vector<16xi32>], vector<16xf32>,
        %scan3A_707 = arith.constant 7 : i32
        %scan3A_708 = arith.addi %scan3A_610, %scan3A_707 : i32
        %get3A_709 = arith.index_cast %scan3A_708 : i32 to index
        %get3A_710 = arith.constant 0 : index
        %get3A_711 = tpu.vector_load %arg10[%get3A_709, %get3A_710] {strides = array<i32>} : memref<128x32xf32, #tpu.memory_space<vmem>>, vector<16xf32>,
        %add3A_712 = arith.addf %get3A_711, %get3A_554 : vector<16xf32>
        %add3A_713 = vector.broadcast %scan3A_708 : i32 to vector<16xi32>
        %add3A_714 = arith.addi %add3A_12, %add3A_713 : vector<16xi32>
        tpu.vector_store_idx %arg12[%add3A_714], %add3A_712 : memref<4096xf32, #tpu.memory_space<vmem>>[vector<16xi32>], vector<16xf32>,
        %get3A_715 = arith.index_cast %scan3A_708 : i32 to index
        %get3A_716 = arith.constant 16 : index
        %get3A_717 = tpu.vector_load %arg10[%get3A_715, %get3A_716] {strides = array<i32>} : memref<128x32xf32, #tpu.memory_space<vmem>>, vector<16xf32>,
        %add3A_718 = arith.addf %get3A_717, %get3A_557 : vector<16xf32>
        %add3A_719 = vector.broadcast %scan3A_708 : i32 to vector<16xi32>
        %add3A_720 = arith.addi %add3A_28, %add3A_719 : vector<16xi32>
        tpu.vector_store_idx %arg12[%add3A_720], %add3A_718 : memref<4096xf32, #tpu.memory_space<vmem>>[vector<16xi32>], vector<16xf32>,
      }
      %scan3A_563 = arith.constant 128 : i32
      %add3A_564 = arith.constant 3 : i32
      %add3A_565 = arith.addi %mul3A_2, %add3A_564 : i32
      %mul3A_566 = arith.constant 1024 : i32
      %mul3A_567 = arith.muli %add3A_565, %mul3A_566 : i32
      %dma_start3A_568 = arith.constant 0 : i32
      %dma_start3A_569 = arith.constant 0 : i32
      %dma_start3A_570 = tpu.memref_slice %arg12[%dma_start3A_569] : memref<4096xf32, #tpu.memory_space<vmem>> -> memref<1024xf32, #tpu.memory_space<vmem>>
      %dma_start3A_571 = tpu.memref_slice %arg5[%add3A_527, %dma_start3A_568, %mul3A_567] : memref<200x4x131072xf32, #tpu.memory_space<hbm>> -> memref<1x1x1024xf32, #tpu.memory_space<hbm>>
      %dma_start3A_572 = tpu.memref_squeeze %dma_start3A_571 : memref<1x1x1024xf32, #tpu.memory_space<hbm>> -> memref<1024xf32, #tpu.memory_space<hbm>>
      %dma_start3A_573 = tpu.memref_slice %arg5[%add3A_527, %dma_start3A_568, %mul3A_567] : memref<200x4x131072xf32, #tpu.memory_space<hbm>> -> memref<1x1x1024xf32, #tpu.memory_space<hbm>>
      %dma_start3A_574 = tpu.memref_squeeze %dma_start3A_573 : memref<1x1x1024xf32, #tpu.memory_space<hbm>> -> memref<1024xf32, #tpu.memory_space<hbm>>
      %dma_start3A_575 = arith.constant 0 : i32
      %dma_start3A_576 = tpu.memref_slice %arg12[%dma_start3A_575] : memref<4096xf32, #tpu.memory_space<vmem>> -> memref<1024xf32, #tpu.memory_space<vmem>>
      tpu.enqueue_dma source(%dma_start3A_576 : memref<1024xf32, #tpu.memory_space<vmem>>) target(%dma_start3A_574 : memref<1024xf32, #tpu.memory_space<hbm>>) target_semaphore(%arg19 : memref<!tpu.dma_semaphore, #tpu.memory_space<semaphore_mem>>)
      %mul3A_577 = arith.constant 1024 : i32
      %mul3A_578 = arith.muli %add3A_565, %mul3A_577 : i32
      %dma_start3A_579 = arith.constant 1 : i32
      %dma_start3A_580 = arith.constant 1024 : i32
      %dma_start3A_581 = tpu.memref_slice %arg12[%dma_start3A_580] : memref<4096xf32, #tpu.memory_space<vmem>> -> memref<1024xf32, #tpu.memory_space<vmem>>
      %dma_start3A_582 = tpu.memref_slice %arg5[%add3A_527, %dma_start3A_579, %mul3A_578] : memref<200x4x131072xf32, #tpu.memory_space<hbm>> -> memref<1x1x1024xf32, #tpu.memory_space<hbm>>
      %dma_start3A_583 = tpu.memref_squeeze %dma_start3A_582 : memref<1x1x1024xf32, #tpu.memory_space<hbm>> -> memref<1024xf32, #tpu.memory_space<hbm>>
      %dma_start3A_584 = tpu.memref_slice %arg5[%add3A_527, %dma_start3A_579, %mul3A_578] : memref<200x4x131072xf32, #tpu.memory_space<hbm>> -> memref<1x1x1024xf32, #tpu.memory_space<hbm>>
      %dma_start3A_585 = tpu.memref_squeeze %dma_start3A_584 : memref<1x1x1024xf32, #tpu.memory_space<hbm>> -> memref<1024xf32, #tpu.memory_space<hbm>>
      %dma_start3A_586 = arith.constant 1024 : i32
      %dma_start3A_587 = tpu.memref_slice %arg12[%dma_start3A_586] : memref<4096xf32, #tpu.memory_space<vmem>> -> memref<1024xf32, #tpu.memory_space<vmem>>
      tpu.enqueue_dma source(%dma_start3A_587 : memref<1024xf32, #tpu.memory_space<vmem>>) target(%dma_start3A_585 : memref<1024xf32, #tpu.memory_space<hbm>>) target_semaphore(%arg19 : memref<!tpu.dma_semaphore, #tpu.memory_space<semaphore_mem>>)
      %mul3A_588 = arith.constant 1024 : i32
      %mul3A_589 = arith.muli %add3A_565, %mul3A_588 : i32
      %dma_start3A_590 = arith.constant 2 : i32
      %dma_start3A_591 = arith.constant 2048 : i32
      %dma_start3A_592 = tpu.memref_slice %arg12[%dma_start3A_591] : memref<4096xf32, #tpu.memory_space<vmem>> -> memref<1024xf32, #tpu.memory_space<vmem>>
      %dma_start3A_593 = tpu.memref_slice %arg5[%add3A_527, %dma_start3A_590, %mul3A_589] : memref<200x4x131072xf32, #tpu.memory_space<hbm>> -> memref<1x1x1024xf32, #tpu.memory_space<hbm>>
      %dma_start3A_594 = tpu.memref_squeeze %dma_start3A_593 : memref<1x1x1024xf32, #tpu.memory_space<hbm>> -> memref<1024xf32, #tpu.memory_space<hbm>>
      %dma_start3A_595 = tpu.memref_slice %arg5[%add3A_527, %dma_start3A_590, %mul3A_589] : memref<200x4x131072xf32, #tpu.memory_space<hbm>> -> memref<1x1x1024xf32, #tpu.memory_space<hbm>>
      %dma_start3A_596 = tpu.memref_squeeze %dma_start3A_595 : memref<1x1x1024xf32, #tpu.memory_space<hbm>> -> memref<1024xf32, #tpu.memory_space<hbm>>
      %dma_start3A_597 = arith.constant 2048 : i32
      %dma_start3A_598 = tpu.memref_slice %arg12[%dma_start3A_597] : memref<4096xf32, #tpu.memory_space<vmem>> -> memref<1024xf32, #tpu.memory_space<vmem>>
      tpu.enqueue_dma source(%dma_start3A_598 : memref<1024xf32, #tpu.memory_space<vmem>>) target(%dma_start3A_596 : memref<1024xf32, #tpu.memory_space<hbm>>) target_semaphore(%arg19 : memref<!tpu.dma_semaphore, #tpu.memory_space<semaphore_mem>>)
      %mul3A_599 = arith.constant 1024 : i32
      %mul3A_600 = arith.muli %add3A_565, %mul3A_599 : i32
      %dma_start3A_601 = arith.constant 3 : i32
      %dma_start3A_602 = arith.constant 3072 : i32
      %dma_start3A_603 = tpu.memref_slice %arg12[%dma_start3A_602] : memref<4096xf32, #tpu.memory_space<vmem>> -> memref<1024xf32, #tpu.memory_space<vmem>>
      %dma_start3A_604 = tpu.memref_slice %arg5[%add3A_527, %dma_start3A_601, %mul3A_600] : memref<200x4x131072xf32, #tpu.memory_space<hbm>> -> memref<1x1x1024xf32, #tpu.memory_space<hbm>>
      %dma_start3A_605 = tpu.memref_squeeze %dma_start3A_604 : memref<1x1x1024xf32, #tpu.memory_space<hbm>> -> memref<1024xf32, #tpu.memory_space<hbm>>
      %dma_start3A_606 = tpu.memref_slice %arg5[%add3A_527, %dma_start3A_601, %mul3A_600] : memref<200x4x131072xf32, #tpu.memory_space<hbm>> -> memref<1x1x1024xf32, #tpu.memory_space<hbm>>
      %dma_start3A_607 = tpu.memref_squeeze %dma_start3A_606 : memref<1x1x1024xf32, #tpu.memory_space<hbm>> -> memref<1024xf32, #tpu.memory_space<hbm>>
      %dma_start3A_608 = arith.constant 3072 : i32
      %dma_start3A_609 = tpu.memref_slice %arg12[%dma_start3A_608] : memref<4096xf32, #tpu.memory_space<vmem>> -> memref<1024xf32, #tpu.memory_space<vmem>>
      tpu.enqueue_dma source(%dma_start3A_609 : memref<1024xf32, #tpu.memory_space<vmem>>) target(%dma_start3A_607 : memref<1024xf32, #tpu.memory_space<hbm>>) target_semaphore(%arg19 : memref<!tpu.dma_semaphore, #tpu.memory_space<semaphore_mem>>)
    }
    %scan3A_56 = arith.constant 100 : i32
    %dma_wait3A = arith.constant 0 : i32
    %dma_wait3A_57 = arith.constant 0 : i32
    %dma_wait3A_58 = arith.constant 0 : i32
    %dma_wait3A_59 = tpu.memref_slice %arg11[%dma_wait3A_58] : memref<4096xf32, #tpu.memory_space<vmem>> -> memref<1024xf32, #tpu.memory_space<vmem>>
    %dma_wait3A_60 = arith.constant 0 : i32
    %dma_wait3A_61 = tpu.memref_slice %arg5[%dma_wait3A, %dma_wait3A_57, %dma_wait3A_60] : memref<200x4x131072xf32, #tpu.memory_space<hbm>> -> memref<1x1x1024xf32, #tpu.memory_space<hbm>>
    %dma_wait3A_62 = tpu.memref_squeeze %dma_wait3A_61 : memref<1x1x1024xf32, #tpu.memory_space<hbm>> -> memref<1024xf32, #tpu.memory_space<hbm>>
    %dma_wait3A_63 = arith.constant 0 : i32
    %dma_wait3A_64 = tpu.memref_slice %arg5[%dma_wait3A, %dma_wait3A_57, %dma_wait3A_63] : memref<200x4x131072xf32, #tpu.memory_space<hbm>> -> memref<1x1x1024xf32, #tpu.memory_space<hbm>>
    %dma_wait3A_65 = tpu.memref_squeeze %dma_wait3A_64 : memref<1x1x1024xf32, #tpu.memory_space<hbm>> -> memref<1024xf32, #tpu.memory_space<hbm>>
    %dma_wait3A_66 = arith.constant 0 : i32
    %dma_wait3A_67 = tpu.memref_slice %arg11[%dma_wait3A_66] : memref<4096xf32, #tpu.memory_space<vmem>> -> memref<1024xf32, #tpu.memory_space<vmem>>
    tpu.wait_dma2 semaphore(%arg18 : memref<!tpu.dma_semaphore, #tpu.memory_space<semaphore_mem>>) src(%dma_wait3A_67 : memref<1024xf32, #tpu.memory_space<vmem>>) dst(%dma_wait3A_65 : memref<1024xf32, #tpu.memory_space<hbm>>)
    %dma_wait3A_68 = arith.constant 0 : i32
    %dma_wait3A_69 = arith.constant 1 : i32
    %dma_wait3A_70 = arith.constant 1024 : i32
    %dma_wait3A_71 = tpu.memref_slice %arg11[%dma_wait3A_70] : memref<4096xf32, #tpu.memory_space<vmem>> -> memref<1024xf32, #tpu.memory_space<vmem>>
    %dma_wait3A_72 = arith.constant 0 : i32
    %dma_wait3A_73 = tpu.memref_slice %arg5[%dma_wait3A_68, %dma_wait3A_69, %dma_wait3A_72] : memref<200x4x131072xf32, #tpu.memory_space<hbm>> -> memref<1x1x1024xf32, #tpu.memory_space<hbm>>
    %dma_wait3A_74 = tpu.memref_squeeze %dma_wait3A_73 : memref<1x1x1024xf32, #tpu.memory_space<hbm>> -> memref<1024xf32, #tpu.memory_space<hbm>>
    %dma_wait3A_75 = arith.constant 0 : i32
    %dma_wait3A_76 = tpu.memref_slice %arg5[%dma_wait3A_68, %dma_wait3A_69, %dma_wait3A_75] : memref<200x4x131072xf32, #tpu.memory_space<hbm>> -> memref<1x1x1024xf32, #tpu.memory_space<hbm>>
    %dma_wait3A_77 = tpu.memref_squeeze %dma_wait3A_76 : memref<1x1x1024xf32, #tpu.memory_space<hbm>> -> memref<1024xf32, #tpu.memory_space<hbm>>
    %dma_wait3A_78 = arith.constant 1024 : i32
    %dma_wait3A_79 = tpu.memref_slice %arg11[%dma_wait3A_78] : memref<4096xf32, #tpu.memory_space<vmem>> -> memref<1024xf32, #tpu.memory_space<vmem>>
    tpu.wait_dma2 semaphore(%arg18 : memref<!tpu.dma_semaphore, #tpu.memory_space<semaphore_mem>>) src(%dma_wait3A_79 : memref<1024xf32, #tpu.memory_space<vmem>>) dst(%dma_wait3A_77 : memref<1024xf32, #tpu.memory_space<hbm>>)
    %dma_wait3A_80 = arith.constant 0 : i32
    %dma_wait3A_81 = arith.constant 2 : i32
    %dma_wait3A_82 = arith.constant 2048 : i32
    %dma_wait3A_83 = tpu.memref_slice %arg11[%dma_wait3A_82] : memref<4096xf32, #tpu.memory_space<vmem>> -> memref<1024xf32, #tpu.memory_space<vmem>>
    %dma_wait3A_84 = arith.constant 0 : i32
    %dma_wait3A_85 = tpu.memref_slice %arg5[%dma_wait3A_80, %dma_wait3A_81, %dma_wait3A_84] : memref<200x4x131072xf32, #tpu.memory_space<hbm>> -> memref<1x1x1024xf32, #tpu.memory_space<hbm>>
    %dma_wait3A_86 = tpu.memref_squeeze %dma_wait3A_85 : memref<1x1x1024xf32, #tpu.memory_space<hbm>> -> memref<1024xf32, #tpu.memory_space<hbm>>
    %dma_wait3A_87 = arith.constant 0 : i32
    %dma_wait3A_88 = tpu.memref_slice %arg5[%dma_wait3A_80, %dma_wait3A_81, %dma_wait3A_87] : memref<200x4x131072xf32, #tpu.memory_space<hbm>> -> memref<1x1x1024xf32, #tpu.memory_space<hbm>>
    %dma_wait3A_89 = tpu.memref_squeeze %dma_wait3A_88 : memref<1x1x1024xf32, #tpu.memory_space<hbm>> -> memref<1024xf32, #tpu.memory_space<hbm>>
    %dma_wait3A_90 = arith.constant 2048 : i32
    %dma_wait3A_91 = tpu.memref_slice %arg11[%dma_wait3A_90] : memref<4096xf32, #tpu.memory_space<vmem>> -> memref<1024xf32, #tpu.memory_space<vmem>>
    tpu.wait_dma2 semaphore(%arg18 : memref<!tpu.dma_semaphore, #tpu.memory_space<semaphore_mem>>) src(%dma_wait3A_91 : memref<1024xf32, #tpu.memory_space<vmem>>) dst(%dma_wait3A_89 : memref<1024xf32, #tpu.memory_space<hbm>>)
    %dma_wait3A_92 = arith.constant 0 : i32
    %dma_wait3A_93 = arith.constant 3 : i32
    %dma_wait3A_94 = arith.constant 3072 : i32
    %dma_wait3A_95 = tpu.memref_slice %arg11[%dma_wait3A_94] : memref<4096xf32, #tpu.memory_space<vmem>> -> memref<1024xf32, #tpu.memory_space<vmem>>
    %dma_wait3A_96 = arith.constant 0 : i32
    %dma_wait3A_97 = tpu.memref_slice %arg5[%dma_wait3A_92, %dma_wait3A_93, %dma_wait3A_96] : memref<200x4x131072xf32, #tpu.memory_space<hbm>> -> memref<1x1x1024xf32, #tpu.memory_space<hbm>>
    %dma_wait3A_98 = tpu.memref_squeeze %dma_wait3A_97 : memref<1x1x1024xf32, #tpu.memory_space<hbm>> -> memref<1024xf32, #tpu.memory_space<hbm>>
    %dma_wait3A_99 = arith.constant 0 : i32
    %dma_wait3A_100 = tpu.memref_slice %arg5[%dma_wait3A_92, %dma_wait3A_93, %dma_wait3A_99] : memref<200x4x131072xf32, #tpu.memory_space<hbm>> -> memref<1x1x1024xf32, #tpu.memory_space<hbm>>
    %dma_wait3A_101 = tpu.memref_squeeze %dma_wait3A_100 : memref<1x1x1024xf32, #tpu.memory_space<hbm>> -> memref<1024xf32, #tpu.memory_space<hbm>>
    %dma_wait3A_102 = arith.constant 3072 : i32
    %dma_wait3A_103 = tpu.memref_slice %arg11[%dma_wait3A_102] : memref<4096xf32, #tpu.memory_space<vmem>> -> memref<1024xf32, #tpu.memory_space<vmem>>
    tpu.wait_dma2 semaphore(%arg18 : memref<!tpu.dma_semaphore, #tpu.memory_space<semaphore_mem>>) src(%dma_wait3A_103 : memref<1024xf32, #tpu.memory_space<vmem>>) dst(%dma_wait3A_101 : memref<1024xf32, #tpu.memory_space<hbm>>)
    %dma_wait3A_104 = arith.constant 0 : i32
    %dma_wait3A_105 = arith.constant 0 : i32
    %dma_wait3A_106 = arith.constant 0 : i32
    %dma_wait3A_107 = tpu.memref_slice %arg12[%dma_wait3A_106] : memref<4096xf32, #tpu.memory_space<vmem>> -> memref<1024xf32, #tpu.memory_space<vmem>>
    %dma_wait3A_108 = arith.constant 0 : i32
    %dma_wait3A_109 = tpu.memref_slice %arg5[%dma_wait3A_104, %dma_wait3A_105, %dma_wait3A_108] : memref<200x4x131072xf32, #tpu.memory_space<hbm>> -> memref<1x1x1024xf32, #tpu.memory_space<hbm>>
    %dma_wait3A_110 = tpu.memref_squeeze %dma_wait3A_109 : memref<1x1x1024xf32, #tpu.memory_space<hbm>> -> memref<1024xf32, #tpu.memory_space<hbm>>
    %dma_wait3A_111 = arith.constant 0 : i32
    %dma_wait3A_112 = tpu.memref_slice %arg5[%dma_wait3A_104, %dma_wait3A_105, %dma_wait3A_111] : memref<200x4x131072xf32, #tpu.memory_space<hbm>> -> memref<1x1x1024xf32, #tpu.memory_space<hbm>>
    %dma_wait3A_113 = tpu.memref_squeeze %dma_wait3A_112 : memref<1x1x1024xf32, #tpu.memory_space<hbm>> -> memref<1024xf32, #tpu.memory_space<hbm>>
    %dma_wait3A_114 = arith.constant 0 : i32
    %dma_wait3A_115 = tpu.memref_slice %arg12[%dma_wait3A_114] : memref<4096xf32, #tpu.memory_space<vmem>> -> memref<1024xf32, #tpu.memory_space<vmem>>
    tpu.wait_dma2 semaphore(%arg19 : memref<!tpu.dma_semaphore, #tpu.memory_space<semaphore_mem>>) src(%dma_wait3A_115 : memref<1024xf32, #tpu.memory_space<vmem>>) dst(%dma_wait3A_113 : memref<1024xf32, #tpu.memory_space<hbm>>)
    %dma_wait3A_116 = arith.constant 0 : i32
    %dma_wait3A_117 = arith.constant 1 : i32
    %dma_wait3A_118 = arith.constant 1024 : i32
    %dma_wait3A_119 = tpu.memref_slice %arg12[%dma_wait3A_118] : memref<4096xf32, #tpu.memory_space<vmem>> -> memref<1024xf32, #tpu.memory_space<vmem>>
    %dma_wait3A_120 = arith.constant 0 : i32
    %dma_wait3A_121 = tpu.memref_slice %arg5[%dma_wait3A_116, %dma_wait3A_117, %dma_wait3A_120] : memref<200x4x131072xf32, #tpu.memory_space<hbm>> -> memref<1x1x1024xf32, #tpu.memory_space<hbm>>
    %dma_wait3A_122 = tpu.memref_squeeze %dma_wait3A_121 : memref<1x1x1024xf32, #tpu.memory_space<hbm>> -> memref<1024xf32, #tpu.memory_space<hbm>>
    %dma_wait3A_123 = arith.constant 0 : i32
    %dma_wait3A_124 = tpu.memref_slice %arg5[%dma_wait3A_116, %dma_wait3A_117, %dma_wait3A_123] : memref<200x4x131072xf32, #tpu.memory_space<hbm>> -> memref<1x1x1024xf32, #tpu.memory_space<hbm>>
    %dma_wait3A_125 = tpu.memref_squeeze %dma_wait3A_124 : memref<1x1x1024xf32, #tpu.memory_space<hbm>> -> memref<1024xf32, #tpu.memory_space<hbm>>
    %dma_wait3A_126 = arith.constant 1024 : i32
    %dma_wait3A_127 = tpu.memref_slice %arg12[%dma_wait3A_126] : memref<4096xf32, #tpu.memory_space<vmem>> -> memref<1024xf32, #tpu.memory_space<vmem>>
    tpu.wait_dma2 semaphore(%arg19 : memref<!tpu.dma_semaphore, #tpu.memory_space<semaphore_mem>>) src(%dma_wait3A_127 : memref<1024xf32, #tpu.memory_space<vmem>>) dst(%dma_wait3A_125 : memref<1024xf32, #tpu.memory_space<hbm>>)
    %dma_wait3A_128 = arith.constant 0 : i32
    %dma_wait3A_129 = arith.constant 2 : i32
    %dma_wait3A_130 = arith.constant 2048 : i32
    %dma_wait3A_131 = tpu.memref_slice %arg12[%dma_wait3A_130] : memref<4096xf32, #tpu.memory_space<vmem>> -> memref<1024xf32, #tpu.memory_space<vmem>>
    %dma_wait3A_132 = arith.constant 0 : i32
    %dma_wait3A_133 = tpu.memref_slice %arg5[%dma_wait3A_128, %dma_wait3A_129, %dma_wait3A_132] : memref<200x4x131072xf32, #tpu.memory_space<hbm>> -> memref<1x1x1024xf32, #tpu.memory_space<hbm>>
    %dma_wait3A_134 = tpu.memref_squeeze %dma_wait3A_133 : memref<1x1x1024xf32, #tpu.memory_space<hbm>> -> memref<1024xf32, #tpu.memory_space<hbm>>
    %dma_wait3A_135 = arith.constant 0 : i32
    %dma_wait3A_136 = tpu.memref_slice %arg5[%dma_wait3A_128, %dma_wait3A_129, %dma_wait3A_135] : memref<200x4x131072xf32, #tpu.memory_space<hbm>> -> memref<1x1x1024xf32, #tpu.memory_space<hbm>>
    %dma_wait3A_137 = tpu.memref_squeeze %dma_wait3A_136 : memref<1x1x1024xf32, #tpu.memory_space<hbm>> -> memref<1024xf32, #tpu.memory_space<hbm>>
    %dma_wait3A_138 = arith.constant 2048 : i32
    %dma_wait3A_139 = tpu.memref_slice %arg12[%dma_wait3A_138] : memref<4096xf32, #tpu.memory_space<vmem>> -> memref<1024xf32, #tpu.memory_space<vmem>>
    tpu.wait_dma2 semaphore(%arg19 : memref<!tpu.dma_semaphore, #tpu.memory_space<semaphore_mem>>) src(%dma_wait3A_139 : memref<1024xf32, #tpu.memory_space<vmem>>) dst(%dma_wait3A_137 : memref<1024xf32, #tpu.memory_space<hbm>>)
    %dma_wait3A_140 = arith.constant 0 : i32
    %dma_wait3A_141 = arith.constant 3 : i32
    %dma_wait3A_142 = arith.constant 3072 : i32
    %dma_wait3A_143 = tpu.memref_slice %arg12[%dma_wait3A_142] : memref<4096xf32, #tpu.memory_space<vmem>> -> memref<1024xf32, #tpu.memory_space<vmem>>
    %dma_wait3A_144 = arith.constant 0 : i32
    %dma_wait3A_145 = tpu.memref_slice %arg5[%dma_wait3A_140, %dma_wait3A_141, %dma_wait3A_144] : memref<200x4x131072xf32, #tpu.memory_space<hbm>> -> memref<1x1x1024xf32, #tpu.memory_space<hbm>>
    %dma_wait3A_146 = tpu.memref_squeeze %dma_wait3A_145 : memref<1x1x1024xf32, #tpu.memory_space<hbm>> -> memref<1024xf32, #tpu.memory_space<hbm>>
    %dma_wait3A_147 = arith.constant 0 : i32
    %dma_wait3A_148 = tpu.memref_slice %arg5[%dma_wait3A_140, %dma_wait3A_141, %dma_wait3A_147] : memref<200x4x131072xf32, #tpu.memory_space<hbm>> -> memref<1x1x1024xf32, #tpu.memory_space<hbm>>
    %dma_wait3A_149 = tpu.memref_squeeze %dma_wait3A_148 : memref<1x1x1024xf32, #tpu.memory_space<hbm>> -> memref<1024xf32, #tpu.memory_space<hbm>>
    %dma_wait3A_150 = arith.constant 3072 : i32
    %dma_wait3A_151 = tpu.memref_slice %arg12[%dma_wait3A_150] : memref<4096xf32, #tpu.memory_space<vmem>> -> memref<1024xf32, #tpu.memory_space<vmem>>
    tpu.wait_dma2 semaphore(%arg19 : memref<!tpu.dma_semaphore, #tpu.memory_space<semaphore_mem>>) src(%dma_wait3A_151 : memref<1024xf32, #tpu.memory_space<vmem>>) dst(%dma_wait3A_149 : memref<1024xf32, #tpu.memory_space<hbm>>)
    "tpu.region"() ({
      %run_scoped3A = tpu.sem_alloc : memref<!tpu.dma_semaphore, #tpu.memory_space<semaphore_mem>>
      %dma_start3A_278 = arith.constant 100 : i32
      %dma_start3A_279 = arith.constant 0 : i32
      %dma_start3A_280 = tpu.memref_slice %arg2[%dma_start3A_278, %mul3A_2, %dma_start3A_279] : memref<200x128x128xi32, #tpu.memory_space<hbm>> -> memref<100x4x128xi32, #tpu.memory_space<hbm>>
      %dma_start3A_281 = arith.constant 100 : i32
      %dma_start3A_282 = arith.constant 0 : i32
      %dma_start3A_283 = tpu.memref_slice %arg2[%dma_start3A_281, %mul3A_2, %dma_start3A_282] : memref<200x128x128xi32, #tpu.memory_space<hbm>> -> memref<100x4x128xi32, #tpu.memory_space<hbm>>
      tpu.enqueue_dma source(%dma_start3A_283 : memref<100x4x128xi32, #tpu.memory_space<hbm>>) target(%arg6 : memref<100x4x128xi32, #tpu.memory_space<vmem>>) target_semaphore(%run_scoped3A : memref<!tpu.dma_semaphore, #tpu.memory_space<semaphore_mem>>)
      %dma_wait3A_284 = arith.constant 100 : i32
      %dma_wait3A_285 = arith.constant 0 : i32
      %dma_wait3A_286 = tpu.memref_slice %arg2[%dma_wait3A_284, %mul3A_2, %dma_wait3A_285] : memref<200x128x128xi32, #tpu.memory_space<hbm>> -> memref<100x4x128xi32, #tpu.memory_space<hbm>>
      %dma_wait3A_287 = arith.constant 100 : i32
      %dma_wait3A_288 = arith.constant 0 : i32
      %dma_wait3A_289 = tpu.memref_slice %arg2[%dma_wait3A_287, %mul3A_2, %dma_wait3A_288] : memref<200x128x128xi32, #tpu.memory_space<hbm>> -> memref<100x4x128xi32, #tpu.memory_space<hbm>>
      tpu.wait_dma2 semaphore(%run_scoped3A : memref<!tpu.dma_semaphore, #tpu.memory_space<semaphore_mem>>) src(%dma_wait3A_289 : memref<100x4x128xi32, #tpu.memory_space<hbm>>) dst(%arg6 : memref<100x4x128xi32, #tpu.memory_space<vmem>>)
      tpu.yield
    }) : () -> ()
    %dma_start3A_152 = arith.constant 0 : i32
    %dma_start3A_153 = arith.constant 0 : i32
    %dma_start3A_154 = arith.constant 0 : i32
    %dma_start3A_155 = tpu.memref_slice %arg6[%dma_start3A_152, %dma_start3A_153, %dma_start3A_154] : memref<100x4x128xi32, #tpu.memory_space<vmem>> -> memref<1x1x128xi32, #tpu.memory_space<vmem>>
    %dma_start3A_156 = tpu.memref_squeeze %dma_start3A_155 : memref<1x1x128xi32, #tpu.memory_space<vmem>> -> memref<128xi32, #tpu.memory_space<vmem>>
    %dma_start3A_157 = arith.constant 0 : i32
    %dma_start3A_158 = arith.constant 0 : i32
    %dma_start3A_159 = tpu.memref_slice %arg3[%dma_start3A_157, %dma_start3A_158] : memref<100000x32xf32, #tpu.memory_space<hbm>> -> memref<100000x32xf32, #tpu.memory_space<hbm>>
    tpu.enqueue_indirect_dma source(%dma_start3A_159 : memref<100000x32xf32, #tpu.memory_space<hbm>>) target(%arg7 : memref<128x32xf32, #tpu.memory_space<vmem>>) offsets(%dma_start3A_156 : memref<128xi32, #tpu.memory_space<vmem>>) semaphore(%arg14 : memref<!tpu.dma_semaphore, #tpu.memory_space<semaphore_mem>>)
    %dma_start3A_160 = arith.constant 0 : i32
    %dma_start3A_161 = arith.constant 1 : i32
    %dma_start3A_162 = arith.constant 0 : i32
    %dma_start3A_163 = tpu.memref_slice %arg6[%dma_start3A_160, %dma_start3A_161, %dma_start3A_162] : memref<100x4x128xi32, #tpu.memory_space<vmem>> -> memref<1x1x128xi32, #tpu.memory_space<vmem>>
    %dma_start3A_164 = tpu.memref_squeeze %dma_start3A_163 : memref<1x1x128xi32, #tpu.memory_space<vmem>> -> memref<128xi32, #tpu.memory_space<vmem>>
    %dma_start3A_165 = arith.constant 0 : i32
    %dma_start3A_166 = arith.constant 0 : i32
    %dma_start3A_167 = tpu.memref_slice %arg3[%dma_start3A_165, %dma_start3A_166] : memref<100000x32xf32, #tpu.memory_space<hbm>> -> memref<100000x32xf32, #tpu.memory_space<hbm>>
    tpu.enqueue_indirect_dma source(%dma_start3A_167 : memref<100000x32xf32, #tpu.memory_space<hbm>>) target(%arg8 : memref<128x32xf32, #tpu.memory_space<vmem>>) offsets(%dma_start3A_164 : memref<128xi32, #tpu.memory_space<vmem>>) semaphore(%arg15 : memref<!tpu.dma_semaphore, #tpu.memory_space<semaphore_mem>>)
    %dma_start3A_168 = arith.constant 0 : i32
    %dma_start3A_169 = arith.constant 2 : i32
    %dma_start3A_170 = arith.constant 0 : i32
    %dma_start3A_171 = tpu.memref_slice %arg6[%dma_start3A_168, %dma_start3A_169, %dma_start3A_170] : memref<100x4x128xi32, #tpu.memory_space<vmem>> -> memref<1x1x128xi32, #tpu.memory_space<vmem>>
    %dma_start3A_172 = tpu.memref_squeeze %dma_start3A_171 : memref<1x1x128xi32, #tpu.memory_space<vmem>> -> memref<128xi32, #tpu.memory_space<vmem>>
    %dma_start3A_173 = arith.constant 0 : i32
    %dma_start3A_174 = arith.constant 0 : i32
    %dma_start3A_175 = tpu.memref_slice %arg3[%dma_start3A_173, %dma_start3A_174] : memref<100000x32xf32, #tpu.memory_space<hbm>> -> memref<100000x32xf32, #tpu.memory_space<hbm>>
    tpu.enqueue_indirect_dma source(%dma_start3A_175 : memref<100000x32xf32, #tpu.memory_space<hbm>>) target(%arg9 : memref<128x32xf32, #tpu.memory_space<vmem>>) offsets(%dma_start3A_172 : memref<128xi32, #tpu.memory_space<vmem>>) semaphore(%arg16 : memref<!tpu.dma_semaphore, #tpu.memory_space<semaphore_mem>>)
    %scan3A_176 = arith.constant 0 : i32
    %scan3A_177 = arith.constant 0 : i32
    %scan3A_178 = arith.constant 100 : i32
    %scan3A_179 = arith.addi %scan3A_177, %scan3A_178 : i32
    %scan3A_180 = arith.constant 1 : i32
    scf.for %scan3A_278 = %scan3A_177 to %scan3A_179 step %scan3A_180  : i32 {
      %add3A_279 = arith.constant 100 : i32
      %add3A_280 = arith.addi %add3A_279, %scan3A_278 : i32
      %dma_wait3A_281 = arith.constant 0 : i32
      %dma_wait3A_282 = arith.constant 0 : i32
      %dma_wait3A_283 = arith.constant 0 : i32
      %dma_wait3A_284 = tpu.memref_slice %arg6[%dma_wait3A_281, %dma_wait3A_282, %dma_wait3A_283] : memref<100x4x128xi32, #tpu.memory_space<vmem>> -> memref<1x1x128xi32, #tpu.memory_space<vmem>>
      %dma_wait3A_285 = tpu.memref_squeeze %dma_wait3A_284 : memref<1x1x128xi32, #tpu.memory_space<vmem>> -> memref<128xi32, #tpu.memory_space<vmem>>
      %dma_wait3A_286 = arith.constant 0 : i32
      %dma_wait3A_287 = arith.constant 0 : i32
      %dma_wait3A_288 = tpu.memref_slice %arg3[%dma_wait3A_286, %dma_wait3A_287] : memref<100000x32xf32, #tpu.memory_space<hbm>> -> memref<100000x32xf32, #tpu.memory_space<hbm>>
      tpu.wait_indirect_dma semaphore(%arg14 : memref<!tpu.dma_semaphore, #tpu.memory_space<semaphore_mem>>) src(%dma_wait3A_288 : memref<100000x32xf32, #tpu.memory_space<hbm>>) dst(%arg7 : memref<128x32xf32, #tpu.memory_space<vmem>>)
      %add3A_289 = arith.constant 0 : i32
      %add3A_290 = arith.addi %scan3A_278, %add3A_289 : i32
      %lt3A = arith.constant 100 : i32
      %lt3A_291 = arith.cmpi slt, %add3A_290, %lt3A : i32
      %convert_element_type3A = arith.extui %lt3A_291 : i1 to i32
      %cond3A = arith.constant 0 : i32
      %cond3A_292 = arith.cmpi ne, %convert_element_type3A, %cond3A : i32
      scf.if %cond3A_292 {
        %dma_start3A_610 = arith.constant 3 : i32
        %dma_start3A_611 = arith.constant 0 : i32
        %dma_start3A_612 = tpu.memref_slice %arg6[%add3A_290, %dma_start3A_610, %dma_start3A_611] : memref<100x4x128xi32, #tpu.memory_space<vmem>> -> memref<1x1x128xi32, #tpu.memory_space<vmem>>
        %dma_start3A_613 = tpu.memref_squeeze %dma_start3A_612 : memref<1x1x128xi32, #tpu.memory_space<vmem>> -> memref<128xi32, #tpu.memory_space<vmem>>
        %dma_start3A_614 = arith.constant 0 : i32
        %dma_start3A_615 = arith.constant 0 : i32
        %dma_start3A_616 = tpu.memref_slice %arg3[%dma_start3A_614, %dma_start3A_615] : memref<100000x32xf32, #tpu.memory_space<hbm>> -> memref<100000x32xf32, #tpu.memory_space<hbm>>
        tpu.enqueue_indirect_dma source(%dma_start3A_616 : memref<100000x32xf32, #tpu.memory_space<hbm>>) target(%arg10 : memref<128x32xf32, #tpu.memory_space<vmem>>) offsets(%dma_start3A_613 : memref<128xi32, #tpu.memory_space<vmem>>) semaphore(%arg17 : memref<!tpu.dma_semaphore, #tpu.memory_space<semaphore_mem>>)
      } else {
      }
      %mul3A_293 = arith.constant 4 : i32
      %mul3A_294 = arith.muli %scan3A_278, %mul3A_293 : i32
      %add3A_295 = arith.constant 0 : i32
      %add3A_296 = arith.addi %mul3A_294, %add3A_295 : i32
      %ge3A = arith.constant 2 : i32
      %ge3A_297 = arith.cmpi sge, %add3A_296, %ge3A : i32
      %convert_element_type3A_298 = arith.extui %ge3A_297 : i1 to i32
      %cond3A_299 = arith.constant 0 : i32
      %cond3A_300 = arith.cmpi ne, %convert_element_type3A_298, %cond3A_299 : i32
      scf.if %cond3A_300 {
        %dma_wait3A_610 = arith.constant 0 : i32
        %dma_wait3A_611 = arith.constant 0 : i32
        %dma_wait3A_612 = arith.constant 0 : i32
        %dma_wait3A_613 = tpu.memref_slice %arg11[%dma_wait3A_612] : memref<4096xf32, #tpu.memory_space<vmem>> -> memref<1024xf32, #tpu.memory_space<vmem>>
        %dma_wait3A_614 = arith.constant 0 : i32
        %dma_wait3A_615 = tpu.memref_slice %arg5[%dma_wait3A_610, %dma_wait3A_611, %dma_wait3A_614] : memref<200x4x131072xf32, #tpu.memory_space<hbm>> -> memref<1x1x1024xf32, #tpu.memory_space<hbm>>
        %dma_wait3A_616 = tpu.memref_squeeze %dma_wait3A_615 : memref<1x1x1024xf32, #tpu.memory_space<hbm>> -> memref<1024xf32, #tpu.memory_space<hbm>>
        %dma_wait3A_617 = arith.constant 0 : i32
        %dma_wait3A_618 = tpu.memref_slice %arg5[%dma_wait3A_610, %dma_wait3A_611, %dma_wait3A_617] : memref<200x4x131072xf32, #tpu.memory_space<hbm>> -> memref<1x1x1024xf32, #tpu.memory_space<hbm>>
        %dma_wait3A_619 = tpu.memref_squeeze %dma_wait3A_618 : memref<1x1x1024xf32, #tpu.memory_space<hbm>> -> memref<1024xf32, #tpu.memory_space<hbm>>
        %dma_wait3A_620 = arith.constant 0 : i32
        %dma_wait3A_621 = tpu.memref_slice %arg11[%dma_wait3A_620] : memref<4096xf32, #tpu.memory_space<vmem>> -> memref<1024xf32, #tpu.memory_space<vmem>>
        tpu.wait_dma2 semaphore(%arg18 : memref<!tpu.dma_semaphore, #tpu.memory_space<semaphore_mem>>) src(%dma_wait3A_621 : memref<1024xf32, #tpu.memory_space<vmem>>) dst(%dma_wait3A_619 : memref<1024xf32, #tpu.memory_space<hbm>>)
        %dma_wait3A_622 = arith.constant 0 : i32
        %dma_wait3A_623 = arith.constant 1 : i32
        %dma_wait3A_624 = arith.constant 1024 : i32
        %dma_wait3A_625 = tpu.memref_slice %arg11[%dma_wait3A_624] : memref<4096xf32, #tpu.memory_space<vmem>> -> memref<1024xf32, #tpu.memory_space<vmem>>
        %dma_wait3A_626 = arith.constant 0 : i32
        %dma_wait3A_627 = tpu.memref_slice %arg5[%dma_wait3A_622, %dma_wait3A_623, %dma_wait3A_626] : memref<200x4x131072xf32, #tpu.memory_space<hbm>> -> memref<1x1x1024xf32, #tpu.memory_space<hbm>>
        %dma_wait3A_628 = tpu.memref_squeeze %dma_wait3A_627 : memref<1x1x1024xf32, #tpu.memory_space<hbm>> -> memref<1024xf32, #tpu.memory_space<hbm>>
        %dma_wait3A_629 = arith.constant 0 : i32
        %dma_wait3A_630 = tpu.memref_slice %arg5[%dma_wait3A_622, %dma_wait3A_623, %dma_wait3A_629] : memref<200x4x131072xf32, #tpu.memory_space<hbm>> -> memref<1x1x1024xf32, #tpu.memory_space<hbm>>
        %dma_wait3A_631 = tpu.memref_squeeze %dma_wait3A_630 : memref<1x1x1024xf32, #tpu.memory_space<hbm>> -> memref<1024xf32, #tpu.memory_space<hbm>>
        %dma_wait3A_632 = arith.constant 1024 : i32
        %dma_wait3A_633 = tpu.memref_slice %arg11[%dma_wait3A_632] : memref<4096xf32, #tpu.memory_space<vmem>> -> memref<1024xf32, #tpu.memory_space<vmem>>
        tpu.wait_dma2 semaphore(%arg18 : memref<!tpu.dma_semaphore, #tpu.memory_space<semaphore_mem>>) src(%dma_wait3A_633 : memref<1024xf32, #tpu.memory_space<vmem>>) dst(%dma_wait3A_631 : memref<1024xf32, #tpu.memory_space<hbm>>)
        %dma_wait3A_634 = arith.constant 0 : i32
        %dma_wait3A_635 = arith.constant 2 : i32
        %dma_wait3A_636 = arith.constant 2048 : i32
        %dma_wait3A_637 = tpu.memref_slice %arg11[%dma_wait3A_636] : memref<4096xf32, #tpu.memory_space<vmem>> -> memref<1024xf32, #tpu.memory_space<vmem>>
        %dma_wait3A_638 = arith.constant 0 : i32
        %dma_wait3A_639 = tpu.memref_slice %arg5[%dma_wait3A_634, %dma_wait3A_635, %dma_wait3A_638] : memref<200x4x131072xf32, #tpu.memory_space<hbm>> -> memref<1x1x1024xf32, #tpu.memory_space<hbm>>
        %dma_wait3A_640 = tpu.memref_squeeze %dma_wait3A_639 : memref<1x1x1024xf32, #tpu.memory_space<hbm>> -> memref<1024xf32, #tpu.memory_space<hbm>>
        %dma_wait3A_641 = arith.constant 0 : i32
        %dma_wait3A_642 = tpu.memref_slice %arg5[%dma_wait3A_634, %dma_wait3A_635, %dma_wait3A_641] : memref<200x4x131072xf32, #tpu.memory_space<hbm>> -> memref<1x1x1024xf32, #tpu.memory_space<hbm>>
        %dma_wait3A_643 = tpu.memref_squeeze %dma_wait3A_642 : memref<1x1x1024xf32, #tpu.memory_space<hbm>> -> memref<1024xf32, #tpu.memory_space<hbm>>
        %dma_wait3A_644 = arith.constant 2048 : i32
        %dma_wait3A_645 = tpu.memref_slice %arg11[%dma_wait3A_644] : memref<4096xf32, #tpu.memory_space<vmem>> -> memref<1024xf32, #tpu.memory_space<vmem>>
        tpu.wait_dma2 semaphore(%arg18 : memref<!tpu.dma_semaphore, #tpu.memory_space<semaphore_mem>>) src(%dma_wait3A_645 : memref<1024xf32, #tpu.memory_space<vmem>>) dst(%dma_wait3A_643 : memref<1024xf32, #tpu.memory_space<hbm>>)
        %dma_wait3A_646 = arith.constant 0 : i32
        %dma_wait3A_647 = arith.constant 3 : i32
        %dma_wait3A_648 = arith.constant 3072 : i32
        %dma_wait3A_649 = tpu.memref_slice %arg11[%dma_wait3A_648] : memref<4096xf32, #tpu.memory_space<vmem>> -> memref<1024xf32, #tpu.memory_space<vmem>>
        %dma_wait3A_650 = arith.constant 0 : i32
        %dma_wait3A_651 = tpu.memref_slice %arg5[%dma_wait3A_646, %dma_wait3A_647, %dma_wait3A_650] : memref<200x4x131072xf32, #tpu.memory_space<hbm>> -> memref<1x1x1024xf32, #tpu.memory_space<hbm>>
        %dma_wait3A_652 = tpu.memref_squeeze %dma_wait3A_651 : memref<1x1x1024xf32, #tpu.memory_space<hbm>> -> memref<1024xf32, #tpu.memory_space<hbm>>
        %dma_wait3A_653 = arith.constant 0 : i32
        %dma_wait3A_654 = tpu.memref_slice %arg5[%dma_wait3A_646, %dma_wait3A_647, %dma_wait3A_653] : memref<200x4x131072xf32, #tpu.memory_space<hbm>> -> memref<1x1x1024xf32, #tpu.memory_space<hbm>>
        %dma_wait3A_655 = tpu.memref_squeeze %dma_wait3A_654 : memref<1x1x1024xf32, #tpu.memory_space<hbm>> -> memref<1024xf32, #tpu.memory_space<hbm>>
        %dma_wait3A_656 = arith.constant 3072 : i32
        %dma_wait3A_657 = tpu.memref_slice %arg11[%dma_wait3A_656] : memref<4096xf32, #tpu.memory_space<vmem>> -> memref<1024xf32, #tpu.memory_space<vmem>>
        tpu.wait_dma2 semaphore(%arg18 : memref<!tpu.dma_semaphore, #tpu.memory_space<semaphore_mem>>) src(%dma_wait3A_657 : memref<1024xf32, #tpu.memory_space<vmem>>) dst(%dma_wait3A_655 : memref<1024xf32, #tpu.memory_space<hbm>>)
      } else {
      }
      %get3A = arith.index_cast %add3A_280 : i32 to index
      %get3A_301 = arith.constant 0 : index
      %get3A_302 = tpu.vector_load %arg13[%get3A, %get3A_301] {strides = array<i32>} : memref<200x32xf32, #tpu.memory_space<vmem>>, vector<16xf32>,
      %get3A_303 = arith.index_cast %add3A_280 : i32 to index
      %get3A_304 = arith.constant 16 : index
      %get3A_305 = tpu.vector_load %arg13[%get3A_303, %get3A_304] {strides = array<i32>} : memref<200x32xf32, #tpu.memory_space<vmem>>, vector<16xf32>,
      %scan3A_306 = arith.constant 0 : i32
      %scan3A_307 = arith.constant 0 : i32
      %scan3A_308 = arith.constant 128 : i32
      %scan3A_309 = arith.addi %scan3A_307, %scan3A_308 : i32
      %scan3A_310 = arith.constant 8 : i32
      scf.for %scan3A_610 = %scan3A_307 to %scan3A_309 step %scan3A_310  : i32 {
        %get3A_611 = arith.index_cast %scan3A_610 : i32 to index
        %get3A_612 = arith.constant 0 : index
        %get3A_613 = tpu.vector_load %arg7[%get3A_611, %get3A_612] {strides = array<i32>} : memref<128x32xf32, #tpu.memory_space<vmem>>, vector<16xf32>,
        %add3A_614 = arith.addf %get3A_613, %get3A_302 : vector<16xf32>
        %add3A_615 = vector.broadcast %scan3A_610 : i32 to vector<16xi32>
        %add3A_616 = arith.addi %add3A_12, %add3A_615 : vector<16xi32>
        tpu.vector_store_idx %arg11[%add3A_616], %add3A_614 : memref<4096xf32, #tpu.memory_space<vmem>>[vector<16xi32>], vector<16xf32>,
        %get3A_617 = arith.index_cast %scan3A_610 : i32 to index
        %get3A_618 = arith.constant 16 : index
        %get3A_619 = tpu.vector_load %arg7[%get3A_617, %get3A_618] {strides = array<i32>} : memref<128x32xf32, #tpu.memory_space<vmem>>, vector<16xf32>,
        %add3A_620 = arith.addf %get3A_619, %get3A_305 : vector<16xf32>
        %add3A_621 = vector.broadcast %scan3A_610 : i32 to vector<16xi32>
        %add3A_622 = arith.addi %add3A_28, %add3A_621 : vector<16xi32>
        tpu.vector_store_idx %arg11[%add3A_622], %add3A_620 : memref<4096xf32, #tpu.memory_space<vmem>>[vector<16xi32>], vector<16xf32>,
        %scan3A_623 = arith.constant 1 : i32
        %scan3A_624 = arith.addi %scan3A_610, %scan3A_623 : i32
        %get3A_625 = arith.index_cast %scan3A_624 : i32 to index
        %get3A_626 = arith.constant 0 : index
        %get3A_627 = tpu.vector_load %arg7[%get3A_625, %get3A_626] {strides = array<i32>} : memref<128x32xf32, #tpu.memory_space<vmem>>, vector<16xf32>,
        %add3A_628 = arith.addf %get3A_627, %get3A_302 : vector<16xf32>
        %add3A_629 = vector.broadcast %scan3A_624 : i32 to vector<16xi32>
        %add3A_630 = arith.addi %add3A_12, %add3A_629 : vector<16xi32>
        tpu.vector_store_idx %arg11[%add3A_630], %add3A_628 : memref<4096xf32, #tpu.memory_space<vmem>>[vector<16xi32>], vector<16xf32>,
        %get3A_631 = arith.index_cast %scan3A_624 : i32 to index
        %get3A_632 = arith.constant 16 : index
        %get3A_633 = tpu.vector_load %arg7[%get3A_631, %get3A_632] {strides = array<i32>} : memref<128x32xf32, #tpu.memory_space<vmem>>, vector<16xf32>,
        %add3A_634 = arith.addf %get3A_633, %get3A_305 : vector<16xf32>
        %add3A_635 = vector.broadcast %scan3A_624 : i32 to vector<16xi32>
        %add3A_636 = arith.addi %add3A_28, %add3A_635 : vector<16xi32>
        tpu.vector_store_idx %arg11[%add3A_636], %add3A_634 : memref<4096xf32, #tpu.memory_space<vmem>>[vector<16xi32>], vector<16xf32>,
        %scan3A_637 = arith.constant 2 : i32
        %scan3A_638 = arith.addi %scan3A_610, %scan3A_637 : i32
        %get3A_639 = arith.index_cast %scan3A_638 : i32 to index
        %get3A_640 = arith.constant 0 : index
        %get3A_641 = tpu.vector_load %arg7[%get3A_639, %get3A_640] {strides = array<i32>} : memref<128x32xf32, #tpu.memory_space<vmem>>, vector<16xf32>,
        %add3A_642 = arith.addf %get3A_641, %get3A_302 : vector<16xf32>
        %add3A_643 = vector.broadcast %scan3A_638 : i32 to vector<16xi32>
        %add3A_644 = arith.addi %add3A_12, %add3A_643 : vector<16xi32>
        tpu.vector_store_idx %arg11[%add3A_644], %add3A_642 : memref<4096xf32, #tpu.memory_space<vmem>>[vector<16xi32>], vector<16xf32>,
        %get3A_645 = arith.index_cast %scan3A_638 : i32 to index
        %get3A_646 = arith.constant 16 : index
        %get3A_647 = tpu.vector_load %arg7[%get3A_645, %get3A_646] {strides = array<i32>} : memref<128x32xf32, #tpu.memory_space<vmem>>, vector<16xf32>,
        %add3A_648 = arith.addf %get3A_647, %get3A_305 : vector<16xf32>
        %add3A_649 = vector.broadcast %scan3A_638 : i32 to vector<16xi32>
        %add3A_650 = arith.addi %add3A_28, %add3A_649 : vector<16xi32>
        tpu.vector_store_idx %arg11[%add3A_650], %add3A_648 : memref<4096xf32, #tpu.memory_space<vmem>>[vector<16xi32>], vector<16xf32>,
        %scan3A_651 = arith.constant 3 : i32
        %scan3A_652 = arith.addi %scan3A_610, %scan3A_651 : i32
        %get3A_653 = arith.index_cast %scan3A_652 : i32 to index
        %get3A_654 = arith.constant 0 : index
        %get3A_655 = tpu.vector_load %arg7[%get3A_653, %get3A_654] {strides = array<i32>} : memref<128x32xf32, #tpu.memory_space<vmem>>, vector<16xf32>,
        %add3A_656 = arith.addf %get3A_655, %get3A_302 : vector<16xf32>
        %add3A_657 = vector.broadcast %scan3A_652 : i32 to vector<16xi32>
        %add3A_658 = arith.addi %add3A_12, %add3A_657 : vector<16xi32>
        tpu.vector_store_idx %arg11[%add3A_658], %add3A_656 : memref<4096xf32, #tpu.memory_space<vmem>>[vector<16xi32>], vector<16xf32>,
        %get3A_659 = arith.index_cast %scan3A_652 : i32 to index
        %get3A_660 = arith.constant 16 : index
        %get3A_661 = tpu.vector_load %arg7[%get3A_659, %get3A_660] {strides = array<i32>} : memref<128x32xf32, #tpu.memory_space<vmem>>, vector<16xf32>,
        %add3A_662 = arith.addf %get3A_661, %get3A_305 : vector<16xf32>
        %add3A_663 = vector.broadcast %scan3A_652 : i32 to vector<16xi32>
        %add3A_664 = arith.addi %add3A_28, %add3A_663 : vector<16xi32>
        tpu.vector_store_idx %arg11[%add3A_664], %add3A_662 : memref<4096xf32, #tpu.memory_space<vmem>>[vector<16xi32>], vector<16xf32>,
        %scan3A_665 = arith.constant 4 : i32
        %scan3A_666 = arith.addi %scan3A_610, %scan3A_665 : i32
        %get3A_667 = arith.index_cast %scan3A_666 : i32 to index
        %get3A_668 = arith.constant 0 : index
        %get3A_669 = tpu.vector_load %arg7[%get3A_667, %get3A_668] {strides = array<i32>} : memref<128x32xf32, #tpu.memory_space<vmem>>, vector<16xf32>,
        %add3A_670 = arith.addf %get3A_669, %get3A_302 : vector<16xf32>
        %add3A_671 = vector.broadcast %scan3A_666 : i32 to vector<16xi32>
        %add3A_672 = arith.addi %add3A_12, %add3A_671 : vector<16xi32>
        tpu.vector_store_idx %arg11[%add3A_672], %add3A_670 : memref<4096xf32, #tpu.memory_space<vmem>>[vector<16xi32>], vector<16xf32>,
        %get3A_673 = arith.index_cast %scan3A_666 : i32 to index
        %get3A_674 = arith.constant 16 : index
        %get3A_675 = tpu.vector_load %arg7[%get3A_673, %get3A_674] {strides = array<i32>} : memref<128x32xf32, #tpu.memory_space<vmem>>, vector<16xf32>,
        %add3A_676 = arith.addf %get3A_675, %get3A_305 : vector<16xf32>
        %add3A_677 = vector.broadcast %scan3A_666 : i32 to vector<16xi32>
        %add3A_678 = arith.addi %add3A_28, %add3A_677 : vector<16xi32>
        tpu.vector_store_idx %arg11[%add3A_678], %add3A_676 : memref<4096xf32, #tpu.memory_space<vmem>>[vector<16xi32>], vector<16xf32>,
        %scan3A_679 = arith.constant 5 : i32
        %scan3A_680 = arith.addi %scan3A_610, %scan3A_679 : i32
        %get3A_681 = arith.index_cast %scan3A_680 : i32 to index
        %get3A_682 = arith.constant 0 : index
        %get3A_683 = tpu.vector_load %arg7[%get3A_681, %get3A_682] {strides = array<i32>} : memref<128x32xf32, #tpu.memory_space<vmem>>, vector<16xf32>,
        %add3A_684 = arith.addf %get3A_683, %get3A_302 : vector<16xf32>
        %add3A_685 = vector.broadcast %scan3A_680 : i32 to vector<16xi32>
        %add3A_686 = arith.addi %add3A_12, %add3A_685 : vector<16xi32>
        tpu.vector_store_idx %arg11[%add3A_686], %add3A_684 : memref<4096xf32, #tpu.memory_space<vmem>>[vector<16xi32>], vector<16xf32>,
        %get3A_687 = arith.index_cast %scan3A_680 : i32 to index
        %get3A_688 = arith.constant 16 : index
        %get3A_689 = tpu.vector_load %arg7[%get3A_687, %get3A_688] {strides = array<i32>} : memref<128x32xf32, #tpu.memory_space<vmem>>, vector<16xf32>,
        %add3A_690 = arith.addf %get3A_689, %get3A_305 : vector<16xf32>
        %add3A_691 = vector.broadcast %scan3A_680 : i32 to vector<16xi32>
        %add3A_692 = arith.addi %add3A_28, %add3A_691 : vector<16xi32>
        tpu.vector_store_idx %arg11[%add3A_692], %add3A_690 : memref<4096xf32, #tpu.memory_space<vmem>>[vector<16xi32>], vector<16xf32>,
        %scan3A_693 = arith.constant 6 : i32
        %scan3A_694 = arith.addi %scan3A_610, %scan3A_693 : i32
        %get3A_695 = arith.index_cast %scan3A_694 : i32 to index
        %get3A_696 = arith.constant 0 : index
        %get3A_697 = tpu.vector_load %arg7[%get3A_695, %get3A_696] {strides = array<i32>} : memref<128x32xf32, #tpu.memory_space<vmem>>, vector<16xf32>,
        %add3A_698 = arith.addf %get3A_697, %get3A_302 : vector<16xf32>
        %add3A_699 = vector.broadcast %scan3A_694 : i32 to vector<16xi32>
        %add3A_700 = arith.addi %add3A_12, %add3A_699 : vector<16xi32>
        tpu.vector_store_idx %arg11[%add3A_700], %add3A_698 : memref<4096xf32, #tpu.memory_space<vmem>>[vector<16xi32>], vector<16xf32>,
        %get3A_701 = arith.index_cast %scan3A_694 : i32 to index
        %get3A_702 = arith.constant 16 : index
        %get3A_703 = tpu.vector_load %arg7[%get3A_701, %get3A_702] {strides = array<i32>} : memref<128x32xf32, #tpu.memory_space<vmem>>, vector<16xf32>,
        %add3A_704 = arith.addf %get3A_703, %get3A_305 : vector<16xf32>
        %add3A_705 = vector.broadcast %scan3A_694 : i32 to vector<16xi32>
        %add3A_706 = arith.addi %add3A_28, %add3A_705 : vector<16xi32>
        tpu.vector_store_idx %arg11[%add3A_706], %add3A_704 : memref<4096xf32, #tpu.memory_space<vmem>>[vector<16xi32>], vector<16xf32>,
        %scan3A_707 = arith.constant 7 : i32
        %scan3A_708 = arith.addi %scan3A_610, %scan3A_707 : i32
        %get3A_709 = arith.index_cast %scan3A_708 : i32 to index
        %get3A_710 = arith.constant 0 : index
        %get3A_711 = tpu.vector_load %arg7[%get3A_709, %get3A_710] {strides = array<i32>} : memref<128x32xf32, #tpu.memory_space<vmem>>, vector<16xf32>,
        %add3A_712 = arith.addf %get3A_711, %get3A_302 : vector<16xf32>
        %add3A_713 = vector.broadcast %scan3A_708 : i32 to vector<16xi32>
        %add3A_714 = arith.addi %add3A_12, %add3A_713 : vector<16xi32>
        tpu.vector_store_idx %arg11[%add3A_714], %add3A_712 : memref<4096xf32, #tpu.memory_space<vmem>>[vector<16xi32>], vector<16xf32>,
        %get3A_715 = arith.index_cast %scan3A_708 : i32 to index
        %get3A_716 = arith.constant 16 : index
        %get3A_717 = tpu.vector_load %arg7[%get3A_715, %get3A_716] {strides = array<i32>} : memref<128x32xf32, #tpu.memory_space<vmem>>, vector<16xf32>,
        %add3A_718 = arith.addf %get3A_717, %get3A_305 : vector<16xf32>
        %add3A_719 = vector.broadcast %scan3A_708 : i32 to vector<16xi32>
        %add3A_720 = arith.addi %add3A_28, %add3A_719 : vector<16xi32>
        tpu.vector_store_idx %arg11[%add3A_720], %add3A_718 : memref<4096xf32, #tpu.memory_space<vmem>>[vector<16xi32>], vector<16xf32>,
      }
      %scan3A_311 = arith.constant 128 : i32
      %add3A_312 = arith.constant 0 : i32
      %add3A_313 = arith.addi %mul3A_2, %add3A_312 : i32
      %mul3A_314 = arith.constant 1024 : i32
      %mul3A_315 = arith.muli %add3A_313, %mul3A_314 : i32
      %dma_start3A_316 = arith.constant 0 : i32
      %dma_start3A_317 = arith.constant 0 : i32
      %dma_start3A_318 = tpu.memref_slice %arg11[%dma_start3A_317] : memref<4096xf32, #tpu.memory_space<vmem>> -> memref<1024xf32, #tpu.memory_space<vmem>>
      %dma_start3A_319 = tpu.memref_slice %arg5[%add3A_280, %dma_start3A_316, %mul3A_315] : memref<200x4x131072xf32, #tpu.memory_space<hbm>> -> memref<1x1x1024xf32, #tpu.memory_space<hbm>>
      %dma_start3A_320 = tpu.memref_squeeze %dma_start3A_319 : memref<1x1x1024xf32, #tpu.memory_space<hbm>> -> memref<1024xf32, #tpu.memory_space<hbm>>
      %dma_start3A_321 = tpu.memref_slice %arg5[%add3A_280, %dma_start3A_316, %mul3A_315] : memref<200x4x131072xf32, #tpu.memory_space<hbm>> -> memref<1x1x1024xf32, #tpu.memory_space<hbm>>
      %dma_start3A_322 = tpu.memref_squeeze %dma_start3A_321 : memref<1x1x1024xf32, #tpu.memory_space<hbm>> -> memref<1024xf32, #tpu.memory_space<hbm>>
      %dma_start3A_323 = arith.constant 0 : i32
      %dma_start3A_324 = tpu.memref_slice %arg11[%dma_start3A_323] : memref<4096xf32, #tpu.memory_space<vmem>> -> memref<1024xf32, #tpu.memory_space<vmem>>
      tpu.enqueue_dma source(%dma_start3A_324 : memref<1024xf32, #tpu.memory_space<vmem>>) target(%dma_start3A_322 : memref<1024xf32, #tpu.memory_space<hbm>>) target_semaphore(%arg18 : memref<!tpu.dma_semaphore, #tpu.memory_space<semaphore_mem>>)
      %mul3A_325 = arith.constant 1024 : i32
      %mul3A_326 = arith.muli %add3A_313, %mul3A_325 : i32
      %dma_start3A_327 = arith.constant 1 : i32
      %dma_start3A_328 = arith.constant 1024 : i32
      %dma_start3A_329 = tpu.memref_slice %arg11[%dma_start3A_328] : memref<4096xf32, #tpu.memory_space<vmem>> -> memref<1024xf32, #tpu.memory_space<vmem>>
      %dma_start3A_330 = tpu.memref_slice %arg5[%add3A_280, %dma_start3A_327, %mul3A_326] : memref<200x4x131072xf32, #tpu.memory_space<hbm>> -> memref<1x1x1024xf32, #tpu.memory_space<hbm>>
      %dma_start3A_331 = tpu.memref_squeeze %dma_start3A_330 : memref<1x1x1024xf32, #tpu.memory_space<hbm>> -> memref<1024xf32, #tpu.memory_space<hbm>>
      %dma_start3A_332 = tpu.memref_slice %arg5[%add3A_280, %dma_start3A_327, %mul3A_326] : memref<200x4x131072xf32, #tpu.memory_space<hbm>> -> memref<1x1x1024xf32, #tpu.memory_space<hbm>>
      %dma_start3A_333 = tpu.memref_squeeze %dma_start3A_332 : memref<1x1x1024xf32, #tpu.memory_space<hbm>> -> memref<1024xf32, #tpu.memory_space<hbm>>
      %dma_start3A_334 = arith.constant 1024 : i32
      %dma_start3A_335 = tpu.memref_slice %arg11[%dma_start3A_334] : memref<4096xf32, #tpu.memory_space<vmem>> -> memref<1024xf32, #tpu.memory_space<vmem>>
      tpu.enqueue_dma source(%dma_start3A_335 : memref<1024xf32, #tpu.memory_space<vmem>>) target(%dma_start3A_333 : memref<1024xf32, #tpu.memory_space<hbm>>) target_semaphore(%arg18 : memref<!tpu.dma_semaphore, #tpu.memory_space<semaphore_mem>>)
      %mul3A_336 = arith.constant 1024 : i32
      %mul3A_337 = arith.muli %add3A_313, %mul3A_336 : i32
      %dma_start3A_338 = arith.constant 2 : i32
      %dma_start3A_339 = arith.constant 2048 : i32
      %dma_start3A_340 = tpu.memref_slice %arg11[%dma_start3A_339] : memref<4096xf32, #tpu.memory_space<vmem>> -> memref<1024xf32, #tpu.memory_space<vmem>>
      %dma_start3A_341 = tpu.memref_slice %arg5[%add3A_280, %dma_start3A_338, %mul3A_337] : memref<200x4x131072xf32, #tpu.memory_space<hbm>> -> memref<1x1x1024xf32, #tpu.memory_space<hbm>>
      %dma_start3A_342 = tpu.memref_squeeze %dma_start3A_341 : memref<1x1x1024xf32, #tpu.memory_space<hbm>> -> memref<1024xf32, #tpu.memory_space<hbm>>
      %dma_start3A_343 = tpu.memref_slice %arg5[%add3A_280, %dma_start3A_338, %mul3A_337] : memref<200x4x131072xf32, #tpu.memory_space<hbm>> -> memref<1x1x1024xf32, #tpu.memory_space<hbm>>
      %dma_start3A_344 = tpu.memref_squeeze %dma_start3A_343 : memref<1x1x1024xf32, #tpu.memory_space<hbm>> -> memref<1024xf32, #tpu.memory_space<hbm>>
      %dma_start3A_345 = arith.constant 2048 : i32
      %dma_start3A_346 = tpu.memref_slice %arg11[%dma_start3A_345] : memref<4096xf32, #tpu.memory_space<vmem>> -> memref<1024xf32, #tpu.memory_space<vmem>>
      tpu.enqueue_dma source(%dma_start3A_346 : memref<1024xf32, #tpu.memory_space<vmem>>) target(%dma_start3A_344 : memref<1024xf32, #tpu.memory_space<hbm>>) target_semaphore(%arg18 : memref<!tpu.dma_semaphore, #tpu.memory_space<semaphore_mem>>)
      %mul3A_347 = arith.constant 1024 : i32
      %mul3A_348 = arith.muli %add3A_313, %mul3A_347 : i32
      %dma_start3A_349 = arith.constant 3 : i32
      %dma_start3A_350 = arith.constant 3072 : i32
      %dma_start3A_351 = tpu.memref_slice %arg11[%dma_start3A_350] : memref<4096xf32, #tpu.memory_space<vmem>> -> memref<1024xf32, #tpu.memory_space<vmem>>
      %dma_start3A_352 = tpu.memref_slice %arg5[%add3A_280, %dma_start3A_349, %mul3A_348] : memref<200x4x131072xf32, #tpu.memory_space<hbm>> -> memref<1x1x1024xf32, #tpu.memory_space<hbm>>
      %dma_start3A_353 = tpu.memref_squeeze %dma_start3A_352 : memref<1x1x1024xf32, #tpu.memory_space<hbm>> -> memref<1024xf32, #tpu.memory_space<hbm>>
      %dma_start3A_354 = tpu.memref_slice %arg5[%add3A_280, %dma_start3A_349, %mul3A_348] : memref<200x4x131072xf32, #tpu.memory_space<hbm>> -> memref<1x1x1024xf32, #tpu.memory_space<hbm>>
      %dma_start3A_355 = tpu.memref_squeeze %dma_start3A_354 : memref<1x1x1024xf32, #tpu.memory_space<hbm>> -> memref<1024xf32, #tpu.memory_space<hbm>>
      %dma_start3A_356 = arith.constant 3072 : i32
      %dma_start3A_357 = tpu.memref_slice %arg11[%dma_start3A_356] : memref<4096xf32, #tpu.memory_space<vmem>> -> memref<1024xf32, #tpu.memory_space<vmem>>
      tpu.enqueue_dma source(%dma_start3A_357 : memref<1024xf32, #tpu.memory_space<vmem>>) target(%dma_start3A_355 : memref<1024xf32, #tpu.memory_space<hbm>>) target_semaphore(%arg18 : memref<!tpu.dma_semaphore, #tpu.memory_space<semaphore_mem>>)
      %add3A_358 = arith.constant 100 : i32
      %add3A_359 = arith.addi %add3A_358, %scan3A_278 : i32
      %dma_wait3A_360 = arith.constant 0 : i32
      %dma_wait3A_361 = arith.constant 0 : i32
      %dma_wait3A_362 = arith.constant 0 : i32
      %dma_wait3A_363 = tpu.memref_slice %arg6[%dma_wait3A_360, %dma_wait3A_361, %dma_wait3A_362] : memref<100x4x128xi32, #tpu.memory_space<vmem>> -> memref<1x1x128xi32, #tpu.memory_space<vmem>>
      %dma_wait3A_364 = tpu.memref_squeeze %dma_wait3A_363 : memref<1x1x128xi32, #tpu.memory_space<vmem>> -> memref<128xi32, #tpu.memory_space<vmem>>
      %dma_wait3A_365 = arith.constant 0 : i32
      %dma_wait3A_366 = arith.constant 0 : i32
      %dma_wait3A_367 = tpu.memref_slice %arg3[%dma_wait3A_365, %dma_wait3A_366] : memref<100000x32xf32, #tpu.memory_space<hbm>> -> memref<100000x32xf32, #tpu.memory_space<hbm>>
      tpu.wait_indirect_dma semaphore(%arg15 : memref<!tpu.dma_semaphore, #tpu.memory_space<semaphore_mem>>) src(%dma_wait3A_367 : memref<100000x32xf32, #tpu.memory_space<hbm>>) dst(%arg8 : memref<128x32xf32, #tpu.memory_space<vmem>>)
      %add3A_368 = arith.constant 1 : i32
      %add3A_369 = arith.addi %scan3A_278, %add3A_368 : i32
      %lt3A_370 = arith.constant 100 : i32
      %lt3A_371 = arith.cmpi slt, %add3A_369, %lt3A_370 : i32
      %convert_element_type3A_372 = arith.extui %lt3A_371 : i1 to i32
      %cond3A_373 = arith.constant 0 : i32
      %cond3A_374 = arith.cmpi ne, %convert_element_type3A_372, %cond3A_373 : i32
      scf.if %cond3A_374 {
        %dma_start3A_610 = arith.constant 0 : i32
        %dma_start3A_611 = arith.constant 0 : i32
        %dma_start3A_612 = tpu.memref_slice %arg6[%add3A_369, %dma_start3A_610, %dma_start3A_611] : memref<100x4x128xi32, #tpu.memory_space<vmem>> -> memref<1x1x128xi32, #tpu.memory_space<vmem>>
        %dma_start3A_613 = tpu.memref_squeeze %dma_start3A_612 : memref<1x1x128xi32, #tpu.memory_space<vmem>> -> memref<128xi32, #tpu.memory_space<vmem>>
        %dma_start3A_614 = arith.constant 0 : i32
        %dma_start3A_615 = arith.constant 0 : i32
        %dma_start3A_616 = tpu.memref_slice %arg3[%dma_start3A_614, %dma_start3A_615] : memref<100000x32xf32, #tpu.memory_space<hbm>> -> memref<100000x32xf32, #tpu.memory_space<hbm>>
        tpu.enqueue_indirect_dma source(%dma_start3A_616 : memref<100000x32xf32, #tpu.memory_space<hbm>>) target(%arg7 : memref<128x32xf32, #tpu.memory_space<vmem>>) offsets(%dma_start3A_613 : memref<128xi32, #tpu.memory_space<vmem>>) semaphore(%arg14 : memref<!tpu.dma_semaphore, #tpu.memory_space<semaphore_mem>>)
      } else {
      }
      %mul3A_375 = arith.constant 4 : i32
      %mul3A_376 = arith.muli %scan3A_278, %mul3A_375 : i32
      %add3A_377 = arith.constant 1 : i32
      %add3A_378 = arith.addi %mul3A_376, %add3A_377 : i32
      %ge3A_379 = arith.constant 2 : i32
      %ge3A_380 = arith.cmpi sge, %add3A_378, %ge3A_379 : i32
      %convert_element_type3A_381 = arith.extui %ge3A_380 : i1 to i32
      %cond3A_382 = arith.constant 0 : i32
      %cond3A_383 = arith.cmpi ne, %convert_element_type3A_381, %cond3A_382 : i32
      scf.if %cond3A_383 {
        %dma_wait3A_610 = arith.constant 0 : i32
        %dma_wait3A_611 = arith.constant 0 : i32
        %dma_wait3A_612 = arith.constant 0 : i32
        %dma_wait3A_613 = tpu.memref_slice %arg12[%dma_wait3A_612] : memref<4096xf32, #tpu.memory_space<vmem>> -> memref<1024xf32, #tpu.memory_space<vmem>>
        %dma_wait3A_614 = arith.constant 0 : i32
        %dma_wait3A_615 = tpu.memref_slice %arg5[%dma_wait3A_610, %dma_wait3A_611, %dma_wait3A_614] : memref<200x4x131072xf32, #tpu.memory_space<hbm>> -> memref<1x1x1024xf32, #tpu.memory_space<hbm>>
        %dma_wait3A_616 = tpu.memref_squeeze %dma_wait3A_615 : memref<1x1x1024xf32, #tpu.memory_space<hbm>> -> memref<1024xf32, #tpu.memory_space<hbm>>
        %dma_wait3A_617 = arith.constant 0 : i32
        %dma_wait3A_618 = tpu.memref_slice %arg5[%dma_wait3A_610, %dma_wait3A_611, %dma_wait3A_617] : memref<200x4x131072xf32, #tpu.memory_space<hbm>> -> memref<1x1x1024xf32, #tpu.memory_space<hbm>>
        %dma_wait3A_619 = tpu.memref_squeeze %dma_wait3A_618 : memref<1x1x1024xf32, #tpu.memory_space<hbm>> -> memref<1024xf32, #tpu.memory_space<hbm>>
        %dma_wait3A_620 = arith.constant 0 : i32
        %dma_wait3A_621 = tpu.memref_slice %arg12[%dma_wait3A_620] : memref<4096xf32, #tpu.memory_space<vmem>> -> memref<1024xf32, #tpu.memory_space<vmem>>
        tpu.wait_dma2 semaphore(%arg19 : memref<!tpu.dma_semaphore, #tpu.memory_space<semaphore_mem>>) src(%dma_wait3A_621 : memref<1024xf32, #tpu.memory_space<vmem>>) dst(%dma_wait3A_619 : memref<1024xf32, #tpu.memory_space<hbm>>)
        %dma_wait3A_622 = arith.constant 0 : i32
        %dma_wait3A_623 = arith.constant 1 : i32
        %dma_wait3A_624 = arith.constant 1024 : i32
        %dma_wait3A_625 = tpu.memref_slice %arg12[%dma_wait3A_624] : memref<4096xf32, #tpu.memory_space<vmem>> -> memref<1024xf32, #tpu.memory_space<vmem>>
        %dma_wait3A_626 = arith.constant 0 : i32
        %dma_wait3A_627 = tpu.memref_slice %arg5[%dma_wait3A_622, %dma_wait3A_623, %dma_wait3A_626] : memref<200x4x131072xf32, #tpu.memory_space<hbm>> -> memref<1x1x1024xf32, #tpu.memory_space<hbm>>
        %dma_wait3A_628 = tpu.memref_squeeze %dma_wait3A_627 : memref<1x1x1024xf32, #tpu.memory_space<hbm>> -> memref<1024xf32, #tpu.memory_space<hbm>>
        %dma_wait3A_629 = arith.constant 0 : i32
        %dma_wait3A_630 = tpu.memref_slice %arg5[%dma_wait3A_622, %dma_wait3A_623, %dma_wait3A_629] : memref<200x4x131072xf32, #tpu.memory_space<hbm>> -> memref<1x1x1024xf32, #tpu.memory_space<hbm>>
        %dma_wait3A_631 = tpu.memref_squeeze %dma_wait3A_630 : memref<1x1x1024xf32, #tpu.memory_space<hbm>> -> memref<1024xf32, #tpu.memory_space<hbm>>
        %dma_wait3A_632 = arith.constant 1024 : i32
        %dma_wait3A_633 = tpu.memref_slice %arg12[%dma_wait3A_632] : memref<4096xf32, #tpu.memory_space<vmem>> -> memref<1024xf32, #tpu.memory_space<vmem>>
        tpu.wait_dma2 semaphore(%arg19 : memref<!tpu.dma_semaphore, #tpu.memory_space<semaphore_mem>>) src(%dma_wait3A_633 : memref<1024xf32, #tpu.memory_space<vmem>>) dst(%dma_wait3A_631 : memref<1024xf32, #tpu.memory_space<hbm>>)
        %dma_wait3A_634 = arith.constant 0 : i32
        %dma_wait3A_635 = arith.constant 2 : i32
        %dma_wait3A_636 = arith.constant 2048 : i32
        %dma_wait3A_637 = tpu.memref_slice %arg12[%dma_wait3A_636] : memref<4096xf32, #tpu.memory_space<vmem>> -> memref<1024xf32, #tpu.memory_space<vmem>>
        %dma_wait3A_638 = arith.constant 0 : i32
        %dma_wait3A_639 = tpu.memref_slice %arg5[%dma_wait3A_634, %dma_wait3A_635, %dma_wait3A_638] : memref<200x4x131072xf32, #tpu.memory_space<hbm>> -> memref<1x1x1024xf32, #tpu.memory_space<hbm>>
        %dma_wait3A_640 = tpu.memref_squeeze %dma_wait3A_639 : memref<1x1x1024xf32, #tpu.memory_space<hbm>> -> memref<1024xf32, #tpu.memory_space<hbm>>
        %dma_wait3A_641 = arith.constant 0 : i32
        %dma_wait3A_642 = tpu.memref_slice %arg5[%dma_wait3A_634, %dma_wait3A_635, %dma_wait3A_641] : memref<200x4x131072xf32, #tpu.memory_space<hbm>> -> memref<1x1x1024xf32, #tpu.memory_space<hbm>>
        %dma_wait3A_643 = tpu.memref_squeeze %dma_wait3A_642 : memref<1x1x1024xf32, #tpu.memory_space<hbm>> -> memref<1024xf32, #tpu.memory_space<hbm>>
        %dma_wait3A_644 = arith.constant 2048 : i32
        %dma_wait3A_645 = tpu.memref_slice %arg12[%dma_wait3A_644] : memref<4096xf32, #tpu.memory_space<vmem>> -> memref<1024xf32, #tpu.memory_space<vmem>>
        tpu.wait_dma2 semaphore(%arg19 : memref<!tpu.dma_semaphore, #tpu.memory_space<semaphore_mem>>) src(%dma_wait3A_645 : memref<1024xf32, #tpu.memory_space<vmem>>) dst(%dma_wait3A_643 : memref<1024xf32, #tpu.memory_space<hbm>>)
        %dma_wait3A_646 = arith.constant 0 : i32
        %dma_wait3A_647 = arith.constant 3 : i32
        %dma_wait3A_648 = arith.constant 3072 : i32
        %dma_wait3A_649 = tpu.memref_slice %arg12[%dma_wait3A_648] : memref<4096xf32, #tpu.memory_space<vmem>> -> memref<1024xf32, #tpu.memory_space<vmem>>
        %dma_wait3A_650 = arith.constant 0 : i32
        %dma_wait3A_651 = tpu.memref_slice %arg5[%dma_wait3A_646, %dma_wait3A_647, %dma_wait3A_650] : memref<200x4x131072xf32, #tpu.memory_space<hbm>> -> memref<1x1x1024xf32, #tpu.memory_space<hbm>>
        %dma_wait3A_652 = tpu.memref_squeeze %dma_wait3A_651 : memref<1x1x1024xf32, #tpu.memory_space<hbm>> -> memref<1024xf32, #tpu.memory_space<hbm>>
        %dma_wait3A_653 = arith.constant 0 : i32
        %dma_wait3A_654 = tpu.memref_slice %arg5[%dma_wait3A_646, %dma_wait3A_647, %dma_wait3A_653] : memref<200x4x131072xf32, #tpu.memory_space<hbm>> -> memref<1x1x1024xf32, #tpu.memory_space<hbm>>
        %dma_wait3A_655 = tpu.memref_squeeze %dma_wait3A_654 : memref<1x1x1024xf32, #tpu.memory_space<hbm>> -> memref<1024xf32, #tpu.memory_space<hbm>>
        %dma_wait3A_656 = arith.constant 3072 : i32
        %dma_wait3A_657 = tpu.memref_slice %arg12[%dma_wait3A_656] : memref<4096xf32, #tpu.memory_space<vmem>> -> memref<1024xf32, #tpu.memory_space<vmem>>
        tpu.wait_dma2 semaphore(%arg19 : memref<!tpu.dma_semaphore, #tpu.memory_space<semaphore_mem>>) src(%dma_wait3A_657 : memref<1024xf32, #tpu.memory_space<vmem>>) dst(%dma_wait3A_655 : memref<1024xf32, #tpu.memory_space<hbm>>)
      } else {
      }
      %get3A_384 = arith.index_cast %add3A_359 : i32 to index
      %get3A_385 = arith.constant 0 : index
      %get3A_386 = tpu.vector_load %arg13[%get3A_384, %get3A_385] {strides = array<i32>} : memref<200x32xf32, #tpu.memory_space<vmem>>, vector<16xf32>,
      %get3A_387 = arith.index_cast %add3A_359 : i32 to index
      %get3A_388 = arith.constant 16 : index
      %get3A_389 = tpu.vector_load %arg13[%get3A_387, %get3A_388] {strides = array<i32>} : memref<200x32xf32, #tpu.memory_space<vmem>>, vector<16xf32>,
      %scan3A_390 = arith.constant 0 : i32
      %scan3A_391 = arith.constant 0 : i32
      %scan3A_392 = arith.constant 128 : i32
      %scan3A_393 = arith.addi %scan3A_391, %scan3A_392 : i32
      %scan3A_394 = arith.constant 8 : i32
      scf.for %scan3A_610 = %scan3A_391 to %scan3A_393 step %scan3A_394  : i32 {
        %get3A_611 = arith.index_cast %scan3A_610 : i32 to index
        %get3A_612 = arith.constant 0 : index
        %get3A_613 = tpu.vector_load %arg8[%get3A_611, %get3A_612] {strides = array<i32>} : memref<128x32xf32, #tpu.memory_space<vmem>>, vector<16xf32>,
        %add3A_614 = arith.addf %get3A_613, %get3A_386 : vector<16xf32>
        %add3A_615 = vector.broadcast %scan3A_610 : i32 to vector<16xi32>
        %add3A_616 = arith.addi %add3A_12, %add3A_615 : vector<16xi32>
        tpu.vector_store_idx %arg12[%add3A_616], %add3A_614 : memref<4096xf32, #tpu.memory_space<vmem>>[vector<16xi32>], vector<16xf32>,
        %get3A_617 = arith.index_cast %scan3A_610 : i32 to index
        %get3A_618 = arith.constant 16 : index
        %get3A_619 = tpu.vector_load %arg8[%get3A_617, %get3A_618] {strides = array<i32>} : memref<128x32xf32, #tpu.memory_space<vmem>>, vector<16xf32>,
        %add3A_620 = arith.addf %get3A_619, %get3A_389 : vector<16xf32>
        %add3A_621 = vector.broadcast %scan3A_610 : i32 to vector<16xi32>
        %add3A_622 = arith.addi %add3A_28, %add3A_621 : vector<16xi32>
        tpu.vector_store_idx %arg12[%add3A_622], %add3A_620 : memref<4096xf32, #tpu.memory_space<vmem>>[vector<16xi32>], vector<16xf32>,
        %scan3A_623 = arith.constant 1 : i32
        %scan3A_624 = arith.addi %scan3A_610, %scan3A_623 : i32
        %get3A_625 = arith.index_cast %scan3A_624 : i32 to index
        %get3A_626 = arith.constant 0 : index
        %get3A_627 = tpu.vector_load %arg8[%get3A_625, %get3A_626] {strides = array<i32>} : memref<128x32xf32, #tpu.memory_space<vmem>>, vector<16xf32>,
        %add3A_628 = arith.addf %get3A_627, %get3A_386 : vector<16xf32>
        %add3A_629 = vector.broadcast %scan3A_624 : i32 to vector<16xi32>
        %add3A_630 = arith.addi %add3A_12, %add3A_629 : vector<16xi32>
        tpu.vector_store_idx %arg12[%add3A_630], %add3A_628 : memref<4096xf32, #tpu.memory_space<vmem>>[vector<16xi32>], vector<16xf32>,
        %get3A_631 = arith.index_cast %scan3A_624 : i32 to index
        %get3A_632 = arith.constant 16 : index
        %get3A_633 = tpu.vector_load %arg8[%get3A_631, %get3A_632] {strides = array<i32>} : memref<128x32xf32, #tpu.memory_space<vmem>>, vector<16xf32>,
        %add3A_634 = arith.addf %get3A_633, %get3A_389 : vector<16xf32>
        %add3A_635 = vector.broadcast %scan3A_624 : i32 to vector<16xi32>
        %add3A_636 = arith.addi %add3A_28, %add3A_635 : vector<16xi32>
        tpu.vector_store_idx %arg12[%add3A_636], %add3A_634 : memref<4096xf32, #tpu.memory_space<vmem>>[vector<16xi32>], vector<16xf32>,
        %scan3A_637 = arith.constant 2 : i32
        %scan3A_638 = arith.addi %scan3A_610, %scan3A_637 : i32
        %get3A_639 = arith.index_cast %scan3A_638 : i32 to index
        %get3A_640 = arith.constant 0 : index
        %get3A_641 = tpu.vector_load %arg8[%get3A_639, %get3A_640] {strides = array<i32>} : memref<128x32xf32, #tpu.memory_space<vmem>>, vector<16xf32>,
        %add3A_642 = arith.addf %get3A_641, %get3A_386 : vector<16xf32>
        %add3A_643 = vector.broadcast %scan3A_638 : i32 to vector<16xi32>
        %add3A_644 = arith.addi %add3A_12, %add3A_643 : vector<16xi32>
        tpu.vector_store_idx %arg12[%add3A_644], %add3A_642 : memref<4096xf32, #tpu.memory_space<vmem>>[vector<16xi32>], vector<16xf32>,
        %get3A_645 = arith.index_cast %scan3A_638 : i32 to index
        %get3A_646 = arith.constant 16 : index
        %get3A_647 = tpu.vector_load %arg8[%get3A_645, %get3A_646] {strides = array<i32>} : memref<128x32xf32, #tpu.memory_space<vmem>>, vector<16xf32>,
        %add3A_648 = arith.addf %get3A_647, %get3A_389 : vector<16xf32>
        %add3A_649 = vector.broadcast %scan3A_638 : i32 to vector<16xi32>
        %add3A_650 = arith.addi %add3A_28, %add3A_649 : vector<16xi32>
        tpu.vector_store_idx %arg12[%add3A_650], %add3A_648 : memref<4096xf32, #tpu.memory_space<vmem>>[vector<16xi32>], vector<16xf32>,
        %scan3A_651 = arith.constant 3 : i32
        %scan3A_652 = arith.addi %scan3A_610, %scan3A_651 : i32
        %get3A_653 = arith.index_cast %scan3A_652 : i32 to index
        %get3A_654 = arith.constant 0 : index
        %get3A_655 = tpu.vector_load %arg8[%get3A_653, %get3A_654] {strides = array<i32>} : memref<128x32xf32, #tpu.memory_space<vmem>>, vector<16xf32>,
        %add3A_656 = arith.addf %get3A_655, %get3A_386 : vector<16xf32>
        %add3A_657 = vector.broadcast %scan3A_652 : i32 to vector<16xi32>
        %add3A_658 = arith.addi %add3A_12, %add3A_657 : vector<16xi32>
        tpu.vector_store_idx %arg12[%add3A_658], %add3A_656 : memref<4096xf32, #tpu.memory_space<vmem>>[vector<16xi32>], vector<16xf32>,
        %get3A_659 = arith.index_cast %scan3A_652 : i32 to index
        %get3A_660 = arith.constant 16 : index
        %get3A_661 = tpu.vector_load %arg8[%get3A_659, %get3A_660] {strides = array<i32>} : memref<128x32xf32, #tpu.memory_space<vmem>>, vector<16xf32>,
        %add3A_662 = arith.addf %get3A_661, %get3A_389 : vector<16xf32>
        %add3A_663 = vector.broadcast %scan3A_652 : i32 to vector<16xi32>
        %add3A_664 = arith.addi %add3A_28, %add3A_663 : vector<16xi32>
        tpu.vector_store_idx %arg12[%add3A_664], %add3A_662 : memref<4096xf32, #tpu.memory_space<vmem>>[vector<16xi32>], vector<16xf32>,
        %scan3A_665 = arith.constant 4 : i32
        %scan3A_666 = arith.addi %scan3A_610, %scan3A_665 : i32
        %get3A_667 = arith.index_cast %scan3A_666 : i32 to index
        %get3A_668 = arith.constant 0 : index
        %get3A_669 = tpu.vector_load %arg8[%get3A_667, %get3A_668] {strides = array<i32>} : memref<128x32xf32, #tpu.memory_space<vmem>>, vector<16xf32>,
        %add3A_670 = arith.addf %get3A_669, %get3A_386 : vector<16xf32>
        %add3A_671 = vector.broadcast %scan3A_666 : i32 to vector<16xi32>
        %add3A_672 = arith.addi %add3A_12, %add3A_671 : vector<16xi32>
        tpu.vector_store_idx %arg12[%add3A_672], %add3A_670 : memref<4096xf32, #tpu.memory_space<vmem>>[vector<16xi32>], vector<16xf32>,
        %get3A_673 = arith.index_cast %scan3A_666 : i32 to index
        %get3A_674 = arith.constant 16 : index
        %get3A_675 = tpu.vector_load %arg8[%get3A_673, %get3A_674] {strides = array<i32>} : memref<128x32xf32, #tpu.memory_space<vmem>>, vector<16xf32>,
        %add3A_676 = arith.addf %get3A_675, %get3A_389 : vector<16xf32>
        %add3A_677 = vector.broadcast %scan3A_666 : i32 to vector<16xi32>
        %add3A_678 = arith.addi %add3A_28, %add3A_677 : vector<16xi32>
        tpu.vector_store_idx %arg12[%add3A_678], %add3A_676 : memref<4096xf32, #tpu.memory_space<vmem>>[vector<16xi32>], vector<16xf32>,
        %scan3A_679 = arith.constant 5 : i32
        %scan3A_680 = arith.addi %scan3A_610, %scan3A_679 : i32
        %get3A_681 = arith.index_cast %scan3A_680 : i32 to index
        %get3A_682 = arith.constant 0 : index
        %get3A_683 = tpu.vector_load %arg8[%get3A_681, %get3A_682] {strides = array<i32>} : memref<128x32xf32, #tpu.memory_space<vmem>>, vector<16xf32>,
        %add3A_684 = arith.addf %get3A_683, %get3A_386 : vector<16xf32>
        %add3A_685 = vector.broadcast %scan3A_680 : i32 to vector<16xi32>
        %add3A_686 = arith.addi %add3A_12, %add3A_685 : vector<16xi32>
        tpu.vector_store_idx %arg12[%add3A_686], %add3A_684 : memref<4096xf32, #tpu.memory_space<vmem>>[vector<16xi32>], vector<16xf32>,
        %get3A_687 = arith.index_cast %scan3A_680 : i32 to index
        %get3A_688 = arith.constant 16 : index
        %get3A_689 = tpu.vector_load %arg8[%get3A_687, %get3A_688] {strides = array<i32>} : memref<128x32xf32, #tpu.memory_space<vmem>>, vector<16xf32>,
        %add3A_690 = arith.addf %get3A_689, %get3A_389 : vector<16xf32>
        %add3A_691 = vector.broadcast %scan3A_680 : i32 to vector<16xi32>
        %add3A_692 = arith.addi %add3A_28, %add3A_691 : vector<16xi32>
        tpu.vector_store_idx %arg12[%add3A_692], %add3A_690 : memref<4096xf32, #tpu.memory_space<vmem>>[vector<16xi32>], vector<16xf32>,
        %scan3A_693 = arith.constant 6 : i32
        %scan3A_694 = arith.addi %scan3A_610, %scan3A_693 : i32
        %get3A_695 = arith.index_cast %scan3A_694 : i32 to index
        %get3A_696 = arith.constant 0 : index
        %get3A_697 = tpu.vector_load %arg8[%get3A_695, %get3A_696] {strides = array<i32>} : memref<128x32xf32, #tpu.memory_space<vmem>>, vector<16xf32>,
        %add3A_698 = arith.addf %get3A_697, %get3A_386 : vector<16xf32>
        %add3A_699 = vector.broadcast %scan3A_694 : i32 to vector<16xi32>
        %add3A_700 = arith.addi %add3A_12, %add3A_699 : vector<16xi32>
        tpu.vector_store_idx %arg12[%add3A_700], %add3A_698 : memref<4096xf32, #tpu.memory_space<vmem>>[vector<16xi32>], vector<16xf32>,
        %get3A_701 = arith.index_cast %scan3A_694 : i32 to index
        %get3A_702 = arith.constant 16 : index
        %get3A_703 = tpu.vector_load %arg8[%get3A_701, %get3A_702] {strides = array<i32>} : memref<128x32xf32, #tpu.memory_space<vmem>>, vector<16xf32>,
        %add3A_704 = arith.addf %get3A_703, %get3A_389 : vector<16xf32>
        %add3A_705 = vector.broadcast %scan3A_694 : i32 to vector<16xi32>
        %add3A_706 = arith.addi %add3A_28, %add3A_705 : vector<16xi32>
        tpu.vector_store_idx %arg12[%add3A_706], %add3A_704 : memref<4096xf32, #tpu.memory_space<vmem>>[vector<16xi32>], vector<16xf32>,
        %scan3A_707 = arith.constant 7 : i32
        %scan3A_708 = arith.addi %scan3A_610, %scan3A_707 : i32
        %get3A_709 = arith.index_cast %scan3A_708 : i32 to index
        %get3A_710 = arith.constant 0 : index
        %get3A_711 = tpu.vector_load %arg8[%get3A_709, %get3A_710] {strides = array<i32>} : memref<128x32xf32, #tpu.memory_space<vmem>>, vector<16xf32>,
        %add3A_712 = arith.addf %get3A_711, %get3A_386 : vector<16xf32>
        %add3A_713 = vector.broadcast %scan3A_708 : i32 to vector<16xi32>
        %add3A_714 = arith.addi %add3A_12, %add3A_713 : vector<16xi32>
        tpu.vector_store_idx %arg12[%add3A_714], %add3A_712 : memref<4096xf32, #tpu.memory_space<vmem>>[vector<16xi32>], vector<16xf32>,
        %get3A_715 = arith.index_cast %scan3A_708 : i32 to index
        %get3A_716 = arith.constant 16 : index
        %get3A_717 = tpu.vector_load %arg8[%get3A_715, %get3A_716] {strides = array<i32>} : memref<128x32xf32, #tpu.memory_space<vmem>>, vector<16xf32>,
        %add3A_718 = arith.addf %get3A_717, %get3A_389 : vector<16xf32>
        %add3A_719 = vector.broadcast %scan3A_708 : i32 to vector<16xi32>
        %add3A_720 = arith.addi %add3A_28, %add3A_719 : vector<16xi32>
        tpu.vector_store_idx %arg12[%add3A_720], %add3A_718 : memref<4096xf32, #tpu.memory_space<vmem>>[vector<16xi32>], vector<16xf32>,
      }
      %scan3A_395 = arith.constant 128 : i32
      %add3A_396 = arith.constant 1 : i32
      %add3A_397 = arith.addi %mul3A_2, %add3A_396 : i32
      %mul3A_398 = arith.constant 1024 : i32
      %mul3A_399 = arith.muli %add3A_397, %mul3A_398 : i32
      %dma_start3A_400 = arith.constant 0 : i32
      %dma_start3A_401 = arith.constant 0 : i32
      %dma_start3A_402 = tpu.memref_slice %arg12[%dma_start3A_401] : memref<4096xf32, #tpu.memory_space<vmem>> -> memref<1024xf32, #tpu.memory_space<vmem>>
      %dma_start3A_403 = tpu.memref_slice %arg5[%add3A_359, %dma_start3A_400, %mul3A_399] : memref<200x4x131072xf32, #tpu.memory_space<hbm>> -> memref<1x1x1024xf32, #tpu.memory_space<hbm>>
      %dma_start3A_404 = tpu.memref_squeeze %dma_start3A_403 : memref<1x1x1024xf32, #tpu.memory_space<hbm>> -> memref<1024xf32, #tpu.memory_space<hbm>>
      %dma_start3A_405 = tpu.memref_slice %arg5[%add3A_359, %dma_start3A_400, %mul3A_399] : memref<200x4x131072xf32, #tpu.memory_space<hbm>> -> memref<1x1x1024xf32, #tpu.memory_space<hbm>>
      %dma_start3A_406 = tpu.memref_squeeze %dma_start3A_405 : memref<1x1x1024xf32, #tpu.memory_space<hbm>> -> memref<1024xf32, #tpu.memory_space<hbm>>
      %dma_start3A_407 = arith.constant 0 : i32
      %dma_start3A_408 = tpu.memref_slice %arg12[%dma_start3A_407] : memref<4096xf32, #tpu.memory_space<vmem>> -> memref<1024xf32, #tpu.memory_space<vmem>>
      tpu.enqueue_dma source(%dma_start3A_408 : memref<1024xf32, #tpu.memory_space<vmem>>) target(%dma_start3A_406 : memref<1024xf32, #tpu.memory_space<hbm>>) target_semaphore(%arg19 : memref<!tpu.dma_semaphore, #tpu.memory_space<semaphore_mem>>)
      %mul3A_409 = arith.constant 1024 : i32
      %mul3A_410 = arith.muli %add3A_397, %mul3A_409 : i32
      %dma_start3A_411 = arith.constant 1 : i32
      %dma_start3A_412 = arith.constant 1024 : i32
      %dma_start3A_413 = tpu.memref_slice %arg12[%dma_start3A_412] : memref<4096xf32, #tpu.memory_space<vmem>> -> memref<1024xf32, #tpu.memory_space<vmem>>
      %dma_start3A_414 = tpu.memref_slice %arg5[%add3A_359, %dma_start3A_411, %mul3A_410] : memref<200x4x131072xf32, #tpu.memory_space<hbm>> -> memref<1x1x1024xf32, #tpu.memory_space<hbm>>
      %dma_start3A_415 = tpu.memref_squeeze %dma_start3A_414 : memref<1x1x1024xf32, #tpu.memory_space<hbm>> -> memref<1024xf32, #tpu.memory_space<hbm>>
      %dma_start3A_416 = tpu.memref_slice %arg5[%add3A_359, %dma_start3A_411, %mul3A_410] : memref<200x4x131072xf32, #tpu.memory_space<hbm>> -> memref<1x1x1024xf32, #tpu.memory_space<hbm>>
      %dma_start3A_417 = tpu.memref_squeeze %dma_start3A_416 : memref<1x1x1024xf32, #tpu.memory_space<hbm>> -> memref<1024xf32, #tpu.memory_space<hbm>>
      %dma_start3A_418 = arith.constant 1024 : i32
      %dma_start3A_419 = tpu.memref_slice %arg12[%dma_start3A_418] : memref<4096xf32, #tpu.memory_space<vmem>> -> memref<1024xf32, #tpu.memory_space<vmem>>
      tpu.enqueue_dma source(%dma_start3A_419 : memref<1024xf32, #tpu.memory_space<vmem>>) target(%dma_start3A_417 : memref<1024xf32, #tpu.memory_space<hbm>>) target_semaphore(%arg19 : memref<!tpu.dma_semaphore, #tpu.memory_space<semaphore_mem>>)
      %mul3A_420 = arith.constant 1024 : i32
      %mul3A_421 = arith.muli %add3A_397, %mul3A_420 : i32
      %dma_start3A_422 = arith.constant 2 : i32
      %dma_start3A_423 = arith.constant 2048 : i32
      %dma_start3A_424 = tpu.memref_slice %arg12[%dma_start3A_423] : memref<4096xf32, #tpu.memory_space<vmem>> -> memref<1024xf32, #tpu.memory_space<vmem>>
      %dma_start3A_425 = tpu.memref_slice %arg5[%add3A_359, %dma_start3A_422, %mul3A_421] : memref<200x4x131072xf32, #tpu.memory_space<hbm>> -> memref<1x1x1024xf32, #tpu.memory_space<hbm>>
      %dma_start3A_426 = tpu.memref_squeeze %dma_start3A_425 : memref<1x1x1024xf32, #tpu.memory_space<hbm>> -> memref<1024xf32, #tpu.memory_space<hbm>>
      %dma_start3A_427 = tpu.memref_slice %arg5[%add3A_359, %dma_start3A_422, %mul3A_421] : memref<200x4x131072xf32, #tpu.memory_space<hbm>> -> memref<1x1x1024xf32, #tpu.memory_space<hbm>>
      %dma_start3A_428 = tpu.memref_squeeze %dma_start3A_427 : memref<1x1x1024xf32, #tpu.memory_space<hbm>> -> memref<1024xf32, #tpu.memory_space<hbm>>
      %dma_start3A_429 = arith.constant 2048 : i32
      %dma_start3A_430 = tpu.memref_slice %arg12[%dma_start3A_429] : memref<4096xf32, #tpu.memory_space<vmem>> -> memref<1024xf32, #tpu.memory_space<vmem>>
      tpu.enqueue_dma source(%dma_start3A_430 : memref<1024xf32, #tpu.memory_space<vmem>>) target(%dma_start3A_428 : memref<1024xf32, #tpu.memory_space<hbm>>) target_semaphore(%arg19 : memref<!tpu.dma_semaphore, #tpu.memory_space<semaphore_mem>>)
      %mul3A_431 = arith.constant 1024 : i32
      %mul3A_432 = arith.muli %add3A_397, %mul3A_431 : i32
      %dma_start3A_433 = arith.constant 3 : i32
      %dma_start3A_434 = arith.constant 3072 : i32
      %dma_start3A_435 = tpu.memref_slice %arg12[%dma_start3A_434] : memref<4096xf32, #tpu.memory_space<vmem>> -> memref<1024xf32, #tpu.memory_space<vmem>>
      %dma_start3A_436 = tpu.memref_slice %arg5[%add3A_359, %dma_start3A_433, %mul3A_432] : memref<200x4x131072xf32, #tpu.memory_space<hbm>> -> memref<1x1x1024xf32, #tpu.memory_space<hbm>>
      %dma_start3A_437 = tpu.memref_squeeze %dma_start3A_436 : memref<1x1x1024xf32, #tpu.memory_space<hbm>> -> memref<1024xf32, #tpu.memory_space<hbm>>
      %dma_start3A_438 = tpu.memref_slice %arg5[%add3A_359, %dma_start3A_433, %mul3A_432] : memref<200x4x131072xf32, #tpu.memory_space<hbm>> -> memref<1x1x1024xf32, #tpu.memory_space<hbm>>
      %dma_start3A_439 = tpu.memref_squeeze %dma_start3A_438 : memref<1x1x1024xf32, #tpu.memory_space<hbm>> -> memref<1024xf32, #tpu.memory_space<hbm>>
      %dma_start3A_440 = arith.constant 3072 : i32
      %dma_start3A_441 = tpu.memref_slice %arg12[%dma_start3A_440] : memref<4096xf32, #tpu.memory_space<vmem>> -> memref<1024xf32, #tpu.memory_space<vmem>>
      tpu.enqueue_dma source(%dma_start3A_441 : memref<1024xf32, #tpu.memory_space<vmem>>) target(%dma_start3A_439 : memref<1024xf32, #tpu.memory_space<hbm>>) target_semaphore(%arg19 : memref<!tpu.dma_semaphore, #tpu.memory_space<semaphore_mem>>)
      %add3A_442 = arith.constant 100 : i32
      %add3A_443 = arith.addi %add3A_442, %scan3A_278 : i32
      %dma_wait3A_444 = arith.constant 0 : i32
      %dma_wait3A_445 = arith.constant 0 : i32
      %dma_wait3A_446 = arith.constant 0 : i32
      %dma_wait3A_447 = tpu.memref_slice %arg6[%dma_wait3A_444, %dma_wait3A_445, %dma_wait3A_446] : memref<100x4x128xi32, #tpu.memory_space<vmem>> -> memref<1x1x128xi32, #tpu.memory_space<vmem>>
      %dma_wait3A_448 = tpu.memref_squeeze %dma_wait3A_447 : memref<1x1x128xi32, #tpu.memory_space<vmem>> -> memref<128xi32, #tpu.memory_space<vmem>>
      %dma_wait3A_449 = arith.constant 0 : i32
      %dma_wait3A_450 = arith.constant 0 : i32
      %dma_wait3A_451 = tpu.memref_slice %arg3[%dma_wait3A_449, %dma_wait3A_450] : memref<100000x32xf32, #tpu.memory_space<hbm>> -> memref<100000x32xf32, #tpu.memory_space<hbm>>
      tpu.wait_indirect_dma semaphore(%arg16 : memref<!tpu.dma_semaphore, #tpu.memory_space<semaphore_mem>>) src(%dma_wait3A_451 : memref<100000x32xf32, #tpu.memory_space<hbm>>) dst(%arg9 : memref<128x32xf32, #tpu.memory_space<vmem>>)
      %add3A_452 = arith.constant 1 : i32
      %add3A_453 = arith.addi %scan3A_278, %add3A_452 : i32
      %lt3A_454 = arith.constant 100 : i32
      %lt3A_455 = arith.cmpi slt, %add3A_453, %lt3A_454 : i32
      %convert_element_type3A_456 = arith.extui %lt3A_455 : i1 to i32
      %cond3A_457 = arith.constant 0 : i32
      %cond3A_458 = arith.cmpi ne, %convert_element_type3A_456, %cond3A_457 : i32
      scf.if %cond3A_458 {
        %dma_start3A_610 = arith.constant 1 : i32
        %dma_start3A_611 = arith.constant 0 : i32
        %dma_start3A_612 = tpu.memref_slice %arg6[%add3A_453, %dma_start3A_610, %dma_start3A_611] : memref<100x4x128xi32, #tpu.memory_space<vmem>> -> memref<1x1x128xi32, #tpu.memory_space<vmem>>
        %dma_start3A_613 = tpu.memref_squeeze %dma_start3A_612 : memref<1x1x128xi32, #tpu.memory_space<vmem>> -> memref<128xi32, #tpu.memory_space<vmem>>
        %dma_start3A_614 = arith.constant 0 : i32
        %dma_start3A_615 = arith.constant 0 : i32
        %dma_start3A_616 = tpu.memref_slice %arg3[%dma_start3A_614, %dma_start3A_615] : memref<100000x32xf32, #tpu.memory_space<hbm>> -> memref<100000x32xf32, #tpu.memory_space<hbm>>
        tpu.enqueue_indirect_dma source(%dma_start3A_616 : memref<100000x32xf32, #tpu.memory_space<hbm>>) target(%arg8 : memref<128x32xf32, #tpu.memory_space<vmem>>) offsets(%dma_start3A_613 : memref<128xi32, #tpu.memory_space<vmem>>) semaphore(%arg15 : memref<!tpu.dma_semaphore, #tpu.memory_space<semaphore_mem>>)
      } else {
      }
      %mul3A_459 = arith.constant 4 : i32
      %mul3A_460 = arith.muli %scan3A_278, %mul3A_459 : i32
      %add3A_461 = arith.constant 2 : i32
      %add3A_462 = arith.addi %mul3A_460, %add3A_461 : i32
      %ge3A_463 = arith.constant 2 : i32
      %ge3A_464 = arith.cmpi sge, %add3A_462, %ge3A_463 : i32
      %convert_element_type3A_465 = arith.extui %ge3A_464 : i1 to i32
      %cond3A_466 = arith.constant 0 : i32
      %cond3A_467 = arith.cmpi ne, %convert_element_type3A_465, %cond3A_466 : i32
      scf.if %cond3A_467 {
        %dma_wait3A_610 = arith.constant 0 : i32
        %dma_wait3A_611 = arith.constant 0 : i32
        %dma_wait3A_612 = arith.constant 0 : i32
        %dma_wait3A_613 = tpu.memref_slice %arg11[%dma_wait3A_612] : memref<4096xf32, #tpu.memory_space<vmem>> -> memref<1024xf32, #tpu.memory_space<vmem>>
        %dma_wait3A_614 = arith.constant 0 : i32
        %dma_wait3A_615 = tpu.memref_slice %arg5[%dma_wait3A_610, %dma_wait3A_611, %dma_wait3A_614] : memref<200x4x131072xf32, #tpu.memory_space<hbm>> -> memref<1x1x1024xf32, #tpu.memory_space<hbm>>
        %dma_wait3A_616 = tpu.memref_squeeze %dma_wait3A_615 : memref<1x1x1024xf32, #tpu.memory_space<hbm>> -> memref<1024xf32, #tpu.memory_space<hbm>>
        %dma_wait3A_617 = arith.constant 0 : i32
        %dma_wait3A_618 = tpu.memref_slice %arg5[%dma_wait3A_610, %dma_wait3A_611, %dma_wait3A_617] : memref<200x4x131072xf32, #tpu.memory_space<hbm>> -> memref<1x1x1024xf32, #tpu.memory_space<hbm>>
        %dma_wait3A_619 = tpu.memref_squeeze %dma_wait3A_618 : memref<1x1x1024xf32, #tpu.memory_space<hbm>> -> memref<1024xf32, #tpu.memory_space<hbm>>
        %dma_wait3A_620 = arith.constant 0 : i32
        %dma_wait3A_621 = tpu.memref_slice %arg11[%dma_wait3A_620] : memref<4096xf32, #tpu.memory_space<vmem>> -> memref<1024xf32, #tpu.memory_space<vmem>>
        tpu.wait_dma2 semaphore(%arg18 : memref<!tpu.dma_semaphore, #tpu.memory_space<semaphore_mem>>) src(%dma_wait3A_621 : memref<1024xf32, #tpu.memory_space<vmem>>) dst(%dma_wait3A_619 : memref<1024xf32, #tpu.memory_space<hbm>>)
        %dma_wait3A_622 = arith.constant 0 : i32
        %dma_wait3A_623 = arith.constant 1 : i32
        %dma_wait3A_624 = arith.constant 1024 : i32
        %dma_wait3A_625 = tpu.memref_slice %arg11[%dma_wait3A_624] : memref<4096xf32, #tpu.memory_space<vmem>> -> memref<1024xf32, #tpu.memory_space<vmem>>
        %dma_wait3A_626 = arith.constant 0 : i32
        %dma_wait3A_627 = tpu.memref_slice %arg5[%dma_wait3A_622, %dma_wait3A_623, %dma_wait3A_626] : memref<200x4x131072xf32, #tpu.memory_space<hbm>> -> memref<1x1x1024xf32, #tpu.memory_space<hbm>>
        %dma_wait3A_628 = tpu.memref_squeeze %dma_wait3A_627 : memref<1x1x1024xf32, #tpu.memory_space<hbm>> -> memref<1024xf32, #tpu.memory_space<hbm>>
        %dma_wait3A_629 = arith.constant 0 : i32
        %dma_wait3A_630 = tpu.memref_slice %arg5[%dma_wait3A_622, %dma_wait3A_623, %dma_wait3A_629] : memref<200x4x131072xf32, #tpu.memory_space<hbm>> -> memref<1x1x1024xf32, #tpu.memory_space<hbm>>
        %dma_wait3A_631 = tpu.memref_squeeze %dma_wait3A_630 : memref<1x1x1024xf32, #tpu.memory_space<hbm>> -> memref<1024xf32, #tpu.memory_space<hbm>>
        %dma_wait3A_632 = arith.constant 1024 : i32
        %dma_wait3A_633 = tpu.memref_slice %arg11[%dma_wait3A_632] : memref<4096xf32, #tpu.memory_space<vmem>> -> memref<1024xf32, #tpu.memory_space<vmem>>
        tpu.wait_dma2 semaphore(%arg18 : memref<!tpu.dma_semaphore, #tpu.memory_space<semaphore_mem>>) src(%dma_wait3A_633 : memref<1024xf32, #tpu.memory_space<vmem>>) dst(%dma_wait3A_631 : memref<1024xf32, #tpu.memory_space<hbm>>)
        %dma_wait3A_634 = arith.constant 0 : i32
        %dma_wait3A_635 = arith.constant 2 : i32
        %dma_wait3A_636 = arith.constant 2048 : i32
        %dma_wait3A_637 = tpu.memref_slice %arg11[%dma_wait3A_636] : memref<4096xf32, #tpu.memory_space<vmem>> -> memref<1024xf32, #tpu.memory_space<vmem>>
        %dma_wait3A_638 = arith.constant 0 : i32
        %dma_wait3A_639 = tpu.memref_slice %arg5[%dma_wait3A_634, %dma_wait3A_635, %dma_wait3A_638] : memref<200x4x131072xf32, #tpu.memory_space<hbm>> -> memref<1x1x1024xf32, #tpu.memory_space<hbm>>
        %dma_wait3A_640 = tpu.memref_squeeze %dma_wait3A_639 : memref<1x1x1024xf32, #tpu.memory_space<hbm>> -> memref<1024xf32, #tpu.memory_space<hbm>>
        %dma_wait3A_641 = arith.constant 0 : i32
        %dma_wait3A_642 = tpu.memref_slice %arg5[%dma_wait3A_634, %dma_wait3A_635, %dma_wait3A_641] : memref<200x4x131072xf32, #tpu.memory_space<hbm>> -> memref<1x1x1024xf32, #tpu.memory_space<hbm>>
        %dma_wait3A_643 = tpu.memref_squeeze %dma_wait3A_642 : memref<1x1x1024xf32, #tpu.memory_space<hbm>> -> memref<1024xf32, #tpu.memory_space<hbm>>
        %dma_wait3A_644 = arith.constant 2048 : i32
        %dma_wait3A_645 = tpu.memref_slice %arg11[%dma_wait3A_644] : memref<4096xf32, #tpu.memory_space<vmem>> -> memref<1024xf32, #tpu.memory_space<vmem>>
        tpu.wait_dma2 semaphore(%arg18 : memref<!tpu.dma_semaphore, #tpu.memory_space<semaphore_mem>>) src(%dma_wait3A_645 : memref<1024xf32, #tpu.memory_space<vmem>>) dst(%dma_wait3A_643 : memref<1024xf32, #tpu.memory_space<hbm>>)
        %dma_wait3A_646 = arith.constant 0 : i32
        %dma_wait3A_647 = arith.constant 3 : i32
        %dma_wait3A_648 = arith.constant 3072 : i32
        %dma_wait3A_649 = tpu.memref_slice %arg11[%dma_wait3A_648] : memref<4096xf32, #tpu.memory_space<vmem>> -> memref<1024xf32, #tpu.memory_space<vmem>>
        %dma_wait3A_650 = arith.constant 0 : i32
        %dma_wait3A_651 = tpu.memref_slice %arg5[%dma_wait3A_646, %dma_wait3A_647, %dma_wait3A_650] : memref<200x4x131072xf32, #tpu.memory_space<hbm>> -> memref<1x1x1024xf32, #tpu.memory_space<hbm>>
        %dma_wait3A_652 = tpu.memref_squeeze %dma_wait3A_651 : memref<1x1x1024xf32, #tpu.memory_space<hbm>> -> memref<1024xf32, #tpu.memory_space<hbm>>
        %dma_wait3A_653 = arith.constant 0 : i32
        %dma_wait3A_654 = tpu.memref_slice %arg5[%dma_wait3A_646, %dma_wait3A_647, %dma_wait3A_653] : memref<200x4x131072xf32, #tpu.memory_space<hbm>> -> memref<1x1x1024xf32, #tpu.memory_space<hbm>>
        %dma_wait3A_655 = tpu.memref_squeeze %dma_wait3A_654 : memref<1x1x1024xf32, #tpu.memory_space<hbm>> -> memref<1024xf32, #tpu.memory_space<hbm>>
        %dma_wait3A_656 = arith.constant 3072 : i32
        %dma_wait3A_657 = tpu.memref_slice %arg11[%dma_wait3A_656] : memref<4096xf32, #tpu.memory_space<vmem>> -> memref<1024xf32, #tpu.memory_space<vmem>>
        tpu.wait_dma2 semaphore(%arg18 : memref<!tpu.dma_semaphore, #tpu.memory_space<semaphore_mem>>) src(%dma_wait3A_657 : memref<1024xf32, #tpu.memory_space<vmem>>) dst(%dma_wait3A_655 : memref<1024xf32, #tpu.memory_space<hbm>>)
      } else {
      }
      %get3A_468 = arith.index_cast %add3A_443 : i32 to index
      %get3A_469 = arith.constant 0 : index
      %get3A_470 = tpu.vector_load %arg13[%get3A_468, %get3A_469] {strides = array<i32>} : memref<200x32xf32, #tpu.memory_space<vmem>>, vector<16xf32>,
      %get3A_471 = arith.index_cast %add3A_443 : i32 to index
      %get3A_472 = arith.constant 16 : index
      %get3A_473 = tpu.vector_load %arg13[%get3A_471, %get3A_472] {strides = array<i32>} : memref<200x32xf32, #tpu.memory_space<vmem>>, vector<16xf32>,
      %scan3A_474 = arith.constant 0 : i32
      %scan3A_475 = arith.constant 0 : i32
      %scan3A_476 = arith.constant 128 : i32
      %scan3A_477 = arith.addi %scan3A_475, %scan3A_476 : i32
      %scan3A_478 = arith.constant 8 : i32
      scf.for %scan3A_610 = %scan3A_475 to %scan3A_477 step %scan3A_478  : i32 {
        %get3A_611 = arith.index_cast %scan3A_610 : i32 to index
        %get3A_612 = arith.constant 0 : index
        %get3A_613 = tpu.vector_load %arg9[%get3A_611, %get3A_612] {strides = array<i32>} : memref<128x32xf32, #tpu.memory_space<vmem>>, vector<16xf32>,
        %add3A_614 = arith.addf %get3A_613, %get3A_470 : vector<16xf32>
        %add3A_615 = vector.broadcast %scan3A_610 : i32 to vector<16xi32>
        %add3A_616 = arith.addi %add3A_12, %add3A_615 : vector<16xi32>
        tpu.vector_store_idx %arg11[%add3A_616], %add3A_614 : memref<4096xf32, #tpu.memory_space<vmem>>[vector<16xi32>], vector<16xf32>,
        %get3A_617 = arith.index_cast %scan3A_610 : i32 to index
        %get3A_618 = arith.constant 16 : index
        %get3A_619 = tpu.vector_load %arg9[%get3A_617, %get3A_618] {strides = array<i32>} : memref<128x32xf32, #tpu.memory_space<vmem>>, vector<16xf32>,
        %add3A_620 = arith.addf %get3A_619, %get3A_473 : vector<16xf32>
        %add3A_621 = vector.broadcast %scan3A_610 : i32 to vector<16xi32>
        %add3A_622 = arith.addi %add3A_28, %add3A_621 : vector<16xi32>
        tpu.vector_store_idx %arg11[%add3A_622], %add3A_620 : memref<4096xf32, #tpu.memory_space<vmem>>[vector<16xi32>], vector<16xf32>,
        %scan3A_623 = arith.constant 1 : i32
        %scan3A_624 = arith.addi %scan3A_610, %scan3A_623 : i32
        %get3A_625 = arith.index_cast %scan3A_624 : i32 to index
        %get3A_626 = arith.constant 0 : index
        %get3A_627 = tpu.vector_load %arg9[%get3A_625, %get3A_626] {strides = array<i32>} : memref<128x32xf32, #tpu.memory_space<vmem>>, vector<16xf32>,
        %add3A_628 = arith.addf %get3A_627, %get3A_470 : vector<16xf32>
        %add3A_629 = vector.broadcast %scan3A_624 : i32 to vector<16xi32>
        %add3A_630 = arith.addi %add3A_12, %add3A_629 : vector<16xi32>
        tpu.vector_store_idx %arg11[%add3A_630], %add3A_628 : memref<4096xf32, #tpu.memory_space<vmem>>[vector<16xi32>], vector<16xf32>,
        %get3A_631 = arith.index_cast %scan3A_624 : i32 to index
        %get3A_632 = arith.constant 16 : index
        %get3A_633 = tpu.vector_load %arg9[%get3A_631, %get3A_632] {strides = array<i32>} : memref<128x32xf32, #tpu.memory_space<vmem>>, vector<16xf32>,
        %add3A_634 = arith.addf %get3A_633, %get3A_473 : vector<16xf32>
        %add3A_635 = vector.broadcast %scan3A_624 : i32 to vector<16xi32>
        %add3A_636 = arith.addi %add3A_28, %add3A_635 : vector<16xi32>
        tpu.vector_store_idx %arg11[%add3A_636], %add3A_634 : memref<4096xf32, #tpu.memory_space<vmem>>[vector<16xi32>], vector<16xf32>,
        %scan3A_637 = arith.constant 2 : i32
        %scan3A_638 = arith.addi %scan3A_610, %scan3A_637 : i32
        %get3A_639 = arith.index_cast %scan3A_638 : i32 to index
        %get3A_640 = arith.constant 0 : index
        %get3A_641 = tpu.vector_load %arg9[%get3A_639, %get3A_640] {strides = array<i32>} : memref<128x32xf32, #tpu.memory_space<vmem>>, vector<16xf32>,
        %add3A_642 = arith.addf %get3A_641, %get3A_470 : vector<16xf32>
        %add3A_643 = vector.broadcast %scan3A_638 : i32 to vector<16xi32>
        %add3A_644 = arith.addi %add3A_12, %add3A_643 : vector<16xi32>
        tpu.vector_store_idx %arg11[%add3A_644], %add3A_642 : memref<4096xf32, #tpu.memory_space<vmem>>[vector<16xi32>], vector<16xf32>,
        %get3A_645 = arith.index_cast %scan3A_638 : i32 to index
        %get3A_646 = arith.constant 16 : index
        %get3A_647 = tpu.vector_load %arg9[%get3A_645, %get3A_646] {strides = array<i32>} : memref<128x32xf32, #tpu.memory_space<vmem>>, vector<16xf32>,
        %add3A_648 = arith.addf %get3A_647, %get3A_473 : vector<16xf32>
        %add3A_649 = vector.broadcast %scan3A_638 : i32 to vector<16xi32>
        %add3A_650 = arith.addi %add3A_28, %add3A_649 : vector<16xi32>
        tpu.vector_store_idx %arg11[%add3A_650], %add3A_648 : memref<4096xf32, #tpu.memory_space<vmem>>[vector<16xi32>], vector<16xf32>,
        %scan3A_651 = arith.constant 3 : i32
        %scan3A_652 = arith.addi %scan3A_610, %scan3A_651 : i32
        %get3A_653 = arith.index_cast %scan3A_652 : i32 to index
        %get3A_654 = arith.constant 0 : index
        %get3A_655 = tpu.vector_load %arg9[%get3A_653, %get3A_654] {strides = array<i32>} : memref<128x32xf32, #tpu.memory_space<vmem>>, vector<16xf32>,
        %add3A_656 = arith.addf %get3A_655, %get3A_470 : vector<16xf32>
        %add3A_657 = vector.broadcast %scan3A_652 : i32 to vector<16xi32>
        %add3A_658 = arith.addi %add3A_12, %add3A_657 : vector<16xi32>
        tpu.vector_store_idx %arg11[%add3A_658], %add3A_656 : memref<4096xf32, #tpu.memory_space<vmem>>[vector<16xi32>], vector<16xf32>,
        %get3A_659 = arith.index_cast %scan3A_652 : i32 to index
        %get3A_660 = arith.constant 16 : index
        %get3A_661 = tpu.vector_load %arg9[%get3A_659, %get3A_660] {strides = array<i32>} : memref<128x32xf32, #tpu.memory_space<vmem>>, vector<16xf32>,
        %add3A_662 = arith.addf %get3A_661, %get3A_473 : vector<16xf32>
        %add3A_663 = vector.broadcast %scan3A_652 : i32 to vector<16xi32>
        %add3A_664 = arith.addi %add3A_28, %add3A_663 : vector<16xi32>
        tpu.vector_store_idx %arg11[%add3A_664], %add3A_662 : memref<4096xf32, #tpu.memory_space<vmem>>[vector<16xi32>], vector<16xf32>,
        %scan3A_665 = arith.constant 4 : i32
        %scan3A_666 = arith.addi %scan3A_610, %scan3A_665 : i32
        %get3A_667 = arith.index_cast %scan3A_666 : i32 to index
        %get3A_668 = arith.constant 0 : index
        %get3A_669 = tpu.vector_load %arg9[%get3A_667, %get3A_668] {strides = array<i32>} : memref<128x32xf32, #tpu.memory_space<vmem>>, vector<16xf32>,
        %add3A_670 = arith.addf %get3A_669, %get3A_470 : vector<16xf32>
        %add3A_671 = vector.broadcast %scan3A_666 : i32 to vector<16xi32>
        %add3A_672 = arith.addi %add3A_12, %add3A_671 : vector<16xi32>
        tpu.vector_store_idx %arg11[%add3A_672], %add3A_670 : memref<4096xf32, #tpu.memory_space<vmem>>[vector<16xi32>], vector<16xf32>,
        %get3A_673 = arith.index_cast %scan3A_666 : i32 to index
        %get3A_674 = arith.constant 16 : index
        %get3A_675 = tpu.vector_load %arg9[%get3A_673, %get3A_674] {strides = array<i32>} : memref<128x32xf32, #tpu.memory_space<vmem>>, vector<16xf32>,
        %add3A_676 = arith.addf %get3A_675, %get3A_473 : vector<16xf32>
        %add3A_677 = vector.broadcast %scan3A_666 : i32 to vector<16xi32>
        %add3A_678 = arith.addi %add3A_28, %add3A_677 : vector<16xi32>
        tpu.vector_store_idx %arg11[%add3A_678], %add3A_676 : memref<4096xf32, #tpu.memory_space<vmem>>[vector<16xi32>], vector<16xf32>,
        %scan3A_679 = arith.constant 5 : i32
        %scan3A_680 = arith.addi %scan3A_610, %scan3A_679 : i32
        %get3A_681 = arith.index_cast %scan3A_680 : i32 to index
        %get3A_682 = arith.constant 0 : index
        %get3A_683 = tpu.vector_load %arg9[%get3A_681, %get3A_682] {strides = array<i32>} : memref<128x32xf32, #tpu.memory_space<vmem>>, vector<16xf32>,
        %add3A_684 = arith.addf %get3A_683, %get3A_470 : vector<16xf32>
        %add3A_685 = vector.broadcast %scan3A_680 : i32 to vector<16xi32>
        %add3A_686 = arith.addi %add3A_12, %add3A_685 : vector<16xi32>
        tpu.vector_store_idx %arg11[%add3A_686], %add3A_684 : memref<4096xf32, #tpu.memory_space<vmem>>[vector<16xi32>], vector<16xf32>,
        %get3A_687 = arith.index_cast %scan3A_680 : i32 to index
        %get3A_688 = arith.constant 16 : index
        %get3A_689 = tpu.vector_load %arg9[%get3A_687, %get3A_688] {strides = array<i32>} : memref<128x32xf32, #tpu.memory_space<vmem>>, vector<16xf32>,
        %add3A_690 = arith.addf %get3A_689, %get3A_473 : vector<16xf32>
        %add3A_691 = vector.broadcast %scan3A_680 : i32 to vector<16xi32>
        %add3A_692 = arith.addi %add3A_28, %add3A_691 : vector<16xi32>
        tpu.vector_store_idx %arg11[%add3A_692], %add3A_690 : memref<4096xf32, #tpu.memory_space<vmem>>[vector<16xi32>], vector<16xf32>,
        %scan3A_693 = arith.constant 6 : i32
        %scan3A_694 = arith.addi %scan3A_610, %scan3A_693 : i32
        %get3A_695 = arith.index_cast %scan3A_694 : i32 to index
        %get3A_696 = arith.constant 0 : index
        %get3A_697 = tpu.vector_load %arg9[%get3A_695, %get3A_696] {strides = array<i32>} : memref<128x32xf32, #tpu.memory_space<vmem>>, vector<16xf32>,
        %add3A_698 = arith.addf %get3A_697, %get3A_470 : vector<16xf32>
        %add3A_699 = vector.broadcast %scan3A_694 : i32 to vector<16xi32>
        %add3A_700 = arith.addi %add3A_12, %add3A_699 : vector<16xi32>
        tpu.vector_store_idx %arg11[%add3A_700], %add3A_698 : memref<4096xf32, #tpu.memory_space<vmem>>[vector<16xi32>], vector<16xf32>,
        %get3A_701 = arith.index_cast %scan3A_694 : i32 to index
        %get3A_702 = arith.constant 16 : index
        %get3A_703 = tpu.vector_load %arg9[%get3A_701, %get3A_702] {strides = array<i32>} : memref<128x32xf32, #tpu.memory_space<vmem>>, vector<16xf32>,
        %add3A_704 = arith.addf %get3A_703, %get3A_473 : vector<16xf32>
        %add3A_705 = vector.broadcast %scan3A_694 : i32 to vector<16xi32>
        %add3A_706 = arith.addi %add3A_28, %add3A_705 : vector<16xi32>
        tpu.vector_store_idx %arg11[%add3A_706], %add3A_704 : memref<4096xf32, #tpu.memory_space<vmem>>[vector<16xi32>], vector<16xf32>,
        %scan3A_707 = arith.constant 7 : i32
        %scan3A_708 = arith.addi %scan3A_610, %scan3A_707 : i32
        %get3A_709 = arith.index_cast %scan3A_708 : i32 to index
        %get3A_710 = arith.constant 0 : index
        %get3A_711 = tpu.vector_load %arg9[%get3A_709, %get3A_710] {strides = array<i32>} : memref<128x32xf32, #tpu.memory_space<vmem>>, vector<16xf32>,
        %add3A_712 = arith.addf %get3A_711, %get3A_470 : vector<16xf32>
        %add3A_713 = vector.broadcast %scan3A_708 : i32 to vector<16xi32>
        %add3A_714 = arith.addi %add3A_12, %add3A_713 : vector<16xi32>
        tpu.vector_store_idx %arg11[%add3A_714], %add3A_712 : memref<4096xf32, #tpu.memory_space<vmem>>[vector<16xi32>], vector<16xf32>,
        %get3A_715 = arith.index_cast %scan3A_708 : i32 to index
        %get3A_716 = arith.constant 16 : index
        %get3A_717 = tpu.vector_load %arg9[%get3A_715, %get3A_716] {strides = array<i32>} : memref<128x32xf32, #tpu.memory_space<vmem>>, vector<16xf32>,
        %add3A_718 = arith.addf %get3A_717, %get3A_473 : vector<16xf32>
        %add3A_719 = vector.broadcast %scan3A_708 : i32 to vector<16xi32>
        %add3A_720 = arith.addi %add3A_28, %add3A_719 : vector<16xi32>
        tpu.vector_store_idx %arg11[%add3A_720], %add3A_718 : memref<4096xf32, #tpu.memory_space<vmem>>[vector<16xi32>], vector<16xf32>,
      }
      %scan3A_479 = arith.constant 128 : i32
      %add3A_480 = arith.constant 2 : i32
      %add3A_481 = arith.addi %mul3A_2, %add3A_480 : i32
      %mul3A_482 = arith.constant 1024 : i32
      %mul3A_483 = arith.muli %add3A_481, %mul3A_482 : i32
      %dma_start3A_484 = arith.constant 0 : i32
      %dma_start3A_485 = arith.constant 0 : i32
      %dma_start3A_486 = tpu.memref_slice %arg11[%dma_start3A_485] : memref<4096xf32, #tpu.memory_space<vmem>> -> memref<1024xf32, #tpu.memory_space<vmem>>
      %dma_start3A_487 = tpu.memref_slice %arg5[%add3A_443, %dma_start3A_484, %mul3A_483] : memref<200x4x131072xf32, #tpu.memory_space<hbm>> -> memref<1x1x1024xf32, #tpu.memory_space<hbm>>
      %dma_start3A_488 = tpu.memref_squeeze %dma_start3A_487 : memref<1x1x1024xf32, #tpu.memory_space<hbm>> -> memref<1024xf32, #tpu.memory_space<hbm>>
      %dma_start3A_489 = tpu.memref_slice %arg5[%add3A_443, %dma_start3A_484, %mul3A_483] : memref<200x4x131072xf32, #tpu.memory_space<hbm>> -> memref<1x1x1024xf32, #tpu.memory_space<hbm>>
      %dma_start3A_490 = tpu.memref_squeeze %dma_start3A_489 : memref<1x1x1024xf32, #tpu.memory_space<hbm>> -> memref<1024xf32, #tpu.memory_space<hbm>>
      %dma_start3A_491 = arith.constant 0 : i32
      %dma_start3A_492 = tpu.memref_slice %arg11[%dma_start3A_491] : memref<4096xf32, #tpu.memory_space<vmem>> -> memref<1024xf32, #tpu.memory_space<vmem>>
      tpu.enqueue_dma source(%dma_start3A_492 : memref<1024xf32, #tpu.memory_space<vmem>>) target(%dma_start3A_490 : memref<1024xf32, #tpu.memory_space<hbm>>) target_semaphore(%arg18 : memref<!tpu.dma_semaphore, #tpu.memory_space<semaphore_mem>>)
      %mul3A_493 = arith.constant 1024 : i32
      %mul3A_494 = arith.muli %add3A_481, %mul3A_493 : i32
      %dma_start3A_495 = arith.constant 1 : i32
      %dma_start3A_496 = arith.constant 1024 : i32
      %dma_start3A_497 = tpu.memref_slice %arg11[%dma_start3A_496] : memref<4096xf32, #tpu.memory_space<vmem>> -> memref<1024xf32, #tpu.memory_space<vmem>>
      %dma_start3A_498 = tpu.memref_slice %arg5[%add3A_443, %dma_start3A_495, %mul3A_494] : memref<200x4x131072xf32, #tpu.memory_space<hbm>> -> memref<1x1x1024xf32, #tpu.memory_space<hbm>>
      %dma_start3A_499 = tpu.memref_squeeze %dma_start3A_498 : memref<1x1x1024xf32, #tpu.memory_space<hbm>> -> memref<1024xf32, #tpu.memory_space<hbm>>
      %dma_start3A_500 = tpu.memref_slice %arg5[%add3A_443, %dma_start3A_495, %mul3A_494] : memref<200x4x131072xf32, #tpu.memory_space<hbm>> -> memref<1x1x1024xf32, #tpu.memory_space<hbm>>
      %dma_start3A_501 = tpu.memref_squeeze %dma_start3A_500 : memref<1x1x1024xf32, #tpu.memory_space<hbm>> -> memref<1024xf32, #tpu.memory_space<hbm>>
      %dma_start3A_502 = arith.constant 1024 : i32
      %dma_start3A_503 = tpu.memref_slice %arg11[%dma_start3A_502] : memref<4096xf32, #tpu.memory_space<vmem>> -> memref<1024xf32, #tpu.memory_space<vmem>>
      tpu.enqueue_dma source(%dma_start3A_503 : memref<1024xf32, #tpu.memory_space<vmem>>) target(%dma_start3A_501 : memref<1024xf32, #tpu.memory_space<hbm>>) target_semaphore(%arg18 : memref<!tpu.dma_semaphore, #tpu.memory_space<semaphore_mem>>)
      %mul3A_504 = arith.constant 1024 : i32
      %mul3A_505 = arith.muli %add3A_481, %mul3A_504 : i32
      %dma_start3A_506 = arith.constant 2 : i32
      %dma_start3A_507 = arith.constant 2048 : i32
      %dma_start3A_508 = tpu.memref_slice %arg11[%dma_start3A_507] : memref<4096xf32, #tpu.memory_space<vmem>> -> memref<1024xf32, #tpu.memory_space<vmem>>
      %dma_start3A_509 = tpu.memref_slice %arg5[%add3A_443, %dma_start3A_506, %mul3A_505] : memref<200x4x131072xf32, #tpu.memory_space<hbm>> -> memref<1x1x1024xf32, #tpu.memory_space<hbm>>
      %dma_start3A_510 = tpu.memref_squeeze %dma_start3A_509 : memref<1x1x1024xf32, #tpu.memory_space<hbm>> -> memref<1024xf32, #tpu.memory_space<hbm>>
      %dma_start3A_511 = tpu.memref_slice %arg5[%add3A_443, %dma_start3A_506, %mul3A_505] : memref<200x4x131072xf32, #tpu.memory_space<hbm>> -> memref<1x1x1024xf32, #tpu.memory_space<hbm>>
      %dma_start3A_512 = tpu.memref_squeeze %dma_start3A_511 : memref<1x1x1024xf32, #tpu.memory_space<hbm>> -> memref<1024xf32, #tpu.memory_space<hbm>>
      %dma_start3A_513 = arith.constant 2048 : i32
      %dma_start3A_514 = tpu.memref_slice %arg11[%dma_start3A_513] : memref<4096xf32, #tpu.memory_space<vmem>> -> memref<1024xf32, #tpu.memory_space<vmem>>
      tpu.enqueue_dma source(%dma_start3A_514 : memref<1024xf32, #tpu.memory_space<vmem>>) target(%dma_start3A_512 : memref<1024xf32, #tpu.memory_space<hbm>>) target_semaphore(%arg18 : memref<!tpu.dma_semaphore, #tpu.memory_space<semaphore_mem>>)
      %mul3A_515 = arith.constant 1024 : i32
      %mul3A_516 = arith.muli %add3A_481, %mul3A_515 : i32
      %dma_start3A_517 = arith.constant 3 : i32
      %dma_start3A_518 = arith.constant 3072 : i32
      %dma_start3A_519 = tpu.memref_slice %arg11[%dma_start3A_518] : memref<4096xf32, #tpu.memory_space<vmem>> -> memref<1024xf32, #tpu.memory_space<vmem>>
      %dma_start3A_520 = tpu.memref_slice %arg5[%add3A_443, %dma_start3A_517, %mul3A_516] : memref<200x4x131072xf32, #tpu.memory_space<hbm>> -> memref<1x1x1024xf32, #tpu.memory_space<hbm>>
      %dma_start3A_521 = tpu.memref_squeeze %dma_start3A_520 : memref<1x1x1024xf32, #tpu.memory_space<hbm>> -> memref<1024xf32, #tpu.memory_space<hbm>>
      %dma_start3A_522 = tpu.memref_slice %arg5[%add3A_443, %dma_start3A_517, %mul3A_516] : memref<200x4x131072xf32, #tpu.memory_space<hbm>> -> memref<1x1x1024xf32, #tpu.memory_space<hbm>>
      %dma_start3A_523 = tpu.memref_squeeze %dma_start3A_522 : memref<1x1x1024xf32, #tpu.memory_space<hbm>> -> memref<1024xf32, #tpu.memory_space<hbm>>
      %dma_start3A_524 = arith.constant 3072 : i32
      %dma_start3A_525 = tpu.memref_slice %arg11[%dma_start3A_524] : memref<4096xf32, #tpu.memory_space<vmem>> -> memref<1024xf32, #tpu.memory_space<vmem>>
      tpu.enqueue_dma source(%dma_start3A_525 : memref<1024xf32, #tpu.memory_space<vmem>>) target(%dma_start3A_523 : memref<1024xf32, #tpu.memory_space<hbm>>) target_semaphore(%arg18 : memref<!tpu.dma_semaphore, #tpu.memory_space<semaphore_mem>>)
      %add3A_526 = arith.constant 100 : i32
      %add3A_527 = arith.addi %add3A_526, %scan3A_278 : i32
      %dma_wait3A_528 = arith.constant 0 : i32
      %dma_wait3A_529 = arith.constant 0 : i32
      %dma_wait3A_530 = arith.constant 0 : i32
      %dma_wait3A_531 = tpu.memref_slice %arg6[%dma_wait3A_528, %dma_wait3A_529, %dma_wait3A_530] : memref<100x4x128xi32, #tpu.memory_space<vmem>> -> memref<1x1x128xi32, #tpu.memory_space<vmem>>
      %dma_wait3A_532 = tpu.memref_squeeze %dma_wait3A_531 : memref<1x1x128xi32, #tpu.memory_space<vmem>> -> memref<128xi32, #tpu.memory_space<vmem>>
      %dma_wait3A_533 = arith.constant 0 : i32
      %dma_wait3A_534 = arith.constant 0 : i32
      %dma_wait3A_535 = tpu.memref_slice %arg3[%dma_wait3A_533, %dma_wait3A_534] : memref<100000x32xf32, #tpu.memory_space<hbm>> -> memref<100000x32xf32, #tpu.memory_space<hbm>>
      tpu.wait_indirect_dma semaphore(%arg17 : memref<!tpu.dma_semaphore, #tpu.memory_space<semaphore_mem>>) src(%dma_wait3A_535 : memref<100000x32xf32, #tpu.memory_space<hbm>>) dst(%arg10 : memref<128x32xf32, #tpu.memory_space<vmem>>)
      %add3A_536 = arith.constant 1 : i32
      %add3A_537 = arith.addi %scan3A_278, %add3A_536 : i32
      %lt3A_538 = arith.constant 100 : i32
      %lt3A_539 = arith.cmpi slt, %add3A_537, %lt3A_538 : i32
      %convert_element_type3A_540 = arith.extui %lt3A_539 : i1 to i32
      %cond3A_541 = arith.constant 0 : i32
      %cond3A_542 = arith.cmpi ne, %convert_element_type3A_540, %cond3A_541 : i32
      scf.if %cond3A_542 {
        %dma_start3A_610 = arith.constant 2 : i32
        %dma_start3A_611 = arith.constant 0 : i32
        %dma_start3A_612 = tpu.memref_slice %arg6[%add3A_537, %dma_start3A_610, %dma_start3A_611] : memref<100x4x128xi32, #tpu.memory_space<vmem>> -> memref<1x1x128xi32, #tpu.memory_space<vmem>>
        %dma_start3A_613 = tpu.memref_squeeze %dma_start3A_612 : memref<1x1x128xi32, #tpu.memory_space<vmem>> -> memref<128xi32, #tpu.memory_space<vmem>>
        %dma_start3A_614 = arith.constant 0 : i32
        %dma_start3A_615 = arith.constant 0 : i32
        %dma_start3A_616 = tpu.memref_slice %arg3[%dma_start3A_614, %dma_start3A_615] : memref<100000x32xf32, #tpu.memory_space<hbm>> -> memref<100000x32xf32, #tpu.memory_space<hbm>>
        tpu.enqueue_indirect_dma source(%dma_start3A_616 : memref<100000x32xf32, #tpu.memory_space<hbm>>) target(%arg9 : memref<128x32xf32, #tpu.memory_space<vmem>>) offsets(%dma_start3A_613 : memref<128xi32, #tpu.memory_space<vmem>>) semaphore(%arg16 : memref<!tpu.dma_semaphore, #tpu.memory_space<semaphore_mem>>)
      } else {
      }
      %mul3A_543 = arith.constant 4 : i32
      %mul3A_544 = arith.muli %scan3A_278, %mul3A_543 : i32
      %add3A_545 = arith.constant 3 : i32
      %add3A_546 = arith.addi %mul3A_544, %add3A_545 : i32
      %ge3A_547 = arith.constant 2 : i32
      %ge3A_548 = arith.cmpi sge, %add3A_546, %ge3A_547 : i32
      %convert_element_type3A_549 = arith.extui %ge3A_548 : i1 to i32
      %cond3A_550 = arith.constant 0 : i32
      %cond3A_551 = arith.cmpi ne, %convert_element_type3A_549, %cond3A_550 : i32
      scf.if %cond3A_551 {
        %dma_wait3A_610 = arith.constant 0 : i32
        %dma_wait3A_611 = arith.constant 0 : i32
        %dma_wait3A_612 = arith.constant 0 : i32
        %dma_wait3A_613 = tpu.memref_slice %arg12[%dma_wait3A_612] : memref<4096xf32, #tpu.memory_space<vmem>> -> memref<1024xf32, #tpu.memory_space<vmem>>
        %dma_wait3A_614 = arith.constant 0 : i32
        %dma_wait3A_615 = tpu.memref_slice %arg5[%dma_wait3A_610, %dma_wait3A_611, %dma_wait3A_614] : memref<200x4x131072xf32, #tpu.memory_space<hbm>> -> memref<1x1x1024xf32, #tpu.memory_space<hbm>>
        %dma_wait3A_616 = tpu.memref_squeeze %dma_wait3A_615 : memref<1x1x1024xf32, #tpu.memory_space<hbm>> -> memref<1024xf32, #tpu.memory_space<hbm>>
        %dma_wait3A_617 = arith.constant 0 : i32
        %dma_wait3A_618 = tpu.memref_slice %arg5[%dma_wait3A_610, %dma_wait3A_611, %dma_wait3A_617] : memref<200x4x131072xf32, #tpu.memory_space<hbm>> -> memref<1x1x1024xf32, #tpu.memory_space<hbm>>
        %dma_wait3A_619 = tpu.memref_squeeze %dma_wait3A_618 : memref<1x1x1024xf32, #tpu.memory_space<hbm>> -> memref<1024xf32, #tpu.memory_space<hbm>>
        %dma_wait3A_620 = arith.constant 0 : i32
        %dma_wait3A_621 = tpu.memref_slice %arg12[%dma_wait3A_620] : memref<4096xf32, #tpu.memory_space<vmem>> -> memref<1024xf32, #tpu.memory_space<vmem>>
        tpu.wait_dma2 semaphore(%arg19 : memref<!tpu.dma_semaphore, #tpu.memory_space<semaphore_mem>>) src(%dma_wait3A_621 : memref<1024xf32, #tpu.memory_space<vmem>>) dst(%dma_wait3A_619 : memref<1024xf32, #tpu.memory_space<hbm>>)
        %dma_wait3A_622 = arith.constant 0 : i32
        %dma_wait3A_623 = arith.constant 1 : i32
        %dma_wait3A_624 = arith.constant 1024 : i32
        %dma_wait3A_625 = tpu.memref_slice %arg12[%dma_wait3A_624] : memref<4096xf32, #tpu.memory_space<vmem>> -> memref<1024xf32, #tpu.memory_space<vmem>>
        %dma_wait3A_626 = arith.constant 0 : i32
        %dma_wait3A_627 = tpu.memref_slice %arg5[%dma_wait3A_622, %dma_wait3A_623, %dma_wait3A_626] : memref<200x4x131072xf32, #tpu.memory_space<hbm>> -> memref<1x1x1024xf32, #tpu.memory_space<hbm>>
        %dma_wait3A_628 = tpu.memref_squeeze %dma_wait3A_627 : memref<1x1x1024xf32, #tpu.memory_space<hbm>> -> memref<1024xf32, #tpu.memory_space<hbm>>
        %dma_wait3A_629 = arith.constant 0 : i32
        %dma_wait3A_630 = tpu.memref_slice %arg5[%dma_wait3A_622, %dma_wait3A_623, %dma_wait3A_629] : memref<200x4x131072xf32, #tpu.memory_space<hbm>> -> memref<1x1x1024xf32, #tpu.memory_space<hbm>>
        %dma_wait3A_631 = tpu.memref_squeeze %dma_wait3A_630 : memref<1x1x1024xf32, #tpu.memory_space<hbm>> -> memref<1024xf32, #tpu.memory_space<hbm>>
        %dma_wait3A_632 = arith.constant 1024 : i32
        %dma_wait3A_633 = tpu.memref_slice %arg12[%dma_wait3A_632] : memref<4096xf32, #tpu.memory_space<vmem>> -> memref<1024xf32, #tpu.memory_space<vmem>>
        tpu.wait_dma2 semaphore(%arg19 : memref<!tpu.dma_semaphore, #tpu.memory_space<semaphore_mem>>) src(%dma_wait3A_633 : memref<1024xf32, #tpu.memory_space<vmem>>) dst(%dma_wait3A_631 : memref<1024xf32, #tpu.memory_space<hbm>>)
        %dma_wait3A_634 = arith.constant 0 : i32
        %dma_wait3A_635 = arith.constant 2 : i32
        %dma_wait3A_636 = arith.constant 2048 : i32
        %dma_wait3A_637 = tpu.memref_slice %arg12[%dma_wait3A_636] : memref<4096xf32, #tpu.memory_space<vmem>> -> memref<1024xf32, #tpu.memory_space<vmem>>
        %dma_wait3A_638 = arith.constant 0 : i32
        %dma_wait3A_639 = tpu.memref_slice %arg5[%dma_wait3A_634, %dma_wait3A_635, %dma_wait3A_638] : memref<200x4x131072xf32, #tpu.memory_space<hbm>> -> memref<1x1x1024xf32, #tpu.memory_space<hbm>>
        %dma_wait3A_640 = tpu.memref_squeeze %dma_wait3A_639 : memref<1x1x1024xf32, #tpu.memory_space<hbm>> -> memref<1024xf32, #tpu.memory_space<hbm>>
        %dma_wait3A_641 = arith.constant 0 : i32
        %dma_wait3A_642 = tpu.memref_slice %arg5[%dma_wait3A_634, %dma_wait3A_635, %dma_wait3A_641] : memref<200x4x131072xf32, #tpu.memory_space<hbm>> -> memref<1x1x1024xf32, #tpu.memory_space<hbm>>
        %dma_wait3A_643 = tpu.memref_squeeze %dma_wait3A_642 : memref<1x1x1024xf32, #tpu.memory_space<hbm>> -> memref<1024xf32, #tpu.memory_space<hbm>>
        %dma_wait3A_644 = arith.constant 2048 : i32
        %dma_wait3A_645 = tpu.memref_slice %arg12[%dma_wait3A_644] : memref<4096xf32, #tpu.memory_space<vmem>> -> memref<1024xf32, #tpu.memory_space<vmem>>
        tpu.wait_dma2 semaphore(%arg19 : memref<!tpu.dma_semaphore, #tpu.memory_space<semaphore_mem>>) src(%dma_wait3A_645 : memref<1024xf32, #tpu.memory_space<vmem>>) dst(%dma_wait3A_643 : memref<1024xf32, #tpu.memory_space<hbm>>)
        %dma_wait3A_646 = arith.constant 0 : i32
        %dma_wait3A_647 = arith.constant 3 : i32
        %dma_wait3A_648 = arith.constant 3072 : i32
        %dma_wait3A_649 = tpu.memref_slice %arg12[%dma_wait3A_648] : memref<4096xf32, #tpu.memory_space<vmem>> -> memref<1024xf32, #tpu.memory_space<vmem>>
        %dma_wait3A_650 = arith.constant 0 : i32
        %dma_wait3A_651 = tpu.memref_slice %arg5[%dma_wait3A_646, %dma_wait3A_647, %dma_wait3A_650] : memref<200x4x131072xf32, #tpu.memory_space<hbm>> -> memref<1x1x1024xf32, #tpu.memory_space<hbm>>
        %dma_wait3A_652 = tpu.memref_squeeze %dma_wait3A_651 : memref<1x1x1024xf32, #tpu.memory_space<hbm>> -> memref<1024xf32, #tpu.memory_space<hbm>>
        %dma_wait3A_653 = arith.constant 0 : i32
        %dma_wait3A_654 = tpu.memref_slice %arg5[%dma_wait3A_646, %dma_wait3A_647, %dma_wait3A_653] : memref<200x4x131072xf32, #tpu.memory_space<hbm>> -> memref<1x1x1024xf32, #tpu.memory_space<hbm>>
        %dma_wait3A_655 = tpu.memref_squeeze %dma_wait3A_654 : memref<1x1x1024xf32, #tpu.memory_space<hbm>> -> memref<1024xf32, #tpu.memory_space<hbm>>
        %dma_wait3A_656 = arith.constant 3072 : i32
        %dma_wait3A_657 = tpu.memref_slice %arg12[%dma_wait3A_656] : memref<4096xf32, #tpu.memory_space<vmem>> -> memref<1024xf32, #tpu.memory_space<vmem>>
        tpu.wait_dma2 semaphore(%arg19 : memref<!tpu.dma_semaphore, #tpu.memory_space<semaphore_mem>>) src(%dma_wait3A_657 : memref<1024xf32, #tpu.memory_space<vmem>>) dst(%dma_wait3A_655 : memref<1024xf32, #tpu.memory_space<hbm>>)
      } else {
      }
      %get3A_552 = arith.index_cast %add3A_527 : i32 to index
      %get3A_553 = arith.constant 0 : index
      %get3A_554 = tpu.vector_load %arg13[%get3A_552, %get3A_553] {strides = array<i32>} : memref<200x32xf32, #tpu.memory_space<vmem>>, vector<16xf32>,
      %get3A_555 = arith.index_cast %add3A_527 : i32 to index
      %get3A_556 = arith.constant 16 : index
      %get3A_557 = tpu.vector_load %arg13[%get3A_555, %get3A_556] {strides = array<i32>} : memref<200x32xf32, #tpu.memory_space<vmem>>, vector<16xf32>,
      %scan3A_558 = arith.constant 0 : i32
      %scan3A_559 = arith.constant 0 : i32
      %scan3A_560 = arith.constant 128 : i32
      %scan3A_561 = arith.addi %scan3A_559, %scan3A_560 : i32
      %scan3A_562 = arith.constant 8 : i32
      scf.for %scan3A_610 = %scan3A_559 to %scan3A_561 step %scan3A_562  : i32 {
        %get3A_611 = arith.index_cast %scan3A_610 : i32 to index
        %get3A_612 = arith.constant 0 : index
        %get3A_613 = tpu.vector_load %arg10[%get3A_611, %get3A_612] {strides = array<i32>} : memref<128x32xf32, #tpu.memory_space<vmem>>, vector<16xf32>,
        %add3A_614 = arith.addf %get3A_613, %get3A_554 : vector<16xf32>
        %add3A_615 = vector.broadcast %scan3A_610 : i32 to vector<16xi32>
        %add3A_616 = arith.addi %add3A_12, %add3A_615 : vector<16xi32>
        tpu.vector_store_idx %arg12[%add3A_616], %add3A_614 : memref<4096xf32, #tpu.memory_space<vmem>>[vector<16xi32>], vector<16xf32>,
        %get3A_617 = arith.index_cast %scan3A_610 : i32 to index
        %get3A_618 = arith.constant 16 : index
        %get3A_619 = tpu.vector_load %arg10[%get3A_617, %get3A_618] {strides = array<i32>} : memref<128x32xf32, #tpu.memory_space<vmem>>, vector<16xf32>,
        %add3A_620 = arith.addf %get3A_619, %get3A_557 : vector<16xf32>
        %add3A_621 = vector.broadcast %scan3A_610 : i32 to vector<16xi32>
        %add3A_622 = arith.addi %add3A_28, %add3A_621 : vector<16xi32>
        tpu.vector_store_idx %arg12[%add3A_622], %add3A_620 : memref<4096xf32, #tpu.memory_space<vmem>>[vector<16xi32>], vector<16xf32>,
        %scan3A_623 = arith.constant 1 : i32
        %scan3A_624 = arith.addi %scan3A_610, %scan3A_623 : i32
        %get3A_625 = arith.index_cast %scan3A_624 : i32 to index
        %get3A_626 = arith.constant 0 : index
        %get3A_627 = tpu.vector_load %arg10[%get3A_625, %get3A_626] {strides = array<i32>} : memref<128x32xf32, #tpu.memory_space<vmem>>, vector<16xf32>,
        %add3A_628 = arith.addf %get3A_627, %get3A_554 : vector<16xf32>
        %add3A_629 = vector.broadcast %scan3A_624 : i32 to vector<16xi32>
        %add3A_630 = arith.addi %add3A_12, %add3A_629 : vector<16xi32>
        tpu.vector_store_idx %arg12[%add3A_630], %add3A_628 : memref<4096xf32, #tpu.memory_space<vmem>>[vector<16xi32>], vector<16xf32>,
        %get3A_631 = arith.index_cast %scan3A_624 : i32 to index
        %get3A_632 = arith.constant 16 : index
        %get3A_633 = tpu.vector_load %arg10[%get3A_631, %get3A_632] {strides = array<i32>} : memref<128x32xf32, #tpu.memory_space<vmem>>, vector<16xf32>,
        %add3A_634 = arith.addf %get3A_633, %get3A_557 : vector<16xf32>
        %add3A_635 = vector.broadcast %scan3A_624 : i32 to vector<16xi32>
        %add3A_636 = arith.addi %add3A_28, %add3A_635 : vector<16xi32>
        tpu.vector_store_idx %arg12[%add3A_636], %add3A_634 : memref<4096xf32, #tpu.memory_space<vmem>>[vector<16xi32>], vector<16xf32>,
        %scan3A_637 = arith.constant 2 : i32
        %scan3A_638 = arith.addi %scan3A_610, %scan3A_637 : i32
        %get3A_639 = arith.index_cast %scan3A_638 : i32 to index
        %get3A_640 = arith.constant 0 : index
        %get3A_641 = tpu.vector_load %arg10[%get3A_639, %get3A_640] {strides = array<i32>} : memref<128x32xf32, #tpu.memory_space<vmem>>, vector<16xf32>,
        %add3A_642 = arith.addf %get3A_641, %get3A_554 : vector<16xf32>
        %add3A_643 = vector.broadcast %scan3A_638 : i32 to vector<16xi32>
        %add3A_644 = arith.addi %add3A_12, %add3A_643 : vector<16xi32>
        tpu.vector_store_idx %arg12[%add3A_644], %add3A_642 : memref<4096xf32, #tpu.memory_space<vmem>>[vector<16xi32>], vector<16xf32>,
        %get3A_645 = arith.index_cast %scan3A_638 : i32 to index
        %get3A_646 = arith.constant 16 : index
        %get3A_647 = tpu.vector_load %arg10[%get3A_645, %get3A_646] {strides = array<i32>} : memref<128x32xf32, #tpu.memory_space<vmem>>, vector<16xf32>,
        %add3A_648 = arith.addf %get3A_647, %get3A_557 : vector<16xf32>
        %add3A_649 = vector.broadcast %scan3A_638 : i32 to vector<16xi32>
        %add3A_650 = arith.addi %add3A_28, %add3A_649 : vector<16xi32>
        tpu.vector_store_idx %arg12[%add3A_650], %add3A_648 : memref<4096xf32, #tpu.memory_space<vmem>>[vector<16xi32>], vector<16xf32>,
        %scan3A_651 = arith.constant 3 : i32
        %scan3A_652 = arith.addi %scan3A_610, %scan3A_651 : i32
        %get3A_653 = arith.index_cast %scan3A_652 : i32 to index
        %get3A_654 = arith.constant 0 : index
        %get3A_655 = tpu.vector_load %arg10[%get3A_653, %get3A_654] {strides = array<i32>} : memref<128x32xf32, #tpu.memory_space<vmem>>, vector<16xf32>,
        %add3A_656 = arith.addf %get3A_655, %get3A_554 : vector<16xf32>
        %add3A_657 = vector.broadcast %scan3A_652 : i32 to vector<16xi32>
        %add3A_658 = arith.addi %add3A_12, %add3A_657 : vector<16xi32>
        tpu.vector_store_idx %arg12[%add3A_658], %add3A_656 : memref<4096xf32, #tpu.memory_space<vmem>>[vector<16xi32>], vector<16xf32>,
        %get3A_659 = arith.index_cast %scan3A_652 : i32 to index
        %get3A_660 = arith.constant 16 : index
        %get3A_661 = tpu.vector_load %arg10[%get3A_659, %get3A_660] {strides = array<i32>} : memref<128x32xf32, #tpu.memory_space<vmem>>, vector<16xf32>,
        %add3A_662 = arith.addf %get3A_661, %get3A_557 : vector<16xf32>
        %add3A_663 = vector.broadcast %scan3A_652 : i32 to vector<16xi32>
        %add3A_664 = arith.addi %add3A_28, %add3A_663 : vector<16xi32>
        tpu.vector_store_idx %arg12[%add3A_664], %add3A_662 : memref<4096xf32, #tpu.memory_space<vmem>>[vector<16xi32>], vector<16xf32>,
        %scan3A_665 = arith.constant 4 : i32
        %scan3A_666 = arith.addi %scan3A_610, %scan3A_665 : i32
        %get3A_667 = arith.index_cast %scan3A_666 : i32 to index
        %get3A_668 = arith.constant 0 : index
        %get3A_669 = tpu.vector_load %arg10[%get3A_667, %get3A_668] {strides = array<i32>} : memref<128x32xf32, #tpu.memory_space<vmem>>, vector<16xf32>,
        %add3A_670 = arith.addf %get3A_669, %get3A_554 : vector<16xf32>
        %add3A_671 = vector.broadcast %scan3A_666 : i32 to vector<16xi32>
        %add3A_672 = arith.addi %add3A_12, %add3A_671 : vector<16xi32>
        tpu.vector_store_idx %arg12[%add3A_672], %add3A_670 : memref<4096xf32, #tpu.memory_space<vmem>>[vector<16xi32>], vector<16xf32>,
        %get3A_673 = arith.index_cast %scan3A_666 : i32 to index
        %get3A_674 = arith.constant 16 : index
        %get3A_675 = tpu.vector_load %arg10[%get3A_673, %get3A_674] {strides = array<i32>} : memref<128x32xf32, #tpu.memory_space<vmem>>, vector<16xf32>,
        %add3A_676 = arith.addf %get3A_675, %get3A_557 : vector<16xf32>
        %add3A_677 = vector.broadcast %scan3A_666 : i32 to vector<16xi32>
        %add3A_678 = arith.addi %add3A_28, %add3A_677 : vector<16xi32>
        tpu.vector_store_idx %arg12[%add3A_678], %add3A_676 : memref<4096xf32, #tpu.memory_space<vmem>>[vector<16xi32>], vector<16xf32>,
        %scan3A_679 = arith.constant 5 : i32
        %scan3A_680 = arith.addi %scan3A_610, %scan3A_679 : i32
        %get3A_681 = arith.index_cast %scan3A_680 : i32 to index
        %get3A_682 = arith.constant 0 : index
        %get3A_683 = tpu.vector_load %arg10[%get3A_681, %get3A_682] {strides = array<i32>} : memref<128x32xf32, #tpu.memory_space<vmem>>, vector<16xf32>,
        %add3A_684 = arith.addf %get3A_683, %get3A_554 : vector<16xf32>
        %add3A_685 = vector.broadcast %scan3A_680 : i32 to vector<16xi32>
        %add3A_686 = arith.addi %add3A_12, %add3A_685 : vector<16xi32>
        tpu.vector_store_idx %arg12[%add3A_686], %add3A_684 : memref<4096xf32, #tpu.memory_space<vmem>>[vector<16xi32>], vector<16xf32>,
        %get3A_687 = arith.index_cast %scan3A_680 : i32 to index
        %get3A_688 = arith.constant 16 : index
        %get3A_689 = tpu.vector_load %arg10[%get3A_687, %get3A_688] {strides = array<i32>} : memref<128x32xf32, #tpu.memory_space<vmem>>, vector<16xf32>,
        %add3A_690 = arith.addf %get3A_689, %get3A_557 : vector<16xf32>
        %add3A_691 = vector.broadcast %scan3A_680 : i32 to vector<16xi32>
        %add3A_692 = arith.addi %add3A_28, %add3A_691 : vector<16xi32>
        tpu.vector_store_idx %arg12[%add3A_692], %add3A_690 : memref<4096xf32, #tpu.memory_space<vmem>>[vector<16xi32>], vector<16xf32>,
        %scan3A_693 = arith.constant 6 : i32
        %scan3A_694 = arith.addi %scan3A_610, %scan3A_693 : i32
        %get3A_695 = arith.index_cast %scan3A_694 : i32 to index
        %get3A_696 = arith.constant 0 : index
        %get3A_697 = tpu.vector_load %arg10[%get3A_695, %get3A_696] {strides = array<i32>} : memref<128x32xf32, #tpu.memory_space<vmem>>, vector<16xf32>,
        %add3A_698 = arith.addf %get3A_697, %get3A_554 : vector<16xf32>
        %add3A_699 = vector.broadcast %scan3A_694 : i32 to vector<16xi32>
        %add3A_700 = arith.addi %add3A_12, %add3A_699 : vector<16xi32>
        tpu.vector_store_idx %arg12[%add3A_700], %add3A_698 : memref<4096xf32, #tpu.memory_space<vmem>>[vector<16xi32>], vector<16xf32>,
        %get3A_701 = arith.index_cast %scan3A_694 : i32 to index
        %get3A_702 = arith.constant 16 : index
        %get3A_703 = tpu.vector_load %arg10[%get3A_701, %get3A_702] {strides = array<i32>} : memref<128x32xf32, #tpu.memory_space<vmem>>, vector<16xf32>,
        %add3A_704 = arith.addf %get3A_703, %get3A_557 : vector<16xf32>
        %add3A_705 = vector.broadcast %scan3A_694 : i32 to vector<16xi32>
        %add3A_706 = arith.addi %add3A_28, %add3A_705 : vector<16xi32>
        tpu.vector_store_idx %arg12[%add3A_706], %add3A_704 : memref<4096xf32, #tpu.memory_space<vmem>>[vector<16xi32>], vector<16xf32>,
        %scan3A_707 = arith.constant 7 : i32
        %scan3A_708 = arith.addi %scan3A_610, %scan3A_707 : i32
        %get3A_709 = arith.index_cast %scan3A_708 : i32 to index
        %get3A_710 = arith.constant 0 : index
        %get3A_711 = tpu.vector_load %arg10[%get3A_709, %get3A_710] {strides = array<i32>} : memref<128x32xf32, #tpu.memory_space<vmem>>, vector<16xf32>,
        %add3A_712 = arith.addf %get3A_711, %get3A_554 : vector<16xf32>
        %add3A_713 = vector.broadcast %scan3A_708 : i32 to vector<16xi32>
        %add3A_714 = arith.addi %add3A_12, %add3A_713 : vector<16xi32>
        tpu.vector_store_idx %arg12[%add3A_714], %add3A_712 : memref<4096xf32, #tpu.memory_space<vmem>>[vector<16xi32>], vector<16xf32>,
        %get3A_715 = arith.index_cast %scan3A_708 : i32 to index
        %get3A_716 = arith.constant 16 : index
        %get3A_717 = tpu.vector_load %arg10[%get3A_715, %get3A_716] {strides = array<i32>} : memref<128x32xf32, #tpu.memory_space<vmem>>, vector<16xf32>,
        %add3A_718 = arith.addf %get3A_717, %get3A_557 : vector<16xf32>
        %add3A_719 = vector.broadcast %scan3A_708 : i32 to vector<16xi32>
        %add3A_720 = arith.addi %add3A_28, %add3A_719 : vector<16xi32>
        tpu.vector_store_idx %arg12[%add3A_720], %add3A_718 : memref<4096xf32, #tpu.memory_space<vmem>>[vector<16xi32>], vector<16xf32>,
      }
      %scan3A_563 = arith.constant 128 : i32
      %add3A_564 = arith.constant 3 : i32
      %add3A_565 = arith.addi %mul3A_2, %add3A_564 : i32
      %mul3A_566 = arith.constant 1024 : i32
      %mul3A_567 = arith.muli %add3A_565, %mul3A_566 : i32
      %dma_start3A_568 = arith.constant 0 : i32
      %dma_start3A_569 = arith.constant 0 : i32
      %dma_start3A_570 = tpu.memref_slice %arg12[%dma_start3A_569] : memref<4096xf32, #tpu.memory_space<vmem>> -> memref<1024xf32, #tpu.memory_space<vmem>>
      %dma_start3A_571 = tpu.memref_slice %arg5[%add3A_527, %dma_start3A_568, %mul3A_567] : memref<200x4x131072xf32, #tpu.memory_space<hbm>> -> memref<1x1x1024xf32, #tpu.memory_space<hbm>>
      %dma_start3A_572 = tpu.memref_squeeze %dma_start3A_571 : memref<1x1x1024xf32, #tpu.memory_space<hbm>> -> memref<1024xf32, #tpu.memory_space<hbm>>
      %dma_start3A_573 = tpu.memref_slice %arg5[%add3A_527, %dma_start3A_568, %mul3A_567] : memref<200x4x131072xf32, #tpu.memory_space<hbm>> -> memref<1x1x1024xf32, #tpu.memory_space<hbm>>
      %dma_start3A_574 = tpu.memref_squeeze %dma_start3A_573 : memref<1x1x1024xf32, #tpu.memory_space<hbm>> -> memref<1024xf32, #tpu.memory_space<hbm>>
      %dma_start3A_575 = arith.constant 0 : i32
      %dma_start3A_576 = tpu.memref_slice %arg12[%dma_start3A_575] : memref<4096xf32, #tpu.memory_space<vmem>> -> memref<1024xf32, #tpu.memory_space<vmem>>
      tpu.enqueue_dma source(%dma_start3A_576 : memref<1024xf32, #tpu.memory_space<vmem>>) target(%dma_start3A_574 : memref<1024xf32, #tpu.memory_space<hbm>>) target_semaphore(%arg19 : memref<!tpu.dma_semaphore, #tpu.memory_space<semaphore_mem>>)
      %mul3A_577 = arith.constant 1024 : i32
      %mul3A_578 = arith.muli %add3A_565, %mul3A_577 : i32
      %dma_start3A_579 = arith.constant 1 : i32
      %dma_start3A_580 = arith.constant 1024 : i32
      %dma_start3A_581 = tpu.memref_slice %arg12[%dma_start3A_580] : memref<4096xf32, #tpu.memory_space<vmem>> -> memref<1024xf32, #tpu.memory_space<vmem>>
      %dma_start3A_582 = tpu.memref_slice %arg5[%add3A_527, %dma_start3A_579, %mul3A_578] : memref<200x4x131072xf32, #tpu.memory_space<hbm>> -> memref<1x1x1024xf32, #tpu.memory_space<hbm>>
      %dma_start3A_583 = tpu.memref_squeeze %dma_start3A_582 : memref<1x1x1024xf32, #tpu.memory_space<hbm>> -> memref<1024xf32, #tpu.memory_space<hbm>>
      %dma_start3A_584 = tpu.memref_slice %arg5[%add3A_527, %dma_start3A_579, %mul3A_578] : memref<200x4x131072xf32, #tpu.memory_space<hbm>> -> memref<1x1x1024xf32, #tpu.memory_space<hbm>>
      %dma_start3A_585 = tpu.memref_squeeze %dma_start3A_584 : memref<1x1x1024xf32, #tpu.memory_space<hbm>> -> memref<1024xf32, #tpu.memory_space<hbm>>
      %dma_start3A_586 = arith.constant 1024 : i32
      %dma_start3A_587 = tpu.memref_slice %arg12[%dma_start3A_586] : memref<4096xf32, #tpu.memory_space<vmem>> -> memref<1024xf32, #tpu.memory_space<vmem>>
      tpu.enqueue_dma source(%dma_start3A_587 : memref<1024xf32, #tpu.memory_space<vmem>>) target(%dma_start3A_585 : memref<1024xf32, #tpu.memory_space<hbm>>) target_semaphore(%arg19 : memref<!tpu.dma_semaphore, #tpu.memory_space<semaphore_mem>>)
      %mul3A_588 = arith.constant 1024 : i32
      %mul3A_589 = arith.muli %add3A_565, %mul3A_588 : i32
      %dma_start3A_590 = arith.constant 2 : i32
      %dma_start3A_591 = arith.constant 2048 : i32
      %dma_start3A_592 = tpu.memref_slice %arg12[%dma_start3A_591] : memref<4096xf32, #tpu.memory_space<vmem>> -> memref<1024xf32, #tpu.memory_space<vmem>>
      %dma_start3A_593 = tpu.memref_slice %arg5[%add3A_527, %dma_start3A_590, %mul3A_589] : memref<200x4x131072xf32, #tpu.memory_space<hbm>> -> memref<1x1x1024xf32, #tpu.memory_space<hbm>>
      %dma_start3A_594 = tpu.memref_squeeze %dma_start3A_593 : memref<1x1x1024xf32, #tpu.memory_space<hbm>> -> memref<1024xf32, #tpu.memory_space<hbm>>
      %dma_start3A_595 = tpu.memref_slice %arg5[%add3A_527, %dma_start3A_590, %mul3A_589] : memref<200x4x131072xf32, #tpu.memory_space<hbm>> -> memref<1x1x1024xf32, #tpu.memory_space<hbm>>
      %dma_start3A_596 = tpu.memref_squeeze %dma_start3A_595 : memref<1x1x1024xf32, #tpu.memory_space<hbm>> -> memref<1024xf32, #tpu.memory_space<hbm>>
      %dma_start3A_597 = arith.constant 2048 : i32
      %dma_start3A_598 = tpu.memref_slice %arg12[%dma_start3A_597] : memref<4096xf32, #tpu.memory_space<vmem>> -> memref<1024xf32, #tpu.memory_space<vmem>>
      tpu.enqueue_dma source(%dma_start3A_598 : memref<1024xf32, #tpu.memory_space<vmem>>) target(%dma_start3A_596 : memref<1024xf32, #tpu.memory_space<hbm>>) target_semaphore(%arg19 : memref<!tpu.dma_semaphore, #tpu.memory_space<semaphore_mem>>)
      %mul3A_599 = arith.constant 1024 : i32
      %mul3A_600 = arith.muli %add3A_565, %mul3A_599 : i32
      %dma_start3A_601 = arith.constant 3 : i32
      %dma_start3A_602 = arith.constant 3072 : i32
      %dma_start3A_603 = tpu.memref_slice %arg12[%dma_start3A_602] : memref<4096xf32, #tpu.memory_space<vmem>> -> memref<1024xf32, #tpu.memory_space<vmem>>
      %dma_start3A_604 = tpu.memref_slice %arg5[%add3A_527, %dma_start3A_601, %mul3A_600] : memref<200x4x131072xf32, #tpu.memory_space<hbm>> -> memref<1x1x1024xf32, #tpu.memory_space<hbm>>
      %dma_start3A_605 = tpu.memref_squeeze %dma_start3A_604 : memref<1x1x1024xf32, #tpu.memory_space<hbm>> -> memref<1024xf32, #tpu.memory_space<hbm>>
      %dma_start3A_606 = tpu.memref_slice %arg5[%add3A_527, %dma_start3A_601, %mul3A_600] : memref<200x4x131072xf32, #tpu.memory_space<hbm>> -> memref<1x1x1024xf32, #tpu.memory_space<hbm>>
      %dma_start3A_607 = tpu.memref_squeeze %dma_start3A_606 : memref<1x1x1024xf32, #tpu.memory_space<hbm>> -> memref<1024xf32, #tpu.memory_space<hbm>>
      %dma_start3A_608 = arith.constant 3072 : i32
      %dma_start3A_609 = tpu.memref_slice %arg12[%dma_start3A_608] : memref<4096xf32, #tpu.memory_space<vmem>> -> memref<1024xf32, #tpu.memory_space<vmem>>
      tpu.enqueue_dma source(%dma_start3A_609 : memref<1024xf32, #tpu.memory_space<vmem>>) target(%dma_start3A_607 : memref<1024xf32, #tpu.memory_space<hbm>>) target_semaphore(%arg19 : memref<!tpu.dma_semaphore, #tpu.memory_space<semaphore_mem>>)
    }
    %scan3A_181 = arith.constant 100 : i32
    %dma_wait3A_182 = arith.constant 0 : i32
    %dma_wait3A_183 = arith.constant 0 : i32
    %dma_wait3A_184 = arith.constant 0 : i32
    %dma_wait3A_185 = tpu.memref_slice %arg11[%dma_wait3A_184] : memref<4096xf32, #tpu.memory_space<vmem>> -> memref<1024xf32, #tpu.memory_space<vmem>>
    %dma_wait3A_186 = arith.constant 0 : i32
    %dma_wait3A_187 = tpu.memref_slice %arg5[%dma_wait3A_182, %dma_wait3A_183, %dma_wait3A_186] : memref<200x4x131072xf32, #tpu.memory_space<hbm>> -> memref<1x1x1024xf32, #tpu.memory_space<hbm>>
    %dma_wait3A_188 = tpu.memref_squeeze %dma_wait3A_187 : memref<1x1x1024xf32, #tpu.memory_space<hbm>> -> memref<1024xf32, #tpu.memory_space<hbm>>
    %dma_wait3A_189 = arith.constant 0 : i32
    %dma_wait3A_190 = tpu.memref_slice %arg5[%dma_wait3A_182, %dma_wait3A_183, %dma_wait3A_189] : memref<200x4x131072xf32, #tpu.memory_space<hbm>> -> memref<1x1x1024xf32, #tpu.memory_space<hbm>>
    %dma_wait3A_191 = tpu.memref_squeeze %dma_wait3A_190 : memref<1x1x1024xf32, #tpu.memory_space<hbm>> -> memref<1024xf32, #tpu.memory_space<hbm>>
    %dma_wait3A_192 = arith.constant 0 : i32
    %dma_wait3A_193 = tpu.memref_slice %arg11[%dma_wait3A_192] : memref<4096xf32, #tpu.memory_space<vmem>> -> memref<1024xf32, #tpu.memory_space<vmem>>
    tpu.wait_dma2 semaphore(%arg18 : memref<!tpu.dma_semaphore, #tpu.memory_space<semaphore_mem>>) src(%dma_wait3A_193 : memref<1024xf32, #tpu.memory_space<vmem>>) dst(%dma_wait3A_191 : memref<1024xf32, #tpu.memory_space<hbm>>)
    %dma_wait3A_194 = arith.constant 0 : i32
    %dma_wait3A_195 = arith.constant 1 : i32
    %dma_wait3A_196 = arith.constant 1024 : i32
    %dma_wait3A_197 = tpu.memref_slice %arg11[%dma_wait3A_196] : memref<4096xf32, #tpu.memory_space<vmem>> -> memref<1024xf32, #tpu.memory_space<vmem>>
    %dma_wait3A_198 = arith.constant 0 : i32
    %dma_wait3A_199 = tpu.memref_slice %arg5[%dma_wait3A_194, %dma_wait3A_195, %dma_wait3A_198] : memref<200x4x131072xf32, #tpu.memory_space<hbm>> -> memref<1x1x1024xf32, #tpu.memory_space<hbm>>
    %dma_wait3A_200 = tpu.memref_squeeze %dma_wait3A_199 : memref<1x1x1024xf32, #tpu.memory_space<hbm>> -> memref<1024xf32, #tpu.memory_space<hbm>>
    %dma_wait3A_201 = arith.constant 0 : i32
    %dma_wait3A_202 = tpu.memref_slice %arg5[%dma_wait3A_194, %dma_wait3A_195, %dma_wait3A_201] : memref<200x4x131072xf32, #tpu.memory_space<hbm>> -> memref<1x1x1024xf32, #tpu.memory_space<hbm>>
    %dma_wait3A_203 = tpu.memref_squeeze %dma_wait3A_202 : memref<1x1x1024xf32, #tpu.memory_space<hbm>> -> memref<1024xf32, #tpu.memory_space<hbm>>
    %dma_wait3A_204 = arith.constant 1024 : i32
    %dma_wait3A_205 = tpu.memref_slice %arg11[%dma_wait3A_204] : memref<4096xf32, #tpu.memory_space<vmem>> -> memref<1024xf32, #tpu.memory_space<vmem>>
    tpu.wait_dma2 semaphore(%arg18 : memref<!tpu.dma_semaphore, #tpu.memory_space<semaphore_mem>>) src(%dma_wait3A_205 : memref<1024xf32, #tpu.memory_space<vmem>>) dst(%dma_wait3A_203 : memref<1024xf32, #tpu.memory_space<hbm>>)
    %dma_wait3A_206 = arith.constant 0 : i32
    %dma_wait3A_207 = arith.constant 2 : i32
    %dma_wait3A_208 = arith.constant 2048 : i32
    %dma_wait3A_209 = tpu.memref_slice %arg11[%dma_wait3A_208] : memref<4096xf32, #tpu.memory_space<vmem>> -> memref<1024xf32, #tpu.memory_space<vmem>>
    %dma_wait3A_210 = arith.constant 0 : i32
    %dma_wait3A_211 = tpu.memref_slice %arg5[%dma_wait3A_206, %dma_wait3A_207, %dma_wait3A_210] : memref<200x4x131072xf32, #tpu.memory_space<hbm>> -> memref<1x1x1024xf32, #tpu.memory_space<hbm>>
    %dma_wait3A_212 = tpu.memref_squeeze %dma_wait3A_211 : memref<1x1x1024xf32, #tpu.memory_space<hbm>> -> memref<1024xf32, #tpu.memory_space<hbm>>
    %dma_wait3A_213 = arith.constant 0 : i32
    %dma_wait3A_214 = tpu.memref_slice %arg5[%dma_wait3A_206, %dma_wait3A_207, %dma_wait3A_213] : memref<200x4x131072xf32, #tpu.memory_space<hbm>> -> memref<1x1x1024xf32, #tpu.memory_space<hbm>>
    %dma_wait3A_215 = tpu.memref_squeeze %dma_wait3A_214 : memref<1x1x1024xf32, #tpu.memory_space<hbm>> -> memref<1024xf32, #tpu.memory_space<hbm>>
    %dma_wait3A_216 = arith.constant 2048 : i32
    %dma_wait3A_217 = tpu.memref_slice %arg11[%dma_wait3A_216] : memref<4096xf32, #tpu.memory_space<vmem>> -> memref<1024xf32, #tpu.memory_space<vmem>>
    tpu.wait_dma2 semaphore(%arg18 : memref<!tpu.dma_semaphore, #tpu.memory_space<semaphore_mem>>) src(%dma_wait3A_217 : memref<1024xf32, #tpu.memory_space<vmem>>) dst(%dma_wait3A_215 : memref<1024xf32, #tpu.memory_space<hbm>>)
    %dma_wait3A_218 = arith.constant 0 : i32
    %dma_wait3A_219 = arith.constant 3 : i32
    %dma_wait3A_220 = arith.constant 3072 : i32
    %dma_wait3A_221 = tpu.memref_slice %arg11[%dma_wait3A_220] : memref<4096xf32, #tpu.memory_space<vmem>> -> memref<1024xf32, #tpu.memory_space<vmem>>
    %dma_wait3A_222 = arith.constant 0 : i32
    %dma_wait3A_223 = tpu.memref_slice %arg5[%dma_wait3A_218, %dma_wait3A_219, %dma_wait3A_222] : memref<200x4x131072xf32, #tpu.memory_space<hbm>> -> memref<1x1x1024xf32, #tpu.memory_space<hbm>>
    %dma_wait3A_224 = tpu.memref_squeeze %dma_wait3A_223 : memref<1x1x1024xf32, #tpu.memory_space<hbm>> -> memref<1024xf32, #tpu.memory_space<hbm>>
    %dma_wait3A_225 = arith.constant 0 : i32
    %dma_wait3A_226 = tpu.memref_slice %arg5[%dma_wait3A_218, %dma_wait3A_219, %dma_wait3A_225] : memref<200x4x131072xf32, #tpu.memory_space<hbm>> -> memref<1x1x1024xf32, #tpu.memory_space<hbm>>
    %dma_wait3A_227 = tpu.memref_squeeze %dma_wait3A_226 : memref<1x1x1024xf32, #tpu.memory_space<hbm>> -> memref<1024xf32, #tpu.memory_space<hbm>>
    %dma_wait3A_228 = arith.constant 3072 : i32
    %dma_wait3A_229 = tpu.memref_slice %arg11[%dma_wait3A_228] : memref<4096xf32, #tpu.memory_space<vmem>> -> memref<1024xf32, #tpu.memory_space<vmem>>
    tpu.wait_dma2 semaphore(%arg18 : memref<!tpu.dma_semaphore, #tpu.memory_space<semaphore_mem>>) src(%dma_wait3A_229 : memref<1024xf32, #tpu.memory_space<vmem>>) dst(%dma_wait3A_227 : memref<1024xf32, #tpu.memory_space<hbm>>)
    %dma_wait3A_230 = arith.constant 0 : i32
    %dma_wait3A_231 = arith.constant 0 : i32
    %dma_wait3A_232 = arith.constant 0 : i32
    %dma_wait3A_233 = tpu.memref_slice %arg12[%dma_wait3A_232] : memref<4096xf32, #tpu.memory_space<vmem>> -> memref<1024xf32, #tpu.memory_space<vmem>>
    %dma_wait3A_234 = arith.constant 0 : i32
    %dma_wait3A_235 = tpu.memref_slice %arg5[%dma_wait3A_230, %dma_wait3A_231, %dma_wait3A_234] : memref<200x4x131072xf32, #tpu.memory_space<hbm>> -> memref<1x1x1024xf32, #tpu.memory_space<hbm>>
    %dma_wait3A_236 = tpu.memref_squeeze %dma_wait3A_235 : memref<1x1x1024xf32, #tpu.memory_space<hbm>> -> memref<1024xf32, #tpu.memory_space<hbm>>
    %dma_wait3A_237 = arith.constant 0 : i32
    %dma_wait3A_238 = tpu.memref_slice %arg5[%dma_wait3A_230, %dma_wait3A_231, %dma_wait3A_237] : memref<200x4x131072xf32, #tpu.memory_space<hbm>> -> memref<1x1x1024xf32, #tpu.memory_space<hbm>>
    %dma_wait3A_239 = tpu.memref_squeeze %dma_wait3A_238 : memref<1x1x1024xf32, #tpu.memory_space<hbm>> -> memref<1024xf32, #tpu.memory_space<hbm>>
    %dma_wait3A_240 = arith.constant 0 : i32
    %dma_wait3A_241 = tpu.memref_slice %arg12[%dma_wait3A_240] : memref<4096xf32, #tpu.memory_space<vmem>> -> memref<1024xf32, #tpu.memory_space<vmem>>
    tpu.wait_dma2 semaphore(%arg19 : memref<!tpu.dma_semaphore, #tpu.memory_space<semaphore_mem>>) src(%dma_wait3A_241 : memref<1024xf32, #tpu.memory_space<vmem>>) dst(%dma_wait3A_239 : memref<1024xf32, #tpu.memory_space<hbm>>)
    %dma_wait3A_242 = arith.constant 0 : i32
    %dma_wait3A_243 = arith.constant 1 : i32
    %dma_wait3A_244 = arith.constant 1024 : i32
    %dma_wait3A_245 = tpu.memref_slice %arg12[%dma_wait3A_244] : memref<4096xf32, #tpu.memory_space<vmem>> -> memref<1024xf32, #tpu.memory_space<vmem>>
    %dma_wait3A_246 = arith.constant 0 : i32
    %dma_wait3A_247 = tpu.memref_slice %arg5[%dma_wait3A_242, %dma_wait3A_243, %dma_wait3A_246] : memref<200x4x131072xf32, #tpu.memory_space<hbm>> -> memref<1x1x1024xf32, #tpu.memory_space<hbm>>
    %dma_wait3A_248 = tpu.memref_squeeze %dma_wait3A_247 : memref<1x1x1024xf32, #tpu.memory_space<hbm>> -> memref<1024xf32, #tpu.memory_space<hbm>>
    %dma_wait3A_249 = arith.constant 0 : i32
    %dma_wait3A_250 = tpu.memref_slice %arg5[%dma_wait3A_242, %dma_wait3A_243, %dma_wait3A_249] : memref<200x4x131072xf32, #tpu.memory_space<hbm>> -> memref<1x1x1024xf32, #tpu.memory_space<hbm>>
    %dma_wait3A_251 = tpu.memref_squeeze %dma_wait3A_250 : memref<1x1x1024xf32, #tpu.memory_space<hbm>> -> memref<1024xf32, #tpu.memory_space<hbm>>
    %dma_wait3A_252 = arith.constant 1024 : i32
    %dma_wait3A_253 = tpu.memref_slice %arg12[%dma_wait3A_252] : memref<4096xf32, #tpu.memory_space<vmem>> -> memref<1024xf32, #tpu.memory_space<vmem>>
    tpu.wait_dma2 semaphore(%arg19 : memref<!tpu.dma_semaphore, #tpu.memory_space<semaphore_mem>>) src(%dma_wait3A_253 : memref<1024xf32, #tpu.memory_space<vmem>>) dst(%dma_wait3A_251 : memref<1024xf32, #tpu.memory_space<hbm>>)
    %dma_wait3A_254 = arith.constant 0 : i32
    %dma_wait3A_255 = arith.constant 2 : i32
    %dma_wait3A_256 = arith.constant 2048 : i32
    %dma_wait3A_257 = tpu.memref_slice %arg12[%dma_wait3A_256] : memref<4096xf32, #tpu.memory_space<vmem>> -> memref<1024xf32, #tpu.memory_space<vmem>>
    %dma_wait3A_258 = arith.constant 0 : i32
    %dma_wait3A_259 = tpu.memref_slice %arg5[%dma_wait3A_254, %dma_wait3A_255, %dma_wait3A_258] : memref<200x4x131072xf32, #tpu.memory_space<hbm>> -> memref<1x1x1024xf32, #tpu.memory_space<hbm>>
    %dma_wait3A_260 = tpu.memref_squeeze %dma_wait3A_259 : memref<1x1x1024xf32, #tpu.memory_space<hbm>> -> memref<1024xf32, #tpu.memory_space<hbm>>
    %dma_wait3A_261 = arith.constant 0 : i32
    %dma_wait3A_262 = tpu.memref_slice %arg5[%dma_wait3A_254, %dma_wait3A_255, %dma_wait3A_261] : memref<200x4x131072xf32, #tpu.memory_space<hbm>> -> memref<1x1x1024xf32, #tpu.memory_space<hbm>>
    %dma_wait3A_263 = tpu.memref_squeeze %dma_wait3A_262 : memref<1x1x1024xf32, #tpu.memory_space<hbm>> -> memref<1024xf32, #tpu.memory_space<hbm>>
    %dma_wait3A_264 = arith.constant 2048 : i32
    %dma_wait3A_265 = tpu.memref_slice %arg12[%dma_wait3A_264] : memref<4096xf32, #tpu.memory_space<vmem>> -> memref<1024xf32, #tpu.memory_space<vmem>>
    tpu.wait_dma2 semaphore(%arg19 : memref<!tpu.dma_semaphore, #tpu.memory_space<semaphore_mem>>) src(%dma_wait3A_265 : memref<1024xf32, #tpu.memory_space<vmem>>) dst(%dma_wait3A_263 : memref<1024xf32, #tpu.memory_space<hbm>>)
    %dma_wait3A_266 = arith.constant 0 : i32
    %dma_wait3A_267 = arith.constant 3 : i32
    %dma_wait3A_268 = arith.constant 3072 : i32
    %dma_wait3A_269 = tpu.memref_slice %arg12[%dma_wait3A_268] : memref<4096xf32, #tpu.memory_space<vmem>> -> memref<1024xf32, #tpu.memory_space<vmem>>
    %dma_wait3A_270 = arith.constant 0 : i32
    %dma_wait3A_271 = tpu.memref_slice %arg5[%dma_wait3A_266, %dma_wait3A_267, %dma_wait3A_270] : memref<200x4x131072xf32, #tpu.memory_space<hbm>> -> memref<1x1x1024xf32, #tpu.memory_space<hbm>>
    %dma_wait3A_272 = tpu.memref_squeeze %dma_wait3A_271 : memref<1x1x1024xf32, #tpu.memory_space<hbm>> -> memref<1024xf32, #tpu.memory_space<hbm>>
    %dma_wait3A_273 = arith.constant 0 : i32
    %dma_wait3A_274 = tpu.memref_slice %arg5[%dma_wait3A_266, %dma_wait3A_267, %dma_wait3A_273] : memref<200x4x131072xf32, #tpu.memory_space<hbm>> -> memref<1x1x1024xf32, #tpu.memory_space<hbm>>
    %dma_wait3A_275 = tpu.memref_squeeze %dma_wait3A_274 : memref<1x1x1024xf32, #tpu.memory_space<hbm>> -> memref<1024xf32, #tpu.memory_space<hbm>>
    %dma_wait3A_276 = arith.constant 3072 : i32
    %dma_wait3A_277 = tpu.memref_slice %arg12[%dma_wait3A_276] : memref<4096xf32, #tpu.memory_space<vmem>> -> memref<1024xf32, #tpu.memory_space<vmem>>
    tpu.wait_dma2 semaphore(%arg19 : memref<!tpu.dma_semaphore, #tpu.memory_space<semaphore_mem>>) src(%dma_wait3A_277 : memref<1024xf32, #tpu.memory_space<vmem>>) dst(%dma_wait3A_275 : memref<1024xf32, #tpu.memory_space<hbm>>)
    return
  }
}

</mosaic_0001>

<sc_bundles>
// kernel: kernel.3.cloned.1.call-start
scs
__scs_entry_jumppad:
0x0: {  	(pc) =	sbr.rel $0x88, $3  }
0x1: {  	(tag) =	ssettag $0x0;
	lr =	simm.s32 $0x1  }
0x2: {  	[smem:$0x3F9E] =	sst lr;
	_ =	strace $0xD0000000  }
0x3: {  	_ = 	snop  }
0x4: {  	_ = 	snop  }
0x5: {  	_ = 	snop  }
0x6: {  	_ = 	snop  }
0x7: {  	_ = 	snop  }
__scs_overlays_trampoline_lowered:
0x8: {  	[smem:$0x3FAD] =	sst s0  }
0x9: {  	[smem:$0x3FAE] =	sst s1  }
0xa: {  	[smem:$0x3FAF] =	sst s2  }
0xb: {  	[smem:$0x3FB0] =	sst s3  }
0xc: {  	[smem:$0x3FB1] =	sst s4  }
0xd: {  	[smem:$0x3FB2] =	sst s5  }
0xe: {  	[smem:$0x3FB3] =	sst s6  }
0xf: {  	[smem:$0x3FB4] =	sst s7  }
0x10: {  	[smem:$0x3FB5] =	sst s8  }
0x11: {  	[smem:$0x3FB6] =	sst s9;
	s0 =	simm.s32 @!p0 $0x0  }
0x12: {  	s1 =	sld [smem:$0x3F9C];
	s0 =	simm.s32 @p0 $0x1  }
0x13: {  	[smem:$0x3FB7] =	sst s0;
	s0 =	simm.s32 @!p1 $0x0  }
0x14: {  	s2 =	sld [smem:$0x3F9B];
	s0 =	simm.s32 @p1 $0x1  }
0x15: {  	[smem:$0x3FB8] =	sst s0;
	s0 =	simm.s32 @!p2 $0x0  }
0x16: {  	s3 =	sld [smem:$0x3FDB];
	s0 =	simm.s32 @p2 $0x1  }
0x17: {  	s4 =	simm.s32 $0x1BF5;
	[smem:$0x3FBA] =	sst s0  }
0x18: {  	s0 =	sld [smem:$0x3F9D];
	_ =	swait.ge [sflag:s4], $0x0  }
0x19: {  	s7 =	sld [smem:$0x3F9E]  }
0x1a: {  	s8 =	sadd.s32 $0xFFFFE003, lr  }
0x1b: {  	s9 =	sadd.s32 $0xFFFFFEF7, lr;
	s5 =	simm.s32 $0xFFFFFFFF;
	p2 =	slt.u32 s8, $0xFFFFF086  }
0x1c: {  	p1 =	slt.u32 s9, $0xF7A;
	s5 =	simm.s32 @!p2 $0x0  }
0x1d: {  	s5 =	simm.s32 @p1 $0x1;
	p0 =	seq.s32 s7, s2  }
0x1e: {  	s7 =	smul.u32 @!p0 $0xF7A, s2;
	p2 =	seq.s32 @!p0 s5, $0x0  }
0x1f: {  	s9 =	smul.u32 $0xF7A, s1;
	s8 =	simm.s32 @!p0 $0x1BF5;
	p2 =	por !p2, p0  }
0x20: {  	[sflag:s8] =	ssyncset.s32 @!p0 $0xFFFFF086;
	s6 =	sadd.s32 @!p0 s3, s7;
	s7 =	simm.s32 @!p0 $0x108  }
0x21: {  	s3 =	sadd.s32 s3, s9;
	s6 =	sadd.s32 @!p0 $0x88, s6;
	s7 =	simm.s32 @p2 $0x1082  }
0x22: {  	[simem:s7], [sflag:s8] =	dma.local @!p0 [hbm:s6], $0xF7A  }
0x23: {  	s9 =	sor.u32 $0xD0000000, s2;
	s6 =	simm.s32 $0x108;
	_ =	swait.ge @!p0 [sflag:s8], $0x0  }
0x24: {  	s3 =	sadd.s32 $0x88, s3;
	s6 =	simm.s32 @!p1 $0x1082;
	[sflag:s4] =	ssyncset.s32 $0xFFFFF086  }
0x25: {  	[simem:s6], [sflag:s4] =	dma.local [hbm:s3], $0xF7A  }
0x26: {  	[smem:$0x3F9E] =	sst s1;
	(tag) =	ssettag s2;
	_ =	strace s9  }
0x27: {  	s1 =	sld [smem:$0x3FAE]  }
0x28: {  	s2 =	sld [smem:$0x3FAF]  }
0x29: {  	s4 =	sld [smem:$0x3FB1]  }
0x2a: {  	p0 =	seq.s32 s5, $0x0;
	s5 =	sld [smem:$0x3FB2]  }
0x2b: {  	s6 =	sld [smem:$0x3FB3]  }
0x2c: {  	s7 =	sld [smem:$0x3FB4]  }
0x2d: {  	s3 =	simm.s32 $0x108;
	s8 =	sld [smem:$0x3FB5]  }
0x2e: {  	s3 =	simm.s32 @!p0 $0x1082;
	s9 =	sld [smem:$0x3FB6]  }
0x2f: {  	lr =	sadd.s32 s0, s3;
	s0 =	sld [smem:$0x3FAD]  }
0x30: {  	s3 =	sld [smem:$0x3FB0]  }
0x31: {  	[smem:$0x3FB9] =	sst s10  }
0x32: {  	s10 =	sld [smem:$0x3FB7];
	_ =	sdelay $0x3  }
0x33: {  	p0 =	seq.s32 s10, $0x1;
	s10 =	sld [smem:$0x3FB9];
	_ =	sdelay $0x3  }
0x34: {  	[smem:$0x3FB9] =	sst s10  }
0x35: {  	s10 =	sld [smem:$0x3FB8];
	_ =	sdelay $0x3  }
0x36: {  	p1 =	seq.s32 s10, $0x1;
	s10 =	sld [smem:$0x3FB9];
	_ =	sdelay $0x3  }
0x37: {  	[smem:$0x3FB9] =	sst s10  }
0x38: {  	s10 =	sld [smem:$0x3FBA]  }
0x39: {  	_ = 	snop;
	(pc) =	sbr.ind lr, $3  }
0x3a: {  	_ = 	snop  }
0x3b: {  	_ = 	snop  }
0x3c: {  	p2 =	seq.s32 s10, $0x1;
	s10 =	sld [smem:$0x3FB9]  }
0x3d: {  	_ =	shalt  }
0x3e: {  	_ =	shalt  }
0x3f: {  	_ =	shalt  }
0x40: {  	_ =	shalt  }
0x41: {  	_ =	shalt  }
0x42: {  	_ =	shalt  }
0x43: {  	_ =	shalt  }
0x44: {  	_ =	shalt  }
0x45: {  	_ =	shalt  }
0x46: {  	_ =	shalt  }
0x47: {  	_ =	shalt  }
0x48: {  	_ =	shalt  }
0x49: {  	_ =	shalt  }
0x4a: {  	_ =	shalt  }
0x4b: {  	_ =	shalt  }
0x4c: {  	_ =	shalt  }
0x4d: {  	_ =	shalt  }
0x4e: {  	_ =	shalt  }
0x4f: {  	_ =	shalt  }
0x50: {  	_ =	shalt  }
0x51: {  	_ =	shalt  }
0x52: {  	_ =	shalt  }
0x53: {  	_ =	shalt  }
0x54: {  	_ =	shalt  }
0x55: {  	_ =	shalt  }
0x56: {  	_ =	shalt  }
0x57: {  	_ =	shalt  }
0x58: {  	_ =	shalt  }
0x59: {  	_ =	shalt  }
0x5a: {  	_ =	shalt  }
0x5b: {  	_ =	shalt  }
0x5c: {  	_ =	shalt  }
0x5d: {  	_ =	shalt  }
0x5e: {  	_ =	shalt  }
0x5f: {  	_ =	shalt  }
0x60: {  	_ =	shalt  }
0x61: {  	_ =	shalt  }
0x62: {  	_ =	shalt  }
0x63: {  	_ =	shalt  }
0x64: {  	_ =	shalt  }
0x65: {  	_ =	shalt  }
0x66: {  	_ =	shalt  }
0x67: {  	_ =	shalt  }
0x68: {  	_ =	shalt  }
0x69: {  	_ =	shalt  }
0x6a: {  	_ =	shalt  }
0x6b: {  	_ =	shalt  }
0x6c: {  	_ =	shalt  }
0x6d: {  	_ =	shalt  }
0x6e: {  	_ =	shalt  }
0x6f: {  	_ =	shalt  }
0x70: {  	_ =	shalt  }
0x71: {  	_ =	shalt  }
0x72: {  	_ =	shalt  }
0x73: {  	_ =	shalt  }
0x74: {  	_ =	shalt  }
0x75: {  	_ =	shalt  }
0x76: {  	_ =	shalt  }
0x77: {  	_ =	shalt  }
0x78: {  	_ =	shalt  }
0x79: {  	_ =	shalt  }
0x7a: {  	_ =	shalt  }
0x7b: {  	_ =	shalt  }
0x7c: {  	_ =	shalt  }
0x7d: {  	_ =	shalt  }
0x7e: {  	_ =	shalt  }
0x7f: {  	_ =	shalt  }
0x80: {  	_ =	shalt  }
0x81: {  	_ =	shalt  }
0x82: {  	_ =	shalt  }
0x83: {  	_ =	shalt  }
0x84: {  	_ =	shalt  }
0x85: {  	_ =	shalt  }
0x86: {  	_ =	shalt  }
0x87: {  	_ =	shalt  }
.Lfunc_end0:
.L_simem_size_0:
called_computation_lowered:
.L_overlay_start_0:
0x88: {  	s2 =	sld [smem:$0x3FD9]  }
0x89: {  	s3 =	sld [smem:$0x3FFE];
	_ =	sdelay $0x1  }
0x8a: {  	s1 =	srdreg.scid  }
0x8b: {  	s0 =	sand.u32 $0x1, s1  }
0x8c: {  	s17 =	sshll.u32 s0, $0xA;
	s2 =	sadd.s32 s3, s2  }
0x8d: {  	s2 =	sadd.s32 s2, s17  }
0x8e: {  	[smem:$0x3FC5] =	sst s2  }
0x8f: {  	_ = 	snop  }
0x90: {  	s2 =	sld [smem:$0x3FD0];
	(tm) =	ssettm $0x1  }
0x91: {  	s18 =	sld [smem:$0x3FFB];
	_ =	sdelay $0x3  }
0x92: {  	_ =	strace s18  }
0x93: {  	s3 =	sld [smem:$0x3FFC];
	_ =	sdelay $0x3  }
0x94: {  	_ =	strace s3  }
0x95: {  	s3 =	sld [smem:$0x3FFD];
	_ =	sdelay $0x3  }
0x96: {  	_ =	strace s3  }
0x97: {  	_ =	strace $0x8FFFFFFF  }
0x98: {  	s19 =	sld [smem:$0x3FDB];
	_ =	sdelay $0x1  }
0x99: {  	s4 =	simm.s32 $_scs_section_size  }
0x9a: {  	s5 =	simm.s32 $_size__tile_overlayer_lowered;
	s6 =	simm.s32 $_tile_overlayer_lowered  }
0x9b: {  	s22 =	simm.s32 $0x1BFF;
	s21 =	sshll.u32 s6, $0x1;
	s3 =	sadd.s32 s4, s19  }
0x9c: {  	s7 =	simm.s32 $0x0;
	s20 =	sshll.u32 s5, $0x1;
	s5 =	sadd.s32 s21, s3  }
0x9d: {  	[timem:s7], [sflag:s22] =	dma.local [hbm:s5], s20  }
0x9e: {  	_ =	swait.ge [sflag:s22], s20  }
0x9f: {  	s4 =	ssub.s32 $0x0, s20;
	[sflag:s22] =	ssyncset.done $0x0  }
0xa0: {  	[sflag:s22] =	ssyncadd.s32 s4;
	_ =	sdelay $0x1  }
0xa1: {  	s23 =	simm.s32 $0x1B8B  }
0xa2: {  	_ =	swait.ge [sflag:s23], $0x1  }
0xa3: {  	[sflag:s23] =	ssyncset.done $0x0  }
0xa4: {  	s25 =	simm.s32 $0x1B8E;
	s24 =	sld [smem:$0x3FFE];
	[sflag:s23] =	ssyncadd.s32 $0xFFFFFFFF  }
0xa5: {  	s26 =	simm.s32 $execute0_lowered;
	[smem:$0x3FD2] =	sst s25  }
0xa6: {  	s5 =	sshll.u32 s26, $0x1;
	_ =	strace $0x80000046;
	[dreg:$0x1] =	wrdreg $0xFFFFFFFF  }
0xa7: {  	s28 =	simm.s32 $_size_execute0_lowered;
	s3 =	sadd.s32 s3, s5;
	[dreg:$0x0] =	wrdreg $0x0  }
0xa8: {  	s5 =	sshll.u32 s28, $0x1;
	[dreg:$0x2] =	wrdreg s3  }
0xa9: {  	[dreg:$0x3] =	wrdreg s5  }
0xaa: {  	[dreg:$0x4] =	wrdreg $0xC0  }
0xab: {  	_ =	task [dreg:s7], $0x5FFFF  }
0xac: {  	[dreg:$0x1] =	wrdreg $0xFFFFFFFF  }
0xad: {  	[dreg:$0x0] =	wrdreg $0x60  }
0xae: {  	[dreg:$0x2] =	wrdreg s24  }
0xaf: {  	[dreg:$0x3] =	wrdreg s2  }
0xb0: {  	[dreg:$0x4] =	wrdreg $0x9  }
0xb1: {  	_ =	task.clear_ibuf [dreg:s7], $0x5FFFF;
	_ =	strace $0x90000046  }
0xb2: {  	s29 =	simm.s32 $0x9;
	_ =	strace $0x80000048  }
0xb3: {  	_ =	swait.ge [sflag:s29], $0x1  }
0xb4: {  	[sflag:s29] =	ssyncadd.s32 $0xFFFFFFFF  }
0xb5: {  	_ =	strace $0x90000048  }
0xb6: {  	_ =	sfence  }
0xb7: {  	s30 =	sld [smem:$0x0];
	_ =	sdelay $0x2  }
0xb8: {  	s31 =	sshll.u32 s1, $0xD;
	s1 =	sshrl.u32 s1, $0x2  }
0xb9: {  	s3 =	sand.u32 $0x4000, s31;
	s1 =	sadd.s32 s1, s30  }
0xba: {  	s0 =	sor.u32 s3, s0;
	s1 =	sshll.u32 s1, $0x11  }
0xbb: {  	s0 =	sor.u32 s1, s0  }
0xbc: {  	s0 =	sadd.s32 $0x8F2B, s0  }
0xbd: {  	[sflag:s0] =	ssyncadd.remote.s32 $0x1  }
0xbe: {  	_ =	sfence.sel $0xFFFF  }
0xbf: {  	[dreg:$0x0] =	wrdreg $0xFFFFFFFF;
	(pc) =	sbr.abs _section_cstart, $3  }
0xc0: {  	[dreg:$0x1] =	wrdreg $0xFFFFFFFF  }
0xc1: {  	_ =	task.clear_ibuf [dreg:s7], $0x2FFFF;
	_ =	strace $0x9FFFFFFF  }
0xc2: {  	(tm) =	ssettm $0x7FFFFFFF  }
0xc3: {  	_ =	shalt  }
tec
execute0_lowered:
.L_overlay_start_1:
0x0: {  	(tag) =	ssettag $0x1  }
0x1: {  	s0 =	rddreg [dreg:$0x0]  }
0x2: {  	s1 =	srdreg.scid;
	s3 =	stileid.u32  }
0x3: {  	s2 =	rddreg [dreg:$0x1];
	s28 =	simm.s32 $0x10800;
	s29 =	simm.s32 $0x10C00  }
0x4: {  	s30 =	simm.s32 $0x11000;
	s31 =	simm.s32 $0x11400;
	s16 =	simm.s32 $0x11C00  }
0x5: {  	s18 =	simm.s32 $0x12000;
	s19 =	simm.s32 $0x12400;
	s21 =	simm.s32 $0x3  }
0x6: {  	s1 =	sand.u32 $0x1, s1;
	s4 =	sshll.u32 s3, $0x1;
	s3 =	simm.s32 $0x0  }
0x7: {  	s9 =	sadd.s32 $0x4000, s2;
	s24 =	sadd.s32 $0x8000, s2;
	s25 =	sadd.s32 $0xC000, s2  }
0x8: {  	s5 =	sor.u32 s1, s4;
	[smem:$0x7FF] =	sst s3;
	s1 =	ssub.s32 $0x2, s1  }
0x9: {  	s4 =	sshll.u32 s5, $0x6;
	_ =	strace $0x80000047;
	[dreg:$0x5] =	wrdreg s24  }
0xa: {  	s22 =	sshrl.u32 s1, $0x1;
	s7 =	sshll.u32 s5, $0xC;
	[dreg:$0x6] =	wrdreg s25  }
0xb: {  	s25 =	simm.s32 $0x1;
	s24 =	simm.s32 $0x6;
	s6 =	sadd.s32 s4, s0  }
0xc: {  	s4 =	sadd.s32 $0x65800, s0;
	s0 =	sadd.s32 $0x1400, s0;
	s11 =	sor.u32 $0x400, s7  }
0xd: {  	s12 =	sor.u32 $0x800, s7;
	s13 =	sor.u32 $0xC00, s7;
	[dreg:$0x3] =	wrdreg s0  }
0xe: {  	v0 =	vlaneseq.u32;
	s0 =	ssub.s32 s1, s22;
	s23 =	sadd.s32 $0x1800, s6;
	s26 =	sadd.s32 $0x33800, s6  }
0xf: {  	v0 =	vmul.u32 $0x80, v0;
	s1 =	simm.s32 $0x2;
	s22 =	simm.s32 $0x5;
	[dreg:$0x4] =	wrdreg s23  }
0x10: {  	s6 =	simm.s32 $0x0;
	[dreg:$0x7] =	wrdreg s26;
	s0 =	smax.u32 s0, $0x1  }
0x11: {  	v1 =	vor.u32 $0x800, v0;
	s23 =	simm.s32 $0x4;
	[dreg:$0x8] =	wrdreg s0;
	s0 =	simm.s32 $0x11800  }
.LBB2_1:
0x12: {  	[dreg:$0x9] =	wrdreg s6  }
0x13: {  	s5 =	rddreg [dreg:$0x3];
	s17 =	simm.s32 $0x12800;
	s20 =	simm.s32 $0x7  }
0x14: {  	[tilespmem:s17], [sflag:$0x7] =	stream.linear.gather [hbm4b:s5+s3], $0x1900, $0x38;
	[tilespmem:$0x14100] =	vst v63  }
0x15: {  	_ =	swait.ge [sflag:s20], $0x1900  }
0x16: {  	s8 =	simm.s32 $0x200;
	[sflag:s20] =	ssyncset.done $0x0  }
0x17: {  	s10 =	simm.s32 $0x4000;
	s26 =	rddreg [dreg:$0x4];
	[sflag:s20] =	ssyncadd.s32 $0xFFFFE700  }
0x18: {  	[tilespmem:s3], [sflag:$0x7] =	stream.strided.gather [hbm4b:s26+s8], $0xC800, s10, s8, $0x38;
	[tilespmem:$0x14100] =	vst v63  }
0x19: {  	_ =	swait.ge [sflag:s20], $0xC800  }
0x1a: {  	[sflag:s20] =	ssyncset.done $0x0  }
0x1b: {  	s14 =	simm.s32 $0x80;
	s15 =	simm.s32 $0xC800;
	[sflag:s20] =	ssyncadd.s32 $0xFFFF3800  }
0x1c: {  	[tilespmem:s15], [sflag:$0x1] =	stream.indirect.gather [hbm4b:s4+s14], $0x20, s3, s14, $0xb8;
	[tilespmem:$0x14100] =	vst v63  }
0x1d: {  	s17 =	simm.s32 $0xD800  }
0x1e: {  	[tilespmem:s17], [sflag:$0x2] =	stream.indirect.gather [hbm4b:s4+s14], $0x20, s14, s14, $0xb8;
	[tilespmem:$0x14100] =	vst v63  }
0x1f: {  	s5 =	simm.s32 $0x0;
	s26 =	simm.s32 $0xE800;
	s20 =	simm.s32 $0x100  }
0x20: {  	[tilespmem:s26], [sflag:$0x3] =	stream.indirect.gather [hbm4b:s4+s14], $0x20, s20, s14, $0xb8;
	[tilespmem:$0x14100] =	vst v63  }
.LBB2_2:
0x21: {  	_ =	swait.ge [sflag:s25], $0x1000;
	s6 =	sshll.u32 s5, $0x9;
	s8 =	simm.s32 $0x80  }
0x22: {  	s10 =	simm.s32 $0xF800;
	[sflag:s25] =	ssyncset.done $0x0;
	s6 =	sand.u32 $0x3FFFFE00, s6  }
0x23: {  	p0 =	seq.s32 s5, $0x0;
	[sflag:s25] =	ssyncadd.s32 $0xFFFFF000;
	s6 =	sor.u32 $0x180, s6  }
0x24: {  	[tilespmem:s10], [sflag:$0x4] =	stream.indirect.gather [hbm4b:s4+s8], $0x20, s6, s8, $0xb8;
	[tilespmem:$0x14100] =	vst v63  }
0x25: {  	s6 =	simm.s32 @!p0 $0x5  }
0x26: {  	_ =	swait.ge @!p0 [sflag:s6], $0x400  }
0x27: {  	[sflag:s6] =	ssyncset.done @!p0 $0x0  }
0x28: {  	[sflag:s6] =	ssyncadd.s32 @!p0 $0xFFFFFC00  }
0x29: {  	_ =	swait.ge @!p0 [sflag:s6], $0x400  }
0x2a: {  	[sflag:s6] =	ssyncset.done @!p0 $0x0  }
0x2b: {  	[sflag:s6] =	ssyncadd.s32 @!p0 $0xFFFFFC00  }
0x2c: {  	_ =	swait.ge @!p0 [sflag:s6], $0x400  }
0x2d: {  	[sflag:s6] =	ssyncset.done @!p0 $0x0  }
0x2e: {  	[sflag:s6] =	ssyncadd.s32 @!p0 $0xFFFFFC00  }
0x2f: {  	_ =	swait.ge @!p0 [sflag:s6], $0x400  }
0x30: {  	s15 =	sshll.u32 s5, $0x5;
	[sflag:s6] =	ssyncset.done @!p0 $0x0  }
0x31: {  	[sflag:s6] =	ssyncadd.s32 @!p0 $0xFFFFFC00;
	s6 =	sand.u32 $0x3FFFFFE0, s15  }
0x32: {  	s14 =	simm.s32 $0xC880;
	v2 =	vld [tilespmem:s6+$0x12800]  }
0x33: {  	v3 =	vld [tilespmem:s14+$0xFFFFFF80]  }
0x34: {  	s17 =	simm.s32 $0x0  }
0x35: {  	v4 =	vor.u32 s17, v0;
	_ =	sdelay $0x2  }
0x36: {  	v5 =	vadd.f32 v3, v2;
	_ =	sdelay $0x1  }
0x37: {  	v3 =	vld [tilespmem:s6+$0x12810];
	[tilespmem:v4+s28+$0x0] =	vst.idx.msk $0xffff, v5  }
0x38: {  	v4 =	vld [tilespmem:s14+$0xFFFFFF90];
	_ =	sdelay $0x1  }
0x39: {  	v5 =	vor.u32 s17, v1;
	_ =	sdelay $0x2  }
0x3a: {  	v4 =	vadd.f32 v4, v3;
	_ =	sdelay $0x1  }
0x3b: {  	[tilespmem:v5+s28+$0x0] =	vst.idx.msk $0xffff, v4  }
0x3c: {  	v4 =	vld [tilespmem:s14+$0xFFFFFFA0]  }
0x3d: {  	s20 =	simm.s32 $0x1  }
0x3e: {  	v5 =	vor.u32 s20, v0;
	_ =	sdelay $0x2  }
0x3f: {  	v4 =	vadd.f32 v4, v2;
	_ =	sdelay $0x1  }
0x40: {  	[tilespmem:v5+s28+$0x0] =	vst.idx.msk $0xffff, v4  }
0x41: {  	v4 =	vld [tilespmem:s14+$0xFFFFFFB0];
	_ =	sdelay $0x1  }
0x42: {  	v5 =	vor.u32 s20, v1;
	_ =	sdelay $0x2  }
0x43: {  	v4 =	vadd.f32 v4, v3;
	_ =	sdelay $0x1  }
0x44: {  	[tilespmem:v5+s28+$0x0] =	vst.idx.msk $0xffff, v4  }
0x45: {  	v4 =	vld [tilespmem:s14+$0xFFFFFFC0]  }
0x46: {  	s26 =	simm.s32 $0x2  }
0x47: {  	v5 =	vor.u32 s26, v0;
	_ =	sdelay $0x2  }
0x48: {  	v4 =	vadd.f32 v4, v2;
	_ =	sdelay $0x1  }
0x49: {  	[tilespmem:v5+s28+$0x0] =	vst.idx.msk $0xffff, v4  }
0x4a: {  	v4 =	vld [tilespmem:s14+$0xFFFFFFD0];
	_ =	sdelay $0x1  }
0x4b: {  	v5 =	vor.u32 s26, v1;
	_ =	sdelay $0x2  }
0x4c: {  	v4 =	vadd.f32 v4, v3;
	_ =	sdelay $0x1  }
0x4d: {  	[tilespmem:v5+s28+$0x0] =	vst.idx.msk $0xffff, v4  }
0x4e: {  	v4 =	vld [tilespmem:s14+$0xFFFFFFE0]  }
0x4f: {  	s10 =	simm.s32 $0x3  }
0x50: {  	v5 =	vor.u32 s10, v0;
	_ =	sdelay $0x2  }
0x51: {  	v4 =	vadd.f32 v4, v2;
	_ =	sdelay $0x1  }
0x52: {  	[tilespmem:v5+s28+$0x0] =	vst.idx.msk $0xffff, v4  }
0x53: {  	v4 =	vld [tilespmem:s14+$0xFFFFFFF0];
	_ =	sdelay $0x1  }
0x54: {  	v5 =	vor.u32 s10, v1;
	_ =	sdelay $0x2  }
0x55: {  	v4 =	vadd.f32 v4, v3;
	_ =	sdelay $0x1  }
0x56: {  	[tilespmem:v5+s28+$0x0] =	vst.idx.msk $0xffff, v4  }
0x57: {  	v4 =	vld [tilespmem:s14+$0x0]  }
0x58: {  	s15 =	simm.s32 $0x4  }
0x59: {  	v5 =	vor.u32 s15, v0;
	_ =	sdelay $0x2  }
0x5a: {  	v4 =	vadd.f32 v4, v2;
	_ =	sdelay $0x1  }
0x5b: {  	[tilespmem:v5+s28+$0x0] =	vst.idx.msk $0xffff, v4  }
0x5c: {  	v4 =	vld [tilespmem:s14+$0x10];
	_ =	sdelay $0x1  }
0x5d: {  	v5 =	vor.u32 s15, v1;
	_ =	sdelay $0x2  }
0x5e: {  	v4 =	vadd.f32 v4, v3;
	_ =	sdelay $0x1  }
0x5f: {  	[tilespmem:v5+s28+$0x0] =	vst.idx.msk $0xffff, v4  }
0x60: {  	v4 =	vld [tilespmem:s14+$0x20]  }
0x61: {  	s17 =	simm.s32 $0x5  }
0x62: {  	v5 =	vor.u32 s17, v0;
	_ =	sdelay $0x2  }
0x63: {  	v4 =	vadd.f32 v4, v2;
	_ =	sdelay $0x1  }
0x64: {  	[tilespmem:v5+s28+$0x0] =	vst.idx.msk $0xffff, v4  }
0x65: {  	v4 =	vld [tilespmem:s14+$0x30];
	_ =	sdelay $0x1  }
0x66: {  	v5 =	vor.u32 s17, v1;
	_ =	sdelay $0x2  }
0x67: {  	v4 =	vadd.f32 v4, v3;
	_ =	sdelay $0x1  }
0x68: {  	[tilespmem:v5+s28+$0x0] =	vst.idx.msk $0xffff, v4  }
0x69: {  	v4 =	vld [tilespmem:s14+$0x40]  }
0x6a: {  	s20 =	simm.s32 $0x6  }
0x6b: {  	v5 =	vor.u32 s20, v0;
	_ =	sdelay $0x2  }
0x6c: {  	v4 =	vadd.f32 v4, v2;
	_ =	sdelay $0x1  }
0x6d: {  	[tilespmem:v5+s28+$0x0] =	vst.idx.msk $0xffff, v4  }
0x6e: {  	v4 =	vld [tilespmem:s14+$0x50];
	_ =	sdelay $0x1  }
0x6f: {  	v5 =	vor.u32 s20, v1;
	_ =	sdelay $0x2  }
0x70: {  	v4 =	vadd.f32 v4, v3;
	_ =	sdelay $0x1  }
0x71: {  	[tilespmem:v5+s28+$0x0] =	vst.idx.msk $0xffff, v4  }
0x72: {  	v4 =	vld [tilespmem:s14+$0x60]  }
0x73: {  	s26 =	simm.s32 $0x7  }
0x74: {  	v5 =	vor.u32 s26, v0;
	_ =	sdelay $0x2  }
0x75: {  	v4 =	vadd.f32 v4, v2;
	_ =	sdelay $0x1  }
0x76: {  	[tilespmem:v5+s28+$0x0] =	vst.idx.msk $0xffff, v4  }
0x77: {  	v5 =	vld [tilespmem:s14+$0x70];
	_ =	sdelay $0x1  }
0x78: {  	v4 =	vor.u32 s26, v1;
	_ =	sdelay $0x2  }
0x79: {  	s15 =	simm.s32 $0x8;
	v5 =	vadd.f32 v5, v3  }
.LBB2_3:
0x7a: {  	p0 =	slt.u32 s15, $0x78  }
0x7b: {  	s14 =	sadd.s32 $0x100, s14;
	s17 =	smov.u32 s15;
	s15 =	sadd.s32 $0x8, s15;
	[tilespmem:v4+s28+$0x0] =	vst.idx.msk $0xffff, v5  }
0x7c: {  	v4 =	vld [tilespmem:s14+$0xFFFFFF80];
	_ =	sdelay $0x1  }
0x7d: {  	v5 =	vor.u32 s17, v0;
	_ =	sdelay $0x2  }
0x7e: {  	v4 =	vadd.f32 v4, v2;
	_ =	sdelay $0x1  }
0x7f: {  	[tilespmem:v5+s28+$0x0] =	vst.idx.msk $0xffff, v4  }
0x80: {  	v4 =	vld [tilespmem:s14+$0xFFFFFF90];
	_ =	sdelay $0x1  }
0x81: {  	v5 =	vor.u32 s17, v1;
	_ =	sdelay $0x2  }
0x82: {  	v4 =	vadd.f32 v4, v3;
	_ =	sdelay $0x1  }
0x83: {  	[tilespmem:v5+s28+$0x0] =	vst.idx.msk $0xffff, v4  }
0x84: {  	v4 =	vld [tilespmem:s14+$0xFFFFFFA0]  }
0x85: {  	s8 =	sadd.s32 $0x1, s17  }
0x86: {  	v5 =	vor.u32 s8, v0;
	_ =	sdelay $0x2  }
0x87: {  	v4 =	vadd.f32 v4, v2;
	_ =	sdelay $0x1  }
0x88: {  	[tilespmem:v5+s28+$0x0] =	vst.idx.msk $0xffff, v4  }
0x89: {  	v4 =	vld [tilespmem:s14+$0xFFFFFFB0];
	_ =	sdelay $0x1  }
0x8a: {  	v5 =	vor.u32 s8, v1;
	_ =	sdelay $0x2  }
0x8b: {  	v4 =	vadd.f32 v4, v3;
	_ =	sdelay $0x1  }
0x8c: {  	[tilespmem:v5+s28+$0x0] =	vst.idx.msk $0xffff, v4  }
0x8d: {  	v4 =	vld [tilespmem:s14+$0xFFFFFFC0]  }
0x8e: {  	s8 =	sadd.s32 $0x2, s17  }
0x8f: {  	v5 =	vor.u32 s8, v0;
	_ =	sdelay $0x2  }
0x90: {  	v4 =	vadd.f32 v4, v2;
	_ =	sdelay $0x1  }
0x91: {  	[tilespmem:v5+s28+$0x0] =	vst.idx.msk $0xffff, v4  }
0x92: {  	v4 =	vld [tilespmem:s14+$0xFFFFFFD0];
	_ =	sdelay $0x1  }
0x93: {  	v5 =	vor.u32 s8, v1;
	_ =	sdelay $0x2  }
0x94: {  	v4 =	vadd.f32 v4, v3;
	_ =	sdelay $0x1  }
0x95: {  	[tilespmem:v5+s28+$0x0] =	vst.idx.msk $0xffff, v4  }
0x96: {  	v4 =	vld [tilespmem:s14+$0xFFFFFFE0]  }
0x97: {  	s8 =	sadd.s32 $0x3, s17  }
0x98: {  	v5 =	vor.u32 s8, v0;
	_ =	sdelay $0x2  }
0x99: {  	v4 =	vadd.f32 v4, v2;
	_ =	sdelay $0x1  }
0x9a: {  	[tilespmem:v5+s28+$0x0] =	vst.idx.msk $0xffff, v4  }
0x9b: {  	v4 =	vld [tilespmem:s14+$0xFFFFFFF0];
	_ =	sdelay $0x1  }
0x9c: {  	v5 =	vor.u32 s8, v1;
	_ =	sdelay $0x2  }
0x9d: {  	v4 =	vadd.f32 v4, v3;
	_ =	sdelay $0x1  }
0x9e: {  	[tilespmem:v5+s28+$0x0] =	vst.idx.msk $0xffff, v4  }
0x9f: {  	v4 =	vld [tilespmem:s14+$0x0]  }
0xa0: {  	s8 =	sadd.s32 $0x4, s17  }
0xa1: {  	v5 =	vor.u32 s8, v0;
	_ =	sdelay $0x2  }
0xa2: {  	v4 =	vadd.f32 v4, v2;
	_ =	sdelay $0x1  }
0xa3: {  	[tilespmem:v5+s28+$0x0] =	vst.idx.msk $0xffff, v4  }
0xa4: {  	v4 =	vld [tilespmem:s14+$0x10];
	_ =	sdelay $0x1  }
0xa5: {  	v5 =	vor.u32 s8, v1;
	_ =	sdelay $0x2  }
0xa6: {  	v4 =	vadd.f32 v4, v3;
	_ =	sdelay $0x1  }
0xa7: {  	[tilespmem:v5+s28+$0x0] =	vst.idx.msk $0xffff, v4  }
0xa8: {  	v4 =	vld [tilespmem:s14+$0x20]  }
0xa9: {  	s8 =	sadd.s32 $0x5, s17  }
0xaa: {  	v5 =	vor.u32 s8, v0;
	_ =	sdelay $0x2  }
0xab: {  	v4 =	vadd.f32 v4, v2;
	_ =	sdelay $0x1  }
0xac: {  	[tilespmem:v5+s28+$0x0] =	vst.idx.msk $0xffff, v4  }
0xad: {  	v4 =	vld [tilespmem:s14+$0x30];
	_ =	sdelay $0x1  }
0xae: {  	v5 =	vor.u32 s8, v1;
	_ =	sdelay $0x2  }
0xaf: {  	v4 =	vadd.f32 v4, v3;
	_ =	sdelay $0x1  }
0xb0: {  	[tilespmem:v5+s28+$0x0] =	vst.idx.msk $0xffff, v4  }
0xb1: {  	v4 =	vld [tilespmem:s14+$0x40]  }
0xb2: {  	s8 =	sadd.s32 $0x6, s17  }
0xb3: {  	v5 =	vor.u32 s8, v0;
	_ =	sdelay $0x2  }
0xb4: {  	v4 =	vadd.f32 v4, v2;
	_ =	sdelay $0x1  }
0xb5: {  	[tilespmem:v5+s28+$0x0] =	vst.idx.msk $0xffff, v4  }
0xb6: {  	v4 =	vld [tilespmem:s14+$0x50];
	_ =	sdelay $0x1  }
0xb7: {  	v5 =	vor.u32 s8, v1;
	_ =	sdelay $0x2  }
0xb8: {  	v4 =	vadd.f32 v4, v3;
	_ =	sdelay $0x1  }
0xb9: {  	[tilespmem:v5+s28+$0x0] =	vst.idx.msk $0xffff, v4  }
0xba: {  	v4 =	vld [tilespmem:s14+$0x60]  }
0xbb: {  	s8 =	sadd.s32 $0x7, s17  }
0xbc: {  	v5 =	vor.u32 s8, v0;
	_ =	sdelay $0x2  }
0xbd: {  	v4 =	vadd.f32 v4, v2;
	_ =	sdelay $0x1  }
0xbe: {  	[tilespmem:v5+s28+$0x0] =	vst.idx.msk $0xffff, v4  }
0xbf: {  	v5 =	vld [tilespmem:s14+$0x70]  }
.Ltmp0:
0xc0: {  	(pc) =	sbr.rel @p0 .LBB2_3-.Ltmp0, $2  }
0xc1: {  	v4 =	vor.u32 s8, v1;
	_ =	sdelay $0x2  }
0xc2: {  	v5 =	vadd.f32 v5, v3  }
0xc3: {  	_ = 	snop  }
0xc4: {  	s15 =	sshll.u32 s5, $0x13  }
0xc5: {  	s8 =	sor.u32 s7, s15  }
0xc6: {  	s8 =	sshrl.u32 s8, $0x3  }
0xc7: {  	[tilespmem:v4+s28+$0x0] =	vst.idx.msk $0xffff, v5;
	s14 =	sadd.s32 s2, s8  }
0xc8: {  	[hbm4b:s14+s3] =	stream.linear.scatter [tilespmem:s28], [sflag:$0x5], $0x400, $0x38;
	[tilespmem:$0x14100] =	vst v63  }
0xc9: {  	s10 =	rddreg [dreg:$0x5];
	s17 =	sadd.s32 s8, s9  }
0xca: {  	[hbm4b:s17+s3] =	stream.linear.scatter [tilespmem:s29], [sflag:$0x5], $0x400, $0x38;
	[tilespmem:$0x14100] =	vst v63  }
0xcb: {  	s26 =	rddreg [dreg:$0x6];
	s20 =	sadd.s32 s8, s10  }
0xcc: {  	[hbm4b:s20+s3] =	stream.linear.scatter [tilespmem:s30], [sflag:$0x5], $0x400, $0x38;
	[tilespmem:$0x14100] =	vst v63  }
0xcd: {  	p0 =	seq.s32 s5, $0x63;
	s8 =	sadd.s32 s8, s26;
	s14 =	sadd.s32 $0x1, s5  }
0xce: {  	[hbm4b:s8+s3] =	stream.linear.scatter [tilespmem:s31], [sflag:$0x5], $0x400, $0x38;
	[tilespmem:$0x14100] =	vst v63  }
0xcf: {  	p1 =	seq.s32 @!p0 s5, $0x0;
	s5 =	sshll.u32 @!p0 s14, $0x9;
	_ =	swait.ge [sflag:s1], $0x1000  }
0xd0: {  	p1 =	por p0, !p1;
	s17 =	sand.u32 @!p0 $0x3FFFFE00, s5;
	[sflag:s1] =	ssyncset.done $0x0  }
0xd1: {  	s5 =	simm.s32 @!p0 $0x80;
	s8 =	simm.s32 @!p0 $0xC800;
	[sflag:s1] =	ssyncadd.s32 $0xFFFFF000  }
0xd2: {  	[tilespmem:s8], [sflag:$0x1] =	stream.indirect.gather @!p0 [hbm4b:s4+s5], $0x20, s17, s5, $0xb8;
	[tilespmem:$0x14100] =	vst v63  }
0xd3: {  	_ =	swait.ge @p1 [sflag:s24], $0x400  }
0xd4: {  	[sflag:s24] =	ssyncset.done @p1 $0x0  }
0xd5: {  	[sflag:s24] =	ssyncadd.s32 @p1 $0xFFFFFC00  }
0xd6: {  	_ =	swait.ge @p1 [sflag:s24], $0x400  }
0xd7: {  	[sflag:s24] =	ssyncset.done @p1 $0x0  }
0xd8: {  	[sflag:s24] =	ssyncadd.s32 @p1 $0xFFFFFC00  }
0xd9: {  	_ =	swait.ge @p1 [sflag:s24], $0x400  }
0xda: {  	[sflag:s24] =	ssyncset.done @p1 $0x0  }
0xdb: {  	[sflag:s24] =	ssyncadd.s32 @p1 $0xFFFFFC00  }
0xdc: {  	_ =	swait.ge @p1 [sflag:s24], $0x400  }
0xdd: {  	[sflag:s24] =	ssyncset.done @p1 $0x0  }
0xde: {  	[sflag:s24] =	ssyncadd.s32 @p1 $0xFFFFFC00  }
0xdf: {  	s5 =	simm.s32 $0xD880;
	v2 =	vld [tilespmem:s6+$0x12800]  }
0xe0: {  	v3 =	vld [tilespmem:s5+$0xFFFFFF80]  }
0xe1: {  	s10 =	simm.s32 $0x0  }
0xe2: {  	v4 =	vor.u32 s10, v0;
	_ =	sdelay $0x2  }
0xe3: {  	v5 =	vadd.f32 v3, v2;
	_ =	sdelay $0x1  }
0xe4: {  	v3 =	vld [tilespmem:s6+$0x12810];
	[tilespmem:v4+s0+$0x0] =	vst.idx.msk $0xffff, v5  }
0xe5: {  	v4 =	vld [tilespmem:s5+$0xFFFFFF90];
	_ =	sdelay $0x1  }
0xe6: {  	v5 =	vor.u32 s10, v1;
	_ =	sdelay $0x2  }
0xe7: {  	v4 =	vadd.f32 v4, v3;
	_ =	sdelay $0x1  }
0xe8: {  	[tilespmem:v5+s0+$0x0] =	vst.idx.msk $0xffff, v4  }
0xe9: {  	v4 =	vld [tilespmem:s5+$0xFFFFFFA0]  }
0xea: {  	s20 =	simm.s32 $0x1  }
0xeb: {  	v5 =	vor.u32 s20, v0;
	_ =	sdelay $0x2  }
0xec: {  	v4 =	vadd.f32 v4, v2;
	_ =	sdelay $0x1  }
0xed: {  	[tilespmem:v5+s0+$0x0] =	vst.idx.msk $0xffff, v4  }
0xee: {  	v4 =	vld [tilespmem:s5+$0xFFFFFFB0];
	_ =	sdelay $0x1  }
0xef: {  	v5 =	vor.u32 s20, v1;
	_ =	sdelay $0x2  }
0xf0: {  	v4 =	vadd.f32 v4, v3;
	_ =	sdelay $0x1  }
0xf1: {  	[tilespmem:v5+s0+$0x0] =	vst.idx.msk $0xffff, v4  }
0xf2: {  	v4 =	vld [tilespmem:s5+$0xFFFFFFC0]  }
0xf3: {  	s26 =	simm.s32 $0x2  }
0xf4: {  	v5 =	vor.u32 s26, v0;
	_ =	sdelay $0x2  }
0xf5: {  	v4 =	vadd.f32 v4, v2;
	_ =	sdelay $0x1  }
0xf6: {  	[tilespmem:v5+s0+$0x0] =	vst.idx.msk $0xffff, v4  }
0xf7: {  	v4 =	vld [tilespmem:s5+$0xFFFFFFD0];
	_ =	sdelay $0x1  }
0xf8: {  	v5 =	vor.u32 s26, v1;
	_ =	sdelay $0x2  }
0xf9: {  	v4 =	vadd.f32 v4, v3;
	_ =	sdelay $0x1  }
0xfa: {  	[tilespmem:v5+s0+$0x0] =	vst.idx.msk $0xffff, v4  }
0xfb: {  	v4 =	vld [tilespmem:s5+$0xFFFFFFE0]  }
0xfc: {  	s10 =	simm.s32 $0x3  }
0xfd: {  	v5 =	vor.u32 s10, v0;
	_ =	sdelay $0x2  }
0xfe: {  	v4 =	vadd.f32 v4, v2;
	_ =	sdelay $0x1  }
0xff: {  	[tilespmem:v5+s0+$0x0] =	vst.idx.msk $0xffff, v4  }
0x100: {  	v4 =	vld [tilespmem:s5+$0xFFFFFFF0];
	_ =	sdelay $0x1  }
0x101: {  	v5 =	vor.u32 s10, v1;
	_ =	sdelay $0x2  }
0x102: {  	v4 =	vadd.f32 v4, v3;
	_ =	sdelay $0x1  }
0x103: {  	[tilespmem:v5+s0+$0x0] =	vst.idx.msk $0xffff, v4  }
0x104: {  	v4 =	vld [tilespmem:s5+$0x0]  }
0x105: {  	s20 =	simm.s32 $0x4  }
0x106: {  	v5 =	vor.u32 s20, v0;
	_ =	sdelay $0x2  }
0x107: {  	v4 =	vadd.f32 v4, v2;
	_ =	sdelay $0x1  }
0x108: {  	[tilespmem:v5+s0+$0x0] =	vst.idx.msk $0xffff, v4  }
0x109: {  	v4 =	vld [tilespmem:s5+$0x10];
	_ =	sdelay $0x1  }
0x10a: {  	v5 =	vor.u32 s20, v1;
	_ =	sdelay $0x2  }
0x10b: {  	v4 =	vadd.f32 v4, v3;
	_ =	sdelay $0x1  }
0x10c: {  	[tilespmem:v5+s0+$0x0] =	vst.idx.msk $0xffff, v4  }
0x10d: {  	v4 =	vld [tilespmem:s5+$0x20]  }
0x10e: {  	s26 =	simm.s32 $0x5  }
0x10f: {  	v5 =	vor.u32 s26, v0;
	_ =	sdelay $0x2  }
0x110: {  	v4 =	vadd.f32 v4, v2;
	_ =	sdelay $0x1  }
0x111: {  	[tilespmem:v5+s0+$0x0] =	vst.idx.msk $0xffff, v4  }
0x112: {  	v4 =	vld [tilespmem:s5+$0x30];
	_ =	sdelay $0x1  }
0x113: {  	v5 =	vor.u32 s26, v1;
	_ =	sdelay $0x2  }
0x114: {  	v4 =	vadd.f32 v4, v3;
	_ =	sdelay $0x1  }
0x115: {  	[tilespmem:v5+s0+$0x0] =	vst.idx.msk $0xffff, v4  }
0x116: {  	v4 =	vld [tilespmem:s5+$0x40]  }
0x117: {  	s10 =	simm.s32 $0x6  }
0x118: {  	v5 =	vor.u32 s10, v0;
	_ =	sdelay $0x2  }
0x119: {  	v4 =	vadd.f32 v4, v2;
	_ =	sdelay $0x1  }
0x11a: {  	[tilespmem:v5+s0+$0x0] =	vst.idx.msk $0xffff, v4  }
0x11b: {  	v4 =	vld [tilespmem:s5+$0x50];
	_ =	sdelay $0x1  }
0x11c: {  	v5 =	vor.u32 s10, v1;
	_ =	sdelay $0x2  }
0x11d: {  	v4 =	vadd.f32 v4, v3;
	_ =	sdelay $0x1  }
0x11e: {  	[tilespmem:v5+s0+$0x0] =	vst.idx.msk $0xffff, v4  }
0x11f: {  	v4 =	vld [tilespmem:s5+$0x60]  }
0x120: {  	s20 =	simm.s32 $0x7  }
0x121: {  	v5 =	vor.u32 s20, v0;
	_ =	sdelay $0x2  }
0x122: {  	v4 =	vadd.f32 v4, v2;
	_ =	sdelay $0x1  }
0x123: {  	[tilespmem:v5+s0+$0x0] =	vst.idx.msk $0xffff, v4  }
0x124: {  	v5 =	vld [tilespmem:s5+$0x70];
	_ =	sdelay $0x1  }
0x125: {  	v4 =	vor.u32 s20, v1;
	_ =	sdelay $0x2  }
0x126: {  	s26 =	simm.s32 $0x8;
	v5 =	vadd.f32 v5, v3  }
.LBB2_5:
0x127: {  	p1 =	slt.u32 s26, $0x78  }
0x128: {  	s5 =	sadd.s32 $0x100, s5;
	s20 =	smov.u32 s26;
	s26 =	sadd.s32 $0x8, s26;
	[tilespmem:v4+s0+$0x0] =	vst.idx.msk $0xffff, v5  }
0x129: {  	v4 =	vld [tilespmem:s5+$0xFFFFFF80];
	_ =	sdelay $0x1  }
0x12a: {  	v5 =	vor.u32 s20, v0;
	_ =	sdelay $0x2  }
0x12b: {  	v4 =	vadd.f32 v4, v2;
	_ =	sdelay $0x1  }
0x12c: {  	[tilespmem:v5+s0+$0x0] =	vst.idx.msk $0xffff, v4  }
0x12d: {  	v4 =	vld [tilespmem:s5+$0xFFFFFF90];
	_ =	sdelay $0x1  }
0x12e: {  	v5 =	vor.u32 s20, v1;
	_ =	sdelay $0x2  }
0x12f: {  	v4 =	vadd.f32 v4, v3;
	_ =	sdelay $0x1  }
0x130: {  	[tilespmem:v5+s0+$0x0] =	vst.idx.msk $0xffff, v4  }
0x131: {  	v4 =	vld [tilespmem:s5+$0xFFFFFFA0]  }
0x132: {  	s8 =	sadd.s32 $0x1, s20  }
0x133: {  	v5 =	vor.u32 s8, v0;
	_ =	sdelay $0x2  }
0x134: {  	v4 =	vadd.f32 v4, v2;
	_ =	sdelay $0x1  }
0x135: {  	[tilespmem:v5+s0+$0x0] =	vst.idx.msk $0xffff, v4  }
0x136: {  	v4 =	vld [tilespmem:s5+$0xFFFFFFB0];
	_ =	sdelay $0x1  }
0x137: {  	v5 =	vor.u32 s8, v1;
	_ =	sdelay $0x2  }
0x138: {  	v4 =	vadd.f32 v4, v3;
	_ =	sdelay $0x1  }
0x139: {  	[tilespmem:v5+s0+$0x0] =	vst.idx.msk $0xffff, v4  }
0x13a: {  	v4 =	vld [tilespmem:s5+$0xFFFFFFC0]  }
0x13b: {  	s8 =	sadd.s32 $0x2, s20  }
0x13c: {  	v5 =	vor.u32 s8, v0;
	_ =	sdelay $0x2  }
0x13d: {  	v4 =	vadd.f32 v4, v2;
	_ =	sdelay $0x1  }
0x13e: {  	[tilespmem:v5+s0+$0x0] =	vst.idx.msk $0xffff, v4  }
0x13f: {  	v4 =	vld [tilespmem:s5+$0xFFFFFFD0];
	_ =	sdelay $0x1  }
0x140: {  	v5 =	vor.u32 s8, v1;
	_ =	sdelay $0x2  }
0x141: {  	v4 =	vadd.f32 v4, v3;
	_ =	sdelay $0x1  }
0x142: {  	[tilespmem:v5+s0+$0x0] =	vst.idx.msk $0xffff, v4  }
0x143: {  	v4 =	vld [tilespmem:s5+$0xFFFFFFE0]  }
0x144: {  	s8 =	sadd.s32 $0x3, s20  }
0x145: {  	v5 =	vor.u32 s8, v0;
	_ =	sdelay $0x2  }
0x146: {  	v4 =	vadd.f32 v4, v2;
	_ =	sdelay $0x1  }
0x147: {  	[tilespmem:v5+s0+$0x0] =	vst.idx.msk $0xffff, v4  }
0x148: {  	v4 =	vld [tilespmem:s5+$0xFFFFFFF0];
	_ =	sdelay $0x1  }
0x149: {  	v5 =	vor.u32 s8, v1;
	_ =	sdelay $0x2  }
0x14a: {  	v4 =	vadd.f32 v4, v3;
	_ =	sdelay $0x1  }
0x14b: {  	[tilespmem:v5+s0+$0x0] =	vst.idx.msk $0xffff, v4  }
0x14c: {  	v4 =	vld [tilespmem:s5+$0x0]  }
0x14d: {  	s8 =	sadd.s32 $0x4, s20  }
0x14e: {  	v5 =	vor.u32 s8, v0;
	_ =	sdelay $0x2  }
0x14f: {  	v4 =	vadd.f32 v4, v2;
	_ =	sdelay $0x1  }
0x150: {  	[tilespmem:v5+s0+$0x0] =	vst.idx.msk $0xffff, v4  }
0x151: {  	v4 =	vld [tilespmem:s5+$0x10];
	_ =	sdelay $0x1  }
0x152: {  	v5 =	vor.u32 s8, v1;
	_ =	sdelay $0x2  }
0x153: {  	v4 =	vadd.f32 v4, v3;
	_ =	sdelay $0x1  }
0x154: {  	[tilespmem:v5+s0+$0x0] =	vst.idx.msk $0xffff, v4  }
0x155: {  	v4 =	vld [tilespmem:s5+$0x20]  }
0x156: {  	s8 =	sadd.s32 $0x5, s20  }
0x157: {  	v5 =	vor.u32 s8, v0;
	_ =	sdelay $0x2  }
0x158: {  	v4 =	vadd.f32 v4, v2;
	_ =	sdelay $0x1  }
0x159: {  	[tilespmem:v5+s0+$0x0] =	vst.idx.msk $0xffff, v4  }
0x15a: {  	v4 =	vld [tilespmem:s5+$0x30];
	_ =	sdelay $0x1  }
0x15b: {  	v5 =	vor.u32 s8, v1;
	_ =	sdelay $0x2  }
0x15c: {  	v4 =	vadd.f32 v4, v3;
	_ =	sdelay $0x1  }
0x15d: {  	[tilespmem:v5+s0+$0x0] =	vst.idx.msk $0xffff, v4  }
0x15e: {  	v4 =	vld [tilespmem:s5+$0x40]  }
0x15f: {  	s8 =	sadd.s32 $0x6, s20  }
0x160: {  	v5 =	vor.u32 s8, v0;
	_ =	sdelay $0x2  }
0x161: {  	v4 =	vadd.f32 v4, v2;
	_ =	sdelay $0x1  }
0x162: {  	[tilespmem:v5+s0+$0x0] =	vst.idx.msk $0xffff, v4  }
0x163: {  	v4 =	vld [tilespmem:s5+$0x50];
	_ =	sdelay $0x1  }
0x164: {  	v5 =	vor.u32 s8, v1;
	_ =	sdelay $0x2  }
0x165: {  	v4 =	vadd.f32 v4, v3;
	_ =	sdelay $0x1  }
0x166: {  	[tilespmem:v5+s0+$0x0] =	vst.idx.msk $0xffff, v4  }
0x167: {  	v4 =	vld [tilespmem:s5+$0x60]  }
0x168: {  	s8 =	sadd.s32 $0x7, s20  }
0x169: {  	v5 =	vor.u32 s8, v0;
	_ =	sdelay $0x2  }
0x16a: {  	v4 =	vadd.f32 v4, v2;
	_ =	sdelay $0x1  }
0x16b: {  	[tilespmem:v5+s0+$0x0] =	vst.idx.msk $0xffff, v4  }
0x16c: {  	v5 =	vld [tilespmem:s5+$0x70]  }
.Ltmp1:
0x16d: {  	(pc) =	sbr.rel @p1 .LBB2_5-.Ltmp1, $2  }
0x16e: {  	v4 =	vor.u32 s8, v1;
	_ =	sdelay $0x2  }
0x16f: {  	v5 =	vadd.f32 v5, v3  }
0x170: {  	_ =	sdelay $0x1  }
0x171: {  	s5 =	sor.u32 s11, s15  }
0x172: {  	s5 =	sshrl.u32 s5, $0x3  }
0x173: {  	[tilespmem:v4+s0+$0x0] =	vst.idx.msk $0xffff, v5;
	s8 =	sadd.s32 s2, s5;
	s20 =	sor.u32 $0x4000, s5  }
0x174: {  	[hbm4b:s8+s3] =	stream.linear.scatter [tilespmem:s0], [sflag:$0x6], $0x400, $0x38;
	[tilespmem:$0x14100] =	vst v63  }
0x175: {  	s26 =	sor.u32 $0x8000, s5;
	s8 =	sadd.s32 s2, s20  }
0x176: {  	[hbm4b:s8+s3] =	stream.linear.scatter [tilespmem:s16], [sflag:$0x6], $0x400, $0x38;
	[tilespmem:$0x14100] =	vst v63  }
0x177: {  	s5 =	sor.u32 $0xC000, s5;
	s8 =	sadd.s32 s2, s26  }
0x178: {  	[hbm4b:s8+s3] =	stream.linear.scatter [tilespmem:s18], [sflag:$0x6], $0x400, $0x38;
	[tilespmem:$0x14100] =	vst v63  }
0x179: {  	s5 =	sadd.s32 s2, s5  }
0x17a: {  	[hbm4b:s5+s3] =	stream.linear.scatter [tilespmem:s19], [sflag:$0x6], $0x400, $0x38;
	[tilespmem:$0x14100] =	vst v63  }
0x17b: {  	_ =	swait.ge [sflag:s21], $0x1000  }
0x17c: {  	s20 =	simm.s32 @!p0 $0xD800;
	[sflag:s21] =	ssyncset.done $0x0  }
0x17d: {  	s8 =	simm.s32 @!p0 $0x80;
	s5 =	sor.u32 @!p0 $0x80, s17;
	[sflag:s21] =	ssyncadd.s32 $0xFFFFF000  }
0x17e: {  	[tilespmem:s20], [sflag:$0x2] =	stream.indirect.gather @!p0 [hbm4b:s4+s8], $0x20, s5, s8, $0xb8;
	[tilespmem:$0x14100] =	vst v63  }
0x17f: {  	_ =	swait.ge [sflag:s22], $0x400  }
0x180: {  	[sflag:s22] =	ssyncset.done $0x0  }
0x181: {  	[sflag:s22] =	ssyncadd.s32 $0xFFFFFC00  }
0x182: {  	_ =	swait.ge [sflag:s22], $0x400  }
0x183: {  	[sflag:s22] =	ssyncset.done $0x0  }
0x184: {  	[sflag:s22] =	ssyncadd.s32 $0xFFFFFC00  }
0x185: {  	_ =	swait.ge [sflag:s22], $0x400  }
0x186: {  	[sflag:s22] =	ssyncset.done $0x0  }
0x187: {  	[sflag:s22] =	ssyncadd.s32 $0xFFFFFC00  }
0x188: {  	_ =	swait.ge [sflag:s22], $0x400  }
0x189: {  	[sflag:s22] =	ssyncset.done $0x0  }
0x18a: {  	[sflag:s22] =	ssyncadd.s32 $0xFFFFFC00  }
0x18b: {  	s5 =	simm.s32 $0xE880;
	v2 =	vld [tilespmem:s6+$0x12800]  }
0x18c: {  	v3 =	vld [tilespmem:s5+$0xFFFFFF80]  }
0x18d: {  	s10 =	simm.s32 $0x0  }
0x18e: {  	v4 =	vor.u32 s10, v0;
	_ =	sdelay $0x2  }
0x18f: {  	v5 =	vadd.f32 v3, v2;
	_ =	sdelay $0x1  }
0x190: {  	v3 =	vld [tilespmem:s6+$0x12810];
	[tilespmem:v4+s28+$0x0] =	vst.idx.msk $0xffff, v5  }
0x191: {  	v4 =	vld [tilespmem:s5+$0xFFFFFF90];
	_ =	sdelay $0x1  }
0x192: {  	v5 =	vor.u32 s10, v1;
	_ =	sdelay $0x2  }
0x193: {  	v4 =	vadd.f32 v4, v3;
	_ =	sdelay $0x1  }
0x194: {  	[tilespmem:v5+s28+$0x0] =	vst.idx.msk $0xffff, v4  }
0x195: {  	v4 =	vld [tilespmem:s5+$0xFFFFFFA0]  }
0x196: {  	s20 =	simm.s32 $0x1  }
0x197: {  	v5 =	vor.u32 s20, v0;
	_ =	sdelay $0x2  }
0x198: {  	v4 =	vadd.f32 v4, v2;
	_ =	sdelay $0x1  }
0x199: {  	[tilespmem:v5+s28+$0x0] =	vst.idx.msk $0xffff, v4  }
0x19a: {  	v4 =	vld [tilespmem:s5+$0xFFFFFFB0];
	_ =	sdelay $0x1  }
0x19b: {  	v5 =	vor.u32 s20, v1;
	_ =	sdelay $0x2  }
0x19c: {  	v4 =	vadd.f32 v4, v3;
	_ =	sdelay $0x1  }
0x19d: {  	[tilespmem:v5+s28+$0x0] =	vst.idx.msk $0xffff, v4  }
0x19e: {  	v4 =	vld [tilespmem:s5+$0xFFFFFFC0]  }
0x19f: {  	s26 =	simm.s32 $0x2  }
0x1a0: {  	v5 =	vor.u32 s26, v0;
	_ =	sdelay $0x2  }
0x1a1: {  	v4 =	vadd.f32 v4, v2;
	_ =	sdelay $0x1  }
0x1a2: {  	[tilespmem:v5+s28+$0x0] =	vst.idx.msk $0xffff, v4  }
0x1a3: {  	v4 =	vld [tilespmem:s5+$0xFFFFFFD0];
	_ =	sdelay $0x1  }
0x1a4: {  	v5 =	vor.u32 s26, v1;
	_ =	sdelay $0x2  }
0x1a5: {  	v4 =	vadd.f32 v4, v3;
	_ =	sdelay $0x1  }
0x1a6: {  	[tilespmem:v5+s28+$0x0] =	vst.idx.msk $0xffff, v4  }
0x1a7: {  	v4 =	vld [tilespmem:s5+$0xFFFFFFE0]  }
0x1a8: {  	s10 =	simm.s32 $0x3  }
0x1a9: {  	v5 =	vor.u32 s10, v0;
	_ =	sdelay $0x2  }
0x1aa: {  	v4 =	vadd.f32 v4, v2;
	_ =	sdelay $0x1  }
0x1ab: {  	[tilespmem:v5+s28+$0x0] =	vst.idx.msk $0xffff, v4  }
0x1ac: {  	v4 =	vld [tilespmem:s5+$0xFFFFFFF0];
	_ =	sdelay $0x1  }
0x1ad: {  	v5 =	vor.u32 s10, v1;
	_ =	sdelay $0x2  }
0x1ae: {  	v4 =	vadd.f32 v4, v3;
	_ =	sdelay $0x1  }
0x1af: {  	[tilespmem:v5+s28+$0x0] =	vst.idx.msk $0xffff, v4  }
0x1b0: {  	v4 =	vld [tilespmem:s5+$0x0]  }
0x1b1: {  	s20 =	simm.s32 $0x4  }
0x1b2: {  	v5 =	vor.u32 s20, v0;
	_ =	sdelay $0x2  }
0x1b3: {  	v4 =	vadd.f32 v4, v2;
	_ =	sdelay $0x1  }
0x1b4: {  	[tilespmem:v5+s28+$0x0] =	vst.idx.msk $0xffff, v4  }
0x1b5: {  	v4 =	vld [tilespmem:s5+$0x10];
	_ =	sdelay $0x1  }
0x1b6: {  	v5 =	vor.u32 s20, v1;
	_ =	sdelay $0x2  }
0x1b7: {  	v4 =	vadd.f32 v4, v3;
	_ =	sdelay $0x1  }
0x1b8: {  	[tilespmem:v5+s28+$0x0] =	vst.idx.msk $0xffff, v4  }
0x1b9: {  	v4 =	vld [tilespmem:s5+$0x20]  }
0x1ba: {  	s26 =	simm.s32 $0x5  }
0x1bb: {  	v5 =	vor.u32 s26, v0;
	_ =	sdelay $0x2  }
0x1bc: {  	v4 =	vadd.f32 v4, v2;
	_ =	sdelay $0x1  }
0x1bd: {  	[tilespmem:v5+s28+$0x0] =	vst.idx.msk $0xffff, v4  }
0x1be: {  	v4 =	vld [tilespmem:s5+$0x30];
	_ =	sdelay $0x1  }
0x1bf: {  	v5 =	vor.u32 s26, v1;
	_ =	sdelay $0x2  }
0x1c0: {  	v4 =	vadd.f32 v4, v3;
	_ =	sdelay $0x1  }
0x1c1: {  	[tilespmem:v5+s28+$0x0] =	vst.idx.msk $0xffff, v4  }
0x1c2: {  	v4 =	vld [tilespmem:s5+$0x40]  }
0x1c3: {  	s10 =	simm.s32 $0x6  }
0x1c4: {  	v5 =	vor.u32 s10, v0;
	_ =	sdelay $0x2  }
0x1c5: {  	v4 =	vadd.f32 v4, v2;
	_ =	sdelay $0x1  }
0x1c6: {  	[tilespmem:v5+s28+$0x0] =	vst.idx.msk $0xffff, v4  }
0x1c7: {  	v4 =	vld [tilespmem:s5+$0x50];
	_ =	sdelay $0x1  }
0x1c8: {  	v5 =	vor.u32 s10, v1;
	_ =	sdelay $0x2  }
0x1c9: {  	v4 =	vadd.f32 v4, v3;
	_ =	sdelay $0x1  }
0x1ca: {  	[tilespmem:v5+s28+$0x0] =	vst.idx.msk $0xffff, v4  }
0x1cb: {  	v4 =	vld [tilespmem:s5+$0x60]  }
0x1cc: {  	s20 =	simm.s32 $0x7  }
0x1cd: {  	v5 =	vor.u32 s20, v0;
	_ =	sdelay $0x2  }
0x1ce: {  	v4 =	vadd.f32 v4, v2;
	_ =	sdelay $0x1  }
0x1cf: {  	[tilespmem:v5+s28+$0x0] =	vst.idx.msk $0xffff, v4  }
0x1d0: {  	v5 =	vld [tilespmem:s5+$0x70];
	_ =	sdelay $0x1  }
0x1d1: {  	v4 =	vor.u32 s20, v1;
	_ =	sdelay $0x2  }
0x1d2: {  	s26 =	simm.s32 $0x8;
	v5 =	vadd.f32 v5, v3  }
.LBB2_7:
0x1d3: {  	p1 =	slt.u32 s26, $0x78  }
0x1d4: {  	s5 =	sadd.s32 $0x100, s5;
	s20 =	smov.u32 s26;
	s26 =	sadd.s32 $0x8, s26;
	[tilespmem:v4+s28+$0x0] =	vst.idx.msk $0xffff, v5  }
0x1d5: {  	v4 =	vld [tilespmem:s5+$0xFFFFFF80];
	_ =	sdelay $0x1  }
0x1d6: {  	v5 =	vor.u32 s20, v0;
	_ =	sdelay $0x2  }
0x1d7: {  	v4 =	vadd.f32 v4, v2;
	_ =	sdelay $0x1  }
0x1d8: {  	[tilespmem:v5+s28+$0x0] =	vst.idx.msk $0xffff, v4  }
0x1d9: {  	v4 =	vld [tilespmem:s5+$0xFFFFFF90];
	_ =	sdelay $0x1  }
0x1da: {  	v5 =	vor.u32 s20, v1;
	_ =	sdelay $0x2  }
0x1db: {  	v4 =	vadd.f32 v4, v3;
	_ =	sdelay $0x1  }
0x1dc: {  	[tilespmem:v5+s28+$0x0] =	vst.idx.msk $0xffff, v4  }
0x1dd: {  	v4 =	vld [tilespmem:s5+$0xFFFFFFA0]  }
0x1de: {  	s8 =	sadd.s32 $0x1, s20  }
0x1df: {  	v5 =	vor.u32 s8, v0;
	_ =	sdelay $0x2  }
0x1e0: {  	v4 =	vadd.f32 v4, v2;
	_ =	sdelay $0x1  }
0x1e1: {  	[tilespmem:v5+s28+$0x0] =	vst.idx.msk $0xffff, v4  }
0x1e2: {  	v4 =	vld [tilespmem:s5+$0xFFFFFFB0];
	_ =	sdelay $0x1  }
0x1e3: {  	v5 =	vor.u32 s8, v1;
	_ =	sdelay $0x2  }
0x1e4: {  	v4 =	vadd.f32 v4, v3;
	_ =	sdelay $0x1  }
0x1e5: {  	[tilespmem:v5+s28+$0x0] =	vst.idx.msk $0xffff, v4  }
0x1e6: {  	v4 =	vld [tilespmem:s5+$0xFFFFFFC0]  }
0x1e7: {  	s8 =	sadd.s32 $0x2, s20  }
0x1e8: {  	v5 =	vor.u32 s8, v0;
	_ =	sdelay $0x2  }
0x1e9: {  	v4 =	vadd.f32 v4, v2;
	_ =	sdelay $0x1  }
0x1ea: {  	[tilespmem:v5+s28+$0x0] =	vst.idx.msk $0xffff, v4  }
0x1eb: {  	v4 =	vld [tilespmem:s5+$0xFFFFFFD0];
	_ =	sdelay $0x1  }
0x1ec: {  	v5 =	vor.u32 s8, v1;
	_ =	sdelay $0x2  }
0x1ed: {  	v4 =	vadd.f32 v4, v3;
	_ =	sdelay $0x1  }
0x1ee: {  	[tilespmem:v5+s28+$0x0] =	vst.idx.msk $0xffff, v4  }
0x1ef: {  	v4 =	vld [tilespmem:s5+$0xFFFFFFE0]  }
0x1f0: {  	s8 =	sadd.s32 $0x3, s20  }
0x1f1: {  	v5 =	vor.u32 s8, v0;
	_ =	sdelay $0x2  }
0x1f2: {  	v4 =	vadd.f32 v4, v2;
	_ =	sdelay $0x1  }
0x1f3: {  	[tilespmem:v5+s28+$0x0] =	vst.idx.msk $0xffff, v4  }
0x1f4: {  	v4 =	vld [tilespmem:s5+$0xFFFFFFF0];
	_ =	sdelay $0x1  }
0x1f5: {  	v5 =	vor.u32 s8, v1;
	_ =	sdelay $0x2  }
0x1f6: {  	v4 =	vadd.f32 v4, v3;
	_ =	sdelay $0x1  }
0x1f7: {  	[tilespmem:v5+s28+$0x0] =	vst.idx.msk $0xffff, v4  }
0x1f8: {  	v4 =	vld [tilespmem:s5+$0x0]  }
0x1f9: {  	s8 =	sadd.s32 $0x4, s20  }
0x1fa: {  	v5 =	vor.u32 s8, v0;
	_ =	sdelay $0x2  }
0x1fb: {  	v4 =	vadd.f32 v4, v2;
	_ =	sdelay $0x1  }
0x1fc: {  	[tilespmem:v5+s28+$0x0] =	vst.idx.msk $0xffff, v4  }
0x1fd: {  	v4 =	vld [tilespmem:s5+$0x10];
	_ =	sdelay $0x1  }
0x1fe: {  	v5 =	vor.u32 s8, v1;
	_ =	sdelay $0x2  }
0x1ff: {  	v4 =	vadd.f32 v4, v3;
	_ =	sdelay $0x1  }
0x200: {  	[tilespmem:v5+s28+$0x0] =	vst.idx.msk $0xffff, v4  }
0x201: {  	v4 =	vld [tilespmem:s5+$0x20]  }
0x202: {  	s8 =	sadd.s32 $0x5, s20  }
0x203: {  	v5 =	vor.u32 s8, v0;
	_ =	sdelay $0x2  }
0x204: {  	v4 =	vadd.f32 v4, v2;
	_ =	sdelay $0x1  }
0x205: {  	[tilespmem:v5+s28+$0x0] =	vst.idx.msk $0xffff, v4  }
0x206: {  	v4 =	vld [tilespmem:s5+$0x30];
	_ =	sdelay $0x1  }
0x207: {  	v5 =	vor.u32 s8, v1;
	_ =	sdelay $0x2  }
0x208: {  	v4 =	vadd.f32 v4, v3;
	_ =	sdelay $0x1  }
0x209: {  	[tilespmem:v5+s28+$0x0] =	vst.idx.msk $0xffff, v4  }
0x20a: {  	v4 =	vld [tilespmem:s5+$0x40]  }
0x20b: {  	s8 =	sadd.s32 $0x6, s20  }
0x20c: {  	v5 =	vor.u32 s8, v0;
	_ =	sdelay $0x2  }
0x20d: {  	v4 =	vadd.f32 v4, v2;
	_ =	sdelay $0x1  }
0x20e: {  	[tilespmem:v5+s28+$0x0] =	vst.idx.msk $0xffff, v4  }
0x20f: {  	v4 =	vld [tilespmem:s5+$0x50];
	_ =	sdelay $0x1  }
0x210: {  	v5 =	vor.u32 s8, v1;
	_ =	sdelay $0x2  }
0x211: {  	v4 =	vadd.f32 v4, v3;
	_ =	sdelay $0x1  }
0x212: {  	[tilespmem:v5+s28+$0x0] =	vst.idx.msk $0xffff, v4  }
0x213: {  	v4 =	vld [tilespmem:s5+$0x60]  }
0x214: {  	s8 =	sadd.s32 $0x7, s20  }
0x215: {  	v5 =	vor.u32 s8, v0;
	_ =	sdelay $0x2  }
0x216: {  	v4 =	vadd.f32 v4, v2;
	_ =	sdelay $0x1  }
0x217: {  	[tilespmem:v5+s28+$0x0] =	vst.idx.msk $0xffff, v4  }
0x218: {  	v5 =	vld [tilespmem:s5+$0x70]  }
.Ltmp2:
0x219: {  	(pc) =	sbr.rel @p1 .LBB2_7-.Ltmp2, $2  }
0x21a: {  	v4 =	vor.u32 s8, v1;
	_ =	sdelay $0x2  }
0x21b: {  	v5 =	vadd.f32 v5, v3  }
0x21c: {  	_ =	sdelay $0x1  }
0x21d: {  	s5 =	sor.u32 s12, s15  }
0x21e: {  	s5 =	sshrl.u32 s5, $0x3  }
0x21f: {  	[tilespmem:v4+s28+$0x0] =	vst.idx.msk $0xffff, v5;
	s8 =	sadd.s32 s2, s5;
	s26 =	sor.u32 $0x4000, s5  }
0x220: {  	[hbm4b:s8+s3] =	stream.linear.scatter [tilespmem:s28], [sflag:$0x5], $0x400, $0x38;
	[tilespmem:$0x14100] =	vst v63  }
0x221: {  	s10 =	sor.u32 $0x8000, s5;
	s8 =	sadd.s32 s2, s26  }
0x222: {  	[hbm4b:s8+s3] =	stream.linear.scatter [tilespmem:s29], [sflag:$0x5], $0x400, $0x38;
	[tilespmem:$0x14100] =	vst v63  }
0x223: {  	s5 =	sor.u32 $0xC000, s5;
	s8 =	sadd.s32 s2, s10  }
0x224: {  	[hbm4b:s8+s3] =	stream.linear.scatter [tilespmem:s30], [sflag:$0x5], $0x400, $0x38;
	[tilespmem:$0x14100] =	vst v63  }
0x225: {  	s5 =	sadd.s32 s2, s5  }
0x226: {  	[hbm4b:s5+s3] =	stream.linear.scatter [tilespmem:s31], [sflag:$0x5], $0x400, $0x38;
	[tilespmem:$0x14100] =	vst v63  }
0x227: {  	_ =	swait.ge [sflag:s23], $0x1000  }
0x228: {  	s8 =	simm.s32 @!p0 $0x80;
	[sflag:s23] =	ssyncset.done $0x0  }
0x229: {  	s5 =	sor.u32 @!p0 $0x100, s17;
	s17 =	simm.s32 @!p0 $0xE800;
	[sflag:s23] =	ssyncadd.s32 $0xFFFFF000  }
0x22a: {  	[tilespmem:s17], [sflag:$0x3] =	stream.indirect.gather @!p0 [hbm4b:s4+s8], $0x20, s5, s8, $0xb8;
	[tilespmem:$0x14100] =	vst v63  }
0x22b: {  	_ =	swait.ge [sflag:s24], $0x400  }
0x22c: {  	[sflag:s24] =	ssyncset.done $0x0  }
0x22d: {  	[sflag:s24] =	ssyncadd.s32 $0xFFFFFC00  }
0x22e: {  	_ =	swait.ge [sflag:s24], $0x400  }
0x22f: {  	[sflag:s24] =	ssyncset.done $0x0  }
0x230: {  	[sflag:s24] =	ssyncadd.s32 $0xFFFFFC00  }
0x231: {  	_ =	swait.ge [sflag:s24], $0x400  }
0x232: {  	[sflag:s24] =	ssyncset.done $0x0  }
0x233: {  	[sflag:s24] =	ssyncadd.s32 $0xFFFFFC00  }
0x234: {  	_ =	swait.ge [sflag:s24], $0x400  }
0x235: {  	[sflag:s24] =	ssyncset.done $0x0  }
0x236: {  	[sflag:s24] =	ssyncadd.s32 $0xFFFFFC00  }
0x237: {  	s5 =	simm.s32 $0xF880;
	v2 =	vld [tilespmem:s6+$0x12800]  }
0x238: {  	v3 =	vld [tilespmem:s5+$0xFFFFFF80]  }
0x239: {  	s17 =	simm.s32 $0x0  }
0x23a: {  	v4 =	vor.u32 s17, v0;
	_ =	sdelay $0x2  }
0x23b: {  	v5 =	vadd.f32 v3, v2;
	_ =	sdelay $0x1  }
0x23c: {  	v3 =	vld [tilespmem:s6+$0x12810];
	[tilespmem:v4+s0+$0x0] =	vst.idx.msk $0xffff, v5  }
0x23d: {  	v4 =	vld [tilespmem:s5+$0xFFFFFF90];
	_ =	sdelay $0x1  }
0x23e: {  	v5 =	vor.u32 s17, v1;
	_ =	sdelay $0x2  }
0x23f: {  	v4 =	vadd.f32 v4, v3;
	_ =	sdelay $0x1  }
0x240: {  	[tilespmem:v5+s0+$0x0] =	vst.idx.msk $0xffff, v4  }
0x241: {  	v4 =	vld [tilespmem:s5+$0xFFFFFFA0]  }
0x242: {  	s20 =	simm.s32 $0x1  }
0x243: {  	v5 =	vor.u32 s20, v0;
	_ =	sdelay $0x2  }
0x244: {  	v4 =	vadd.f32 v4, v2;
	_ =	sdelay $0x1  }
0x245: {  	[tilespmem:v5+s0+$0x0] =	vst.idx.msk $0xffff, v4  }
0x246: {  	v4 =	vld [tilespmem:s5+$0xFFFFFFB0];
	_ =	sdelay $0x1  }
0x247: {  	v5 =	vor.u32 s20, v1;
	_ =	sdelay $0x2  }
0x248: {  	v4 =	vadd.f32 v4, v3;
	_ =	sdelay $0x1  }
0x249: {  	[tilespmem:v5+s0+$0x0] =	vst.idx.msk $0xffff, v4  }
0x24a: {  	v4 =	vld [tilespmem:s5+$0xFFFFFFC0]  }
0x24b: {  	s26 =	simm.s32 $0x2  }
0x24c: {  	v5 =	vor.u32 s26, v0;
	_ =	sdelay $0x2  }
0x24d: {  	v4 =	vadd.f32 v4, v2;
	_ =	sdelay $0x1  }
0x24e: {  	[tilespmem:v5+s0+$0x0] =	vst.idx.msk $0xffff, v4  }
0x24f: {  	v4 =	vld [tilespmem:s5+$0xFFFFFFD0];
	_ =	sdelay $0x1  }
0x250: {  	v5 =	vor.u32 s26, v1;
	_ =	sdelay $0x2  }
0x251: {  	v4 =	vadd.f32 v4, v3;
	_ =	sdelay $0x1  }
0x252: {  	[tilespmem:v5+s0+$0x0] =	vst.idx.msk $0xffff, v4  }
0x253: {  	v4 =	vld [tilespmem:s5+$0xFFFFFFE0]  }
0x254: {  	s8 =	simm.s32 $0x3  }
0x255: {  	v5 =	vor.u32 s8, v0;
	_ =	sdelay $0x2  }
0x256: {  	v4 =	vadd.f32 v4, v2;
	_ =	sdelay $0x1  }
0x257: {  	[tilespmem:v5+s0+$0x0] =	vst.idx.msk $0xffff, v4  }
0x258: {  	v4 =	vld [tilespmem:s5+$0xFFFFFFF0];
	_ =	sdelay $0x1  }
0x259: {  	v5 =	vor.u32 s8, v1;
	_ =	sdelay $0x2  }
0x25a: {  	v4 =	vadd.f32 v4, v3;
	_ =	sdelay $0x1  }
0x25b: {  	[tilespmem:v5+s0+$0x0] =	vst.idx.msk $0xffff, v4  }
0x25c: {  	v4 =	vld [tilespmem:s5+$0x0]  }
0x25d: {  	s10 =	simm.s32 $0x4  }
0x25e: {  	v5 =	vor.u32 s10, v0;
	_ =	sdelay $0x2  }
0x25f: {  	v4 =	vadd.f32 v4, v2;
	_ =	sdelay $0x1  }
0x260: {  	[tilespmem:v5+s0+$0x0] =	vst.idx.msk $0xffff, v4  }
0x261: {  	v4 =	vld [tilespmem:s5+$0x10];
	_ =	sdelay $0x1  }
0x262: {  	v5 =	vor.u32 s10, v1;
	_ =	sdelay $0x2  }
0x263: {  	v4 =	vadd.f32 v4, v3;
	_ =	sdelay $0x1  }
0x264: {  	[tilespmem:v5+s0+$0x0] =	vst.idx.msk $0xffff, v4  }
0x265: {  	v4 =	vld [tilespmem:s5+$0x20]  }
0x266: {  	s17 =	simm.s32 $0x5  }
0x267: {  	v5 =	vor.u32 s17, v0;
	_ =	sdelay $0x2  }
0x268: {  	v4 =	vadd.f32 v4, v2;
	_ =	sdelay $0x1  }
0x269: {  	[tilespmem:v5+s0+$0x0] =	vst.idx.msk $0xffff, v4  }
0x26a: {  	v4 =	vld [tilespmem:s5+$0x30];
	_ =	sdelay $0x1  }
0x26b: {  	v5 =	vor.u32 s17, v1;
	_ =	sdelay $0x2  }
0x26c: {  	v4 =	vadd.f32 v4, v3;
	_ =	sdelay $0x1  }
0x26d: {  	[tilespmem:v5+s0+$0x0] =	vst.idx.msk $0xffff, v4  }
0x26e: {  	v4 =	vld [tilespmem:s5+$0x40]  }
0x26f: {  	s20 =	simm.s32 $0x6  }
0x270: {  	v5 =	vor.u32 s20, v0;
	_ =	sdelay $0x2  }
0x271: {  	v4 =	vadd.f32 v4, v2;
	_ =	sdelay $0x1  }
0x272: {  	[tilespmem:v5+s0+$0x0] =	vst.idx.msk $0xffff, v4  }
0x273: {  	v4 =	vld [tilespmem:s5+$0x50];
	_ =	sdelay $0x1  }
0x274: {  	v5 =	vor.u32 s20, v1;
	_ =	sdelay $0x2  }
0x275: {  	v4 =	vadd.f32 v4, v3;
	_ =	sdelay $0x1  }
0x276: {  	[tilespmem:v5+s0+$0x0] =	vst.idx.msk $0xffff, v4  }
0x277: {  	v4 =	vld [tilespmem:s5+$0x60]  }
0x278: {  	s26 =	simm.s32 $0x7  }
0x279: {  	v5 =	vor.u32 s26, v0;
	_ =	sdelay $0x2  }
0x27a: {  	v4 =	vadd.f32 v4, v2;
	_ =	sdelay $0x1  }
0x27b: {  	[tilespmem:v5+s0+$0x0] =	vst.idx.msk $0xffff, v4  }
0x27c: {  	v5 =	vld [tilespmem:s5+$0x70];
	_ =	sdelay $0x1  }
0x27d: {  	v4 =	vor.u32 s26, v1;
	_ =	sdelay $0x2  }
0x27e: {  	s6 =	simm.s32 $0x8;
	v5 =	vadd.f32 v5, v3  }
.LBB2_9:
0x27f: {  	p0 =	slt.u32 s6, $0x78  }
0x280: {  	s5 =	sadd.s32 $0x100, s5;
	s17 =	smov.u32 s6;
	s6 =	sadd.s32 $0x8, s6;
	[tilespmem:v4+s0+$0x0] =	vst.idx.msk $0xffff, v5  }
0x281: {  	v4 =	vld [tilespmem:s5+$0xFFFFFF80];
	_ =	sdelay $0x1  }
0x282: {  	v5 =	vor.u32 s17, v0;
	_ =	sdelay $0x2  }
0x283: {  	v4 =	vadd.f32 v4, v2;
	_ =	sdelay $0x1  }
0x284: {  	[tilespmem:v5+s0+$0x0] =	vst.idx.msk $0xffff, v4  }
0x285: {  	v4 =	vld [tilespmem:s5+$0xFFFFFF90];
	_ =	sdelay $0x1  }
0x286: {  	v5 =	vor.u32 s17, v1;
	_ =	sdelay $0x2  }
0x287: {  	v4 =	vadd.f32 v4, v3;
	_ =	sdelay $0x1  }
0x288: {  	[tilespmem:v5+s0+$0x0] =	vst.idx.msk $0xffff, v4  }
0x289: {  	v4 =	vld [tilespmem:s5+$0xFFFFFFA0]  }
0x28a: {  	s8 =	sadd.s32 $0x1, s17  }
0x28b: {  	v5 =	vor.u32 s8, v0;
	_ =	sdelay $0x2  }
0x28c: {  	v4 =	vadd.f32 v4, v2;
	_ =	sdelay $0x1  }
0x28d: {  	[tilespmem:v5+s0+$0x0] =	vst.idx.msk $0xffff, v4  }
0x28e: {  	v4 =	vld [tilespmem:s5+$0xFFFFFFB0];
	_ =	sdelay $0x1  }
0x28f: {  	v5 =	vor.u32 s8, v1;
	_ =	sdelay $0x2  }
0x290: {  	v4 =	vadd.f32 v4, v3;
	_ =	sdelay $0x1  }
0x291: {  	[tilespmem:v5+s0+$0x0] =	vst.idx.msk $0xffff, v4  }
0x292: {  	v4 =	vld [tilespmem:s5+$0xFFFFFFC0]  }
0x293: {  	s8 =	sadd.s32 $0x2, s17  }
0x294: {  	v5 =	vor.u32 s8, v0;
	_ =	sdelay $0x2  }
0x295: {  	v4 =	vadd.f32 v4, v2;
	_ =	sdelay $0x1  }
0x296: {  	[tilespmem:v5+s0+$0x0] =	vst.idx.msk $0xffff, v4  }
0x297: {  	v4 =	vld [tilespmem:s5+$0xFFFFFFD0];
	_ =	sdelay $0x1  }
0x298: {  	v5 =	vor.u32 s8, v1;
	_ =	sdelay $0x2  }
0x299: {  	v4 =	vadd.f32 v4, v3;
	_ =	sdelay $0x1  }
0x29a: {  	[tilespmem:v5+s0+$0x0] =	vst.idx.msk $0xffff, v4  }
0x29b: {  	v4 =	vld [tilespmem:s5+$0xFFFFFFE0]  }
0x29c: {  	s8 =	sadd.s32 $0x3, s17  }
0x29d: {  	v5 =	vor.u32 s8, v0;
	_ =	sdelay $0x2  }
0x29e: {  	v4 =	vadd.f32 v4, v2;
	_ =	sdelay $0x1  }
0x29f: {  	[tilespmem:v5+s0+$0x0] =	vst.idx.msk $0xffff, v4  }
0x2a0: {  	v4 =	vld [tilespmem:s5+$0xFFFFFFF0];
	_ =	sdelay $0x1  }
0x2a1: {  	v5 =	vor.u32 s8, v1;
	_ =	sdelay $0x2  }
0x2a2: {  	v4 =	vadd.f32 v4, v3;
	_ =	sdelay $0x1  }
0x2a3: {  	[tilespmem:v5+s0+$0x0] =	vst.idx.msk $0xffff, v4  }
0x2a4: {  	v4 =	vld [tilespmem:s5+$0x0]  }
0x2a5: {  	s8 =	sadd.s32 $0x4, s17  }
0x2a6: {  	v5 =	vor.u32 s8, v0;
	_ =	sdelay $0x2  }
0x2a7: {  	v4 =	vadd.f32 v4, v2;
	_ =	sdelay $0x1  }
0x2a8: {  	[tilespmem:v5+s0+$0x0] =	vst.idx.msk $0xffff, v4  }
0x2a9: {  	v4 =	vld [tilespmem:s5+$0x10];
	_ =	sdelay $0x1  }
0x2aa: {  	v5 =	vor.u32 s8, v1;
	_ =	sdelay $0x2  }
0x2ab: {  	v4 =	vadd.f32 v4, v3;
	_ =	sdelay $0x1  }
0x2ac: {  	[tilespmem:v5+s0+$0x0] =	vst.idx.msk $0xffff, v4  }
0x2ad: {  	v4 =	vld [tilespmem:s5+$0x20]  }
0x2ae: {  	s8 =	sadd.s32 $0x5, s17  }
0x2af: {  	v5 =	vor.u32 s8, v0;
	_ =	sdelay $0x2  }
0x2b0: {  	v4 =	vadd.f32 v4, v2;
	_ =	sdelay $0x1  }
0x2b1: {  	[tilespmem:v5+s0+$0x0] =	vst.idx.msk $0xffff, v4  }
0x2b2: {  	v4 =	vld [tilespmem:s5+$0x30];
	_ =	sdelay $0x1  }
0x2b3: {  	v5 =	vor.u32 s8, v1;
	_ =	sdelay $0x2  }
0x2b4: {  	v4 =	vadd.f32 v4, v3;
	_ =	sdelay $0x1  }
0x2b5: {  	[tilespmem:v5+s0+$0x0] =	vst.idx.msk $0xffff, v4  }
0x2b6: {  	v4 =	vld [tilespmem:s5+$0x40]  }
0x2b7: {  	s8 =	sadd.s32 $0x6, s17  }
0x2b8: {  	v5 =	vor.u32 s8, v0;
	_ =	sdelay $0x2  }
0x2b9: {  	v4 =	vadd.f32 v4, v2;
	_ =	sdelay $0x1  }
0x2ba: {  	[tilespmem:v5+s0+$0x0] =	vst.idx.msk $0xffff, v4  }
0x2bb: {  	v4 =	vld [tilespmem:s5+$0x50];
	_ =	sdelay $0x1  }
0x2bc: {  	v5 =	vor.u32 s8, v1;
	_ =	sdelay $0x2  }
0x2bd: {  	v4 =	vadd.f32 v4, v3;
	_ =	sdelay $0x1  }
0x2be: {  	[tilespmem:v5+s0+$0x0] =	vst.idx.msk $0xffff, v4  }
0x2bf: {  	v4 =	vld [tilespmem:s5+$0x60]  }
0x2c0: {  	s8 =	sadd.s32 $0x7, s17  }
0x2c1: {  	v5 =	vor.u32 s8, v0;
	_ =	sdelay $0x2  }
0x2c2: {  	v4 =	vadd.f32 v4, v2;
	_ =	sdelay $0x1  }
0x2c3: {  	[tilespmem:v5+s0+$0x0] =	vst.idx.msk $0xffff, v4  }
0x2c4: {  	v5 =	vld [tilespmem:s5+$0x70]  }
.Ltmp3:
0x2c5: {  	(pc) =	sbr.rel @p0 .LBB2_9-.Ltmp3, $2  }
0x2c6: {  	v4 =	vor.u32 s8, v1;
	_ =	sdelay $0x2  }
0x2c7: {  	v5 =	vadd.f32 v5, v3  }
0x2c8: {  	_ =	sdelay $0x1  }
0x2c9: {  	s5 =	sor.u32 s13, s15  }
0x2ca: {  	s5 =	sshrl.u32 s5, $0x3  }
0x2cb: {  	[tilespmem:v4+s0+$0x0] =	vst.idx.msk $0xffff, v5;
	s6 =	sadd.s32 s2, s5;
	s20 =	sor.u32 $0x4000, s5  }
0x2cc: {  	[hbm4b:s6+s3] =	stream.linear.scatter [tilespmem:s0], [sflag:$0x6], $0x400, $0x38;
	[tilespmem:$0x14100] =	vst v63  }
0x2cd: {  	p0 =	sne.s32 s14, $0x64;
	s26 =	sor.u32 $0x8000, s5;
	s6 =	sadd.s32 s2, s20  }
0x2ce: {  	[hbm4b:s6+s3] =	stream.linear.scatter [tilespmem:s16], [sflag:$0x6], $0x400, $0x38;
	[tilespmem:$0x14100] =	vst v63  }
.Ltmp4:
0x2cf: {  	s5 =	sor.u32 $0xC000, s5;
	s6 =	sadd.s32 s2, s26;
	(pc) =	sbr.rel @p0 .LBB2_2-.Ltmp4, $4  }
0x2d0: {  	[hbm4b:s6+s3] =	stream.linear.scatter [tilespmem:s18], [sflag:$0x6], $0x400, $0x38;
	[tilespmem:$0x14100] =	vst v63  }
0x2d1: {  	s5 =	sadd.s32 s2, s5  }
0x2d2: {  	[hbm4b:s5+s3] =	stream.linear.scatter [tilespmem:s19], [sflag:$0x6], $0x400, $0x38;
	[tilespmem:$0x14100] =	vst v63  }
0x2d3: {  	s5 =	smov.u32 s14  }
0x2d4: {  	_ =	swait.ge [sflag:s22], $0x400  }
0x2d5: {  	[sflag:s22] =	ssyncset.done $0x0  }
0x2d6: {  	[sflag:s22] =	ssyncadd.s32 $0xFFFFFC00  }
0x2d7: {  	_ =	swait.ge [sflag:s22], $0x400  }
0x2d8: {  	[sflag:s22] =	ssyncset.done $0x0  }
0x2d9: {  	[sflag:s22] =	ssyncadd.s32 $0xFFFFFC00  }
0x2da: {  	_ =	swait.ge [sflag:s22], $0x400  }
0x2db: {  	[sflag:s22] =	ssyncset.done $0x0  }
0x2dc: {  	[sflag:s22] =	ssyncadd.s32 $0xFFFFFC00  }
0x2dd: {  	_ =	swait.ge [sflag:s22], $0x400  }
0x2de: {  	[sflag:s22] =	ssyncset.done $0x0  }
0x2df: {  	[sflag:s22] =	ssyncadd.s32 $0xFFFFFC00  }
0x2e0: {  	_ =	swait.ge [sflag:s24], $0x400  }
0x2e1: {  	[sflag:s24] =	ssyncset.done $0x0  }
0x2e2: {  	[sflag:s24] =	ssyncadd.s32 $0xFFFFFC00  }
0x2e3: {  	_ =	swait.ge [sflag:s24], $0x400  }
0x2e4: {  	[sflag:s24] =	ssyncset.done $0x0  }
0x2e5: {  	[sflag:s24] =	ssyncadd.s32 $0xFFFFFC00  }
0x2e6: {  	_ =	swait.ge [sflag:s24], $0x400  }
0x2e7: {  	[sflag:s24] =	ssyncset.done $0x0  }
0x2e8: {  	[sflag:s24] =	ssyncadd.s32 $0xFFFFFC00  }
0x2e9: {  	_ =	swait.ge [sflag:s24], $0x400  }
0x2ea: {  	s6 =	simm.s32 $0x0;
	s8 =	simm.s32 $0x200;
	[sflag:s24] =	ssyncset.done $0x0  }
0x2eb: {  	s10 =	simm.s32 $0x4000;
	s5 =	rddreg [dreg:$0x7];
	[sflag:s24] =	ssyncadd.s32 $0xFFFFFC00  }
0x2ec: {  	[tilespmem:s6], [sflag:$0x7] =	stream.strided.gather [hbm4b:s5+s8], $0xC800, s10, s8, $0x38;
	[tilespmem:$0x14100] =	vst v63  }
0x2ed: {  	s10 =	simm.s32 $0x7  }
0x2ee: {  	_ =	swait.ge [sflag:s10], $0xC800  }
0x2ef: {  	[sflag:s10] =	ssyncset.done $0x0  }
0x2f0: {  	s14 =	simm.s32 $0x80;
	s15 =	simm.s32 $0xC800;
	[sflag:s10] =	ssyncadd.s32 $0xFFFF3800  }
0x2f1: {  	[tilespmem:s15], [sflag:$0x1] =	stream.indirect.gather [hbm4b:s4+s14], $0x20, s6, s14, $0xb8;
	[tilespmem:$0x14100] =	vst v63  }
0x2f2: {  	s17 =	simm.s32 $0xD800  }
0x2f3: {  	[tilespmem:s17], [sflag:$0x2] =	stream.indirect.gather [hbm4b:s4+s14], $0x20, s14, s14, $0xb8;
	[tilespmem:$0x14100] =	vst v63  }
0x2f4: {  	s20 =	simm.s32 $0x100;
	s26 =	simm.s32 $0xE800;
	s5 =	simm.s32 $0x0  }
0x2f5: {  	[tilespmem:s26], [sflag:$0x3] =	stream.indirect.gather [hbm4b:s4+s14], $0x20, s20, s14, $0xb8;
	[tilespmem:$0x14100] =	vst v63  }
.LBB2_12:
0x2f6: {  	_ =	swait.ge [sflag:s25], $0x1000;
	s8 =	sshll.u32 s5, $0x9;
	s10 =	simm.s32 $0x80  }
0x2f7: {  	s14 =	simm.s32 $0xF800;
	[sflag:s25] =	ssyncset.done $0x0;
	s8 =	sand.u32 $0x3FFFFE00, s8  }
0x2f8: {  	p0 =	seq.s32 s5, $0x0;
	[sflag:s25] =	ssyncadd.s32 $0xFFFFF000;
	s8 =	sor.u32 $0x180, s8  }
0x2f9: {  	[tilespmem:s14], [sflag:$0x4] =	stream.indirect.gather [hbm4b:s4+s10], $0x20, s8, s10, $0xb8;
	[tilespmem:$0x14100] =	vst v63  }
0x2fa: {  	s8 =	simm.s32 @!p0 $0x5  }
0x2fb: {  	_ =	swait.ge @!p0 [sflag:s8], $0x400  }
0x2fc: {  	[sflag:s8] =	ssyncset.done @!p0 $0x0  }
0x2fd: {  	[sflag:s8] =	ssyncadd.s32 @!p0 $0xFFFFFC00  }
0x2fe: {  	_ =	swait.ge @!p0 [sflag:s8], $0x400  }
0x2ff: {  	[sflag:s8] =	ssyncset.done @!p0 $0x0  }
0x300: {  	[sflag:s8] =	ssyncadd.s32 @!p0 $0xFFFFFC00  }
0x301: {  	_ =	swait.ge @!p0 [sflag:s8], $0x400  }
0x302: {  	[sflag:s8] =	ssyncset.done @!p0 $0x0  }
0x303: {  	[sflag:s8] =	ssyncadd.s32 @!p0 $0xFFFFFC00  }
0x304: {  	s15 =	sadd.s32 $0x64, s5;
	_ =	swait.ge @!p0 [sflag:s8], $0x400  }
0x305: {  	s17 =	sshll.u32 s15, $0x5;
	[sflag:s8] =	ssyncset.done @!p0 $0x0  }
0x306: {  	s14 =	sand.u32 $0x3FFFFFE0, s17;
	[sflag:s8] =	ssyncadd.s32 @!p0 $0xFFFFFC00  }
0x307: {  	s17 =	simm.s32 $0xC880;
	v2 =	vld [tilespmem:s14+$0x12800]  }
0x308: {  	v3 =	vld [tilespmem:s17+$0xFFFFFF80];
	_ =	sdelay $0x1  }
0x309: {  	v4 =	vor.u32 s6, v0;
	_ =	sdelay $0x2  }
0x30a: {  	v5 =	vadd.f32 v3, v2;
	_ =	sdelay $0x1  }
0x30b: {  	v3 =	vld [tilespmem:s14+$0x12810];
	[tilespmem:v4+s28+$0x0] =	vst.idx.msk $0xffff, v5  }
0x30c: {  	v4 =	vld [tilespmem:s17+$0xFFFFFF90];
	_ =	sdelay $0x1  }
0x30d: {  	v5 =	vor.u32 s6, v1;
	_ =	sdelay $0x2  }
0x30e: {  	v4 =	vadd.f32 v4, v3;
	_ =	sdelay $0x1  }
0x30f: {  	[tilespmem:v5+s28+$0x0] =	vst.idx.msk $0xffff, v4  }
0x310: {  	v4 =	vld [tilespmem:s17+$0xFFFFFFA0]  }
0x311: {  	s20 =	simm.s32 $0x1  }
0x312: {  	v5 =	vor.u32 s20, v0;
	_ =	sdelay $0x2  }
0x313: {  	v4 =	vadd.f32 v4, v2;
	_ =	sdelay $0x1  }
0x314: {  	[tilespmem:v5+s28+$0x0] =	vst.idx.msk $0xffff, v4  }
0x315: {  	v4 =	vld [tilespmem:s17+$0xFFFFFFB0];
	_ =	sdelay $0x1  }
0x316: {  	v5 =	vor.u32 s20, v1;
	_ =	sdelay $0x2  }
0x317: {  	v4 =	vadd.f32 v4, v3;
	_ =	sdelay $0x1  }
0x318: {  	[tilespmem:v5+s28+$0x0] =	vst.idx.msk $0xffff, v4  }
0x319: {  	v4 =	vld [tilespmem:s17+$0xFFFFFFC0]  }
0x31a: {  	s26 =	simm.s32 $0x2  }
0x31b: {  	v5 =	vor.u32 s26, v0;
	_ =	sdelay $0x2  }
0x31c: {  	v4 =	vadd.f32 v4, v2;
	_ =	sdelay $0x1  }
0x31d: {  	[tilespmem:v5+s28+$0x0] =	vst.idx.msk $0xffff, v4  }
0x31e: {  	v4 =	vld [tilespmem:s17+$0xFFFFFFD0];
	_ =	sdelay $0x1  }
0x31f: {  	v5 =	vor.u32 s26, v1;
	_ =	sdelay $0x2  }
0x320: {  	v4 =	vadd.f32 v4, v3;
	_ =	sdelay $0x1  }
0x321: {  	[tilespmem:v5+s28+$0x0] =	vst.idx.msk $0xffff, v4  }
0x322: {  	v4 =	vld [tilespmem:s17+$0xFFFFFFE0]  }
0x323: {  	s10 =	simm.s32 $0x3  }
0x324: {  	v5 =	vor.u32 s10, v0;
	_ =	sdelay $0x2  }
0x325: {  	v4 =	vadd.f32 v4, v2;
	_ =	sdelay $0x1  }
0x326: {  	[tilespmem:v5+s28+$0x0] =	vst.idx.msk $0xffff, v4  }
0x327: {  	v4 =	vld [tilespmem:s17+$0xFFFFFFF0];
	_ =	sdelay $0x1  }
0x328: {  	v5 =	vor.u32 s10, v1;
	_ =	sdelay $0x2  }
0x329: {  	v4 =	vadd.f32 v4, v3;
	_ =	sdelay $0x1  }
0x32a: {  	[tilespmem:v5+s28+$0x0] =	vst.idx.msk $0xffff, v4  }
0x32b: {  	v4 =	vld [tilespmem:s17+$0x0]  }
0x32c: {  	s20 =	simm.s32 $0x4  }
0x32d: {  	v5 =	vor.u32 s20, v0;
	_ =	sdelay $0x2  }
0x32e: {  	v4 =	vadd.f32 v4, v2;
	_ =	sdelay $0x1  }
0x32f: {  	[tilespmem:v5+s28+$0x0] =	vst.idx.msk $0xffff, v4  }
0x330: {  	v4 =	vld [tilespmem:s17+$0x10];
	_ =	sdelay $0x1  }
0x331: {  	v5 =	vor.u32 s20, v1;
	_ =	sdelay $0x2  }
0x332: {  	v4 =	vadd.f32 v4, v3;
	_ =	sdelay $0x1  }
0x333: {  	[tilespmem:v5+s28+$0x0] =	vst.idx.msk $0xffff, v4  }
0x334: {  	v4 =	vld [tilespmem:s17+$0x20]  }
0x335: {  	s26 =	simm.s32 $0x5  }
0x336: {  	v5 =	vor.u32 s26, v0;
	_ =	sdelay $0x2  }
0x337: {  	v4 =	vadd.f32 v4, v2;
	_ =	sdelay $0x1  }
0x338: {  	[tilespmem:v5+s28+$0x0] =	vst.idx.msk $0xffff, v4  }
0x339: {  	v4 =	vld [tilespmem:s17+$0x30];
	_ =	sdelay $0x1  }
0x33a: {  	v5 =	vor.u32 s26, v1;
	_ =	sdelay $0x2  }
0x33b: {  	v4 =	vadd.f32 v4, v3;
	_ =	sdelay $0x1  }
0x33c: {  	[tilespmem:v5+s28+$0x0] =	vst.idx.msk $0xffff, v4  }
0x33d: {  	v4 =	vld [tilespmem:s17+$0x40]  }
0x33e: {  	s10 =	simm.s32 $0x6  }
0x33f: {  	v5 =	vor.u32 s10, v0;
	_ =	sdelay $0x2  }
0x340: {  	v4 =	vadd.f32 v4, v2;
	_ =	sdelay $0x1  }
0x341: {  	[tilespmem:v5+s28+$0x0] =	vst.idx.msk $0xffff, v4  }
0x342: {  	v4 =	vld [tilespmem:s17+$0x50];
	_ =	sdelay $0x1  }
0x343: {  	v5 =	vor.u32 s10, v1;
	_ =	sdelay $0x2  }
0x344: {  	v4 =	vadd.f32 v4, v3;
	_ =	sdelay $0x1  }
0x345: {  	[tilespmem:v5+s28+$0x0] =	vst.idx.msk $0xffff, v4  }
0x346: {  	v4 =	vld [tilespmem:s17+$0x60]  }
0x347: {  	s20 =	simm.s32 $0x7  }
0x348: {  	v5 =	vor.u32 s20, v0;
	_ =	sdelay $0x2  }
0x349: {  	v4 =	vadd.f32 v4, v2;
	_ =	sdelay $0x1  }
0x34a: {  	[tilespmem:v5+s28+$0x0] =	vst.idx.msk $0xffff, v4  }
0x34b: {  	v5 =	vld [tilespmem:s17+$0x70];
	_ =	sdelay $0x1  }
0x34c: {  	v4 =	vor.u32 s20, v1;
	_ =	sdelay $0x2  }
0x34d: {  	s26 =	simm.s32 $0x8;
	v5 =	vadd.f32 v5, v3  }
.LBB2_13:
0x34e: {  	p0 =	slt.u32 s26, $0x78  }
0x34f: {  	s17 =	sadd.s32 $0x100, s17;
	s20 =	smov.u32 s26;
	s26 =	sadd.s32 $0x8, s26;
	[tilespmem:v4+s28+$0x0] =	vst.idx.msk $0xffff, v5  }
0x350: {  	v4 =	vld [tilespmem:s17+$0xFFFFFF80];
	_ =	sdelay $0x1  }
0x351: {  	v5 =	vor.u32 s20, v0;
	_ =	sdelay $0x2  }
0x352: {  	v4 =	vadd.f32 v4, v2;
	_ =	sdelay $0x1  }
0x353: {  	[tilespmem:v5+s28+$0x0] =	vst.idx.msk $0xffff, v4  }
0x354: {  	v4 =	vld [tilespmem:s17+$0xFFFFFF90];
	_ =	sdelay $0x1  }
0x355: {  	v5 =	vor.u32 s20, v1;
	_ =	sdelay $0x2  }
0x356: {  	v4 =	vadd.f32 v4, v3;
	_ =	sdelay $0x1  }
0x357: {  	[tilespmem:v5+s28+$0x0] =	vst.idx.msk $0xffff, v4  }
0x358: {  	v4 =	vld [tilespmem:s17+$0xFFFFFFA0]  }
0x359: {  	s8 =	sadd.s32 $0x1, s20  }
0x35a: {  	v5 =	vor.u32 s8, v0;
	_ =	sdelay $0x2  }
0x35b: {  	v4 =	vadd.f32 v4, v2;
	_ =	sdelay $0x1  }
0x35c: {  	[tilespmem:v5+s28+$0x0] =	vst.idx.msk $0xffff, v4  }
0x35d: {  	v4 =	vld [tilespmem:s17+$0xFFFFFFB0];
	_ =	sdelay $0x1  }
0x35e: {  	v5 =	vor.u32 s8, v1;
	_ =	sdelay $0x2  }
0x35f: {  	v4 =	vadd.f32 v4, v3;
	_ =	sdelay $0x1  }
0x360: {  	[tilespmem:v5+s28+$0x0] =	vst.idx.msk $0xffff, v4  }
0x361: {  	v4 =	vld [tilespmem:s17+$0xFFFFFFC0]  }
0x362: {  	s8 =	sadd.s32 $0x2, s20  }
0x363: {  	v5 =	vor.u32 s8, v0;
	_ =	sdelay $0x2  }
0x364: {  	v4 =	vadd.f32 v4, v2;
	_ =	sdelay $0x1  }
0x365: {  	[tilespmem:v5+s28+$0x0] =	vst.idx.msk $0xffff, v4  }
0x366: {  	v4 =	vld [tilespmem:s17+$0xFFFFFFD0];
	_ =	sdelay $0x1  }
0x367: {  	v5 =	vor.u32 s8, v1;
	_ =	sdelay $0x2  }
0x368: {  	v4 =	vadd.f32 v4, v3;
	_ =	sdelay $0x1  }
0x369: {  	[tilespmem:v5+s28+$0x0] =	vst.idx.msk $0xffff, v4  }
0x36a: {  	v4 =	vld [tilespmem:s17+$0xFFFFFFE0]  }
0x36b: {  	s8 =	sadd.s32 $0x3, s20  }
0x36c: {  	v5 =	vor.u32 s8, v0;
	_ =	sdelay $0x2  }
0x36d: {  	v4 =	vadd.f32 v4, v2;
	_ =	sdelay $0x1  }
0x36e: {  	[tilespmem:v5+s28+$0x0] =	vst.idx.msk $0xffff, v4  }
0x36f: {  	v4 =	vld [tilespmem:s17+$0xFFFFFFF0];
	_ =	sdelay $0x1  }
0x370: {  	v5 =	vor.u32 s8, v1;
	_ =	sdelay $0x2  }
0x371: {  	v4 =	vadd.f32 v4, v3;
	_ =	sdelay $0x1  }
0x372: {  	[tilespmem:v5+s28+$0x0] =	vst.idx.msk $0xffff, v4  }
0x373: {  	v4 =	vld [tilespmem:s17+$0x0]  }
0x374: {  	s8 =	sadd.s32 $0x4, s20  }
0x375: {  	v5 =	vor.u32 s8, v0;
	_ =	sdelay $0x2  }
0x376: {  	v4 =	vadd.f32 v4, v2;
	_ =	sdelay $0x1  }
0x377: {  	[tilespmem:v5+s28+$0x0] =	vst.idx.msk $0xffff, v4  }
0x378: {  	v4 =	vld [tilespmem:s17+$0x10];
	_ =	sdelay $0x1  }
0x379: {  	v5 =	vor.u32 s8, v1;
	_ =	sdelay $0x2  }
0x37a: {  	v4 =	vadd.f32 v4, v3;
	_ =	sdelay $0x1  }
0x37b: {  	[tilespmem:v5+s28+$0x0] =	vst.idx.msk $0xffff, v4  }
0x37c: {  	v4 =	vld [tilespmem:s17+$0x20]  }
0x37d: {  	s8 =	sadd.s32 $0x5, s20  }
0x37e: {  	v5 =	vor.u32 s8, v0;
	_ =	sdelay $0x2  }
0x37f: {  	v4 =	vadd.f32 v4, v2;
	_ =	sdelay $0x1  }
0x380: {  	[tilespmem:v5+s28+$0x0] =	vst.idx.msk $0xffff, v4  }
0x381: {  	v4 =	vld [tilespmem:s17+$0x30];
	_ =	sdelay $0x1  }
0x382: {  	v5 =	vor.u32 s8, v1;
	_ =	sdelay $0x2  }
0x383: {  	v4 =	vadd.f32 v4, v3;
	_ =	sdelay $0x1  }
0x384: {  	[tilespmem:v5+s28+$0x0] =	vst.idx.msk $0xffff, v4  }
0x385: {  	v4 =	vld [tilespmem:s17+$0x40]  }
0x386: {  	s8 =	sadd.s32 $0x6, s20  }
0x387: {  	v5 =	vor.u32 s8, v0;
	_ =	sdelay $0x2  }
0x388: {  	v4 =	vadd.f32 v4, v2;
	_ =	sdelay $0x1  }
0x389: {  	[tilespmem:v5+s28+$0x0] =	vst.idx.msk $0xffff, v4  }
0x38a: {  	v4 =	vld [tilespmem:s17+$0x50];
	_ =	sdelay $0x1  }
0x38b: {  	v5 =	vor.u32 s8, v1;
	_ =	sdelay $0x2  }
0x38c: {  	v4 =	vadd.f32 v4, v3;
	_ =	sdelay $0x1  }
0x38d: {  	[tilespmem:v5+s28+$0x0] =	vst.idx.msk $0xffff, v4  }
0x38e: {  	v4 =	vld [tilespmem:s17+$0x60]  }
0x38f: {  	s8 =	sadd.s32 $0x7, s20  }
0x390: {  	v5 =	vor.u32 s8, v0;
	_ =	sdelay $0x2  }
0x391: {  	v4 =	vadd.f32 v4, v2;
	_ =	sdelay $0x1  }
0x392: {  	[tilespmem:v5+s28+$0x0] =	vst.idx.msk $0xffff, v4  }
0x393: {  	v5 =	vld [tilespmem:s17+$0x70]  }
.Ltmp5:
0x394: {  	(pc) =	sbr.rel @p0 .LBB2_13-.Ltmp5, $2  }
0x395: {  	v4 =	vor.u32 s8, v1;
	_ =	sdelay $0x2  }
0x396: {  	v5 =	vadd.f32 v5, v3  }
0x397: {  	_ = 	snop  }
0x398: {  	s17 =	sshll.u32 s15, $0x13  }
0x399: {  	s8 =	sor.u32 s7, s17  }
0x39a: {  	s8 =	sshrl.u32 s8, $0x3  }
0x39b: {  	[tilespmem:v4+s28+$0x0] =	vst.idx.msk $0xffff, v5;
	s10 =	sadd.s32 s2, s8  }
0x39c: {  	[hbm4b:s10+s3] =	stream.linear.scatter [tilespmem:s28], [sflag:$0x5], $0x400, $0x38;
	[tilespmem:$0x14100] =	vst v63  }
0x39d: {  	s26 =	rddreg [dreg:$0x5];
	s20 =	sadd.s32 s8, s9  }
0x39e: {  	[hbm4b:s20+s3] =	stream.linear.scatter [tilespmem:s29], [sflag:$0x5], $0x400, $0x38;
	[tilespmem:$0x14100] =	vst v63  }
0x39f: {  	s15 =	rddreg [dreg:$0x6];
	s10 =	smov.u32 s9;
	s9 =	sadd.s32 s8, s26  }
0x3a0: {  	[hbm4b:s9+s3] =	stream.linear.scatter [tilespmem:s30], [sflag:$0x5], $0x400, $0x38;
	[tilespmem:$0x14100] =	vst v63  }
0x3a1: {  	p0 =	seq.s32 s5, $0x63;
	s8 =	sadd.s32 s8, s15;
	s15 =	sadd.s32 $0x1, s5  }
0x3a2: {  	[hbm4b:s8+s3] =	stream.linear.scatter [tilespmem:s31], [sflag:$0x5], $0x400, $0x38;
	[tilespmem:$0x14100] =	vst v63  }
0x3a3: {  	p1 =	seq.s32 @!p0 s5, $0x0;
	s5 =	sshll.u32 @!p0 s15, $0x9;
	_ =	swait.ge [sflag:s1], $0x1000  }
0x3a4: {  	p1 =	por p0, !p1;
	s5 =	sand.u32 @!p0 $0x3FFFFE00, s5;
	[sflag:s1] =	ssyncset.done $0x0  }
0x3a5: {  	s20 =	simm.s32 @!p0 $0xC800;
	s8 =	simm.s32 @!p0 $0x80;
	[sflag:s1] =	ssyncadd.s32 $0xFFFFF000  }
0x3a6: {  	[tilespmem:s20], [sflag:$0x1] =	stream.indirect.gather @!p0 [hbm4b:s4+s8], $0x20, s5, s8, $0xb8;
	[tilespmem:$0x14100] =	vst v63  }
0x3a7: {  	_ =	swait.ge @p1 [sflag:s24], $0x400  }
0x3a8: {  	[sflag:s24] =	ssyncset.done @p1 $0x0  }
0x3a9: {  	[sflag:s24] =	ssyncadd.s32 @p1 $0xFFFFFC00  }
0x3aa: {  	_ =	swait.ge @p1 [sflag:s24], $0x400  }
0x3ab: {  	[sflag:s24] =	ssyncset.done @p1 $0x0  }
0x3ac: {  	[sflag:s24] =	ssyncadd.s32 @p1 $0xFFFFFC00  }
0x3ad: {  	_ =	swait.ge @p1 [sflag:s24], $0x400  }
0x3ae: {  	[sflag:s24] =	ssyncset.done @p1 $0x0  }
0x3af: {  	[sflag:s24] =	ssyncadd.s32 @p1 $0xFFFFFC00  }
0x3b0: {  	_ =	swait.ge @p1 [sflag:s24], $0x400  }
0x3b1: {  	[sflag:s24] =	ssyncset.done @p1 $0x0  }
0x3b2: {  	[sflag:s24] =	ssyncadd.s32 @p1 $0xFFFFFC00  }
0x3b3: {  	s26 =	simm.s32 $0xD880;
	v2 =	vld [tilespmem:s14+$0x12800]  }
0x3b4: {  	v3 =	vld [tilespmem:s26+$0xFFFFFF80]  }
0x3b5: {  	s20 =	simm.s32 $0x0  }
0x3b6: {  	v4 =	vor.u32 s20, v0;
	_ =	sdelay $0x2  }
0x3b7: {  	v5 =	vadd.f32 v3, v2;
	_ =	sdelay $0x1  }
0x3b8: {  	v3 =	vld [tilespmem:s14+$0x12810];
	[tilespmem:v4+s0+$0x0] =	vst.idx.msk $0xffff, v5  }
0x3b9: {  	v4 =	vld [tilespmem:s26+$0xFFFFFF90];
	_ =	sdelay $0x1  }
0x3ba: {  	v5 =	vor.u32 s20, v1;
	_ =	sdelay $0x2  }
0x3bb: {  	v4 =	vadd.f32 v4, v3;
	_ =	sdelay $0x1  }
0x3bc: {  	[tilespmem:v5+s0+$0x0] =	vst.idx.msk $0xffff, v4  }
0x3bd: {  	v4 =	vld [tilespmem:s26+$0xFFFFFFA0]  }
0x3be: {  	s9 =	simm.s32 $0x1  }
0x3bf: {  	v5 =	vor.u32 s9, v0;
	_ =	sdelay $0x2  }
0x3c0: {  	v4 =	vadd.f32 v4, v2;
	_ =	sdelay $0x1  }
0x3c1: {  	[tilespmem:v5+s0+$0x0] =	vst.idx.msk $0xffff, v4  }
0x3c2: {  	v4 =	vld [tilespmem:s26+$0xFFFFFFB0];
	_ =	sdelay $0x1  }
0x3c3: {  	v5 =	vor.u32 s9, v1;
	_ =	sdelay $0x2  }
0x3c4: {  	v4 =	vadd.f32 v4, v3;
	_ =	sdelay $0x1  }
0x3c5: {  	[tilespmem:v5+s0+$0x0] =	vst.idx.msk $0xffff, v4  }
0x3c6: {  	v4 =	vld [tilespmem:s26+$0xFFFFFFC0]  }
0x3c7: {  	s20 =	simm.s32 $0x2  }
0x3c8: {  	v5 =	vor.u32 s20, v0;
	_ =	sdelay $0x2  }
0x3c9: {  	v4 =	vadd.f32 v4, v2;
	_ =	sdelay $0x1  }
0x3ca: {  	[tilespmem:v5+s0+$0x0] =	vst.idx.msk $0xffff, v4  }
0x3cb: {  	v4 =	vld [tilespmem:s26+$0xFFFFFFD0];
	_ =	sdelay $0x1  }
0x3cc: {  	v5 =	vor.u32 s20, v1;
	_ =	sdelay $0x2  }
0x3cd: {  	v4 =	vadd.f32 v4, v3;
	_ =	sdelay $0x1  }
0x3ce: {  	[tilespmem:v5+s0+$0x0] =	vst.idx.msk $0xffff, v4  }
0x3cf: {  	v4 =	vld [tilespmem:s26+$0xFFFFFFE0]  }
0x3d0: {  	s9 =	simm.s32 $0x3  }
0x3d1: {  	v5 =	vor.u32 s9, v0;
	_ =	sdelay $0x2  }
0x3d2: {  	v4 =	vadd.f32 v4, v2;
	_ =	sdelay $0x1  }
0x3d3: {  	[tilespmem:v5+s0+$0x0] =	vst.idx.msk $0xffff, v4  }
0x3d4: {  	v4 =	vld [tilespmem:s26+$0xFFFFFFF0];
	_ =	sdelay $0x1  }
0x3d5: {  	v5 =	vor.u32 s9, v1;
	_ =	sdelay $0x2  }
0x3d6: {  	v4 =	vadd.f32 v4, v3;
	_ =	sdelay $0x1  }
0x3d7: {  	[tilespmem:v5+s0+$0x0] =	vst.idx.msk $0xffff, v4  }
0x3d8: {  	v4 =	vld [tilespmem:s26+$0x0]  }
0x3d9: {  	s20 =	simm.s32 $0x4  }
0x3da: {  	v5 =	vor.u32 s20, v0;
	_ =	sdelay $0x2  }
0x3db: {  	v4 =	vadd.f32 v4, v2;
	_ =	sdelay $0x1  }
0x3dc: {  	[tilespmem:v5+s0+$0x0] =	vst.idx.msk $0xffff, v4  }
0x3dd: {  	v4 =	vld [tilespmem:s26+$0x10];
	_ =	sdelay $0x1  }
0x3de: {  	v5 =	vor.u32 s20, v1;
	_ =	sdelay $0x2  }
0x3df: {  	v4 =	vadd.f32 v4, v3;
	_ =	sdelay $0x1  }
0x3e0: {  	[tilespmem:v5+s0+$0x0] =	vst.idx.msk $0xffff, v4  }
0x3e1: {  	v4 =	vld [tilespmem:s26+$0x20]  }
0x3e2: {  	s9 =	simm.s32 $0x5  }
0x3e3: {  	v5 =	vor.u32 s9, v0;
	_ =	sdelay $0x2  }
0x3e4: {  	v4 =	vadd.f32 v4, v2;
	_ =	sdelay $0x1  }
0x3e5: {  	[tilespmem:v5+s0+$0x0] =	vst.idx.msk $0xffff, v4  }
0x3e6: {  	v4 =	vld [tilespmem:s26+$0x30];
	_ =	sdelay $0x1  }
0x3e7: {  	v5 =	vor.u32 s9, v1;
	_ =	sdelay $0x2  }
0x3e8: {  	v4 =	vadd.f32 v4, v3;
	_ =	sdelay $0x1  }
0x3e9: {  	[tilespmem:v5+s0+$0x0] =	vst.idx.msk $0xffff, v4  }
0x3ea: {  	v4 =	vld [tilespmem:s26+$0x40]  }
0x3eb: {  	s20 =	simm.s32 $0x6  }
0x3ec: {  	v5 =	vor.u32 s20, v0;
	_ =	sdelay $0x2  }
0x3ed: {  	v4 =	vadd.f32 v4, v2;
	_ =	sdelay $0x1  }
0x3ee: {  	[tilespmem:v5+s0+$0x0] =	vst.idx.msk $0xffff, v4  }
0x3ef: {  	v4 =	vld [tilespmem:s26+$0x50];
	_ =	sdelay $0x1  }
0x3f0: {  	v5 =	vor.u32 s20, v1;
	_ =	sdelay $0x2  }
0x3f1: {  	v4 =	vadd.f32 v4, v3;
	_ =	sdelay $0x1  }
0x3f2: {  	[tilespmem:v5+s0+$0x0] =	vst.idx.msk $0xffff, v4  }
0x3f3: {  	v4 =	vld [tilespmem:s26+$0x60]  }
0x3f4: {  	s9 =	simm.s32 $0x7  }
0x3f5: {  	v5 =	vor.u32 s9, v0;
	_ =	sdelay $0x2  }
0x3f6: {  	v4 =	vadd.f32 v4, v2;
	_ =	sdelay $0x1  }
0x3f7: {  	[tilespmem:v5+s0+$0x0] =	vst.idx.msk $0xffff, v4  }
0x3f8: {  	v5 =	vld [tilespmem:s26+$0x70];
	_ =	sdelay $0x1  }
0x3f9: {  	v4 =	vor.u32 s9, v1;
	_ =	sdelay $0x2  }
0x3fa: {  	s20 =	simm.s32 $0x8;
	v5 =	vadd.f32 v5, v3  }
.LBB2_15:
0x3fb: {  	p1 =	slt.u32 s20, $0x78  }
0x3fc: {  	s26 =	sadd.s32 $0x100, s26;
	s8 =	smov.u32 s20;
	s20 =	sadd.s32 $0x8, s20;
	[tilespmem:v4+s0+$0x0] =	vst.idx.msk $0xffff, v5  }
0x3fd: {  	v4 =	vld [tilespmem:s26+$0xFFFFFF80];
	_ =	sdelay $0x1  }
0x3fe: {  	v5 =	vor.u32 s8, v0;
	_ =	sdelay $0x2  }
0x3ff: {  	v4 =	vadd.f32 v4, v2;
	_ =	sdelay $0x1  }
0x400: {  	[tilespmem:v5+s0+$0x0] =	vst.idx.msk $0xffff, v4  }
0x401: {  	v4 =	vld [tilespmem:s26+$0xFFFFFF90];
	_ =	sdelay $0x1  }
0x402: {  	v5 =	vor.u32 s8, v1;
	_ =	sdelay $0x2  }
0x403: {  	v4 =	vadd.f32 v4, v3;
	_ =	sdelay $0x1  }
0x404: {  	[tilespmem:v5+s0+$0x0] =	vst.idx.msk $0xffff, v4  }
0x405: {  	v4 =	vld [tilespmem:s26+$0xFFFFFFA0]  }
0x406: {  	s9 =	sadd.s32 $0x1, s8  }
0x407: {  	v5 =	vor.u32 s9, v0;
	_ =	sdelay $0x2  }
0x408: {  	v4 =	vadd.f32 v4, v2;
	_ =	sdelay $0x1  }
0x409: {  	[tilespmem:v5+s0+$0x0] =	vst.idx.msk $0xffff, v4  }
0x40a: {  	v4 =	vld [tilespmem:s26+$0xFFFFFFB0];
	_ =	sdelay $0x1  }
0x40b: {  	v5 =	vor.u32 s9, v1;
	_ =	sdelay $0x2  }
0x40c: {  	v4 =	vadd.f32 v4, v3;
	_ =	sdelay $0x1  }
0x40d: {  	[tilespmem:v5+s0+$0x0] =	vst.idx.msk $0xffff, v4  }
0x40e: {  	v4 =	vld [tilespmem:s26+$0xFFFFFFC0]  }
0x40f: {  	s9 =	sadd.s32 $0x2, s8  }
0x410: {  	v5 =	vor.u32 s9, v0;
	_ =	sdelay $0x2  }
0x411: {  	v4 =	vadd.f32 v4, v2;
	_ =	sdelay $0x1  }
0x412: {  	[tilespmem:v5+s0+$0x0] =	vst.idx.msk $0xffff, v4  }
0x413: {  	v4 =	vld [tilespmem:s26+$0xFFFFFFD0];
	_ =	sdelay $0x1  }
0x414: {  	v5 =	vor.u32 s9, v1;
	_ =	sdelay $0x2  }
0x415: {  	v4 =	vadd.f32 v4, v3;
	_ =	sdelay $0x1  }
0x416: {  	[tilespmem:v5+s0+$0x0] =	vst.idx.msk $0xffff, v4  }
0x417: {  	v4 =	vld [tilespmem:s26+$0xFFFFFFE0]  }
0x418: {  	s9 =	sadd.s32 $0x3, s8  }
0x419: {  	v5 =	vor.u32 s9, v0;
	_ =	sdelay $0x2  }
0x41a: {  	v4 =	vadd.f32 v4, v2;
	_ =	sdelay $0x1  }
0x41b: {  	[tilespmem:v5+s0+$0x0] =	vst.idx.msk $0xffff, v4  }
0x41c: {  	v4 =	vld [tilespmem:s26+$0xFFFFFFF0];
	_ =	sdelay $0x1  }
0x41d: {  	v5 =	vor.u32 s9, v1;
	_ =	sdelay $0x2  }
0x41e: {  	v4 =	vadd.f32 v4, v3;
	_ =	sdelay $0x1  }
0x41f: {  	[tilespmem:v5+s0+$0x0] =	vst.idx.msk $0xffff, v4  }
0x420: {  	v4 =	vld [tilespmem:s26+$0x0]  }
0x421: {  	s9 =	sadd.s32 $0x4, s8  }
0x422: {  	v5 =	vor.u32 s9, v0;
	_ =	sdelay $0x2  }
0x423: {  	v4 =	vadd.f32 v4, v2;
	_ =	sdelay $0x1  }
0x424: {  	[tilespmem:v5+s0+$0x0] =	vst.idx.msk $0xffff, v4  }
0x425: {  	v4 =	vld [tilespmem:s26+$0x10];
	_ =	sdelay $0x1  }
0x426: {  	v5 =	vor.u32 s9, v1;
	_ =	sdelay $0x2  }
0x427: {  	v4 =	vadd.f32 v4, v3;
	_ =	sdelay $0x1  }
0x428: {  	[tilespmem:v5+s0+$0x0] =	vst.idx.msk $0xffff, v4  }
0x429: {  	v4 =	vld [tilespmem:s26+$0x20]  }
0x42a: {  	s9 =	sadd.s32 $0x5, s8  }
0x42b: {  	v5 =	vor.u32 s9, v0;
	_ =	sdelay $0x2  }
0x42c: {  	v4 =	vadd.f32 v4, v2;
	_ =	sdelay $0x1  }
0x42d: {  	[tilespmem:v5+s0+$0x0] =	vst.idx.msk $0xffff, v4  }
0x42e: {  	v4 =	vld [tilespmem:s26+$0x30];
	_ =	sdelay $0x1  }
0x42f: {  	v5 =	vor.u32 s9, v1;
	_ =	sdelay $0x2  }
0x430: {  	v4 =	vadd.f32 v4, v3;
	_ =	sdelay $0x1  }
0x431: {  	[tilespmem:v5+s0+$0x0] =	vst.idx.msk $0xffff, v4  }
0x432: {  	v4 =	vld [tilespmem:s26+$0x40]  }
0x433: {  	s9 =	sadd.s32 $0x6, s8  }
0x434: {  	v5 =	vor.u32 s9, v0;
	_ =	sdelay $0x2  }
0x435: {  	v4 =	vadd.f32 v4, v2;
	_ =	sdelay $0x1  }
0x436: {  	[tilespmem:v5+s0+$0x0] =	vst.idx.msk $0xffff, v4  }
0x437: {  	v4 =	vld [tilespmem:s26+$0x50];
	_ =	sdelay $0x1  }
0x438: {  	v5 =	vor.u32 s9, v1;
	_ =	sdelay $0x2  }
0x439: {  	v4 =	vadd.f32 v4, v3;
	_ =	sdelay $0x1  }
0x43a: {  	[tilespmem:v5+s0+$0x0] =	vst.idx.msk $0xffff, v4  }
0x43b: {  	v4 =	vld [tilespmem:s26+$0x60]  }
0x43c: {  	s8 =	sadd.s32 $0x7, s8  }
0x43d: {  	v5 =	vor.u32 s8, v0;
	_ =	sdelay $0x2  }
0x43e: {  	v4 =	vadd.f32 v4, v2;
	_ =	sdelay $0x1  }
0x43f: {  	[tilespmem:v5+s0+$0x0] =	vst.idx.msk $0xffff, v4  }
0x440: {  	v5 =	vld [tilespmem:s26+$0x70]  }
.Ltmp6:
0x441: {  	(pc) =	sbr.rel @p1 .LBB2_15-.Ltmp6, $2  }
0x442: {  	v4 =	vor.u32 s8, v1;
	_ =	sdelay $0x2  }
0x443: {  	v5 =	vadd.f32 v5, v3  }
0x444: {  	_ =	sdelay $0x1  }
0x445: {  	s8 =	sor.u32 s11, s17  }
0x446: {  	s8 =	sshrl.u32 s8, $0x3  }
0x447: {  	[tilespmem:v4+s0+$0x0] =	vst.idx.msk $0xffff, v5;
	s9 =	sadd.s32 s2, s8;
	s20 =	sor.u32 $0x4000, s8  }
0x448: {  	[hbm4b:s9+s3] =	stream.linear.scatter [tilespmem:s0], [sflag:$0x6], $0x400, $0x38;
	[tilespmem:$0x14100] =	vst v63  }
0x449: {  	s26 =	sor.u32 $0x8000, s8;
	s9 =	sadd.s32 s2, s20  }
0x44a: {  	[hbm4b:s9+s3] =	stream.linear.scatter [tilespmem:s16], [sflag:$0x6], $0x400, $0x38;
	[tilespmem:$0x14100] =	vst v63  }
0x44b: {  	s8 =	sor.u32 $0xC000, s8;
	s9 =	sadd.s32 s2, s26  }
0x44c: {  	[hbm4b:s9+s3] =	stream.linear.scatter [tilespmem:s18], [sflag:$0x6], $0x400, $0x38;
	[tilespmem:$0x14100] =	vst v63  }
0x44d: {  	s8 =	sadd.s32 s2, s8  }
0x44e: {  	[hbm4b:s8+s3] =	stream.linear.scatter [tilespmem:s19], [sflag:$0x6], $0x400, $0x38;
	[tilespmem:$0x14100] =	vst v63  }
0x44f: {  	_ =	swait.ge [sflag:s21], $0x1000  }
0x450: {  	s20 =	simm.s32 @!p0 $0xD800;
	[sflag:s21] =	ssyncset.done $0x0  }
0x451: {  	s9 =	simm.s32 @!p0 $0x80;
	s8 =	sor.u32 @!p0 $0x80, s5;
	[sflag:s21] =	ssyncadd.s32 $0xFFFFF000  }
0x452: {  	[tilespmem:s20], [sflag:$0x2] =	stream.indirect.gather @!p0 [hbm4b:s4+s9], $0x20, s8, s9, $0xb8;
	[tilespmem:$0x14100] =	vst v63  }
0x453: {  	_ =	swait.ge [sflag:s22], $0x400  }
0x454: {  	[sflag:s22] =	ssyncset.done $0x0  }
0x455: {  	[sflag:s22] =	ssyncadd.s32 $0xFFFFFC00  }
0x456: {  	_ =	swait.ge [sflag:s22], $0x400  }
0x457: {  	[sflag:s22] =	ssyncset.done $0x0  }
0x458: {  	[sflag:s22] =	ssyncadd.s32 $0xFFFFFC00  }
0x459: {  	_ =	swait.ge [sflag:s22], $0x400  }
0x45a: {  	[sflag:s22] =	ssyncset.done $0x0  }
0x45b: {  	[sflag:s22] =	ssyncadd.s32 $0xFFFFFC00  }
0x45c: {  	_ =	swait.ge [sflag:s22], $0x400  }
0x45d: {  	[sflag:s22] =	ssyncset.done $0x0  }
0x45e: {  	[sflag:s22] =	ssyncadd.s32 $0xFFFFFC00  }
0x45f: {  	s26 =	simm.s32 $0xE880;
	v2 =	vld [tilespmem:s14+$0x12800]  }
0x460: {  	v3 =	vld [tilespmem:s26+$0xFFFFFF80]  }
0x461: {  	s20 =	simm.s32 $0x0  }
0x462: {  	v4 =	vor.u32 s20, v0;
	_ =	sdelay $0x2  }
0x463: {  	v5 =	vadd.f32 v3, v2;
	_ =	sdelay $0x1  }
0x464: {  	v3 =	vld [tilespmem:s14+$0x12810];
	[tilespmem:v4+s28+$0x0] =	vst.idx.msk $0xffff, v5  }
0x465: {  	v4 =	vld [tilespmem:s26+$0xFFFFFF90];
	_ =	sdelay $0x1  }
0x466: {  	v5 =	vor.u32 s20, v1;
	_ =	sdelay $0x2  }
0x467: {  	v4 =	vadd.f32 v4, v3;
	_ =	sdelay $0x1  }
0x468: {  	[tilespmem:v5+s28+$0x0] =	vst.idx.msk $0xffff, v4  }
0x469: {  	v4 =	vld [tilespmem:s26+$0xFFFFFFA0]  }
0x46a: {  	s9 =	simm.s32 $0x1  }
0x46b: {  	v5 =	vor.u32 s9, v0;
	_ =	sdelay $0x2  }
0x46c: {  	v4 =	vadd.f32 v4, v2;
	_ =	sdelay $0x1  }
0x46d: {  	[tilespmem:v5+s28+$0x0] =	vst.idx.msk $0xffff, v4  }
0x46e: {  	v4 =	vld [tilespmem:s26+$0xFFFFFFB0];
	_ =	sdelay $0x1  }
0x46f: {  	v5 =	vor.u32 s9, v1;
	_ =	sdelay $0x2  }
0x470: {  	v4 =	vadd.f32 v4, v3;
	_ =	sdelay $0x1  }
0x471: {  	[tilespmem:v5+s28+$0x0] =	vst.idx.msk $0xffff, v4  }
0x472: {  	v4 =	vld [tilespmem:s26+$0xFFFFFFC0]  }
0x473: {  	s20 =	simm.s32 $0x2  }
0x474: {  	v5 =	vor.u32 s20, v0;
	_ =	sdelay $0x2  }
0x475: {  	v4 =	vadd.f32 v4, v2;
	_ =	sdelay $0x1  }
0x476: {  	[tilespmem:v5+s28+$0x0] =	vst.idx.msk $0xffff, v4  }
0x477: {  	v4 =	vld [tilespmem:s26+$0xFFFFFFD0];
	_ =	sdelay $0x1  }
0x478: {  	v5 =	vor.u32 s20, v1;
	_ =	sdelay $0x2  }
0x479: {  	v4 =	vadd.f32 v4, v3;
	_ =	sdelay $0x1  }
0x47a: {  	[tilespmem:v5+s28+$0x0] =	vst.idx.msk $0xffff, v4  }
0x47b: {  	v4 =	vld [tilespmem:s26+$0xFFFFFFE0]  }
0x47c: {  	s9 =	simm.s32 $0x3  }
0x47d: {  	v5 =	vor.u32 s9, v0;
	_ =	sdelay $0x2  }
0x47e: {  	v4 =	vadd.f32 v4, v2;
	_ =	sdelay $0x1  }
0x47f: {  	[tilespmem:v5+s28+$0x0] =	vst.idx.msk $0xffff, v4  }
0x480: {  	v4 =	vld [tilespmem:s26+$0xFFFFFFF0];
	_ =	sdelay $0x1  }
0x481: {  	v5 =	vor.u32 s9, v1;
	_ =	sdelay $0x2  }
0x482: {  	v4 =	vadd.f32 v4, v3;
	_ =	sdelay $0x1  }
0x483: {  	[tilespmem:v5+s28+$0x0] =	vst.idx.msk $0xffff, v4  }
0x484: {  	v4 =	vld [tilespmem:s26+$0x0]  }
0x485: {  	s20 =	simm.s32 $0x4  }
0x486: {  	v5 =	vor.u32 s20, v0;
	_ =	sdelay $0x2  }
0x487: {  	v4 =	vadd.f32 v4, v2;
	_ =	sdelay $0x1  }
0x488: {  	[tilespmem:v5+s28+$0x0] =	vst.idx.msk $0xffff, v4  }
0x489: {  	v4 =	vld [tilespmem:s26+$0x10];
	_ =	sdelay $0x1  }
0x48a: {  	v5 =	vor.u32 s20, v1;
	_ =	sdelay $0x2  }
0x48b: {  	v4 =	vadd.f32 v4, v3;
	_ =	sdelay $0x1  }
0x48c: {  	[tilespmem:v5+s28+$0x0] =	vst.idx.msk $0xffff, v4  }
0x48d: {  	v4 =	vld [tilespmem:s26+$0x20]  }
0x48e: {  	s9 =	simm.s32 $0x5  }
0x48f: {  	v5 =	vor.u32 s9, v0;
	_ =	sdelay $0x2  }
0x490: {  	v4 =	vadd.f32 v4, v2;
	_ =	sdelay $0x1  }
0x491: {  	[tilespmem:v5+s28+$0x0] =	vst.idx.msk $0xffff, v4  }
0x492: {  	v4 =	vld [tilespmem:s26+$0x30];
	_ =	sdelay $0x1  }
0x493: {  	v5 =	vor.u32 s9, v1;
	_ =	sdelay $0x2  }
0x494: {  	v4 =	vadd.f32 v4, v3;
	_ =	sdelay $0x1  }
0x495: {  	[tilespmem:v5+s28+$0x0] =	vst.idx.msk $0xffff, v4  }
0x496: {  	v4 =	vld [tilespmem:s26+$0x40]  }
0x497: {  	s20 =	simm.s32 $0x6  }
0x498: {  	v5 =	vor.u32 s20, v0;
	_ =	sdelay $0x2  }
0x499: {  	v4 =	vadd.f32 v4, v2;
	_ =	sdelay $0x1  }
0x49a: {  	[tilespmem:v5+s28+$0x0] =	vst.idx.msk $0xffff, v4  }
0x49b: {  	v4 =	vld [tilespmem:s26+$0x50];
	_ =	sdelay $0x1  }
0x49c: {  	v5 =	vor.u32 s20, v1;
	_ =	sdelay $0x2  }
0x49d: {  	v4 =	vadd.f32 v4, v3;
	_ =	sdelay $0x1  }
0x49e: {  	[tilespmem:v5+s28+$0x0] =	vst.idx.msk $0xffff, v4  }
0x49f: {  	v4 =	vld [tilespmem:s26+$0x60]  }
0x4a0: {  	s9 =	simm.s32 $0x7  }
0x4a1: {  	v5 =	vor.u32 s9, v0;
	_ =	sdelay $0x2  }
0x4a2: {  	v4 =	vadd.f32 v4, v2;
	_ =	sdelay $0x1  }
0x4a3: {  	[tilespmem:v5+s28+$0x0] =	vst.idx.msk $0xffff, v4  }
0x4a4: {  	v5 =	vld [tilespmem:s26+$0x70];
	_ =	sdelay $0x1  }
0x4a5: {  	v4 =	vor.u32 s9, v1;
	_ =	sdelay $0x2  }
0x4a6: {  	s20 =	simm.s32 $0x8;
	v5 =	vadd.f32 v5, v3  }
.LBB2_17:
0x4a7: {  	p1 =	slt.u32 s20, $0x78  }
0x4a8: {  	s26 =	sadd.s32 $0x100, s26;
	s8 =	smov.u32 s20;
	s20 =	sadd.s32 $0x8, s20;
	[tilespmem:v4+s28+$0x0] =	vst.idx.msk $0xffff, v5  }
0x4a9: {  	v4 =	vld [tilespmem:s26+$0xFFFFFF80];
	_ =	sdelay $0x1  }
0x4aa: {  	v5 =	vor.u32 s8, v0;
	_ =	sdelay $0x2  }
0x4ab: {  	v4 =	vadd.f32 v4, v2;
	_ =	sdelay $0x1  }
0x4ac: {  	[tilespmem:v5+s28+$0x0] =	vst.idx.msk $0xffff, v4  }
0x4ad: {  	v4 =	vld [tilespmem:s26+$0xFFFFFF90];
	_ =	sdelay $0x1  }
0x4ae: {  	v5 =	vor.u32 s8, v1;
	_ =	sdelay $0x2  }
0x4af: {  	v4 =	vadd.f32 v4, v3;
	_ =	sdelay $0x1  }
0x4b0: {  	[tilespmem:v5+s28+$0x0] =	vst.idx.msk $0xffff, v4  }
0x4b1: {  	v4 =	vld [tilespmem:s26+$0xFFFFFFA0]  }
0x4b2: {  	s9 =	sadd.s32 $0x1, s8  }
0x4b3: {  	v5 =	vor.u32 s9, v0;
	_ =	sdelay $0x2  }
0x4b4: {  	v4 =	vadd.f32 v4, v2;
	_ =	sdelay $0x1  }
0x4b5: {  	[tilespmem:v5+s28+$0x0] =	vst.idx.msk $0xffff, v4  }
0x4b6: {  	v4 =	vld [tilespmem:s26+$0xFFFFFFB0];
	_ =	sdelay $0x1  }
0x4b7: {  	v5 =	vor.u32 s9, v1;
	_ =	sdelay $0x2  }
0x4b8: {  	v4 =	vadd.f32 v4, v3;
	_ =	sdelay $0x1  }
0x4b9: {  	[tilespmem:v5+s28+$0x0] =	vst.idx.msk $0xffff, v4  }
0x4ba: {  	v4 =	vld [tilespmem:s26+$0xFFFFFFC0]  }
0x4bb: {  	s9 =	sadd.s32 $0x2, s8  }
0x4bc: {  	v5 =	vor.u32 s9, v0;
	_ =	sdelay $0x2  }
0x4bd: {  	v4 =	vadd.f32 v4, v2;
	_ =	sdelay $0x1  }
0x4be: {  	[tilespmem:v5+s28+$0x0] =	vst.idx.msk $0xffff, v4  }
0x4bf: {  	v4 =	vld [tilespmem:s26+$0xFFFFFFD0];
	_ =	sdelay $0x1  }
0x4c0: {  	v5 =	vor.u32 s9, v1;
	_ =	sdelay $0x2  }
0x4c1: {  	v4 =	vadd.f32 v4, v3;
	_ =	sdelay $0x1  }
0x4c2: {  	[tilespmem:v5+s28+$0x0] =	vst.idx.msk $0xffff, v4  }
0x4c3: {  	v4 =	vld [tilespmem:s26+$0xFFFFFFE0]  }
0x4c4: {  	s9 =	sadd.s32 $0x3, s8  }
0x4c5: {  	v5 =	vor.u32 s9, v0;
	_ =	sdelay $0x2  }
0x4c6: {  	v4 =	vadd.f32 v4, v2;
	_ =	sdelay $0x1  }
0x4c7: {  	[tilespmem:v5+s28+$0x0] =	vst.idx.msk $0xffff, v4  }
0x4c8: {  	v4 =	vld [tilespmem:s26+$0xFFFFFFF0];
	_ =	sdelay $0x1  }
0x4c9: {  	v5 =	vor.u32 s9, v1;
	_ =	sdelay $0x2  }
0x4ca: {  	v4 =	vadd.f32 v4, v3;
	_ =	sdelay $0x1  }
0x4cb: {  	[tilespmem:v5+s28+$0x0] =	vst.idx.msk $0xffff, v4  }
0x4cc: {  	v4 =	vld [tilespmem:s26+$0x0]  }
0x4cd: {  	s9 =	sadd.s32 $0x4, s8  }
0x4ce: {  	v5 =	vor.u32 s9, v0;
	_ =	sdelay $0x2  }
0x4cf: {  	v4 =	vadd.f32 v4, v2;
	_ =	sdelay $0x1  }
0x4d0: {  	[tilespmem:v5+s28+$0x0] =	vst.idx.msk $0xffff, v4  }
0x4d1: {  	v4 =	vld [tilespmem:s26+$0x10];
	_ =	sdelay $0x1  }
0x4d2: {  	v5 =	vor.u32 s9, v1;
	_ =	sdelay $0x2  }
0x4d3: {  	v4 =	vadd.f32 v4, v3;
	_ =	sdelay $0x1  }
0x4d4: {  	[tilespmem:v5+s28+$0x0] =	vst.idx.msk $0xffff, v4  }
0x4d5: {  	v4 =	vld [tilespmem:s26+$0x20]  }
0x4d6: {  	s9 =	sadd.s32 $0x5, s8  }
0x4d7: {  	v5 =	vor.u32 s9, v0;
	_ =	sdelay $0x2  }
0x4d8: {  	v4 =	vadd.f32 v4, v2;
	_ =	sdelay $0x1  }
0x4d9: {  	[tilespmem:v5+s28+$0x0] =	vst.idx.msk $0xffff, v4  }
0x4da: {  	v4 =	vld [tilespmem:s26+$0x30];
	_ =	sdelay $0x1  }
0x4db: {  	v5 =	vor.u32 s9, v1;
	_ =	sdelay $0x2  }
0x4dc: {  	v4 =	vadd.f32 v4, v3;
	_ =	sdelay $0x1  }
0x4dd: {  	[tilespmem:v5+s28+$0x0] =	vst.idx.msk $0xffff, v4  }
0x4de: {  	v4 =	vld [tilespmem:s26+$0x40]  }
0x4df: {  	s9 =	sadd.s32 $0x6, s8  }
0x4e0: {  	v5 =	vor.u32 s9, v0;
	_ =	sdelay $0x2  }
0x4e1: {  	v4 =	vadd.f32 v4, v2;
	_ =	sdelay $0x1  }
0x4e2: {  	[tilespmem:v5+s28+$0x0] =	vst.idx.msk $0xffff, v4  }
0x4e3: {  	v4 =	vld [tilespmem:s26+$0x50];
	_ =	sdelay $0x1  }
0x4e4: {  	v5 =	vor.u32 s9, v1;
	_ =	sdelay $0x2  }
0x4e5: {  	v4 =	vadd.f32 v4, v3;
	_ =	sdelay $0x1  }
0x4e6: {  	[tilespmem:v5+s28+$0x0] =	vst.idx.msk $0xffff, v4  }
0x4e7: {  	v4 =	vld [tilespmem:s26+$0x60]  }
0x4e8: {  	s8 =	sadd.s32 $0x7, s8  }
0x4e9: {  	v5 =	vor.u32 s8, v0;
	_ =	sdelay $0x2  }
0x4ea: {  	v4 =	vadd.f32 v4, v2;
	_ =	sdelay $0x1  }
0x4eb: {  	[tilespmem:v5+s28+$0x0] =	vst.idx.msk $0xffff, v4  }
0x4ec: {  	v5 =	vld [tilespmem:s26+$0x70]  }
.Ltmp7:
0x4ed: {  	(pc) =	sbr.rel @p1 .LBB2_17-.Ltmp7, $2  }
0x4ee: {  	v4 =	vor.u32 s8, v1;
	_ =	sdelay $0x2  }
0x4ef: {  	v5 =	vadd.f32 v5, v3  }
0x4f0: {  	_ =	sdelay $0x1  }
0x4f1: {  	s8 =	sor.u32 s12, s17  }
0x4f2: {  	s8 =	sshrl.u32 s8, $0x3  }
0x4f3: {  	[tilespmem:v4+s28+$0x0] =	vst.idx.msk $0xffff, v5;
	s9 =	sadd.s32 s2, s8;
	s20 =	sor.u32 $0x4000, s8  }
0x4f4: {  	[hbm4b:s9+s3] =	stream.linear.scatter [tilespmem:s28], [sflag:$0x5], $0x400, $0x38;
	[tilespmem:$0x14100] =	vst v63  }
0x4f5: {  	s26 =	sor.u32 $0x8000, s8;
	s9 =	sadd.s32 s2, s20  }
0x4f6: {  	[hbm4b:s9+s3] =	stream.linear.scatter [tilespmem:s29], [sflag:$0x5], $0x400, $0x38;
	[tilespmem:$0x14100] =	vst v63  }
0x4f7: {  	s8 =	sor.u32 $0xC000, s8;
	s9 =	sadd.s32 s2, s26  }
0x4f8: {  	[hbm4b:s9+s3] =	stream.linear.scatter [tilespmem:s30], [sflag:$0x5], $0x400, $0x38;
	[tilespmem:$0x14100] =	vst v63  }
0x4f9: {  	s8 =	sadd.s32 s2, s8  }
0x4fa: {  	[hbm4b:s8+s3] =	stream.linear.scatter [tilespmem:s31], [sflag:$0x5], $0x400, $0x38;
	[tilespmem:$0x14100] =	vst v63  }
0x4fb: {  	_ =	swait.ge [sflag:s23], $0x1000  }
0x4fc: {  	s5 =	sor.u32 @!p0 $0x100, s5;
	[sflag:s23] =	ssyncset.done $0x0  }
0x4fd: {  	s9 =	simm.s32 @!p0 $0xE800;
	s8 =	simm.s32 @!p0 $0x80;
	[sflag:s23] =	ssyncadd.s32 $0xFFFFF000  }
0x4fe: {  	[tilespmem:s9], [sflag:$0x3] =	stream.indirect.gather @!p0 [hbm4b:s4+s8], $0x20, s5, s8, $0xb8;
	[tilespmem:$0x14100] =	vst v63  }
0x4ff: {  	_ =	swait.ge [sflag:s24], $0x400  }
0x500: {  	[sflag:s24] =	ssyncset.done $0x0  }
0x501: {  	[sflag:s24] =	ssyncadd.s32 $0xFFFFFC00  }
0x502: {  	_ =	swait.ge [sflag:s24], $0x400  }
0x503: {  	[sflag:s24] =	ssyncset.done $0x0  }
0x504: {  	[sflag:s24] =	ssyncadd.s32 $0xFFFFFC00  }
0x505: {  	_ =	swait.ge [sflag:s24], $0x400  }
0x506: {  	[sflag:s24] =	ssyncset.done $0x0  }
0x507: {  	[sflag:s24] =	ssyncadd.s32 $0xFFFFFC00  }
0x508: {  	_ =	swait.ge [sflag:s24], $0x400  }
0x509: {  	[sflag:s24] =	ssyncset.done $0x0  }
0x50a: {  	[sflag:s24] =	ssyncadd.s32 $0xFFFFFC00  }
0x50b: {  	s5 =	simm.s32 $0xF880;
	v2 =	vld [tilespmem:s14+$0x12800]  }
0x50c: {  	v3 =	vld [tilespmem:s5+$0xFFFFFF80]  }
0x50d: {  	s9 =	simm.s32 $0x0  }
0x50e: {  	v4 =	vor.u32 s9, v0;
	_ =	sdelay $0x2  }
0x50f: {  	v5 =	vadd.f32 v3, v2;
	_ =	sdelay $0x1  }
0x510: {  	v3 =	vld [tilespmem:s14+$0x12810];
	[tilespmem:v4+s0+$0x0] =	vst.idx.msk $0xffff, v5  }
0x511: {  	v4 =	vld [tilespmem:s5+$0xFFFFFF90];
	_ =	sdelay $0x1  }
0x512: {  	v5 =	vor.u32 s9, v1;
	_ =	sdelay $0x2  }
0x513: {  	v4 =	vadd.f32 v4, v3;
	_ =	sdelay $0x1  }
0x514: {  	[tilespmem:v5+s0+$0x0] =	vst.idx.msk $0xffff, v4  }
0x515: {  	v4 =	vld [tilespmem:s5+$0xFFFFFFA0]  }
0x516: {  	s14 =	simm.s32 $0x1  }
0x517: {  	v5 =	vor.u32 s14, v0;
	_ =	sdelay $0x2  }
0x518: {  	v4 =	vadd.f32 v4, v2;
	_ =	sdelay $0x1  }
0x519: {  	[tilespmem:v5+s0+$0x0] =	vst.idx.msk $0xffff, v4  }
0x51a: {  	v4 =	vld [tilespmem:s5+$0xFFFFFFB0];
	_ =	sdelay $0x1  }
0x51b: {  	v5 =	vor.u32 s14, v1;
	_ =	sdelay $0x2  }
0x51c: {  	v4 =	vadd.f32 v4, v3;
	_ =	sdelay $0x1  }
0x51d: {  	[tilespmem:v5+s0+$0x0] =	vst.idx.msk $0xffff, v4  }
0x51e: {  	v4 =	vld [tilespmem:s5+$0xFFFFFFC0]  }
0x51f: {  	s20 =	simm.s32 $0x2  }
0x520: {  	v5 =	vor.u32 s20, v0;
	_ =	sdelay $0x2  }
0x521: {  	v4 =	vadd.f32 v4, v2;
	_ =	sdelay $0x1  }
0x522: {  	[tilespmem:v5+s0+$0x0] =	vst.idx.msk $0xffff, v4  }
0x523: {  	v4 =	vld [tilespmem:s5+$0xFFFFFFD0];
	_ =	sdelay $0x1  }
0x524: {  	v5 =	vor.u32 s20, v1;
	_ =	sdelay $0x2  }
0x525: {  	v4 =	vadd.f32 v4, v3;
	_ =	sdelay $0x1  }
0x526: {  	[tilespmem:v5+s0+$0x0] =	vst.idx.msk $0xffff, v4  }
0x527: {  	v4 =	vld [tilespmem:s5+$0xFFFFFFE0]  }
0x528: {  	s26 =	simm.s32 $0x3  }
0x529: {  	v5 =	vor.u32 s26, v0;
	_ =	sdelay $0x2  }
0x52a: {  	v4 =	vadd.f32 v4, v2;
	_ =	sdelay $0x1  }
0x52b: {  	[tilespmem:v5+s0+$0x0] =	vst.idx.msk $0xffff, v4  }
0x52c: {  	v4 =	vld [tilespmem:s5+$0xFFFFFFF0];
	_ =	sdelay $0x1  }
0x52d: {  	v5 =	vor.u32 s26, v1;
	_ =	sdelay $0x2  }
0x52e: {  	v4 =	vadd.f32 v4, v3;
	_ =	sdelay $0x1  }
0x52f: {  	[tilespmem:v5+s0+$0x0] =	vst.idx.msk $0xffff, v4  }
0x530: {  	v4 =	vld [tilespmem:s5+$0x0]  }
0x531: {  	s9 =	simm.s32 $0x4  }
0x532: {  	v5 =	vor.u32 s9, v0;
	_ =	sdelay $0x2  }
0x533: {  	v4 =	vadd.f32 v4, v2;
	_ =	sdelay $0x1  }
0x534: {  	[tilespmem:v5+s0+$0x0] =	vst.idx.msk $0xffff, v4  }
0x535: {  	v4 =	vld [tilespmem:s5+$0x10];
	_ =	sdelay $0x1  }
0x536: {  	v5 =	vor.u32 s9, v1;
	_ =	sdelay $0x2  }
0x537: {  	v4 =	vadd.f32 v4, v3;
	_ =	sdelay $0x1  }
0x538: {  	[tilespmem:v5+s0+$0x0] =	vst.idx.msk $0xffff, v4  }
0x539: {  	v4 =	vld [tilespmem:s5+$0x20]  }
0x53a: {  	s14 =	simm.s32 $0x5  }
0x53b: {  	v5 =	vor.u32 s14, v0;
	_ =	sdelay $0x2  }
0x53c: {  	v4 =	vadd.f32 v4, v2;
	_ =	sdelay $0x1  }
0x53d: {  	[tilespmem:v5+s0+$0x0] =	vst.idx.msk $0xffff, v4  }
0x53e: {  	v4 =	vld [tilespmem:s5+$0x30];
	_ =	sdelay $0x1  }
0x53f: {  	v5 =	vor.u32 s14, v1;
	_ =	sdelay $0x2  }
0x540: {  	v4 =	vadd.f32 v4, v3;
	_ =	sdelay $0x1  }
0x541: {  	[tilespmem:v5+s0+$0x0] =	vst.idx.msk $0xffff, v4  }
0x542: {  	v4 =	vld [tilespmem:s5+$0x40]  }
0x543: {  	s20 =	simm.s32 $0x6  }
0x544: {  	v5 =	vor.u32 s20, v0;
	_ =	sdelay $0x2  }
0x545: {  	v4 =	vadd.f32 v4, v2;
	_ =	sdelay $0x1  }
0x546: {  	[tilespmem:v5+s0+$0x0] =	vst.idx.msk $0xffff, v4  }
0x547: {  	v4 =	vld [tilespmem:s5+$0x50];
	_ =	sdelay $0x1  }
0x548: {  	v5 =	vor.u32 s20, v1;
	_ =	sdelay $0x2  }
0x549: {  	v4 =	vadd.f32 v4, v3;
	_ =	sdelay $0x1  }
0x54a: {  	[tilespmem:v5+s0+$0x0] =	vst.idx.msk $0xffff, v4  }
0x54b: {  	v4 =	vld [tilespmem:s5+$0x60]  }
0x54c: {  	s26 =	simm.s32 $0x7  }
0x54d: {  	v5 =	vor.u32 s26, v0;
	_ =	sdelay $0x2  }
0x54e: {  	v4 =	vadd.f32 v4, v2;
	_ =	sdelay $0x1  }
0x54f: {  	[tilespmem:v5+s0+$0x0] =	vst.idx.msk $0xffff, v4  }
0x550: {  	v5 =	vld [tilespmem:s5+$0x70];
	_ =	sdelay $0x1  }
0x551: {  	v4 =	vor.u32 s26, v1;
	_ =	sdelay $0x2  }
0x552: {  	s14 =	simm.s32 $0x8;
	v5 =	vadd.f32 v5, v3  }
.LBB2_19:
0x553: {  	p0 =	slt.u32 s14, $0x78  }
0x554: {  	s5 =	sadd.s32 $0x100, s5;
	s8 =	smov.u32 s14;
	s14 =	sadd.s32 $0x8, s14;
	[tilespmem:v4+s0+$0x0] =	vst.idx.msk $0xffff, v5  }
0x555: {  	v4 =	vld [tilespmem:s5+$0xFFFFFF80];
	_ =	sdelay $0x1  }
0x556: {  	v5 =	vor.u32 s8, v0;
	_ =	sdelay $0x2  }
0x557: {  	v4 =	vadd.f32 v4, v2;
	_ =	sdelay $0x1  }
0x558: {  	[tilespmem:v5+s0+$0x0] =	vst.idx.msk $0xffff, v4  }
0x559: {  	v4 =	vld [tilespmem:s5+$0xFFFFFF90];
	_ =	sdelay $0x1  }
0x55a: {  	v5 =	vor.u32 s8, v1;
	_ =	sdelay $0x2  }
0x55b: {  	v4 =	vadd.f32 v4, v3;
	_ =	sdelay $0x1  }
0x55c: {  	[tilespmem:v5+s0+$0x0] =	vst.idx.msk $0xffff, v4  }
0x55d: {  	v4 =	vld [tilespmem:s5+$0xFFFFFFA0]  }
0x55e: {  	s9 =	sadd.s32 $0x1, s8  }
0x55f: {  	v5 =	vor.u32 s9, v0;
	_ =	sdelay $0x2  }
0x560: {  	v4 =	vadd.f32 v4, v2;
	_ =	sdelay $0x1  }
0x561: {  	[tilespmem:v5+s0+$0x0] =	vst.idx.msk $0xffff, v4  }
0x562: {  	v4 =	vld [tilespmem:s5+$0xFFFFFFB0];
	_ =	sdelay $0x1  }
0x563: {  	v5 =	vor.u32 s9, v1;
	_ =	sdelay $0x2  }
0x564: {  	v4 =	vadd.f32 v4, v3;
	_ =	sdelay $0x1  }
0x565: {  	[tilespmem:v5+s0+$0x0] =	vst.idx.msk $0xffff, v4  }
0x566: {  	v4 =	vld [tilespmem:s5+$0xFFFFFFC0]  }
0x567: {  	s9 =	sadd.s32 $0x2, s8  }
0x568: {  	v5 =	vor.u32 s9, v0;
	_ =	sdelay $0x2  }
0x569: {  	v4 =	vadd.f32 v4, v2;
	_ =	sdelay $0x1  }
0x56a: {  	[tilespmem:v5+s0+$0x0] =	vst.idx.msk $0xffff, v4  }
0x56b: {  	v4 =	vld [tilespmem:s5+$0xFFFFFFD0];
	_ =	sdelay $0x1  }
0x56c: {  	v5 =	vor.u32 s9, v1;
	_ =	sdelay $0x2  }
0x56d: {  	v4 =	vadd.f32 v4, v3;
	_ =	sdelay $0x1  }
0x56e: {  	[tilespmem:v5+s0+$0x0] =	vst.idx.msk $0xffff, v4  }
0x56f: {  	v4 =	vld [tilespmem:s5+$0xFFFFFFE0]  }
0x570: {  	s9 =	sadd.s32 $0x3, s8  }
0x571: {  	v5 =	vor.u32 s9, v0;
	_ =	sdelay $0x2  }
0x572: {  	v4 =	vadd.f32 v4, v2;
	_ =	sdelay $0x1  }
0x573: {  	[tilespmem:v5+s0+$0x0] =	vst.idx.msk $0xffff, v4  }
0x574: {  	v4 =	vld [tilespmem:s5+$0xFFFFFFF0];
	_ =	sdelay $0x1  }
0x575: {  	v5 =	vor.u32 s9, v1;
	_ =	sdelay $0x2  }
0x576: {  	v4 =	vadd.f32 v4, v3;
	_ =	sdelay $0x1  }
0x577: {  	[tilespmem:v5+s0+$0x0] =	vst.idx.msk $0xffff, v4  }
0x578: {  	v4 =	vld [tilespmem:s5+$0x0]  }
0x579: {  	s9 =	sadd.s32 $0x4, s8  }
0x57a: {  	v5 =	vor.u32 s9, v0;
	_ =	sdelay $0x2  }
0x57b: {  	v4 =	vadd.f32 v4, v2;
	_ =	sdelay $0x1  }
0x57c: {  	[tilespmem:v5+s0+$0x0] =	vst.idx.msk $0xffff, v4  }
0x57d: {  	v4 =	vld [tilespmem:s5+$0x10];
	_ =	sdelay $0x1  }
0x57e: {  	v5 =	vor.u32 s9, v1;
	_ =	sdelay $0x2  }
0x57f: {  	v4 =	vadd.f32 v4, v3;
	_ =	sdelay $0x1  }
0x580: {  	[tilespmem:v5+s0+$0x0] =	vst.idx.msk $0xffff, v4  }
0x581: {  	v4 =	vld [tilespmem:s5+$0x20]  }
0x582: {  	s9 =	sadd.s32 $0x5, s8  }
0x583: {  	v5 =	vor.u32 s9, v0;
	_ =	sdelay $0x2  }
0x584: {  	v4 =	vadd.f32 v4, v2;
	_ =	sdelay $0x1  }
0x585: {  	[tilespmem:v5+s0+$0x0] =	vst.idx.msk $0xffff, v4  }
0x586: {  	v4 =	vld [tilespmem:s5+$0x30];
	_ =	sdelay $0x1  }
0x587: {  	v5 =	vor.u32 s9, v1;
	_ =	sdelay $0x2  }
0x588: {  	v4 =	vadd.f32 v4, v3;
	_ =	sdelay $0x1  }
0x589: {  	[tilespmem:v5+s0+$0x0] =	vst.idx.msk $0xffff, v4  }
0x58a: {  	v4 =	vld [tilespmem:s5+$0x40]  }
0x58b: {  	s9 =	sadd.s32 $0x6, s8  }
0x58c: {  	v5 =	vor.u32 s9, v0;
	_ =	sdelay $0x2  }
0x58d: {  	v4 =	vadd.f32 v4, v2;
	_ =	sdelay $0x1  }
0x58e: {  	[tilespmem:v5+s0+$0x0] =	vst.idx.msk $0xffff, v4  }
0x58f: {  	v4 =	vld [tilespmem:s5+$0x50];
	_ =	sdelay $0x1  }
0x590: {  	v5 =	vor.u32 s9, v1;
	_ =	sdelay $0x2  }
0x591: {  	v4 =	vadd.f32 v4, v3;
	_ =	sdelay $0x1  }
0x592: {  	[tilespmem:v5+s0+$0x0] =	vst.idx.msk $0xffff, v4  }
0x593: {  	v4 =	vld [tilespmem:s5+$0x60]  }
0x594: {  	s8 =	sadd.s32 $0x7, s8  }
0x595: {  	v5 =	vor.u32 s8, v0;
	_ =	sdelay $0x2  }
0x596: {  	v4 =	vadd.f32 v4, v2;
	_ =	sdelay $0x1  }
0x597: {  	[tilespmem:v5+s0+$0x0] =	vst.idx.msk $0xffff, v4  }
0x598: {  	v5 =	vld [tilespmem:s5+$0x70]  }
.Ltmp8:
0x599: {  	(pc) =	sbr.rel @p0 .LBB2_19-.Ltmp8, $2  }
0x59a: {  	v4 =	vor.u32 s8, v1;
	_ =	sdelay $0x2  }
0x59b: {  	v5 =	vadd.f32 v5, v3  }
0x59c: {  	_ =	sdelay $0x1  }
0x59d: {  	s5 =	sor.u32 s13, s17  }
0x59e: {  	s5 =	sshrl.u32 s5, $0x3  }
0x59f: {  	[tilespmem:v4+s0+$0x0] =	vst.idx.msk $0xffff, v5;
	s8 =	sadd.s32 s2, s5;
	s20 =	sor.u32 $0x4000, s5  }
0x5a0: {  	[hbm4b:s8+s3] =	stream.linear.scatter [tilespmem:s0], [sflag:$0x6], $0x400, $0x38;
	[tilespmem:$0x14100] =	vst v63  }
0x5a1: {  	p0 =	sne.s32 s15, $0x64;
	s26 =	sor.u32 $0x8000, s5;
	s8 =	sadd.s32 s2, s20  }
0x5a2: {  	[hbm4b:s8+s3] =	stream.linear.scatter [tilespmem:s16], [sflag:$0x6], $0x400, $0x38;
	[tilespmem:$0x14100] =	vst v63  }
.Ltmp9:
0x5a3: {  	s5 =	sor.u32 $0xC000, s5;
	s8 =	sadd.s32 s2, s26;
	(pc) =	sbr.rel @p0 .LBB2_12-.Ltmp9, $4  }
0x5a4: {  	[hbm4b:s8+s3] =	stream.linear.scatter [tilespmem:s18], [sflag:$0x6], $0x400, $0x38;
	[tilespmem:$0x14100] =	vst v63  }
0x5a5: {  	s5 =	sadd.s32 s2, s5  }
0x5a6: {  	[hbm4b:s5+s3] =	stream.linear.scatter [tilespmem:s19], [sflag:$0x6], $0x400, $0x38;
	[tilespmem:$0x14100] =	vst v63  }
0x5a7: {  	s9 =	smov.u32 s10;
	s5 =	smov.u32 s15  }
0x5a8: {  	_ =	swait.ge [sflag:s22], $0x400  }
0x5a9: {  	[sflag:s22] =	ssyncset.done $0x0  }
0x5aa: {  	[sflag:s22] =	ssyncadd.s32 $0xFFFFFC00  }
0x5ab: {  	_ =	swait.ge [sflag:s22], $0x400  }
0x5ac: {  	[sflag:s22] =	ssyncset.done $0x0  }
0x5ad: {  	[sflag:s22] =	ssyncadd.s32 $0xFFFFFC00  }
0x5ae: {  	_ =	swait.ge [sflag:s22], $0x400  }
0x5af: {  	[sflag:s22] =	ssyncset.done $0x0  }
0x5b0: {  	[sflag:s22] =	ssyncadd.s32 $0xFFFFFC00  }
0x5b1: {  	_ =	swait.ge [sflag:s22], $0x400  }
0x5b2: {  	[sflag:s22] =	ssyncset.done $0x0  }
0x5b3: {  	[sflag:s22] =	ssyncadd.s32 $0xFFFFFC00  }
0x5b4: {  	_ =	swait.ge [sflag:s24], $0x400  }
0x5b5: {  	[sflag:s24] =	ssyncset.done $0x0  }
0x5b6: {  	[sflag:s24] =	ssyncadd.s32 $0xFFFFFC00  }
0x5b7: {  	_ =	swait.ge [sflag:s24], $0x400  }
0x5b8: {  	[sflag:s24] =	ssyncset.done $0x0  }
0x5b9: {  	[sflag:s24] =	ssyncadd.s32 $0xFFFFFC00  }
0x5ba: {  	_ =	swait.ge [sflag:s24], $0x400  }
0x5bb: {  	[sflag:s24] =	ssyncset.done $0x0  }
0x5bc: {  	[sflag:s24] =	ssyncadd.s32 $0xFFFFFC00  }
0x5bd: {  	_ =	swait.ge [sflag:s24], $0x400  }
0x5be: {  	s6 =	rddreg [dreg:$0x9]  }
0x5bf: {  	s5 =	rddreg [dreg:$0x8];
	s6 =	sadd.s32 $0x1, s6  }
0x5c0: {  	p0 =	sne.s32 s6, s5  }
.Ltmp10:
0x5c1: {  	_ = 	snop;
	(pc) =	sbr.rel @p0 .LBB2_1-.Ltmp10, $3  }
0x5c2: {  	_ =	sdelay $0x1  }
0x5c3: {  	[sflag:s24] =	ssyncset.done $0x0  }
0x5c4: {  	[sflag:s24] =	ssyncadd.s32 $0xFFFFFC00  }
0x5c5: {  	_ =	sfence.sel $0x180000  }
0x5c6: {  	[bflag:$0x0] =	sbarrier.arrive $0xFFFF  }
0x5c7: {  	_ =	strace $0x90000047  }
0x5c8: {  	s0 =	stileid.u32;
	[bflag:$0x2] =	sbarrier.arrive $0xFFFF  }
0x5c9: {  	p0 =	sne.s32 s0, $0x0;
	s0 =	rddreg [dreg:$0x2]  }
0x5ca: {  	s0 =	sadd.s32 @!p0 $0x100000, s0  }
0x5cb: {  	[sflag:s0] =	ssyncadd.tile.s32 @!p0 $0x1;
	_ =	shalt  }
.Lfunc_end2:
_tile_overlayer_lowered:
.L_overlay_start_2:
0x5cc: {  	(tag) =	ssettag $0x2  }
0x5cd: {  	s0 =	rddreg [dreg:$0x0];
	s2 =	stileid.u32  }
0x5ce: {  	s1 =	rddreg [dreg:$0x1];
	p0 =	sne.s32 s2, $0x0  }
0x5cf: {  	s3 =	rddreg [dreg:$0x2];
	[bflag:$0x3] =	sbarrier.arrive $0xFFFF;
	s2 =	simm.s32 @!p0 $0x1C07  }
0x5d0: {  	[timem:s3], [sflag:s2] =	dma.local @!p0 [hbm:s0], s1  }
0x5d1: {  	s0 =	simm.s32 @!p0 $0x7  }
0x5d2: {  	_ =	swait.ge @!p0 [sflag:s0], s1  }
0x5d3: {  	s1 =	ssub.s32 @!p0 $0x0, s1;
	[sflag:s0] =	ssyncset.done @!p0 $0x0  }
0x5d4: {  	[sflag:s0] =	ssyncadd.s32 @!p0 s1  }
0x5d5: {  	[bflag:$0x3] =	sbarrier.arrive $0xFFFF  }
0x5d6: {  	_ =	shalt  }

</sc_bundles>
